<compile_context>
chip_gen: v7x
topology: tpu7x:2x2x1
jax: 0.10.2.dev20260603
libtpu: 0.0.44.dev20260713+nightly
codegen_flags: <defaults>
</compile_context>

<pallas_src>
import functools

import jax
import jax.numpy as jnp
from jax import lax
from jax.experimental import pallas as pl
from jax.experimental.pallas import tpu as pltpu
from jax.experimental.pallas import tpu_sc as plsc

N_NODES = 10000
N_HEDGES = 20000
NNZ = 320000
D = 128

NC = 2
NT = 16
LANES = 16

HALF_E = N_HEDGES // NC
ACC_E_ROWS = HALF_E + 16
CHUNK = 80
PK = 2 * CHUNK
NROWS = NNZ // CHUNK

EZ = 624
EZ_TAIL = HALF_E - NT * EZ
NZ = 624
NZ_TAIL = N_NODES - NT * NZ

K1_CHUNKS = NROWS // NT
K2_CHUNKS = NROWS // (NC * NT)


def _split_scr(scr):
    o = 0
    idxb = scr[o:o + NIDX]; o += NIDX
    lidx = scr[o:o + NBUF]; o += NBUF
    rows = scr[o:o + NBUF]; o += NBUF
    isem = scr[o:o + NIDX]; o += NIDX
    gsem = scr[o:o + NBUF]; o += NBUF
    ssem = scr[o:o + NBUF]; o += NBUF
    return idxb, lidx, rows, gsem, isem, ssem

_MESH = plsc.VectorSubcoreMesh(core_axis_name="c", subcore_axis_name="s")


NBUF = 4
NIDX = 8


def _sweep(src_hbm, pidx_hbm, out_hbm,
           acc, idxb, lidx, rows, gsem, isem, ssem,
           n_chunks, row_base, gather_off, scatter_off, remap_base,
           zrows, ztail, out_row):
    s = lax.axis_index("s")

    def zrow(r, carry):
        for j in range(D // LANES):
            rows[0][r, pl.ds(j * LANES, LANES)] = jnp.zeros((LANES,),
                                                            jnp.float32)
        return carry
    lax.fori_loop(0, CHUNK, zrow, 0)
    for k in range(zrows // CHUNK):
        pltpu.sync_copy(rows[0], acc.at[pl.ds(s * zrows + k * CHUNK, CHUNK)])
    rem = zrows - (zrows // CHUNK) * CHUNK
    if rem:
        pltpu.sync_copy(rows[0].at[pl.ds(0, rem)],
                        acc.at[pl.ds(s * zrows + zrows - rem, rem)])

    @pl.when(s == 0)
    def _():
        pltpu.sync_copy(rows[0].at[pl.ds(0, ztail)],
                        acc.at[pl.ds(NT * zrows, ztail)])

    plsc.subcore_barrier()

    def start_idx(i, ib):
        pltpu.async_copy(pidx_hbm.at[row_base + i], idxb[ib], isem[ib])

    def wait_idx(ib):
        pltpu.make_async_copy(pidx_hbm.at[0], idxb[ib], isem[ib]).wait()

    def start_gather(b, ib):
        pltpu.async_copy(src_hbm.at[idxb[ib].at[pl.ds(gather_off, CHUNK)]],
                         rows[b], gsem[b])

    def wait_gather(b):
        pltpu.make_async_copy(src_hbm.at[pl.ds(0, CHUNK)], rows[b],
                              gsem[b]).wait()

    def start_scatter(b):
        pltpu.async_copy(rows[b], acc.at[lidx[b]], ssem[b], add=True)

    def wait_scatter(b):
        pltpu.make_async_copy(rows[b], acc.at[lidx[b]], ssem[b]).wait()

    for k in range(NBUF - 1):
        start_idx(k, k)
        wait_idx(k)
        start_gather(k, k)
    for k in range(NBUF - 1, NIDX):
        start_idx(k, k)

    def chunk(i, b, ib):
        fb = (b + NBUF - 1) % NBUF
        fi = (ib + NBUF - 1) % NIDX

        for j in range(CHUNK // LANES):
            e = idxb[ib][pl.ds(scatter_off + j * LANES, LANES)]
            if remap_base is not None:
                l = e - remap_base
                ok = (l >= 0) & (l < HALF_E)
                e = jnp.where(ok, l, HALF_E)
            lidx[b][pl.ds(j * LANES, LANES)] = e

        wait_gather(b)
        start_scatter(b)

        @pl.when(i + NBUF - 1 < n_chunks)
        def _():
            wait_idx(fi)

            @pl.when(i > 0)
            def _():
                wait_scatter(fb)

            start_gather(fb, fi)

        @pl.when(i + NIDX < n_chunks)
        def _():
            start_idx(i + NIDX, ib)

    def oct_(p, carry):
        i = p * NIDX
        for k in range(NIDX):
            @pl.when(i + k < n_chunks)
            def _(k=k):
                chunk(i + k, k % NBUF, k)
        return carry

    lax.fori_loop(0, (n_chunks + NIDX - 1) // NIDX, oct_, 0)

    for b in range(NBUF):
        wait_scatter(b)
    plsc.subcore_barrier()

    pltpu.sync_copy(acc.at[pl.ds(s * zrows, zrows)],
                    out_hbm.at[out_row, pl.ds(s * zrows, zrows)])

    @pl.when(s == 0)
    def _():
        pltpu.sync_copy(acc.at[pl.ds(NT * zrows, ztail)],
                        out_hbm.at[out_row, pl.ds(NT * zrows, ztail)])


def _sc_scratch(n_acc_rows):
    return (
        [pltpu.VMEM_SHARED((n_acc_rows, D), jnp.float32)]
        + [pltpu.VMEM((PK,), jnp.int32) for _ in range(NIDX)]
        + [pltpu.VMEM((CHUNK,), jnp.int32) for _ in range(NBUF)]
        + [pltpu.VMEM((CHUNK, D), jnp.float32) for _ in range(NBUF)]
        + [pltpu.SemaphoreType.DMA for _ in range(NIDX + 2 * NBUF)]
    )


@functools.partial(
    pl.kernel,
    mesh=_MESH,
    out_type=jax.ShapeDtypeStruct((NC, HALF_E, D), jnp.float32),
    scratch_types=_sc_scratch(ACC_E_ROWS),
)
def _x1_kernel(x0_hbm, pidx_hbm, x1h_hbm, acc, *scr):
    c = lax.axis_index("c")
    s = lax.axis_index("s")
    idxb, lidx, rows, gsem, isem, ssem = _split_scr(scr)
    _sweep(x0_hbm, pidx_hbm, x1h_hbm,
           acc, idxb, lidx, rows, gsem, isem, ssem,
           n_chunks=K1_CHUNKS, row_base=s * K1_CHUNKS,
           gather_off=0, scatter_off=CHUNK, remap_base=c * HALF_E,
           zrows=EZ, ztail=EZ_TAIL, out_row=c)


@functools.partial(
    pl.kernel,
    mesh=_MESH,
    out_type=jax.ShapeDtypeStruct((NC, N_NODES, D), jnp.float32),
    scratch_types=_sc_scratch(N_NODES),
)
def _pre_kernel(x1_hbm, pidx_hbm, pre_hbm, acc, *scr):
    c = lax.axis_index("c")
    s = lax.axis_index("s")
    idxb, lidx, rows, gsem, isem, ssem = _split_scr(scr)
    _sweep(x1_hbm, pidx_hbm, pre_hbm,
           acc, idxb, lidx, rows, gsem, isem, ssem,
           n_chunks=K2_CHUNKS, row_base=(c * NT + s) * K2_CHUNKS,
           gather_off=CHUNK, scatter_off=0, remap_base=None,
           zrows=NZ, ztail=NZ_TAIL, out_row=c)


MM_BLK = 1000


def _mm_body(p0_ref, p1_ref, w_ref, o_ref):
    o_ref[...] = jnp.dot(p0_ref[...] + p1_ref[...], w_ref[...],
                         preferred_element_type=jnp.float32)


def _matmul(p0, p1, w):
    return pl.pallas_call(
        _mm_body,
        grid=(N_NODES // MM_BLK,),
        in_specs=[
            pl.BlockSpec((MM_BLK, D), lambda i: (i, 0)),
            pl.BlockSpec((MM_BLK, D), lambda i: (i, 0)),
            pl.BlockSpec((D, D), lambda i: (0, 0)),
        ],
        out_specs=pl.BlockSpec((MM_BLK, D), lambda i: (i, 0)),
        out_shape=jax.ShapeDtypeStruct((N_NODES, D), jnp.float32),
    )(p0, p1, w)


def kernel(x_0, node_idx, edge_idx, W2):
    pidx = jnp.concatenate([node_idx.reshape(NROWS, CHUNK),
                            edge_idx.reshape(NROWS, CHUNK)], axis=1)
    x1h = _x1_kernel(x_0, pidx)
    x_1 = x1h.reshape(N_HEDGES, D)
    pre = _pre_kernel(x_1, pidx)
    x_0_out = _matmul(pre[0], pre[1], W2)
    return (x_0_out, x_1)

# --- scband reference (transcript-rebuilt; emitter-appended) ---
"""Pipeline reference for scband-uni-gcnlayer-84954453115307 (READ-ONLY COPY).

The authoritative reference and input builder live on the scoring server;
editing this copy changes nothing except your own understanding.
"""

import jax, jax.numpy as jnp
import numpy as np

N_NODES = 10000
N_HEDGES = 20000
NNZ = 320000
D_IN = 128
D_HID = 128


def setup_inputs(seed: int = 0) -> dict:
    key = jax.random.key(seed)
    k1, k2, k3, k4 = jax.random.split(key, 4)
    x_0 = jax.random.normal(k1, (N_NODES, D_IN), dtype=jnp.float32)
    # incidence_1 is a sparse (N_NODES, N_HEDGES) matrix in COO form with unit values:
    node_idx = jax.random.randint(k2, (NNZ,), 0, N_NODES, dtype=jnp.int32)
    edge_idx = jax.random.randint(k3, (NNZ,), 0, N_HEDGES, dtype=jnp.int32)
    # conv_level1_0_to_1 has with_linear_transform=False (in_channels == hidden_channels),
    # so the only learned weight is conv_level2_1_to_0's (D_HID, D_HID) matrix.
    s = float(np.sqrt(6.0 / (D_HID + D_HID)))
    W2 = jax.random.uniform(k4, (D_HID, D_HID), minval=-s, maxval=s, dtype=jnp.float32)
    return {"x_0": x_0, "node_idx": node_idx, "edge_idx": edge_idx, "W2": W2}


def reference(x_0, node_idx, edge_idx, W2):
    # Step 1 (conv_level1_0_to_1, no linear transform, update_func=None):
    #   x_1 = B_1^T @ x_0  -> each hyperedge sums features of its member nodes.
    x_1 = jax.ops.segment_sum(x_0[node_idx], edge_idx, num_segments=N_HEDGES)
    # Step 2 (conv_level2_1_to_0): x_message = x_1 @ W2, then x_0_out = B_1 @ x_message
    x_msg = x_1 @ W2
    x_0_out = jax.ops.segment_sum(x_msg[edge_idx], node_idx, num_segments=N_NODES)
    return (x_0_out, x_1)

if __name__ == "__main__":
    import jax
    _d = setup_inputs()
    print(jax.jit(kernel)(*tuple(_d.values())))

</pallas_src>

<mosaic_0001>
#map = affine_map<(d0, d1) -> (0, 0)>
#map1 = affine_map<(d0, d1) -> (0, 0, 0)>
module attributes {stable_mosaic.version = 14 : i64} {
  func.func @_pre_kernel(%arg0: i32, %arg1: i32, %arg2: memref<20000x128xf32, #tpu.memory_space<hbm>>, %arg3: memref<4000x160xi32, #tpu.memory_space<hbm>>, %arg4: memref<2x10000x128xf32, #tpu.memory_space<hbm>>, %arg5: memref<10000x128xf32, #tpu.memory_space<vmem_shared>>, %arg6: memref<160xi32, #tpu.memory_space<vmem>>, %arg7: memref<160xi32, #tpu.memory_space<vmem>>, %arg8: memref<160xi32, #tpu.memory_space<vmem>>, %arg9: memref<160xi32, #tpu.memory_space<vmem>>, %arg10: memref<160xi32, #tpu.memory_space<vmem>>, %arg11: memref<160xi32, #tpu.memory_space<vmem>>, %arg12: memref<160xi32, #tpu.memory_space<vmem>>, %arg13: memref<160xi32, #tpu.memory_space<vmem>>, %arg14: memref<80xi32, #tpu.memory_space<vmem>>, %arg15: memref<80xi32, #tpu.memory_space<vmem>>, %arg16: memref<80xi32, #tpu.memory_space<vmem>>, %arg17: memref<80xi32, #tpu.memory_space<vmem>>, %arg18: memref<80x128xf32, #tpu.memory_space<vmem>>, %arg19: memref<80x128xf32, #tpu.memory_space<vmem>>, %arg20: memref<80x128xf32, #tpu.memory_space<vmem>>, %arg21: memref<80x128xf32, #tpu.memory_space<vmem>>, %arg22: memref<!tpu.dma_semaphore, #tpu.memory_space<semaphore_mem>>, %arg23: memref<!tpu.dma_semaphore, #tpu.memory_space<semaphore_mem>>, %arg24: memref<!tpu.dma_semaphore, #tpu.memory_space<semaphore_mem>>, %arg25: memref<!tpu.dma_semaphore, #tpu.memory_space<semaphore_mem>>, %arg26: memref<!tpu.dma_semaphore, #tpu.memory_space<semaphore_mem>>, %arg27: memref<!tpu.dma_semaphore, #tpu.memory_space<semaphore_mem>>, %arg28: memref<!tpu.dma_semaphore, #tpu.memory_space<semaphore_mem>>, %arg29: memref<!tpu.dma_semaphore, #tpu.memory_space<semaphore_mem>>, %arg30: memref<!tpu.dma_semaphore, #tpu.memory_space<semaphore_mem>>, %arg31: memref<!tpu.dma_semaphore, #tpu.memory_space<semaphore_mem>>, %arg32: memref<!tpu.dma_semaphore, #tpu.memory_space<semaphore_mem>>, %arg33: memref<!tpu.dma_semaphore, #tpu.memory_space<semaphore_mem>>, %arg34: memref<!tpu.dma_semaphore, #tpu.memory_space<semaphore_mem>>, %arg35: memref<!tpu.dma_semaphore, #tpu.memory_space<semaphore_mem>>, %arg36: memref<!tpu.dma_semaphore, #tpu.memory_space<semaphore_mem>>, %arg37: memref<!tpu.dma_semaphore, #tpu.memory_space<semaphore_mem>>) attributes {dimension_semantics = [#tpu.dimension_semantics<core_parallel>, #tpu.dimension_semantics<subcore_parallel>], iteration_bounds = array<i64: 2, 16>, scalar_prefetch = 0 : i64, scratch_operands = 33 : i64, tpu.core_type = #tpu.core_type<sc_vector_subcore>, window_params = [{transform_indices = #map}, {transform_indices = #map}, {transform_indices = #map1}]} {
    %mul3A = arith.constant 16 : i32
    %mul3A_0 = arith.muli %arg0, %mul3A : i32
    %add3A = arith.addi %mul3A_0, %arg1 : i32
    %mul3A_1 = arith.constant 125 : i32
    %mul3A_2 = arith.muli %add3A, %mul3A_1 : i32
    %scan3A = arith.constant 0 : i32
    %scan3A_3 = arith.constant 0 : i32
    %scan3A_4 = arith.constant 80 : i32
    %scan3A_5 = arith.addi %scan3A_3, %scan3A_4 : i32
    %scan3A_6 = arith.constant 1 : i32
    scf.for %scan3A_169 = %scan3A_3 to %scan3A_5 step %scan3A_6  : i32 {
      %broadcast_in_dim3A = arith.constant 0.000000e+00 : f32
      %broadcast_in_dim3A_170 = vector.broadcast %broadcast_in_dim3A : f32 to vector<16xf32>
      %swap3A = arith.index_cast %scan3A_169 : i32 to index
      %swap3A_171 = arith.constant 0 : index
      %swap3A_172 = tpu.vector_load %arg18[%swap3A, %swap3A_171] {strides = array<i32>} : memref<80x128xf32, #tpu.memory_space<vmem>>, vector<1x16xf32>,
      %swap3A_173 = vector.shape_cast %swap3A_172 : vector<1x16xf32> to vector<16xf32>
      %swap3A_174 = vector.shape_cast %broadcast_in_dim3A_170 : vector<16xf32> to vector<1x16xf32>
      tpu.vector_store %arg18[%swap3A, %swap3A_171], %swap3A_174 {strides = array<i32>} : memref<80x128xf32, #tpu.memory_space<vmem>>, vector<1x16xf32>,
      %broadcast_in_dim3A_175 = arith.constant 0.000000e+00 : f32
      %broadcast_in_dim3A_176 = vector.broadcast %broadcast_in_dim3A_175 : f32 to vector<16xf32>
      %swap3A_177 = arith.index_cast %scan3A_169 : i32 to index
      %swap3A_178 = arith.constant 16 : index
      %swap3A_179 = tpu.vector_load %arg18[%swap3A_177, %swap3A_178] {strides = array<i32>} : memref<80x128xf32, #tpu.memory_space<vmem>>, vector<1x16xf32>,
      %swap3A_180 = vector.shape_cast %swap3A_179 : vector<1x16xf32> to vector<16xf32>
      %swap3A_181 = vector.shape_cast %broadcast_in_dim3A_176 : vector<16xf32> to vector<1x16xf32>
      tpu.vector_store %arg18[%swap3A_177, %swap3A_178], %swap3A_181 {strides = array<i32>} : memref<80x128xf32, #tpu.memory_space<vmem>>, vector<1x16xf32>,
      %broadcast_in_dim3A_182 = arith.constant 0.000000e+00 : f32
      %broadcast_in_dim3A_183 = vector.broadcast %broadcast_in_dim3A_182 : f32 to vector<16xf32>
      %swap3A_184 = arith.index_cast %scan3A_169 : i32 to index
      %swap3A_185 = arith.constant 32 : index
      %swap3A_186 = tpu.vector_load %arg18[%swap3A_184, %swap3A_185] {strides = array<i32>} : memref<80x128xf32, #tpu.memory_space<vmem>>, vector<1x16xf32>,
      %swap3A_187 = vector.shape_cast %swap3A_186 : vector<1x16xf32> to vector<16xf32>
      %swap3A_188 = vector.shape_cast %broadcast_in_dim3A_183 : vector<16xf32> to vector<1x16xf32>
      tpu.vector_store %arg18[%swap3A_184, %swap3A_185], %swap3A_188 {strides = array<i32>} : memref<80x128xf32, #tpu.memory_space<vmem>>, vector<1x16xf32>,
      %broadcast_in_dim3A_189 = arith.constant 0.000000e+00 : f32
      %broadcast_in_dim3A_190 = vector.broadcast %broadcast_in_dim3A_189 : f32 to vector<16xf32>
      %swap3A_191 = arith.index_cast %scan3A_169 : i32 to index
      %swap3A_192 = arith.constant 48 : index
      %swap3A_193 = tpu.vector_load %arg18[%swap3A_191, %swap3A_192] {strides = array<i32>} : memref<80x128xf32, #tpu.memory_space<vmem>>, vector<1x16xf32>,
      %swap3A_194 = vector.shape_cast %swap3A_193 : vector<1x16xf32> to vector<16xf32>
      %swap3A_195 = vector.shape_cast %broadcast_in_dim3A_190 : vector<16xf32> to vector<1x16xf32>
      tpu.vector_store %arg18[%swap3A_191, %swap3A_192], %swap3A_195 {strides = array<i32>} : memref<80x128xf32, #tpu.memory_space<vmem>>, vector<1x16xf32>,
      %broadcast_in_dim3A_196 = arith.constant 0.000000e+00 : f32
      %broadcast_in_dim3A_197 = vector.broadcast %broadcast_in_dim3A_196 : f32 to vector<16xf32>
      %swap3A_198 = arith.index_cast %scan3A_169 : i32 to index
      %swap3A_199 = arith.constant 64 : index
      %swap3A_200 = tpu.vector_load %arg18[%swap3A_198, %swap3A_199] {strides = array<i32>} : memref<80x128xf32, #tpu.memory_space<vmem>>, vector<1x16xf32>,
      %swap3A_201 = vector.shape_cast %swap3A_200 : vector<1x16xf32> to vector<16xf32>
      %swap3A_202 = vector.shape_cast %broadcast_in_dim3A_197 : vector<16xf32> to vector<1x16xf32>
      tpu.vector_store %arg18[%swap3A_198, %swap3A_199], %swap3A_202 {strides = array<i32>} : memref<80x128xf32, #tpu.memory_space<vmem>>, vector<1x16xf32>,
      %broadcast_in_dim3A_203 = arith.constant 0.000000e+00 : f32
      %broadcast_in_dim3A_204 = vector.broadcast %broadcast_in_dim3A_203 : f32 to vector<16xf32>
      %swap3A_205 = arith.index_cast %scan3A_169 : i32 to index
      %swap3A_206 = arith.constant 80 : index
      %swap3A_207 = tpu.vector_load %arg18[%swap3A_205, %swap3A_206] {strides = array<i32>} : memref<80x128xf32, #tpu.memory_space<vmem>>, vector<1x16xf32>,
      %swap3A_208 = vector.shape_cast %swap3A_207 : vector<1x16xf32> to vector<16xf32>
      %swap3A_209 = vector.shape_cast %broadcast_in_dim3A_204 : vector<16xf32> to vector<1x16xf32>
      tpu.vector_store %arg18[%swap3A_205, %swap3A_206], %swap3A_209 {strides = array<i32>} : memref<80x128xf32, #tpu.memory_space<vmem>>, vector<1x16xf32>,
      %broadcast_in_dim3A_210 = arith.constant 0.000000e+00 : f32
      %broadcast_in_dim3A_211 = vector.broadcast %broadcast_in_dim3A_210 : f32 to vector<16xf32>
      %swap3A_212 = arith.index_cast %scan3A_169 : i32 to index
      %swap3A_213 = arith.constant 96 : index
      %swap3A_214 = tpu.vector_load %arg18[%swap3A_212, %swap3A_213] {strides = array<i32>} : memref<80x128xf32, #tpu.memory_space<vmem>>, vector<1x16xf32>,
      %swap3A_215 = vector.shape_cast %swap3A_214 : vector<1x16xf32> to vector<16xf32>
      %swap3A_216 = vector.shape_cast %broadcast_in_dim3A_211 : vector<16xf32> to vector<1x16xf32>
      tpu.vector_store %arg18[%swap3A_212, %swap3A_213], %swap3A_216 {strides = array<i32>} : memref<80x128xf32, #tpu.memory_space<vmem>>, vector<1x16xf32>,
      %broadcast_in_dim3A_217 = arith.constant 0.000000e+00 : f32
      %broadcast_in_dim3A_218 = vector.broadcast %broadcast_in_dim3A_217 : f32 to vector<16xf32>
      %swap3A_219 = arith.index_cast %scan3A_169 : i32 to index
      %swap3A_220 = arith.constant 112 : index
      %swap3A_221 = tpu.vector_load %arg18[%swap3A_219, %swap3A_220] {strides = array<i32>} : memref<80x128xf32, #tpu.memory_space<vmem>>, vector<1x16xf32>,
      %swap3A_222 = vector.shape_cast %swap3A_221 : vector<1x16xf32> to vector<16xf32>
      %swap3A_223 = vector.shape_cast %broadcast_in_dim3A_218 : vector<16xf32> to vector<1x16xf32>
      tpu.vector_store %arg18[%swap3A_219, %swap3A_220], %swap3A_223 {strides = array<i32>} : memref<80x128xf32, #tpu.memory_space<vmem>>, vector<1x16xf32>,
    }
    %scan3A_7 = arith.constant 80 : i32
    %mul3A_8 = arith.constant 624 : i32
    %mul3A_9 = arith.muli %arg1, %mul3A_8 : i32
    %add3A_10 = arith.constant 0 : i32
    %add3A_11 = arith.addi %mul3A_9, %add3A_10 : i32
    "tpu.region"() ({
      %run_scoped3A = tpu.sem_alloc : memref<!tpu.dma_semaphore, #tpu.memory_space<semaphore_mem>>
      %dma_start3A_169 = arith.constant 0 : i32
      %dma_start3A_170 = tpu.memref_slice %arg5[%add3A_11, %dma_start3A_169] : memref<10000x128xf32, #tpu.memory_space<vmem_shared>> -> memref<80x128xf32, #tpu.memory_space<vmem_shared>>
      %dma_start3A_171 = arith.constant 0 : i32
      %dma_start3A_172 = tpu.memref_slice %arg5[%add3A_11, %dma_start3A_171] : memref<10000x128xf32, #tpu.memory_space<vmem_shared>> -> memref<80x128xf32, #tpu.memory_space<vmem_shared>>
      tpu.enqueue_dma source(%arg18 : memref<80x128xf32, #tpu.memory_space<vmem>>) target(%dma_start3A_172 : memref<80x128xf32, #tpu.memory_space<vmem_shared>>) target_semaphore(%run_scoped3A : memref<!tpu.dma_semaphore, #tpu.memory_space<semaphore_mem>>)
      %dma_wait3A_173 = arith.constant 0 : i32
      %dma_wait3A_174 = tpu.memref_slice %arg5[%add3A_11, %dma_wait3A_173] : memref<10000x128xf32, #tpu.memory_space<vmem_shared>> -> memref<80x128xf32, #tpu.memory_space<vmem_shared>>
      %dma_wait3A_175 = arith.constant 0 : i32
      %dma_wait3A_176 = tpu.memref_slice %arg5[%add3A_11, %dma_wait3A_175] : memref<10000x128xf32, #tpu.memory_space<vmem_shared>> -> memref<80x128xf32, #tpu.memory_space<vmem_shared>>
      tpu.wait_dma2 semaphore(%run_scoped3A : memref<!tpu.dma_semaphore, #tpu.memory_space<semaphore_mem>>) src(%arg18 : memref<80x128xf32, #tpu.memory_space<vmem>>) dst(%dma_wait3A_176 : memref<80x128xf32, #tpu.memory_space<vmem_shared>>)
      tpu.yield
    }) : () -> ()
    %mul3A_12 = arith.constant 624 : i32
    %mul3A_13 = arith.muli %arg1, %mul3A_12 : i32
    %add3A_14 = arith.constant 80 : i32
    %add3A_15 = arith.addi %mul3A_13, %add3A_14 : i32
    "tpu.region"() ({
      %run_scoped3A = tpu.sem_alloc : memref<!tpu.dma_semaphore, #tpu.memory_space<semaphore_mem>>
      %dma_start3A_169 = arith.constant 0 : i32
      %dma_start3A_170 = tpu.memref_slice %arg5[%add3A_15, %dma_start3A_169] : memref<10000x128xf32, #tpu.memory_space<vmem_shared>> -> memref<80x128xf32, #tpu.memory_space<vmem_shared>>
      %dma_start3A_171 = arith.constant 0 : i32
      %dma_start3A_172 = tpu.memref_slice %arg5[%add3A_15, %dma_start3A_171] : memref<10000x128xf32, #tpu.memory_space<vmem_shared>> -> memref<80x128xf32, #tpu.memory_space<vmem_shared>>
      tpu.enqueue_dma source(%arg18 : memref<80x128xf32, #tpu.memory_space<vmem>>) target(%dma_start3A_172 : memref<80x128xf32, #tpu.memory_space<vmem_shared>>) target_semaphore(%run_scoped3A : memref<!tpu.dma_semaphore, #tpu.memory_space<semaphore_mem>>)
      %dma_wait3A_173 = arith.constant 0 : i32
      %dma_wait3A_174 = tpu.memref_slice %arg5[%add3A_15, %dma_wait3A_173] : memref<10000x128xf32, #tpu.memory_space<vmem_shared>> -> memref<80x128xf32, #tpu.memory_space<vmem_shared>>
      %dma_wait3A_175 = arith.constant 0 : i32
      %dma_wait3A_176 = tpu.memref_slice %arg5[%add3A_15, %dma_wait3A_175] : memref<10000x128xf32, #tpu.memory_space<vmem_shared>> -> memref<80x128xf32, #tpu.memory_space<vmem_shared>>
      tpu.wait_dma2 semaphore(%run_scoped3A : memref<!tpu.dma_semaphore, #tpu.memory_space<semaphore_mem>>) src(%arg18 : memref<80x128xf32, #tpu.memory_space<vmem>>) dst(%dma_wait3A_176 : memref<80x128xf32, #tpu.memory_space<vmem_shared>>)
      tpu.yield
    }) : () -> ()
    %mul3A_16 = arith.constant 624 : i32
    %mul3A_17 = arith.muli %arg1, %mul3A_16 : i32
    %add3A_18 = arith.constant 160 : i32
    %add3A_19 = arith.addi %mul3A_17, %add3A_18 : i32
    "tpu.region"() ({
      %run_scoped3A = tpu.sem_alloc : memref<!tpu.dma_semaphore, #tpu.memory_space<semaphore_mem>>
      %dma_start3A_169 = arith.constant 0 : i32
      %dma_start3A_170 = tpu.memref_slice %arg5[%add3A_19, %dma_start3A_169] : memref<10000x128xf32, #tpu.memory_space<vmem_shared>> -> memref<80x128xf32, #tpu.memory_space<vmem_shared>>
      %dma_start3A_171 = arith.constant 0 : i32
      %dma_start3A_172 = tpu.memref_slice %arg5[%add3A_19, %dma_start3A_171] : memref<10000x128xf32, #tpu.memory_space<vmem_shared>> -> memref<80x128xf32, #tpu.memory_space<vmem_shared>>
      tpu.enqueue_dma source(%arg18 : memref<80x128xf32, #tpu.memory_space<vmem>>) target(%dma_start3A_172 : memref<80x128xf32, #tpu.memory_space<vmem_shared>>) target_semaphore(%run_scoped3A : memref<!tpu.dma_semaphore, #tpu.memory_space<semaphore_mem>>)
      %dma_wait3A_173 = arith.constant 0 : i32
      %dma_wait3A_174 = tpu.memref_slice %arg5[%add3A_19, %dma_wait3A_173] : memref<10000x128xf32, #tpu.memory_space<vmem_shared>> -> memref<80x128xf32, #tpu.memory_space<vmem_shared>>
      %dma_wait3A_175 = arith.constant 0 : i32
      %dma_wait3A_176 = tpu.memref_slice %arg5[%add3A_19, %dma_wait3A_175] : memref<10000x128xf32, #tpu.memory_space<vmem_shared>> -> memref<80x128xf32, #tpu.memory_space<vmem_shared>>
      tpu.wait_dma2 semaphore(%run_scoped3A : memref<!tpu.dma_semaphore, #tpu.memory_space<semaphore_mem>>) src(%arg18 : memref<80x128xf32, #tpu.memory_space<vmem>>) dst(%dma_wait3A_176 : memref<80x128xf32, #tpu.memory_space<vmem_shared>>)
      tpu.yield
    }) : () -> ()
    %mul3A_20 = arith.constant 624 : i32
    %mul3A_21 = arith.muli %arg1, %mul3A_20 : i32
    %add3A_22 = arith.constant 240 : i32
    %add3A_23 = arith.addi %mul3A_21, %add3A_22 : i32
    "tpu.region"() ({
      %run_scoped3A = tpu.sem_alloc : memref<!tpu.dma_semaphore, #tpu.memory_space<semaphore_mem>>
      %dma_start3A_169 = arith.constant 0 : i32
      %dma_start3A_170 = tpu.memref_slice %arg5[%add3A_23, %dma_start3A_169] : memref<10000x128xf32, #tpu.memory_space<vmem_shared>> -> memref<80x128xf32, #tpu.memory_space<vmem_shared>>
      %dma_start3A_171 = arith.constant 0 : i32
      %dma_start3A_172 = tpu.memref_slice %arg5[%add3A_23, %dma_start3A_171] : memref<10000x128xf32, #tpu.memory_space<vmem_shared>> -> memref<80x128xf32, #tpu.memory_space<vmem_shared>>
      tpu.enqueue_dma source(%arg18 : memref<80x128xf32, #tpu.memory_space<vmem>>) target(%dma_start3A_172 : memref<80x128xf32, #tpu.memory_space<vmem_shared>>) target_semaphore(%run_scoped3A : memref<!tpu.dma_semaphore, #tpu.memory_space<semaphore_mem>>)
      %dma_wait3A_173 = arith.constant 0 : i32
      %dma_wait3A_174 = tpu.memref_slice %arg5[%add3A_23, %dma_wait3A_173] : memref<10000x128xf32, #tpu.memory_space<vmem_shared>> -> memref<80x128xf32, #tpu.memory_space<vmem_shared>>
      %dma_wait3A_175 = arith.constant 0 : i32
      %dma_wait3A_176 = tpu.memref_slice %arg5[%add3A_23, %dma_wait3A_175] : memref<10000x128xf32, #tpu.memory_space<vmem_shared>> -> memref<80x128xf32, #tpu.memory_space<vmem_shared>>
      tpu.wait_dma2 semaphore(%run_scoped3A : memref<!tpu.dma_semaphore, #tpu.memory_space<semaphore_mem>>) src(%arg18 : memref<80x128xf32, #tpu.memory_space<vmem>>) dst(%dma_wait3A_176 : memref<80x128xf32, #tpu.memory_space<vmem_shared>>)
      tpu.yield
    }) : () -> ()
    %mul3A_24 = arith.constant 624 : i32
    %mul3A_25 = arith.muli %arg1, %mul3A_24 : i32
    %add3A_26 = arith.constant 320 : i32
    %add3A_27 = arith.addi %mul3A_25, %add3A_26 : i32
    "tpu.region"() ({
      %run_scoped3A = tpu.sem_alloc : memref<!tpu.dma_semaphore, #tpu.memory_space<semaphore_mem>>
      %dma_start3A_169 = arith.constant 0 : i32
      %dma_start3A_170 = tpu.memref_slice %arg5[%add3A_27, %dma_start3A_169] : memref<10000x128xf32, #tpu.memory_space<vmem_shared>> -> memref<80x128xf32, #tpu.memory_space<vmem_shared>>
      %dma_start3A_171 = arith.constant 0 : i32
      %dma_start3A_172 = tpu.memref_slice %arg5[%add3A_27, %dma_start3A_171] : memref<10000x128xf32, #tpu.memory_space<vmem_shared>> -> memref<80x128xf32, #tpu.memory_space<vmem_shared>>
      tpu.enqueue_dma source(%arg18 : memref<80x128xf32, #tpu.memory_space<vmem>>) target(%dma_start3A_172 : memref<80x128xf32, #tpu.memory_space<vmem_shared>>) target_semaphore(%run_scoped3A : memref<!tpu.dma_semaphore, #tpu.memory_space<semaphore_mem>>)
      %dma_wait3A_173 = arith.constant 0 : i32
      %dma_wait3A_174 = tpu.memref_slice %arg5[%add3A_27, %dma_wait3A_173] : memref<10000x128xf32, #tpu.memory_space<vmem_shared>> -> memref<80x128xf32, #tpu.memory_space<vmem_shared>>
      %dma_wait3A_175 = arith.constant 0 : i32
      %dma_wait3A_176 = tpu.memref_slice %arg5[%add3A_27, %dma_wait3A_175] : memref<10000x128xf32, #tpu.memory_space<vmem_shared>> -> memref<80x128xf32, #tpu.memory_space<vmem_shared>>
      tpu.wait_dma2 semaphore(%run_scoped3A : memref<!tpu.dma_semaphore, #tpu.memory_space<semaphore_mem>>) src(%arg18 : memref<80x128xf32, #tpu.memory_space<vmem>>) dst(%dma_wait3A_176 : memref<80x128xf32, #tpu.memory_space<vmem_shared>>)
      tpu.yield
    }) : () -> ()
    %mul3A_28 = arith.constant 624 : i32
    %mul3A_29 = arith.muli %arg1, %mul3A_28 : i32
    %add3A_30 = arith.constant 400 : i32
    %add3A_31 = arith.addi %mul3A_29, %add3A_30 : i32
    "tpu.region"() ({
      %run_scoped3A = tpu.sem_alloc : memref<!tpu.dma_semaphore, #tpu.memory_space<semaphore_mem>>
      %dma_start3A_169 = arith.constant 0 : i32
      %dma_start3A_170 = tpu.memref_slice %arg5[%add3A_31, %dma_start3A_169] : memref<10000x128xf32, #tpu.memory_space<vmem_shared>> -> memref<80x128xf32, #tpu.memory_space<vmem_shared>>
      %dma_start3A_171 = arith.constant 0 : i32
      %dma_start3A_172 = tpu.memref_slice %arg5[%add3A_31, %dma_start3A_171] : memref<10000x128xf32, #tpu.memory_space<vmem_shared>> -> memref<80x128xf32, #tpu.memory_space<vmem_shared>>
      tpu.enqueue_dma source(%arg18 : memref<80x128xf32, #tpu.memory_space<vmem>>) target(%dma_start3A_172 : memref<80x128xf32, #tpu.memory_space<vmem_shared>>) target_semaphore(%run_scoped3A : memref<!tpu.dma_semaphore, #tpu.memory_space<semaphore_mem>>)
      %dma_wait3A_173 = arith.constant 0 : i32
      %dma_wait3A_174 = tpu.memref_slice %arg5[%add3A_31, %dma_wait3A_173] : memref<10000x128xf32, #tpu.memory_space<vmem_shared>> -> memref<80x128xf32, #tpu.memory_space<vmem_shared>>
      %dma_wait3A_175 = arith.constant 0 : i32
      %dma_wait3A_176 = tpu.memref_slice %arg5[%add3A_31, %dma_wait3A_175] : memref<10000x128xf32, #tpu.memory_space<vmem_shared>> -> memref<80x128xf32, #tpu.memory_space<vmem_shared>>
      tpu.wait_dma2 semaphore(%run_scoped3A : memref<!tpu.dma_semaphore, #tpu.memory_space<semaphore_mem>>) src(%arg18 : memref<80x128xf32, #tpu.memory_space<vmem>>) dst(%dma_wait3A_176 : memref<80x128xf32, #tpu.memory_space<vmem_shared>>)
      tpu.yield
    }) : () -> ()
    %mul3A_32 = arith.constant 624 : i32
    %mul3A_33 = arith.muli %arg1, %mul3A_32 : i32
    %add3A_34 = arith.constant 480 : i32
    %add3A_35 = arith.addi %mul3A_33, %add3A_34 : i32
    "tpu.region"() ({
      %run_scoped3A = tpu.sem_alloc : memref<!tpu.dma_semaphore, #tpu.memory_space<semaphore_mem>>
      %dma_start3A_169 = arith.constant 0 : i32
      %dma_start3A_170 = tpu.memref_slice %arg5[%add3A_35, %dma_start3A_169] : memref<10000x128xf32, #tpu.memory_space<vmem_shared>> -> memref<80x128xf32, #tpu.memory_space<vmem_shared>>
      %dma_start3A_171 = arith.constant 0 : i32
      %dma_start3A_172 = tpu.memref_slice %arg5[%add3A_35, %dma_start3A_171] : memref<10000x128xf32, #tpu.memory_space<vmem_shared>> -> memref<80x128xf32, #tpu.memory_space<vmem_shared>>
      tpu.enqueue_dma source(%arg18 : memref<80x128xf32, #tpu.memory_space<vmem>>) target(%dma_start3A_172 : memref<80x128xf32, #tpu.memory_space<vmem_shared>>) target_semaphore(%run_scoped3A : memref<!tpu.dma_semaphore, #tpu.memory_space<semaphore_mem>>)
      %dma_wait3A_173 = arith.constant 0 : i32
      %dma_wait3A_174 = tpu.memref_slice %arg5[%add3A_35, %dma_wait3A_173] : memref<10000x128xf32, #tpu.memory_space<vmem_shared>> -> memref<80x128xf32, #tpu.memory_space<vmem_shared>>
      %dma_wait3A_175 = arith.constant 0 : i32
      %dma_wait3A_176 = tpu.memref_slice %arg5[%add3A_35, %dma_wait3A_175] : memref<10000x128xf32, #tpu.memory_space<vmem_shared>> -> memref<80x128xf32, #tpu.memory_space<vmem_shared>>
      tpu.wait_dma2 semaphore(%run_scoped3A : memref<!tpu.dma_semaphore, #tpu.memory_space<semaphore_mem>>) src(%arg18 : memref<80x128xf32, #tpu.memory_space<vmem>>) dst(%dma_wait3A_176 : memref<80x128xf32, #tpu.memory_space<vmem_shared>>)
      tpu.yield
    }) : () -> ()
    %mul3A_36 = arith.constant 624 : i32
    %mul3A_37 = arith.muli %arg1, %mul3A_36 : i32
    %add3A_38 = arith.constant 624 : i32
    %add3A_39 = arith.addi %mul3A_37, %add3A_38 : i32
    %sub3A = arith.constant 64 : i32
    %sub3A_40 = arith.subi %add3A_39, %sub3A : i32
    "tpu.region"() ({
      %run_scoped3A = tpu.sem_alloc : memref<!tpu.dma_semaphore, #tpu.memory_space<semaphore_mem>>
      %dma_start3A_169 = arith.constant 0 : i32
      %dma_start3A_170 = arith.constant 0 : i32
      %dma_start3A_171 = tpu.memref_slice %arg18[%dma_start3A_169, %dma_start3A_170] : memref<80x128xf32, #tpu.memory_space<vmem>> -> memref<64x128xf32, #tpu.memory_space<vmem>>
      %dma_start3A_172 = arith.constant 0 : i32
      %dma_start3A_173 = tpu.memref_slice %arg5[%sub3A_40, %dma_start3A_172] : memref<10000x128xf32, #tpu.memory_space<vmem_shared>> -> memref<64x128xf32, #tpu.memory_space<vmem_shared>>
      %dma_start3A_174 = arith.constant 0 : i32
      %dma_start3A_175 = tpu.memref_slice %arg5[%sub3A_40, %dma_start3A_174] : memref<10000x128xf32, #tpu.memory_space<vmem_shared>> -> memref<64x128xf32, #tpu.memory_space<vmem_shared>>
      %dma_start3A_176 = arith.constant 0 : i32
      %dma_start3A_177 = arith.constant 0 : i32
      %dma_start3A_178 = tpu.memref_slice %arg18[%dma_start3A_176, %dma_start3A_177] : memref<80x128xf32, #tpu.memory_space<vmem>> -> memref<64x128xf32, #tpu.memory_space<vmem>>
      tpu.enqueue_dma source(%dma_start3A_178 : memref<64x128xf32, #tpu.memory_space<vmem>>) target(%dma_start3A_175 : memref<64x128xf32, #tpu.memory_space<vmem_shared>>) target_semaphore(%run_scoped3A : memref<!tpu.dma_semaphore, #tpu.memory_space<semaphore_mem>>)
      %dma_wait3A_179 = arith.constant 0 : i32
      %dma_wait3A_180 = arith.constant 0 : i32
      %dma_wait3A_181 = tpu.memref_slice %arg18[%dma_wait3A_179, %dma_wait3A_180] : memref<80x128xf32, #tpu.memory_space<vmem>> -> memref<64x128xf32, #tpu.memory_space<vmem>>
      %dma_wait3A_182 = arith.constant 0 : i32
      %dma_wait3A_183 = tpu.memref_slice %arg5[%sub3A_40, %dma_wait3A_182] : memref<10000x128xf32, #tpu.memory_space<vmem_shared>> -> memref<64x128xf32, #tpu.memory_space<vmem_shared>>
      %dma_wait3A_184 = arith.constant 0 : i32
      %dma_wait3A_185 = tpu.memref_slice %arg5[%sub3A_40, %dma_wait3A_184] : memref<10000x128xf32, #tpu.memory_space<vmem_shared>> -> memref<64x128xf32, #tpu.memory_space<vmem_shared>>
      %dma_wait3A_186 = arith.constant 0 : i32
      %dma_wait3A_187 = arith.constant 0 : i32
      %dma_wait3A_188 = tpu.memref_slice %arg18[%dma_wait3A_186, %dma_wait3A_187] : memref<80x128xf32, #tpu.memory_space<vmem>> -> memref<64x128xf32, #tpu.memory_space<vmem>>
      tpu.wait_dma2 semaphore(%run_scoped3A : memref<!tpu.dma_semaphore, #tpu.memory_space<semaphore_mem>>) src(%dma_wait3A_188 : memref<64x128xf32, #tpu.memory_space<vmem>>) dst(%dma_wait3A_185 : memref<64x128xf32, #tpu.memory_space<vmem_shared>>)
      tpu.yield
    }) : () -> ()
    %eq3A = arith.constant 0 : i32
    %eq3A_41 = arith.cmpi eq, %arg1, %eq3A : i32
    %convert_element_type3A = arith.extui %eq3A_41 : i1 to i32
    %cond3A = arith.constant 0 : i32
    %cond3A_42 = arith.cmpi ne, %convert_element_type3A, %cond3A : i32
    scf.if %cond3A_42 {
      "tpu.region"() ({
        %run_scoped3A = tpu.sem_alloc : memref<!tpu.dma_semaphore, #tpu.memory_space<semaphore_mem>>
        %dma_start3A_169 = arith.constant 0 : i32
        %dma_start3A_170 = arith.constant 0 : i32
        %dma_start3A_171 = tpu.memref_slice %arg18[%dma_start3A_169, %dma_start3A_170] : memref<80x128xf32, #tpu.memory_space<vmem>> -> memref<16x128xf32, #tpu.memory_space<vmem>>
        %dma_start3A_172 = arith.constant 9984 : i32
        %dma_start3A_173 = arith.constant 0 : i32
        %dma_start3A_174 = tpu.memref_slice %arg5[%dma_start3A_172, %dma_start3A_173] : memref<10000x128xf32, #tpu.memory_space<vmem_shared>> -> memref<16x128xf32, #tpu.memory_space<vmem_shared>>
        %dma_start3A_175 = arith.constant 9984 : i32
        %dma_start3A_176 = arith.constant 0 : i32
        %dma_start3A_177 = tpu.memref_slice %arg5[%dma_start3A_175, %dma_start3A_176] : memref<10000x128xf32, #tpu.memory_space<vmem_shared>> -> memref<16x128xf32, #tpu.memory_space<vmem_shared>>
        %dma_start3A_178 = arith.constant 0 : i32
        %dma_start3A_179 = arith.constant 0 : i32
        %dma_start3A_180 = tpu.memref_slice %arg18[%dma_start3A_178, %dma_start3A_179] : memref<80x128xf32, #tpu.memory_space<vmem>> -> memref<16x128xf32, #tpu.memory_space<vmem>>
        tpu.enqueue_dma source(%dma_start3A_180 : memref<16x128xf32, #tpu.memory_space<vmem>>) target(%dma_start3A_177 : memref<16x128xf32, #tpu.memory_space<vmem_shared>>) target_semaphore(%run_scoped3A : memref<!tpu.dma_semaphore, #tpu.memory_space<semaphore_mem>>)
        %dma_wait3A_181 = arith.constant 0 : i32
        %dma_wait3A_182 = arith.constant 0 : i32
        %dma_wait3A_183 = tpu.memref_slice %arg18[%dma_wait3A_181, %dma_wait3A_182] : memref<80x128xf32, #tpu.memory_space<vmem>> -> memref<16x128xf32, #tpu.memory_space<vmem>>
        %dma_wait3A_184 = arith.constant 9984 : i32
        %dma_wait3A_185 = arith.constant 0 : i32
        %dma_wait3A_186 = tpu.memref_slice %arg5[%dma_wait3A_184, %dma_wait3A_185] : memref<10000x128xf32, #tpu.memory_space<vmem_shared>> -> memref<16x128xf32, #tpu.memory_space<vmem_shared>>
        %dma_wait3A_187 = arith.constant 9984 : i32
        %dma_wait3A_188 = arith.constant 0 : i32
        %dma_wait3A_189 = tpu.memref_slice %arg5[%dma_wait3A_187, %dma_wait3A_188] : memref<10000x128xf32, #tpu.memory_space<vmem_shared>> -> memref<16x128xf32, #tpu.memory_space<vmem_shared>>
        %dma_wait3A_190 = arith.constant 0 : i32
        %dma_wait3A_191 = arith.constant 0 : i32
        %dma_wait3A_192 = tpu.memref_slice %arg18[%dma_wait3A_190, %dma_wait3A_191] : memref<80x128xf32, #tpu.memory_space<vmem>> -> memref<16x128xf32, #tpu.memory_space<vmem>>
        tpu.wait_dma2 semaphore(%run_scoped3A : memref<!tpu.dma_semaphore, #tpu.memory_space<semaphore_mem>>) src(%dma_wait3A_192 : memref<16x128xf32, #tpu.memory_space<vmem>>) dst(%dma_wait3A_189 : memref<16x128xf32, #tpu.memory_space<vmem_shared>>)
        tpu.yield
      }) : () -> ()
    } else {
    }
    %barrier3A = arith.constant 0 : index
    tpu.barrier barrier_id(%barrier3A)
    %add3A_43 = arith.constant 0 : i32
    %add3A_44 = arith.addi %mul3A_2, %add3A_43 : i32
    %dma_start3A = arith.constant 0 : i32
    %dma_start3A_45 = tpu.memref_slice %arg3[%add3A_44, %dma_start3A] : memref<4000x160xi32, #tpu.memory_space<hbm>> -> memref<1x160xi32, #tpu.memory_space<hbm>>
    %dma_start3A_46 = tpu.memref_squeeze %dma_start3A_45 : memref<1x160xi32, #tpu.memory_space<hbm>> -> memref<160xi32, #tpu.memory_space<hbm>>
    %dma_start3A_47 = arith.constant 0 : i32
    %dma_start3A_48 = tpu.memref_slice %arg3[%add3A_44, %dma_start3A_47] : memref<4000x160xi32, #tpu.memory_space<hbm>> -> memref<1x160xi32, #tpu.memory_space<hbm>>
    %dma_start3A_49 = tpu.memref_squeeze %dma_start3A_48 : memref<1x160xi32, #tpu.memory_space<hbm>> -> memref<160xi32, #tpu.memory_space<hbm>>
    tpu.enqueue_dma source(%dma_start3A_49 : memref<160xi32, #tpu.memory_space<hbm>>) target(%arg6 : memref<160xi32, #tpu.memory_space<vmem>>) target_semaphore(%arg22 : memref<!tpu.dma_semaphore, #tpu.memory_space<semaphore_mem>>)
    %dma_wait3A = arith.constant 0 : i32
    %dma_wait3A_50 = arith.constant 0 : i32
    %dma_wait3A_51 = tpu.memref_slice %arg3[%dma_wait3A, %dma_wait3A_50] : memref<4000x160xi32, #tpu.memory_space<hbm>> -> memref<1x160xi32, #tpu.memory_space<hbm>>
    %dma_wait3A_52 = tpu.memref_squeeze %dma_wait3A_51 : memref<1x160xi32, #tpu.memory_space<hbm>> -> memref<160xi32, #tpu.memory_space<hbm>>
    %dma_wait3A_53 = arith.constant 0 : i32
    %dma_wait3A_54 = tpu.memref_slice %arg3[%dma_wait3A, %dma_wait3A_53] : memref<4000x160xi32, #tpu.memory_space<hbm>> -> memref<1x160xi32, #tpu.memory_space<hbm>>
    %dma_wait3A_55 = tpu.memref_squeeze %dma_wait3A_54 : memref<1x160xi32, #tpu.memory_space<hbm>> -> memref<160xi32, #tpu.memory_space<hbm>>
    tpu.wait_dma2 semaphore(%arg22 : memref<!tpu.dma_semaphore, #tpu.memory_space<semaphore_mem>>) src(%dma_wait3A_55 : memref<160xi32, #tpu.memory_space<hbm>>) dst(%arg6 : memref<160xi32, #tpu.memory_space<vmem>>)
    %dma_start3A_56 = arith.constant 80 : i32
    %dma_start3A_57 = tpu.memref_slice %arg6[%dma_start3A_56] : memref<160xi32, #tpu.memory_space<vmem>> -> memref<80xi32, #tpu.memory_space<vmem>>
    %dma_start3A_58 = arith.constant 0 : i32
    %dma_start3A_59 = arith.constant 0 : i32
    %dma_start3A_60 = tpu.memref_slice %arg2[%dma_start3A_58, %dma_start3A_59] : memref<20000x128xf32, #tpu.memory_space<hbm>> -> memref<20000x128xf32, #tpu.memory_space<hbm>>
    tpu.enqueue_indirect_dma source(%dma_start3A_60 : memref<20000x128xf32, #tpu.memory_space<hbm>>) target(%arg18 : memref<80x128xf32, #tpu.memory_space<vmem>>) offsets(%dma_start3A_57 : memref<80xi32, #tpu.memory_space<vmem>>) semaphore(%arg30 : memref<!tpu.dma_semaphore, #tpu.memory_space<semaphore_mem>>)
    %add3A_61 = arith.constant 1 : i32
    %add3A_62 = arith.addi %mul3A_2, %add3A_61 : i32
    %dma_start3A_63 = arith.constant 0 : i32
    %dma_start3A_64 = tpu.memref_slice %arg3[%add3A_62, %dma_start3A_63] : memref<4000x160xi32, #tpu.memory_space<hbm>> -> memref<1x160xi32, #tpu.memory_space<hbm>>
    %dma_start3A_65 = tpu.memref_squeeze %dma_start3A_64 : memref<1x160xi32, #tpu.memory_space<hbm>> -> memref<160xi32, #tpu.memory_space<hbm>>
    %dma_start3A_66 = arith.constant 0 : i32
    %dma_start3A_67 = tpu.memref_slice %arg3[%add3A_62, %dma_start3A_66] : memref<4000x160xi32, #tpu.memory_space<hbm>> -> memref<1x160xi32, #tpu.memory_space<hbm>>
    %dma_start3A_68 = tpu.memref_squeeze %dma_start3A_67 : memref<1x160xi32, #tpu.memory_space<hbm>> -> memref<160xi32, #tpu.memory_space<hbm>>
    tpu.enqueue_dma source(%dma_start3A_68 : memref<160xi32, #tpu.memory_space<hbm>>) target(%arg7 : memref<160xi32, #tpu.memory_space<vmem>>) target_semaphore(%arg23 : memref<!tpu.dma_semaphore, #tpu.memory_space<semaphore_mem>>)
    %dma_wait3A_69 = arith.constant 0 : i32
    %dma_wait3A_70 = arith.constant 0 : i32
    %dma_wait3A_71 = tpu.memref_slice %arg3[%dma_wait3A_69, %dma_wait3A_70] : memref<4000x160xi32, #tpu.memory_space<hbm>> -> memref<1x160xi32, #tpu.memory_space<hbm>>
    %dma_wait3A_72 = tpu.memref_squeeze %dma_wait3A_71 : memref<1x160xi32, #tpu.memory_space<hbm>> -> memref<160xi32, #tpu.memory_space<hbm>>
    %dma_wait3A_73 = arith.constant 0 : i32
    %dma_wait3A_74 = tpu.memref_slice %arg3[%dma_wait3A_69, %dma_wait3A_73] : memref<4000x160xi32, #tpu.memory_space<hbm>> -> memref<1x160xi32, #tpu.memory_space<hbm>>
    %dma_wait3A_75 = tpu.memref_squeeze %dma_wait3A_74 : memref<1x160xi32, #tpu.memory_space<hbm>> -> memref<160xi32, #tpu.memory_space<hbm>>
    tpu.wait_dma2 semaphore(%arg23 : memref<!tpu.dma_semaphore, #tpu.memory_space<semaphore_mem>>) src(%dma_wait3A_75 : memref<160xi32, #tpu.memory_space<hbm>>) dst(%arg7 : memref<160xi32, #tpu.memory_space<vmem>>)
    %dma_start3A_76 = arith.constant 80 : i32
    %dma_start3A_77 = tpu.memref_slice %arg7[%dma_start3A_76] : memref<160xi32, #tpu.memory_space<vmem>> -> memref<80xi32, #tpu.memory_space<vmem>>
    %dma_start3A_78 = arith.constant 0 : i32
    %dma_start3A_79 = arith.constant 0 : i32
    %dma_start3A_80 = tpu.memref_slice %arg2[%dma_start3A_78, %dma_start3A_79] : memref<20000x128xf32, #tpu.memory_space<hbm>> -> memref<20000x128xf32, #tpu.memory_space<hbm>>
    tpu.enqueue_indirect_dma source(%dma_start3A_80 : memref<20000x128xf32, #tpu.memory_space<hbm>>) target(%arg19 : memref<80x128xf32, #tpu.memory_space<vmem>>) offsets(%dma_start3A_77 : memref<80xi32, #tpu.memory_space<vmem>>) semaphore(%arg31 : memref<!tpu.dma_semaphore, #tpu.memory_space<semaphore_mem>>)
    %add3A_81 = arith.constant 2 : i32
    %add3A_82 = arith.addi %mul3A_2, %add3A_81 : i32
    %dma_start3A_83 = arith.constant 0 : i32
    %dma_start3A_84 = tpu.memref_slice %arg3[%add3A_82, %dma_start3A_83] : memref<4000x160xi32, #tpu.memory_space<hbm>> -> memref<1x160xi32, #tpu.memory_space<hbm>>
    %dma_start3A_85 = tpu.memref_squeeze %dma_start3A_84 : memref<1x160xi32, #tpu.memory_space<hbm>> -> memref<160xi32, #tpu.memory_space<hbm>>
    %dma_start3A_86 = arith.constant 0 : i32
    %dma_start3A_87 = tpu.memref_slice %arg3[%add3A_82, %dma_start3A_86] : memref<4000x160xi32, #tpu.memory_space<hbm>> -> memref<1x160xi32, #tpu.memory_space<hbm>>
    %dma_start3A_88 = tpu.memref_squeeze %dma_start3A_87 : memref<1x160xi32, #tpu.memory_space<hbm>> -> memref<160xi32, #tpu.memory_space<hbm>>
    tpu.enqueue_dma source(%dma_start3A_88 : memref<160xi32, #tpu.memory_space<hbm>>) target(%arg8 : memref<160xi32, #tpu.memory_space<vmem>>) target_semaphore(%arg24 : memref<!tpu.dma_semaphore, #tpu.memory_space<semaphore_mem>>)
    %dma_wait3A_89 = arith.constant 0 : i32
    %dma_wait3A_90 = arith.constant 0 : i32
    %dma_wait3A_91 = tpu.memref_slice %arg3[%dma_wait3A_89, %dma_wait3A_90] : memref<4000x160xi32, #tpu.memory_space<hbm>> -> memref<1x160xi32, #tpu.memory_space<hbm>>
    %dma_wait3A_92 = tpu.memref_squeeze %dma_wait3A_91 : memref<1x160xi32, #tpu.memory_space<hbm>> -> memref<160xi32, #tpu.memory_space<hbm>>
    %dma_wait3A_93 = arith.constant 0 : i32
    %dma_wait3A_94 = tpu.memref_slice %arg3[%dma_wait3A_89, %dma_wait3A_93] : memref<4000x160xi32, #tpu.memory_space<hbm>> -> memref<1x160xi32, #tpu.memory_space<hbm>>
    %dma_wait3A_95 = tpu.memref_squeeze %dma_wait3A_94 : memref<1x160xi32, #tpu.memory_space<hbm>> -> memref<160xi32, #tpu.memory_space<hbm>>
    tpu.wait_dma2 semaphore(%arg24 : memref<!tpu.dma_semaphore, #tpu.memory_space<semaphore_mem>>) src(%dma_wait3A_95 : memref<160xi32, #tpu.memory_space<hbm>>) dst(%arg8 : memref<160xi32, #tpu.memory_space<vmem>>)
    %dma_start3A_96 = arith.constant 80 : i32
    %dma_start3A_97 = tpu.memref_slice %arg8[%dma_start3A_96] : memref<160xi32, #tpu.memory_space<vmem>> -> memref<80xi32, #tpu.memory_space<vmem>>
    %dma_start3A_98 = arith.constant 0 : i32
    %dma_start3A_99 = arith.constant 0 : i32
    %dma_start3A_100 = tpu.memref_slice %arg2[%dma_start3A_98, %dma_start3A_99] : memref<20000x128xf32, #tpu.memory_space<hbm>> -> memref<20000x128xf32, #tpu.memory_space<hbm>>
    tpu.enqueue_indirect_dma source(%dma_start3A_100 : memref<20000x128xf32, #tpu.memory_space<hbm>>) target(%arg20 : memref<80x128xf32, #tpu.memory_space<vmem>>) offsets(%dma_start3A_97 : memref<80xi32, #tpu.memory_space<vmem>>) semaphore(%arg32 : memref<!tpu.dma_semaphore, #tpu.memory_space<semaphore_mem>>)
    %add3A_101 = arith.constant 3 : i32
    %add3A_102 = arith.addi %mul3A_2, %add3A_101 : i32
    %dma_start3A_103 = arith.constant 0 : i32
    %dma_start3A_104 = tpu.memref_slice %arg3[%add3A_102, %dma_start3A_103] : memref<4000x160xi32, #tpu.memory_space<hbm>> -> memref<1x160xi32, #tpu.memory_space<hbm>>
    %dma_start3A_105 = tpu.memref_squeeze %dma_start3A_104 : memref<1x160xi32, #tpu.memory_space<hbm>> -> memref<160xi32, #tpu.memory_space<hbm>>
    %dma_start3A_106 = arith.constant 0 : i32
    %dma_start3A_107 = tpu.memref_slice %arg3[%add3A_102, %dma_start3A_106] : memref<4000x160xi32, #tpu.memory_space<hbm>> -> memref<1x160xi32, #tpu.memory_space<hbm>>
    %dma_start3A_108 = tpu.memref_squeeze %dma_start3A_107 : memref<1x160xi32, #tpu.memory_space<hbm>> -> memref<160xi32, #tpu.memory_space<hbm>>
    tpu.enqueue_dma source(%dma_start3A_108 : memref<160xi32, #tpu.memory_space<hbm>>) target(%arg9 : memref<160xi32, #tpu.memory_space<vmem>>) target_semaphore(%arg25 : memref<!tpu.dma_semaphore, #tpu.memory_space<semaphore_mem>>)
    %add3A_109 = arith.constant 4 : i32
    %add3A_110 = arith.addi %mul3A_2, %add3A_109 : i32
    %dma_start3A_111 = arith.constant 0 : i32
    %dma_start3A_112 = tpu.memref_slice %arg3[%add3A_110, %dma_start3A_111] : memref<4000x160xi32, #tpu.memory_space<hbm>> -> memref<1x160xi32, #tpu.memory_space<hbm>>
    %dma_start3A_113 = tpu.memref_squeeze %dma_start3A_112 : memref<1x160xi32, #tpu.memory_space<hbm>> -> memref<160xi32, #tpu.memory_space<hbm>>
    %dma_start3A_114 = arith.constant 0 : i32
    %dma_start3A_115 = tpu.memref_slice %arg3[%add3A_110, %dma_start3A_114] : memref<4000x160xi32, #tpu.memory_space<hbm>> -> memref<1x160xi32, #tpu.memory_space<hbm>>
    %dma_start3A_116 = tpu.memref_squeeze %dma_start3A_115 : memref<1x160xi32, #tpu.memory_space<hbm>> -> memref<160xi32, #tpu.memory_space<hbm>>
    tpu.enqueue_dma source(%dma_start3A_116 : memref<160xi32, #tpu.memory_space<hbm>>) target(%arg10 : memref<160xi32, #tpu.memory_space<vmem>>) target_semaphore(%arg26 : memref<!tpu.dma_semaphore, #tpu.memory_space<semaphore_mem>>)
    %add3A_117 = arith.constant 5 : i32
    %add3A_118 = arith.addi %mul3A_2, %add3A_117 : i32
    %dma_start3A_119 = arith.constant 0 : i32
    %dma_start3A_120 = tpu.memref_slice %arg3[%add3A_118, %dma_start3A_119] : memref<4000x160xi32, #tpu.memory_space<hbm>> -> memref<1x160xi32, #tpu.memory_space<hbm>>
    %dma_start3A_121 = tpu.memref_squeeze %dma_start3A_120 : memref<1x160xi32, #tpu.memory_space<hbm>> -> memref<160xi32, #tpu.memory_space<hbm>>
    %dma_start3A_122 = arith.constant 0 : i32
    %dma_start3A_123 = tpu.memref_slice %arg3[%add3A_118, %dma_start3A_122] : memref<4000x160xi32, #tpu.memory_space<hbm>> -> memref<1x160xi32, #tpu.memory_space<hbm>>
    %dma_start3A_124 = tpu.memref_squeeze %dma_start3A_123 : memref<1x160xi32, #tpu.memory_space<hbm>> -> memref<160xi32, #tpu.memory_space<hbm>>
    tpu.enqueue_dma source(%dma_start3A_124 : memref<160xi32, #tpu.memory_space<hbm>>) target(%arg11 : memref<160xi32, #tpu.memory_space<vmem>>) target_semaphore(%arg27 : memref<!tpu.dma_semaphore, #tpu.memory_space<semaphore_mem>>)
    %add3A_125 = arith.constant 6 : i32
    %add3A_126 = arith.addi %mul3A_2, %add3A_125 : i32
    %dma_start3A_127 = arith.constant 0 : i32
    %dma_start3A_128 = tpu.memref_slice %arg3[%add3A_126, %dma_start3A_127] : memref<4000x160xi32, #tpu.memory_space<hbm>> -> memref<1x160xi32, #tpu.memory_space<hbm>>
    %dma_start3A_129 = tpu.memref_squeeze %dma_start3A_128 : memref<1x160xi32, #tpu.memory_space<hbm>> -> memref<160xi32, #tpu.memory_space<hbm>>
    %dma_start3A_130 = arith.constant 0 : i32
    %dma_start3A_131 = tpu.memref_slice %arg3[%add3A_126, %dma_start3A_130] : memref<4000x160xi32, #tpu.memory_space<hbm>> -> memref<1x160xi32, #tpu.memory_space<hbm>>
    %dma_start3A_132 = tpu.memref_squeeze %dma_start3A_131 : memref<1x160xi32, #tpu.memory_space<hbm>> -> memref<160xi32, #tpu.memory_space<hbm>>
    tpu.enqueue_dma source(%dma_start3A_132 : memref<160xi32, #tpu.memory_space<hbm>>) target(%arg12 : memref<160xi32, #tpu.memory_space<vmem>>) target_semaphore(%arg28 : memref<!tpu.dma_semaphore, #tpu.memory_space<semaphore_mem>>)
    %add3A_133 = arith.constant 7 : i32
    %add3A_134 = arith.addi %mul3A_2, %add3A_133 : i32
    %dma_start3A_135 = arith.constant 0 : i32
    %dma_start3A_136 = tpu.memref_slice %arg3[%add3A_134, %dma_start3A_135] : memref<4000x160xi32, #tpu.memory_space<hbm>> -> memref<1x160xi32, #tpu.memory_space<hbm>>
    %dma_start3A_137 = tpu.memref_squeeze %dma_start3A_136 : memref<1x160xi32, #tpu.memory_space<hbm>> -> memref<160xi32, #tpu.memory_space<hbm>>
    %dma_start3A_138 = arith.constant 0 : i32
    %dma_start3A_139 = tpu.memref_slice %arg3[%add3A_134, %dma_start3A_138] : memref<4000x160xi32, #tpu.memory_space<hbm>> -> memref<1x160xi32, #tpu.memory_space<hbm>>
    %dma_start3A_140 = tpu.memref_squeeze %dma_start3A_139 : memref<1x160xi32, #tpu.memory_space<hbm>> -> memref<160xi32, #tpu.memory_space<hbm>>
    tpu.enqueue_dma source(%dma_start3A_140 : memref<160xi32, #tpu.memory_space<hbm>>) target(%arg13 : memref<160xi32, #tpu.memory_space<vmem>>) target_semaphore(%arg29 : memref<!tpu.dma_semaphore, #tpu.memory_space<semaphore_mem>>)
    %scan3A_141 = arith.constant 0 : i32
    %scan3A_142 = arith.constant 0 : i32
    %scan3A_143 = arith.constant 16 : i32
    %scan3A_144 = arith.addi %scan3A_142, %scan3A_143 : i32
    %scan3A_145 = arith.constant 1 : i32
    scf.for %scan3A_169 = %scan3A_142 to %scan3A_144 step %scan3A_145  : i32 {
      %mul3A_170 = arith.constant 8 : i32
      %mul3A_171 = arith.muli %scan3A_169, %mul3A_170 : i32
      %add3A_172 = arith.constant 0 : i32
      %add3A_173 = arith.addi %mul3A_171, %add3A_172 : i32
      %lt3A = arith.constant 125 : i32
      %lt3A_174 = arith.cmpi slt, %add3A_173, %lt3A : i32
      %convert_element_type3A_175 = arith.extui %lt3A_174 : i1 to i32
      %cond3A_176 = arith.constant 0 : i32
      %cond3A_177 = arith.cmpi ne, %convert_element_type3A_175, %cond3A_176 : i32
      scf.if %cond3A_177 {
        %add3A_227 = arith.constant 0 : i32
        %add3A_228 = arith.addi %mul3A_171, %add3A_227 : i32
        %get3A = arith.constant 0 : index
        %get3A_229 = tpu.vector_load %arg6[%get3A] {strides = array<i32>} : memref<160xi32, #tpu.memory_space<vmem>>, vector<16xi32>,
        %get3A_230 = vector.shape_cast %get3A_229 : vector<16xi32> to vector<16xi32>
        %swap3A = arith.constant 0 : index
        %swap3A_231 = tpu.vector_load %arg14[%swap3A] {strides = array<i32>} : memref<80xi32, #tpu.memory_space<vmem>>, vector<16xi32>,
        %swap3A_232 = vector.shape_cast %swap3A_231 : vector<16xi32> to vector<16xi32>
        %swap3A_233 = vector.shape_cast %get3A_230 : vector<16xi32> to vector<16xi32>
        tpu.vector_store %arg14[%swap3A], %swap3A_233 {strides = array<i32>} : memref<80xi32, #tpu.memory_space<vmem>>, vector<16xi32>,
        %get3A_234 = arith.constant 16 : index
        %get3A_235 = tpu.vector_load %arg6[%get3A_234] {strides = array<i32>} : memref<160xi32, #tpu.memory_space<vmem>>, vector<16xi32>,
        %get3A_236 = vector.shape_cast %get3A_235 : vector<16xi32> to vector<16xi32>
        %swap3A_237 = arith.constant 16 : index
        %swap3A_238 = tpu.vector_load %arg14[%swap3A_237] {strides = array<i32>} : memref<80xi32, #tpu.memory_space<vmem>>, vector<16xi32>,
        %swap3A_239 = vector.shape_cast %swap3A_238 : vector<16xi32> to vector<16xi32>
        %swap3A_240 = vector.shape_cast %get3A_236 : vector<16xi32> to vector<16xi32>
        tpu.vector_store %arg14[%swap3A_237], %swap3A_240 {strides = array<i32>} : memref<80xi32, #tpu.memory_space<vmem>>, vector<16xi32>,
        %get3A_241 = arith.constant 32 : index
        %get3A_242 = tpu.vector_load %arg6[%get3A_241] {strides = array<i32>} : memref<160xi32, #tpu.memory_space<vmem>>, vector<16xi32>,
        %get3A_243 = vector.shape_cast %get3A_242 : vector<16xi32> to vector<16xi32>
        %swap3A_244 = arith.constant 32 : index
        %swap3A_245 = tpu.vector_load %arg14[%swap3A_244] {strides = array<i32>} : memref<80xi32, #tpu.memory_space<vmem>>, vector<16xi32>,
        %swap3A_246 = vector.shape_cast %swap3A_245 : vector<16xi32> to vector<16xi32>
        %swap3A_247 = vector.shape_cast %get3A_243 : vector<16xi32> to vector<16xi32>
        tpu.vector_store %arg14[%swap3A_244], %swap3A_247 {strides = array<i32>} : memref<80xi32, #tpu.memory_space<vmem>>, vector<16xi32>,
        %get3A_248 = arith.constant 48 : index
        %get3A_249 = tpu.vector_load %arg6[%get3A_248] {strides = array<i32>} : memref<160xi32, #tpu.memory_space<vmem>>, vector<16xi32>,
        %get3A_250 = vector.shape_cast %get3A_249 : vector<16xi32> to vector<16xi32>
        %swap3A_251 = arith.constant 48 : index
        %swap3A_252 = tpu.vector_load %arg14[%swap3A_251] {strides = array<i32>} : memref<80xi32, #tpu.memory_space<vmem>>, vector<16xi32>,
        %swap3A_253 = vector.shape_cast %swap3A_252 : vector<16xi32> to vector<16xi32>
        %swap3A_254 = vector.shape_cast %get3A_250 : vector<16xi32> to vector<16xi32>
        tpu.vector_store %arg14[%swap3A_251], %swap3A_254 {strides = array<i32>} : memref<80xi32, #tpu.memory_space<vmem>>, vector<16xi32>,
        %get3A_255 = arith.constant 64 : index
        %get3A_256 = tpu.vector_load %arg6[%get3A_255] {strides = array<i32>} : memref<160xi32, #tpu.memory_space<vmem>>, vector<16xi32>,
        %get3A_257 = vector.shape_cast %get3A_256 : vector<16xi32> to vector<16xi32>
        %swap3A_258 = arith.constant 64 : index
        %swap3A_259 = tpu.vector_load %arg14[%swap3A_258] {strides = array<i32>} : memref<80xi32, #tpu.memory_space<vmem>>, vector<16xi32>,
        %swap3A_260 = vector.shape_cast %swap3A_259 : vector<16xi32> to vector<16xi32>
        %swap3A_261 = vector.shape_cast %get3A_257 : vector<16xi32> to vector<16xi32>
        tpu.vector_store %arg14[%swap3A_258], %swap3A_261 {strides = array<i32>} : memref<80xi32, #tpu.memory_space<vmem>>, vector<16xi32>,
        %dma_wait3A_262 = arith.constant 0 : i32
        %dma_wait3A_263 = arith.constant 0 : i32
        %dma_wait3A_264 = tpu.memref_slice %arg2[%dma_wait3A_262, %dma_wait3A_263] : memref<20000x128xf32, #tpu.memory_space<hbm>> -> memref<80x128xf32, #tpu.memory_space<hbm>>
        %dma_wait3A_265 = arith.constant 0 : i32
        %dma_wait3A_266 = arith.constant 0 : i32
        %dma_wait3A_267 = tpu.memref_slice %arg2[%dma_wait3A_265, %dma_wait3A_266] : memref<20000x128xf32, #tpu.memory_space<hbm>> -> memref<80x128xf32, #tpu.memory_space<hbm>>
        tpu.wait_dma2 semaphore(%arg30 : memref<!tpu.dma_semaphore, #tpu.memory_space<semaphore_mem>>) src(%dma_wait3A_267 : memref<80x128xf32, #tpu.memory_space<hbm>>) dst(%arg18 : memref<80x128xf32, #tpu.memory_space<vmem>>)
        %dma_start3A_268 = arith.constant 0 : i32
        %dma_start3A_269 = arith.constant 0 : i32
        %dma_start3A_270 = tpu.memref_slice %arg5[%dma_start3A_268, %dma_start3A_269] : memref<10000x128xf32, #tpu.memory_space<vmem_shared>> -> memref<10000x128xf32, #tpu.memory_space<vmem_shared>>
        tpu.enqueue_indirect_dma source(%arg18 : memref<80x128xf32, #tpu.memory_space<vmem>>) target(%dma_start3A_270 : memref<10000x128xf32, #tpu.memory_space<vmem_shared>>) offsets(%arg14 : memref<80xi32, #tpu.memory_space<vmem>>) semaphore(%arg34 : memref<!tpu.dma_semaphore, #tpu.memory_space<semaphore_mem>>) {add = true}
        %add3A_271 = arith.constant 4 : i32
        %add3A_272 = arith.addi %add3A_228, %add3A_271 : i32
        %sub3A_273 = arith.constant 1 : i32
        %sub3A_274 = arith.subi %add3A_272, %sub3A_273 : i32
        %lt3A_275 = arith.constant 125 : i32
        %lt3A_276 = arith.cmpi slt, %sub3A_274, %lt3A_275 : i32
        %convert_element_type3A_277 = arith.extui %lt3A_276 : i1 to i32
        %cond3A_278 = arith.constant 0 : i32
        %cond3A_279 = arith.cmpi ne, %convert_element_type3A_277, %cond3A_278 : i32
        scf.if %cond3A_279 {
          %dma_wait3A_287 = arith.constant 0 : i32
          %dma_wait3A_288 = arith.constant 0 : i32
          %dma_wait3A_289 = tpu.memref_slice %arg3[%dma_wait3A_287, %dma_wait3A_288] : memref<4000x160xi32, #tpu.memory_space<hbm>> -> memref<1x160xi32, #tpu.memory_space<hbm>>
          %dma_wait3A_290 = tpu.memref_squeeze %dma_wait3A_289 : memref<1x160xi32, #tpu.memory_space<hbm>> -> memref<160xi32, #tpu.memory_space<hbm>>
          %dma_wait3A_291 = arith.constant 0 : i32
          %dma_wait3A_292 = tpu.memref_slice %arg3[%dma_wait3A_287, %dma_wait3A_291] : memref<4000x160xi32, #tpu.memory_space<hbm>> -> memref<1x160xi32, #tpu.memory_space<hbm>>
          %dma_wait3A_293 = tpu.memref_squeeze %dma_wait3A_292 : memref<1x160xi32, #tpu.memory_space<hbm>> -> memref<160xi32, #tpu.memory_space<hbm>>
          tpu.wait_dma2 semaphore(%arg25 : memref<!tpu.dma_semaphore, #tpu.memory_space<semaphore_mem>>) src(%dma_wait3A_293 : memref<160xi32, #tpu.memory_space<hbm>>) dst(%arg9 : memref<160xi32, #tpu.memory_space<vmem>>)
          %gt3A = arith.constant 0 : i32
          %gt3A_294 = arith.cmpi sgt, %add3A_228, %gt3A : i32
          %convert_element_type3A_295 = arith.extui %gt3A_294 : i1 to i32
          %cond3A_296 = arith.constant 0 : i32
          %cond3A_297 = arith.cmpi ne, %convert_element_type3A_295, %cond3A_296 : i32
          scf.if %cond3A_297 {
            %dma_wait3A_303 = arith.constant 0 : i32
            %dma_wait3A_304 = arith.constant 0 : i32
            %dma_wait3A_305 = tpu.memref_slice %arg5[%dma_wait3A_303, %dma_wait3A_304] : memref<10000x128xf32, #tpu.memory_space<vmem_shared>> -> memref<10000x128xf32, #tpu.memory_space<vmem_shared>>
            tpu.wait_indirect_dma semaphore(%arg37 : memref<!tpu.dma_semaphore, #tpu.memory_space<semaphore_mem>>) src(%arg21 : memref<80x128xf32, #tpu.memory_space<vmem>>) dst(%dma_wait3A_305 : memref<10000x128xf32, #tpu.memory_space<vmem_shared>>)
          } else {
          }
          %dma_start3A_298 = arith.constant 80 : i32
          %dma_start3A_299 = tpu.memref_slice %arg9[%dma_start3A_298] : memref<160xi32, #tpu.memory_space<vmem>> -> memref<80xi32, #tpu.memory_space<vmem>>
          %dma_start3A_300 = arith.constant 0 : i32
          %dma_start3A_301 = arith.constant 0 : i32
          %dma_start3A_302 = tpu.memref_slice %arg2[%dma_start3A_300, %dma_start3A_301] : memref<20000x128xf32, #tpu.memory_space<hbm>> -> memref<20000x128xf32, #tpu.memory_space<hbm>>
          tpu.enqueue_indirect_dma source(%dma_start3A_302 : memref<20000x128xf32, #tpu.memory_space<hbm>>) target(%arg21 : memref<80x128xf32, #tpu.memory_space<vmem>>) offsets(%dma_start3A_299 : memref<80xi32, #tpu.memory_space<vmem>>) semaphore(%arg33 : memref<!tpu.dma_semaphore, #tpu.memory_space<semaphore_mem>>)
        } else {
        }
        %add3A_280 = arith.constant 8 : i32
        %add3A_281 = arith.addi %add3A_228, %add3A_280 : i32
        %lt3A_282 = arith.constant 125 : i32
        %lt3A_283 = arith.cmpi slt, %add3A_281, %lt3A_282 : i32
        %convert_element_type3A_284 = arith.extui %lt3A_283 : i1 to i32
        %cond3A_285 = arith.constant 0 : i32
        %cond3A_286 = arith.cmpi ne, %convert_element_type3A_284, %cond3A_285 : i32
        scf.if %cond3A_286 {
          %add3A_287 = arith.constant 8 : i32
          %add3A_288 = arith.addi %add3A_228, %add3A_287 : i32
          %add3A_289 = arith.addi %mul3A_2, %add3A_288 : i32
          %dma_start3A_290 = arith.constant 0 : i32
          %dma_start3A_291 = tpu.memref_slice %arg3[%add3A_289, %dma_start3A_290] : memref<4000x160xi32, #tpu.memory_space<hbm>> -> memref<1x160xi32, #tpu.memory_space<hbm>>
          %dma_start3A_292 = tpu.memref_squeeze %dma_start3A_291 : memref<1x160xi32, #tpu.memory_space<hbm>> -> memref<160xi32, #tpu.memory_space<hbm>>
          %dma_start3A_293 = arith.constant 0 : i32
          %dma_start3A_294 = tpu.memref_slice %arg3[%add3A_289, %dma_start3A_293] : memref<4000x160xi32, #tpu.memory_space<hbm>> -> memref<1x160xi32, #tpu.memory_space<hbm>>
          %dma_start3A_295 = tpu.memref_squeeze %dma_start3A_294 : memref<1x160xi32, #tpu.memory_space<hbm>> -> memref<160xi32, #tpu.memory_space<hbm>>
          tpu.enqueue_dma source(%dma_start3A_295 : memref<160xi32, #tpu.memory_space<hbm>>) target(%arg6 : memref<160xi32, #tpu.memory_space<vmem>>) target_semaphore(%arg22 : memref<!tpu.dma_semaphore, #tpu.memory_space<semaphore_mem>>)
        } else {
        }
      } else {
      }
      %add3A_178 = arith.constant 1 : i32
      %add3A_179 = arith.addi %mul3A_171, %add3A_178 : i32
      %lt3A_180 = arith.constant 125 : i32
      %lt3A_181 = arith.cmpi slt, %add3A_179, %lt3A_180 : i32
      %convert_element_type3A_182 = arith.extui %lt3A_181 : i1 to i32
      %cond3A_183 = arith.constant 0 : i32
      %cond3A_184 = arith.cmpi ne, %convert_element_type3A_182, %cond3A_183 : i32
      scf.if %cond3A_184 {
        %add3A_227 = arith.constant 1 : i32
        %add3A_228 = arith.addi %mul3A_171, %add3A_227 : i32
        %get3A = arith.constant 0 : index
        %get3A_229 = tpu.vector_load %arg7[%get3A] {strides = array<i32>} : memref<160xi32, #tpu.memory_space<vmem>>, vector<16xi32>,
        %get3A_230 = vector.shape_cast %get3A_229 : vector<16xi32> to vector<16xi32>
        %swap3A = arith.constant 0 : index
        %swap3A_231 = tpu.vector_load %arg15[%swap3A] {strides = array<i32>} : memref<80xi32, #tpu.memory_space<vmem>>, vector<16xi32>,
        %swap3A_232 = vector.shape_cast %swap3A_231 : vector<16xi32> to vector<16xi32>
        %swap3A_233 = vector.shape_cast %get3A_230 : vector<16xi32> to vector<16xi32>
        tpu.vector_store %arg15[%swap3A], %swap3A_233 {strides = array<i32>} : memref<80xi32, #tpu.memory_space<vmem>>, vector<16xi32>,
        %get3A_234 = arith.constant 16 : index
        %get3A_235 = tpu.vector_load %arg7[%get3A_234] {strides = array<i32>} : memref<160xi32, #tpu.memory_space<vmem>>, vector<16xi32>,
        %get3A_236 = vector.shape_cast %get3A_235 : vector<16xi32> to vector<16xi32>
        %swap3A_237 = arith.constant 16 : index
        %swap3A_238 = tpu.vector_load %arg15[%swap3A_237] {strides = array<i32>} : memref<80xi32, #tpu.memory_space<vmem>>, vector<16xi32>,
        %swap3A_239 = vector.shape_cast %swap3A_238 : vector<16xi32> to vector<16xi32>
        %swap3A_240 = vector.shape_cast %get3A_236 : vector<16xi32> to vector<16xi32>
        tpu.vector_store %arg15[%swap3A_237], %swap3A_240 {strides = array<i32>} : memref<80xi32, #tpu.memory_space<vmem>>, vector<16xi32>,
        %get3A_241 = arith.constant 32 : index
        %get3A_242 = tpu.vector_load %arg7[%get3A_241] {strides = array<i32>} : memref<160xi32, #tpu.memory_space<vmem>>, vector<16xi32>,
        %get3A_243 = vector.shape_cast %get3A_242 : vector<16xi32> to vector<16xi32>
        %swap3A_244 = arith.constant 32 : index
        %swap3A_245 = tpu.vector_load %arg15[%swap3A_244] {strides = array<i32>} : memref<80xi32, #tpu.memory_space<vmem>>, vector<16xi32>,
        %swap3A_246 = vector.shape_cast %swap3A_245 : vector<16xi32> to vector<16xi32>
        %swap3A_247 = vector.shape_cast %get3A_243 : vector<16xi32> to vector<16xi32>
        tpu.vector_store %arg15[%swap3A_244], %swap3A_247 {strides = array<i32>} : memref<80xi32, #tpu.memory_space<vmem>>, vector<16xi32>,
        %get3A_248 = arith.constant 48 : index
        %get3A_249 = tpu.vector_load %arg7[%get3A_248] {strides = array<i32>} : memref<160xi32, #tpu.memory_space<vmem>>, vector<16xi32>,
        %get3A_250 = vector.shape_cast %get3A_249 : vector<16xi32> to vector<16xi32>
        %swap3A_251 = arith.constant 48 : index
        %swap3A_252 = tpu.vector_load %arg15[%swap3A_251] {strides = array<i32>} : memref<80xi32, #tpu.memory_space<vmem>>, vector<16xi32>,
        %swap3A_253 = vector.shape_cast %swap3A_252 : vector<16xi32> to vector<16xi32>
        %swap3A_254 = vector.shape_cast %get3A_250 : vector<16xi32> to vector<16xi32>
        tpu.vector_store %arg15[%swap3A_251], %swap3A_254 {strides = array<i32>} : memref<80xi32, #tpu.memory_space<vmem>>, vector<16xi32>,
        %get3A_255 = arith.constant 64 : index
        %get3A_256 = tpu.vector_load %arg7[%get3A_255] {strides = array<i32>} : memref<160xi32, #tpu.memory_space<vmem>>, vector<16xi32>,
        %get3A_257 = vector.shape_cast %get3A_256 : vector<16xi32> to vector<16xi32>
        %swap3A_258 = arith.constant 64 : index
        %swap3A_259 = tpu.vector_load %arg15[%swap3A_258] {strides = array<i32>} : memref<80xi32, #tpu.memory_space<vmem>>, vector<16xi32>,
        %swap3A_260 = vector.shape_cast %swap3A_259 : vector<16xi32> to vector<16xi32>
        %swap3A_261 = vector.shape_cast %get3A_257 : vector<16xi32> to vector<16xi32>
        tpu.vector_store %arg15[%swap3A_258], %swap3A_261 {strides = array<i32>} : memref<80xi32, #tpu.memory_space<vmem>>, vector<16xi32>,
        %dma_wait3A_262 = arith.constant 0 : i32
        %dma_wait3A_263 = arith.constant 0 : i32
        %dma_wait3A_264 = tpu.memref_slice %arg2[%dma_wait3A_262, %dma_wait3A_263] : memref<20000x128xf32, #tpu.memory_space<hbm>> -> memref<80x128xf32, #tpu.memory_space<hbm>>
        %dma_wait3A_265 = arith.constant 0 : i32
        %dma_wait3A_266 = arith.constant 0 : i32
        %dma_wait3A_267 = tpu.memref_slice %arg2[%dma_wait3A_265, %dma_wait3A_266] : memref<20000x128xf32, #tpu.memory_space<hbm>> -> memref<80x128xf32, #tpu.memory_space<hbm>>
        tpu.wait_dma2 semaphore(%arg31 : memref<!tpu.dma_semaphore, #tpu.memory_space<semaphore_mem>>) src(%dma_wait3A_267 : memref<80x128xf32, #tpu.memory_space<hbm>>) dst(%arg19 : memref<80x128xf32, #tpu.memory_space<vmem>>)
        %dma_start3A_268 = arith.constant 0 : i32
        %dma_start3A_269 = arith.constant 0 : i32
        %dma_start3A_270 = tpu.memref_slice %arg5[%dma_start3A_268, %dma_start3A_269] : memref<10000x128xf32, #tpu.memory_space<vmem_shared>> -> memref<10000x128xf32, #tpu.memory_space<vmem_shared>>
        tpu.enqueue_indirect_dma source(%arg19 : memref<80x128xf32, #tpu.memory_space<vmem>>) target(%dma_start3A_270 : memref<10000x128xf32, #tpu.memory_space<vmem_shared>>) offsets(%arg15 : memref<80xi32, #tpu.memory_space<vmem>>) semaphore(%arg35 : memref<!tpu.dma_semaphore, #tpu.memory_space<semaphore_mem>>) {add = true}
        %add3A_271 = arith.constant 4 : i32
        %add3A_272 = arith.addi %add3A_228, %add3A_271 : i32
        %sub3A_273 = arith.constant 1 : i32
        %sub3A_274 = arith.subi %add3A_272, %sub3A_273 : i32
        %lt3A_275 = arith.constant 125 : i32
        %lt3A_276 = arith.cmpi slt, %sub3A_274, %lt3A_275 : i32
        %convert_element_type3A_277 = arith.extui %lt3A_276 : i1 to i32
        %cond3A_278 = arith.constant 0 : i32
        %cond3A_279 = arith.cmpi ne, %convert_element_type3A_277, %cond3A_278 : i32
        scf.if %cond3A_279 {
          %dma_wait3A_287 = arith.constant 0 : i32
          %dma_wait3A_288 = arith.constant 0 : i32
          %dma_wait3A_289 = tpu.memref_slice %arg3[%dma_wait3A_287, %dma_wait3A_288] : memref<4000x160xi32, #tpu.memory_space<hbm>> -> memref<1x160xi32, #tpu.memory_space<hbm>>
          %dma_wait3A_290 = tpu.memref_squeeze %dma_wait3A_289 : memref<1x160xi32, #tpu.memory_space<hbm>> -> memref<160xi32, #tpu.memory_space<hbm>>
          %dma_wait3A_291 = arith.constant 0 : i32
          %dma_wait3A_292 = tpu.memref_slice %arg3[%dma_wait3A_287, %dma_wait3A_291] : memref<4000x160xi32, #tpu.memory_space<hbm>> -> memref<1x160xi32, #tpu.memory_space<hbm>>
          %dma_wait3A_293 = tpu.memref_squeeze %dma_wait3A_292 : memref<1x160xi32, #tpu.memory_space<hbm>> -> memref<160xi32, #tpu.memory_space<hbm>>
          tpu.wait_dma2 semaphore(%arg26 : memref<!tpu.dma_semaphore, #tpu.memory_space<semaphore_mem>>) src(%dma_wait3A_293 : memref<160xi32, #tpu.memory_space<hbm>>) dst(%arg10 : memref<160xi32, #tpu.memory_space<vmem>>)
          %gt3A = arith.constant 0 : i32
          %gt3A_294 = arith.cmpi sgt, %add3A_228, %gt3A : i32
          %convert_element_type3A_295 = arith.extui %gt3A_294 : i1 to i32
          %cond3A_296 = arith.constant 0 : i32
          %cond3A_297 = arith.cmpi ne, %convert_element_type3A_295, %cond3A_296 : i32
          scf.if %cond3A_297 {
            %dma_wait3A_303 = arith.constant 0 : i32
            %dma_wait3A_304 = arith.constant 0 : i32
            %dma_wait3A_305 = tpu.memref_slice %arg5[%dma_wait3A_303, %dma_wait3A_304] : memref<10000x128xf32, #tpu.memory_space<vmem_shared>> -> memref<10000x128xf32, #tpu.memory_space<vmem_shared>>
            tpu.wait_indirect_dma semaphore(%arg34 : memref<!tpu.dma_semaphore, #tpu.memory_space<semaphore_mem>>) src(%arg18 : memref<80x128xf32, #tpu.memory_space<vmem>>) dst(%dma_wait3A_305 : memref<10000x128xf32, #tpu.memory_space<vmem_shared>>)
          } else {
          }
          %dma_start3A_298 = arith.constant 80 : i32
          %dma_start3A_299 = tpu.memref_slice %arg10[%dma_start3A_298] : memref<160xi32, #tpu.memory_space<vmem>> -> memref<80xi32, #tpu.memory_space<vmem>>
          %dma_start3A_300 = arith.constant 0 : i32
          %dma_start3A_301 = arith.constant 0 : i32
          %dma_start3A_302 = tpu.memref_slice %arg2[%dma_start3A_300, %dma_start3A_301] : memref<20000x128xf32, #tpu.memory_space<hbm>> -> memref<20000x128xf32, #tpu.memory_space<hbm>>
          tpu.enqueue_indirect_dma source(%dma_start3A_302 : memref<20000x128xf32, #tpu.memory_space<hbm>>) target(%arg18 : memref<80x128xf32, #tpu.memory_space<vmem>>) offsets(%dma_start3A_299 : memref<80xi32, #tpu.memory_space<vmem>>) semaphore(%arg30 : memref<!tpu.dma_semaphore, #tpu.memory_space<semaphore_mem>>)
        } else {
        }
        %add3A_280 = arith.constant 8 : i32
        %add3A_281 = arith.addi %add3A_228, %add3A_280 : i32
        %lt3A_282 = arith.constant 125 : i32
        %lt3A_283 = arith.cmpi slt, %add3A_281, %lt3A_282 : i32
        %convert_element_type3A_284 = arith.extui %lt3A_283 : i1 to i32
        %cond3A_285 = arith.constant 0 : i32
        %cond3A_286 = arith.cmpi ne, %convert_element_type3A_284, %cond3A_285 : i32
        scf.if %cond3A_286 {
          %add3A_287 = arith.constant 8 : i32
          %add3A_288 = arith.addi %add3A_228, %add3A_287 : i32
          %add3A_289 = arith.addi %mul3A_2, %add3A_288 : i32
          %dma_start3A_290 = arith.constant 0 : i32
          %dma_start3A_291 = tpu.memref_slice %arg3[%add3A_289, %dma_start3A_290] : memref<4000x160xi32, #tpu.memory_space<hbm>> -> memref<1x160xi32, #tpu.memory_space<hbm>>
          %dma_start3A_292 = tpu.memref_squeeze %dma_start3A_291 : memref<1x160xi32, #tpu.memory_space<hbm>> -> memref<160xi32, #tpu.memory_space<hbm>>
          %dma_start3A_293 = arith.constant 0 : i32
          %dma_start3A_294 = tpu.memref_slice %arg3[%add3A_289, %dma_start3A_293] : memref<4000x160xi32, #tpu.memory_space<hbm>> -> memref<1x160xi32, #tpu.memory_space<hbm>>
          %dma_start3A_295 = tpu.memref_squeeze %dma_start3A_294 : memref<1x160xi32, #tpu.memory_space<hbm>> -> memref<160xi32, #tpu.memory_space<hbm>>
          tpu.enqueue_dma source(%dma_start3A_295 : memref<160xi32, #tpu.memory_space<hbm>>) target(%arg7 : memref<160xi32, #tpu.memory_space<vmem>>) target_semaphore(%arg23 : memref<!tpu.dma_semaphore, #tpu.memory_space<semaphore_mem>>)
        } else {
        }
      } else {
      }
      %add3A_185 = arith.constant 2 : i32
      %add3A_186 = arith.addi %mul3A_171, %add3A_185 : i32
      %lt3A_187 = arith.constant 125 : i32
      %lt3A_188 = arith.cmpi slt, %add3A_186, %lt3A_187 : i32
      %convert_element_type3A_189 = arith.extui %lt3A_188 : i1 to i32
      %cond3A_190 = arith.constant 0 : i32
      %cond3A_191 = arith.cmpi ne, %convert_element_type3A_189, %cond3A_190 : i32
      scf.if %cond3A_191 {
        %add3A_227 = arith.constant 2 : i32
        %add3A_228 = arith.addi %mul3A_171, %add3A_227 : i32
        %get3A = arith.constant 0 : index
        %get3A_229 = tpu.vector_load %arg8[%get3A] {strides = array<i32>} : memref<160xi32, #tpu.memory_space<vmem>>, vector<16xi32>,
        %get3A_230 = vector.shape_cast %get3A_229 : vector<16xi32> to vector<16xi32>
        %swap3A = arith.constant 0 : index
        %swap3A_231 = tpu.vector_load %arg16[%swap3A] {strides = array<i32>} : memref<80xi32, #tpu.memory_space<vmem>>, vector<16xi32>,
        %swap3A_232 = vector.shape_cast %swap3A_231 : vector<16xi32> to vector<16xi32>
        %swap3A_233 = vector.shape_cast %get3A_230 : vector<16xi32> to vector<16xi32>
        tpu.vector_store %arg16[%swap3A], %swap3A_233 {strides = array<i32>} : memref<80xi32, #tpu.memory_space<vmem>>, vector<16xi32>,
        %get3A_234 = arith.constant 16 : index
        %get3A_235 = tpu.vector_load %arg8[%get3A_234] {strides = array<i32>} : memref<160xi32, #tpu.memory_space<vmem>>, vector<16xi32>,
        %get3A_236 = vector.shape_cast %get3A_235 : vector<16xi32> to vector<16xi32>
        %swap3A_237 = arith.constant 16 : index
        %swap3A_238 = tpu.vector_load %arg16[%swap3A_237] {strides = array<i32>} : memref<80xi32, #tpu.memory_space<vmem>>, vector<16xi32>,
        %swap3A_239 = vector.shape_cast %swap3A_238 : vector<16xi32> to vector<16xi32>
        %swap3A_240 = vector.shape_cast %get3A_236 : vector<16xi32> to vector<16xi32>
        tpu.vector_store %arg16[%swap3A_237], %swap3A_240 {strides = array<i32>} : memref<80xi32, #tpu.memory_space<vmem>>, vector<16xi32>,
        %get3A_241 = arith.constant 32 : index
        %get3A_242 = tpu.vector_load %arg8[%get3A_241] {strides = array<i32>} : memref<160xi32, #tpu.memory_space<vmem>>, vector<16xi32>,
        %get3A_243 = vector.shape_cast %get3A_242 : vector<16xi32> to vector<16xi32>
        %swap3A_244 = arith.constant 32 : index
        %swap3A_245 = tpu.vector_load %arg16[%swap3A_244] {strides = array<i32>} : memref<80xi32, #tpu.memory_space<vmem>>, vector<16xi32>,
        %swap3A_246 = vector.shape_cast %swap3A_245 : vector<16xi32> to vector<16xi32>
        %swap3A_247 = vector.shape_cast %get3A_243 : vector<16xi32> to vector<16xi32>
        tpu.vector_store %arg16[%swap3A_244], %swap3A_247 {strides = array<i32>} : memref<80xi32, #tpu.memory_space<vmem>>, vector<16xi32>,
        %get3A_248 = arith.constant 48 : index
        %get3A_249 = tpu.vector_load %arg8[%get3A_248] {strides = array<i32>} : memref<160xi32, #tpu.memory_space<vmem>>, vector<16xi32>,
        %get3A_250 = vector.shape_cast %get3A_249 : vector<16xi32> to vector<16xi32>
        %swap3A_251 = arith.constant 48 : index
        %swap3A_252 = tpu.vector_load %arg16[%swap3A_251] {strides = array<i32>} : memref<80xi32, #tpu.memory_space<vmem>>, vector<16xi32>,
        %swap3A_253 = vector.shape_cast %swap3A_252 : vector<16xi32> to vector<16xi32>
        %swap3A_254 = vector.shape_cast %get3A_250 : vector<16xi32> to vector<16xi32>
        tpu.vector_store %arg16[%swap3A_251], %swap3A_254 {strides = array<i32>} : memref<80xi32, #tpu.memory_space<vmem>>, vector<16xi32>,
        %get3A_255 = arith.constant 64 : index
        %get3A_256 = tpu.vector_load %arg8[%get3A_255] {strides = array<i32>} : memref<160xi32, #tpu.memory_space<vmem>>, vector<16xi32>,
        %get3A_257 = vector.shape_cast %get3A_256 : vector<16xi32> to vector<16xi32>
        %swap3A_258 = arith.constant 64 : index
        %swap3A_259 = tpu.vector_load %arg16[%swap3A_258] {strides = array<i32>} : memref<80xi32, #tpu.memory_space<vmem>>, vector<16xi32>,
        %swap3A_260 = vector.shape_cast %swap3A_259 : vector<16xi32> to vector<16xi32>
        %swap3A_261 = vector.shape_cast %get3A_257 : vector<16xi32> to vector<16xi32>
        tpu.vector_store %arg16[%swap3A_258], %swap3A_261 {strides = array<i32>} : memref<80xi32, #tpu.memory_space<vmem>>, vector<16xi32>,
        %dma_wait3A_262 = arith.constant 0 : i32
        %dma_wait3A_263 = arith.constant 0 : i32
        %dma_wait3A_264 = tpu.memref_slice %arg2[%dma_wait3A_262, %dma_wait3A_263] : memref<20000x128xf32, #tpu.memory_space<hbm>> -> memref<80x128xf32, #tpu.memory_space<hbm>>
        %dma_wait3A_265 = arith.constant 0 : i32
        %dma_wait3A_266 = arith.constant 0 : i32
        %dma_wait3A_267 = tpu.memref_slice %arg2[%dma_wait3A_265, %dma_wait3A_266] : memref<20000x128xf32, #tpu.memory_space<hbm>> -> memref<80x128xf32, #tpu.memory_space<hbm>>
        tpu.wait_dma2 semaphore(%arg32 : memref<!tpu.dma_semaphore, #tpu.memory_space<semaphore_mem>>) src(%dma_wait3A_267 : memref<80x128xf32, #tpu.memory_space<hbm>>) dst(%arg20 : memref<80x128xf32, #tpu.memory_space<vmem>>)
        %dma_start3A_268 = arith.constant 0 : i32
        %dma_start3A_269 = arith.constant 0 : i32
        %dma_start3A_270 = tpu.memref_slice %arg5[%dma_start3A_268, %dma_start3A_269] : memref<10000x128xf32, #tpu.memory_space<vmem_shared>> -> memref<10000x128xf32, #tpu.memory_space<vmem_shared>>
        tpu.enqueue_indirect_dma source(%arg20 : memref<80x128xf32, #tpu.memory_space<vmem>>) target(%dma_start3A_270 : memref<10000x128xf32, #tpu.memory_space<vmem_shared>>) offsets(%arg16 : memref<80xi32, #tpu.memory_space<vmem>>) semaphore(%arg36 : memref<!tpu.dma_semaphore, #tpu.memory_space<semaphore_mem>>) {add = true}
        %add3A_271 = arith.constant 4 : i32
        %add3A_272 = arith.addi %add3A_228, %add3A_271 : i32
        %sub3A_273 = arith.constant 1 : i32
        %sub3A_274 = arith.subi %add3A_272, %sub3A_273 : i32
        %lt3A_275 = arith.constant 125 : i32
        %lt3A_276 = arith.cmpi slt, %sub3A_274, %lt3A_275 : i32
        %convert_element_type3A_277 = arith.extui %lt3A_276 : i1 to i32
        %cond3A_278 = arith.constant 0 : i32
        %cond3A_279 = arith.cmpi ne, %convert_element_type3A_277, %cond3A_278 : i32
        scf.if %cond3A_279 {
          %dma_wait3A_287 = arith.constant 0 : i32
          %dma_wait3A_288 = arith.constant 0 : i32
          %dma_wait3A_289 = tpu.memref_slice %arg3[%dma_wait3A_287, %dma_wait3A_288] : memref<4000x160xi32, #tpu.memory_space<hbm>> -> memref<1x160xi32, #tpu.memory_space<hbm>>
          %dma_wait3A_290 = tpu.memref_squeeze %dma_wait3A_289 : memref<1x160xi32, #tpu.memory_space<hbm>> -> memref<160xi32, #tpu.memory_space<hbm>>
          %dma_wait3A_291 = arith.constant 0 : i32
          %dma_wait3A_292 = tpu.memref_slice %arg3[%dma_wait3A_287, %dma_wait3A_291] : memref<4000x160xi32, #tpu.memory_space<hbm>> -> memref<1x160xi32, #tpu.memory_space<hbm>>
          %dma_wait3A_293 = tpu.memref_squeeze %dma_wait3A_292 : memref<1x160xi32, #tpu.memory_space<hbm>> -> memref<160xi32, #tpu.memory_space<hbm>>
          tpu.wait_dma2 semaphore(%arg27 : memref<!tpu.dma_semaphore, #tpu.memory_space<semaphore_mem>>) src(%dma_wait3A_293 : memref<160xi32, #tpu.memory_space<hbm>>) dst(%arg11 : memref<160xi32, #tpu.memory_space<vmem>>)
          %gt3A = arith.constant 0 : i32
          %gt3A_294 = arith.cmpi sgt, %add3A_228, %gt3A : i32
          %convert_element_type3A_295 = arith.extui %gt3A_294 : i1 to i32
          %cond3A_296 = arith.constant 0 : i32
          %cond3A_297 = arith.cmpi ne, %convert_element_type3A_295, %cond3A_296 : i32
          scf.if %cond3A_297 {
            %dma_wait3A_303 = arith.constant 0 : i32
            %dma_wait3A_304 = arith.constant 0 : i32
            %dma_wait3A_305 = tpu.memref_slice %arg5[%dma_wait3A_303, %dma_wait3A_304] : memref<10000x128xf32, #tpu.memory_space<vmem_shared>> -> memref<10000x128xf32, #tpu.memory_space<vmem_shared>>
            tpu.wait_indirect_dma semaphore(%arg35 : memref<!tpu.dma_semaphore, #tpu.memory_space<semaphore_mem>>) src(%arg19 : memref<80x128xf32, #tpu.memory_space<vmem>>) dst(%dma_wait3A_305 : memref<10000x128xf32, #tpu.memory_space<vmem_shared>>)
          } else {
          }
          %dma_start3A_298 = arith.constant 80 : i32
          %dma_start3A_299 = tpu.memref_slice %arg11[%dma_start3A_298] : memref<160xi32, #tpu.memory_space<vmem>> -> memref<80xi32, #tpu.memory_space<vmem>>
          %dma_start3A_300 = arith.constant 0 : i32
          %dma_start3A_301 = arith.constant 0 : i32
          %dma_start3A_302 = tpu.memref_slice %arg2[%dma_start3A_300, %dma_start3A_301] : memref<20000x128xf32, #tpu.memory_space<hbm>> -> memref<20000x128xf32, #tpu.memory_space<hbm>>
          tpu.enqueue_indirect_dma source(%dma_start3A_302 : memref<20000x128xf32, #tpu.memory_space<hbm>>) target(%arg19 : memref<80x128xf32, #tpu.memory_space<vmem>>) offsets(%dma_start3A_299 : memref<80xi32, #tpu.memory_space<vmem>>) semaphore(%arg31 : memref<!tpu.dma_semaphore, #tpu.memory_space<semaphore_mem>>)
        } else {
        }
        %add3A_280 = arith.constant 8 : i32
        %add3A_281 = arith.addi %add3A_228, %add3A_280 : i32
        %lt3A_282 = arith.constant 125 : i32
        %lt3A_283 = arith.cmpi slt, %add3A_281, %lt3A_282 : i32
        %convert_element_type3A_284 = arith.extui %lt3A_283 : i1 to i32
        %cond3A_285 = arith.constant 0 : i32
        %cond3A_286 = arith.cmpi ne, %convert_element_type3A_284, %cond3A_285 : i32
        scf.if %cond3A_286 {
          %add3A_287 = arith.constant 8 : i32
          %add3A_288 = arith.addi %add3A_228, %add3A_287 : i32
          %add3A_289 = arith.addi %mul3A_2, %add3A_288 : i32
          %dma_start3A_290 = arith.constant 0 : i32
          %dma_start3A_291 = tpu.memref_slice %arg3[%add3A_289, %dma_start3A_290] : memref<4000x160xi32, #tpu.memory_space<hbm>> -> memref<1x160xi32, #tpu.memory_space<hbm>>
          %dma_start3A_292 = tpu.memref_squeeze %dma_start3A_291 : memref<1x160xi32, #tpu.memory_space<hbm>> -> memref<160xi32, #tpu.memory_space<hbm>>
          %dma_start3A_293 = arith.constant 0 : i32
          %dma_start3A_294 = tpu.memref_slice %arg3[%add3A_289, %dma_start3A_293] : memref<4000x160xi32, #tpu.memory_space<hbm>> -> memref<1x160xi32, #tpu.memory_space<hbm>>
          %dma_start3A_295 = tpu.memref_squeeze %dma_start3A_294 : memref<1x160xi32, #tpu.memory_space<hbm>> -> memref<160xi32, #tpu.memory_space<hbm>>
          tpu.enqueue_dma source(%dma_start3A_295 : memref<160xi32, #tpu.memory_space<hbm>>) target(%arg8 : memref<160xi32, #tpu.memory_space<vmem>>) target_semaphore(%arg24 : memref<!tpu.dma_semaphore, #tpu.memory_space<semaphore_mem>>)
        } else {
        }
      } else {
      }
      %add3A_192 = arith.constant 3 : i32
      %add3A_193 = arith.addi %mul3A_171, %add3A_192 : i32
      %lt3A_194 = arith.constant 125 : i32
      %lt3A_195 = arith.cmpi slt, %add3A_193, %lt3A_194 : i32
      %convert_element_type3A_196 = arith.extui %lt3A_195 : i1 to i32
      %cond3A_197 = arith.constant 0 : i32
      %cond3A_198 = arith.cmpi ne, %convert_element_type3A_196, %cond3A_197 : i32
      scf.if %cond3A_198 {
        %add3A_227 = arith.constant 3 : i32
        %add3A_228 = arith.addi %mul3A_171, %add3A_227 : i32
        %get3A = arith.constant 0 : index
        %get3A_229 = tpu.vector_load %arg9[%get3A] {strides = array<i32>} : memref<160xi32, #tpu.memory_space<vmem>>, vector<16xi32>,
        %get3A_230 = vector.shape_cast %get3A_229 : vector<16xi32> to vector<16xi32>
        %swap3A = arith.constant 0 : index
        %swap3A_231 = tpu.vector_load %arg17[%swap3A] {strides = array<i32>} : memref<80xi32, #tpu.memory_space<vmem>>, vector<16xi32>,
        %swap3A_232 = vector.shape_cast %swap3A_231 : vector<16xi32> to vector<16xi32>
        %swap3A_233 = vector.shape_cast %get3A_230 : vector<16xi32> to vector<16xi32>
        tpu.vector_store %arg17[%swap3A], %swap3A_233 {strides = array<i32>} : memref<80xi32, #tpu.memory_space<vmem>>, vector<16xi32>,
        %get3A_234 = arith.constant 16 : index
        %get3A_235 = tpu.vector_load %arg9[%get3A_234] {strides = array<i32>} : memref<160xi32, #tpu.memory_space<vmem>>, vector<16xi32>,
        %get3A_236 = vector.shape_cast %get3A_235 : vector<16xi32> to vector<16xi32>
        %swap3A_237 = arith.constant 16 : index
        %swap3A_238 = tpu.vector_load %arg17[%swap3A_237] {strides = array<i32>} : memref<80xi32, #tpu.memory_space<vmem>>, vector<16xi32>,
        %swap3A_239 = vector.shape_cast %swap3A_238 : vector<16xi32> to vector<16xi32>
        %swap3A_240 = vector.shape_cast %get3A_236 : vector<16xi32> to vector<16xi32>
        tpu.vector_store %arg17[%swap3A_237], %swap3A_240 {strides = array<i32>} : memref<80xi32, #tpu.memory_space<vmem>>, vector<16xi32>,
        %get3A_241 = arith.constant 32 : index
        %get3A_242 = tpu.vector_load %arg9[%get3A_241] {strides = array<i32>} : memref<160xi32, #tpu.memory_space<vmem>>, vector<16xi32>,
        %get3A_243 = vector.shape_cast %get3A_242 : vector<16xi32> to vector<16xi32>
        %swap3A_244 = arith.constant 32 : index
        %swap3A_245 = tpu.vector_load %arg17[%swap3A_244] {strides = array<i32>} : memref<80xi32, #tpu.memory_space<vmem>>, vector<16xi32>,
        %swap3A_246 = vector.shape_cast %swap3A_245 : vector<16xi32> to vector<16xi32>
        %swap3A_247 = vector.shape_cast %get3A_243 : vector<16xi32> to vector<16xi32>
        tpu.vector_store %arg17[%swap3A_244], %swap3A_247 {strides = array<i32>} : memref<80xi32, #tpu.memory_space<vmem>>, vector<16xi32>,
        %get3A_248 = arith.constant 48 : index
        %get3A_249 = tpu.vector_load %arg9[%get3A_248] {strides = array<i32>} : memref<160xi32, #tpu.memory_space<vmem>>, vector<16xi32>,
        %get3A_250 = vector.shape_cast %get3A_249 : vector<16xi32> to vector<16xi32>
        %swap3A_251 = arith.constant 48 : index
        %swap3A_252 = tpu.vector_load %arg17[%swap3A_251] {strides = array<i32>} : memref<80xi32, #tpu.memory_space<vmem>>, vector<16xi32>,
        %swap3A_253 = vector.shape_cast %swap3A_252 : vector<16xi32> to vector<16xi32>
        %swap3A_254 = vector.shape_cast %get3A_250 : vector<16xi32> to vector<16xi32>
        tpu.vector_store %arg17[%swap3A_251], %swap3A_254 {strides = array<i32>} : memref<80xi32, #tpu.memory_space<vmem>>, vector<16xi32>,
        %get3A_255 = arith.constant 64 : index
        %get3A_256 = tpu.vector_load %arg9[%get3A_255] {strides = array<i32>} : memref<160xi32, #tpu.memory_space<vmem>>, vector<16xi32>,
        %get3A_257 = vector.shape_cast %get3A_256 : vector<16xi32> to vector<16xi32>
        %swap3A_258 = arith.constant 64 : index
        %swap3A_259 = tpu.vector_load %arg17[%swap3A_258] {strides = array<i32>} : memref<80xi32, #tpu.memory_space<vmem>>, vector<16xi32>,
        %swap3A_260 = vector.shape_cast %swap3A_259 : vector<16xi32> to vector<16xi32>
        %swap3A_261 = vector.shape_cast %get3A_257 : vector<16xi32> to vector<16xi32>
        tpu.vector_store %arg17[%swap3A_258], %swap3A_261 {strides = array<i32>} : memref<80xi32, #tpu.memory_space<vmem>>, vector<16xi32>,
        %dma_wait3A_262 = arith.constant 0 : i32
        %dma_wait3A_263 = arith.constant 0 : i32
        %dma_wait3A_264 = tpu.memref_slice %arg2[%dma_wait3A_262, %dma_wait3A_263] : memref<20000x128xf32, #tpu.memory_space<hbm>> -> memref<80x128xf32, #tpu.memory_space<hbm>>
        %dma_wait3A_265 = arith.constant 0 : i32
        %dma_wait3A_266 = arith.constant 0 : i32
        %dma_wait3A_267 = tpu.memref_slice %arg2[%dma_wait3A_265, %dma_wait3A_266] : memref<20000x128xf32, #tpu.memory_space<hbm>> -> memref<80x128xf32, #tpu.memory_space<hbm>>
        tpu.wait_dma2 semaphore(%arg33 : memref<!tpu.dma_semaphore, #tpu.memory_space<semaphore_mem>>) src(%dma_wait3A_267 : memref<80x128xf32, #tpu.memory_space<hbm>>) dst(%arg21 : memref<80x128xf32, #tpu.memory_space<vmem>>)
        %dma_start3A_268 = arith.constant 0 : i32
        %dma_start3A_269 = arith.constant 0 : i32
        %dma_start3A_270 = tpu.memref_slice %arg5[%dma_start3A_268, %dma_start3A_269] : memref<10000x128xf32, #tpu.memory_space<vmem_shared>> -> memref<10000x128xf32, #tpu.memory_space<vmem_shared>>
        tpu.enqueue_indirect_dma source(%arg21 : memref<80x128xf32, #tpu.memory_space<vmem>>) target(%dma_start3A_270 : memref<10000x128xf32, #tpu.memory_space<vmem_shared>>) offsets(%arg17 : memref<80xi32, #tpu.memory_space<vmem>>) semaphore(%arg37 : memref<!tpu.dma_semaphore, #tpu.memory_space<semaphore_mem>>) {add = true}
        %add3A_271 = arith.constant 4 : i32
        %add3A_272 = arith.addi %add3A_228, %add3A_271 : i32
        %sub3A_273 = arith.constant 1 : i32
        %sub3A_274 = arith.subi %add3A_272, %sub3A_273 : i32
        %lt3A_275 = arith.constant 125 : i32
        %lt3A_276 = arith.cmpi slt, %sub3A_274, %lt3A_275 : i32
        %convert_element_type3A_277 = arith.extui %lt3A_276 : i1 to i32
        %cond3A_278 = arith.constant 0 : i32
        %cond3A_279 = arith.cmpi ne, %convert_element_type3A_277, %cond3A_278 : i32
        scf.if %cond3A_279 {
          %dma_wait3A_287 = arith.constant 0 : i32
          %dma_wait3A_288 = arith.constant 0 : i32
          %dma_wait3A_289 = tpu.memref_slice %arg3[%dma_wait3A_287, %dma_wait3A_288] : memref<4000x160xi32, #tpu.memory_space<hbm>> -> memref<1x160xi32, #tpu.memory_space<hbm>>
          %dma_wait3A_290 = tpu.memref_squeeze %dma_wait3A_289 : memref<1x160xi32, #tpu.memory_space<hbm>> -> memref<160xi32, #tpu.memory_space<hbm>>
          %dma_wait3A_291 = arith.constant 0 : i32
          %dma_wait3A_292 = tpu.memref_slice %arg3[%dma_wait3A_287, %dma_wait3A_291] : memref<4000x160xi32, #tpu.memory_space<hbm>> -> memref<1x160xi32, #tpu.memory_space<hbm>>
          %dma_wait3A_293 = tpu.memref_squeeze %dma_wait3A_292 : memref<1x160xi32, #tpu.memory_space<hbm>> -> memref<160xi32, #tpu.memory_space<hbm>>
          tpu.wait_dma2 semaphore(%arg28 : memref<!tpu.dma_semaphore, #tpu.memory_space<semaphore_mem>>) src(%dma_wait3A_293 : memref<160xi32, #tpu.memory_space<hbm>>) dst(%arg12 : memref<160xi32, #tpu.memory_space<vmem>>)
          %gt3A = arith.constant 0 : i32
          %gt3A_294 = arith.cmpi sgt, %add3A_228, %gt3A : i32
          %convert_element_type3A_295 = arith.extui %gt3A_294 : i1 to i32
          %cond3A_296 = arith.constant 0 : i32
          %cond3A_297 = arith.cmpi ne, %convert_element_type3A_295, %cond3A_296 : i32
          scf.if %cond3A_297 {
            %dma_wait3A_303 = arith.constant 0 : i32
            %dma_wait3A_304 = arith.constant 0 : i32
            %dma_wait3A_305 = tpu.memref_slice %arg5[%dma_wait3A_303, %dma_wait3A_304] : memref<10000x128xf32, #tpu.memory_space<vmem_shared>> -> memref<10000x128xf32, #tpu.memory_space<vmem_shared>>
            tpu.wait_indirect_dma semaphore(%arg36 : memref<!tpu.dma_semaphore, #tpu.memory_space<semaphore_mem>>) src(%arg20 : memref<80x128xf32, #tpu.memory_space<vmem>>) dst(%dma_wait3A_305 : memref<10000x128xf32, #tpu.memory_space<vmem_shared>>)
          } else {
          }
          %dma_start3A_298 = arith.constant 80 : i32
          %dma_start3A_299 = tpu.memref_slice %arg12[%dma_start3A_298] : memref<160xi32, #tpu.memory_space<vmem>> -> memref<80xi32, #tpu.memory_space<vmem>>
          %dma_start3A_300 = arith.constant 0 : i32
          %dma_start3A_301 = arith.constant 0 : i32
          %dma_start3A_302 = tpu.memref_slice %arg2[%dma_start3A_300, %dma_start3A_301] : memref<20000x128xf32, #tpu.memory_space<hbm>> -> memref<20000x128xf32, #tpu.memory_space<hbm>>
          tpu.enqueue_indirect_dma source(%dma_start3A_302 : memref<20000x128xf32, #tpu.memory_space<hbm>>) target(%arg20 : memref<80x128xf32, #tpu.memory_space<vmem>>) offsets(%dma_start3A_299 : memref<80xi32, #tpu.memory_space<vmem>>) semaphore(%arg32 : memref<!tpu.dma_semaphore, #tpu.memory_space<semaphore_mem>>)
        } else {
        }
        %add3A_280 = arith.constant 8 : i32
        %add3A_281 = arith.addi %add3A_228, %add3A_280 : i32
        %lt3A_282 = arith.constant 125 : i32
        %lt3A_283 = arith.cmpi slt, %add3A_281, %lt3A_282 : i32
        %convert_element_type3A_284 = arith.extui %lt3A_283 : i1 to i32
        %cond3A_285 = arith.constant 0 : i32
        %cond3A_286 = arith.cmpi ne, %convert_element_type3A_284, %cond3A_285 : i32
        scf.if %cond3A_286 {
          %add3A_287 = arith.constant 8 : i32
          %add3A_288 = arith.addi %add3A_228, %add3A_287 : i32
          %add3A_289 = arith.addi %mul3A_2, %add3A_288 : i32
          %dma_start3A_290 = arith.constant 0 : i32
          %dma_start3A_291 = tpu.memref_slice %arg3[%add3A_289, %dma_start3A_290] : memref<4000x160xi32, #tpu.memory_space<hbm>> -> memref<1x160xi32, #tpu.memory_space<hbm>>
          %dma_start3A_292 = tpu.memref_squeeze %dma_start3A_291 : memref<1x160xi32, #tpu.memory_space<hbm>> -> memref<160xi32, #tpu.memory_space<hbm>>
          %dma_start3A_293 = arith.constant 0 : i32
          %dma_start3A_294 = tpu.memref_slice %arg3[%add3A_289, %dma_start3A_293] : memref<4000x160xi32, #tpu.memory_space<hbm>> -> memref<1x160xi32, #tpu.memory_space<hbm>>
          %dma_start3A_295 = tpu.memref_squeeze %dma_start3A_294 : memref<1x160xi32, #tpu.memory_space<hbm>> -> memref<160xi32, #tpu.memory_space<hbm>>
          tpu.enqueue_dma source(%dma_start3A_295 : memref<160xi32, #tpu.memory_space<hbm>>) target(%arg9 : memref<160xi32, #tpu.memory_space<vmem>>) target_semaphore(%arg25 : memref<!tpu.dma_semaphore, #tpu.memory_space<semaphore_mem>>)
        } else {
        }
      } else {
      }
      %add3A_199 = arith.constant 4 : i32
      %add3A_200 = arith.addi %mul3A_171, %add3A_199 : i32
      %lt3A_201 = arith.constant 125 : i32
      %lt3A_202 = arith.cmpi slt, %add3A_200, %lt3A_201 : i32
      %convert_element_type3A_203 = arith.extui %lt3A_202 : i1 to i32
      %cond3A_204 = arith.constant 0 : i32
      %cond3A_205 = arith.cmpi ne, %convert_element_type3A_203, %cond3A_204 : i32
      scf.if %cond3A_205 {
        %add3A_227 = arith.constant 4 : i32
        %add3A_228 = arith.addi %mul3A_171, %add3A_227 : i32
        %get3A = arith.constant 0 : index
        %get3A_229 = tpu.vector_load %arg10[%get3A] {strides = array<i32>} : memref<160xi32, #tpu.memory_space<vmem>>, vector<16xi32>,
        %get3A_230 = vector.shape_cast %get3A_229 : vector<16xi32> to vector<16xi32>
        %swap3A = arith.constant 0 : index
        %swap3A_231 = tpu.vector_load %arg14[%swap3A] {strides = array<i32>} : memref<80xi32, #tpu.memory_space<vmem>>, vector<16xi32>,
        %swap3A_232 = vector.shape_cast %swap3A_231 : vector<16xi32> to vector<16xi32>
        %swap3A_233 = vector.shape_cast %get3A_230 : vector<16xi32> to vector<16xi32>
        tpu.vector_store %arg14[%swap3A], %swap3A_233 {strides = array<i32>} : memref<80xi32, #tpu.memory_space<vmem>>, vector<16xi32>,
        %get3A_234 = arith.constant 16 : index
        %get3A_235 = tpu.vector_load %arg10[%get3A_234] {strides = array<i32>} : memref<160xi32, #tpu.memory_space<vmem>>, vector<16xi32>,
        %get3A_236 = vector.shape_cast %get3A_235 : vector<16xi32> to vector<16xi32>
        %swap3A_237 = arith.constant 16 : index
        %swap3A_238 = tpu.vector_load %arg14[%swap3A_237] {strides = array<i32>} : memref<80xi32, #tpu.memory_space<vmem>>, vector<16xi32>,
        %swap3A_239 = vector.shape_cast %swap3A_238 : vector<16xi32> to vector<16xi32>
        %swap3A_240 = vector.shape_cast %get3A_236 : vector<16xi32> to vector<16xi32>
        tpu.vector_store %arg14[%swap3A_237], %swap3A_240 {strides = array<i32>} : memref<80xi32, #tpu.memory_space<vmem>>, vector<16xi32>,
        %get3A_241 = arith.constant 32 : index
        %get3A_242 = tpu.vector_load %arg10[%get3A_241] {strides = array<i32>} : memref<160xi32, #tpu.memory_space<vmem>>, vector<16xi32>,
        %get3A_243 = vector.shape_cast %get3A_242 : vector<16xi32> to vector<16xi32>
        %swap3A_244 = arith.constant 32 : index
        %swap3A_245 = tpu.vector_load %arg14[%swap3A_244] {strides = array<i32>} : memref<80xi32, #tpu.memory_space<vmem>>, vector<16xi32>,
        %swap3A_246 = vector.shape_cast %swap3A_245 : vector<16xi32> to vector<16xi32>
        %swap3A_247 = vector.shape_cast %get3A_243 : vector<16xi32> to vector<16xi32>
        tpu.vector_store %arg14[%swap3A_244], %swap3A_247 {strides = array<i32>} : memref<80xi32, #tpu.memory_space<vmem>>, vector<16xi32>,
        %get3A_248 = arith.constant 48 : index
        %get3A_249 = tpu.vector_load %arg10[%get3A_248] {strides = array<i32>} : memref<160xi32, #tpu.memory_space<vmem>>, vector<16xi32>,
        %get3A_250 = vector.shape_cast %get3A_249 : vector<16xi32> to vector<16xi32>
        %swap3A_251 = arith.constant 48 : index
        %swap3A_252 = tpu.vector_load %arg14[%swap3A_251] {strides = array<i32>} : memref<80xi32, #tpu.memory_space<vmem>>, vector<16xi32>,
        %swap3A_253 = vector.shape_cast %swap3A_252 : vector<16xi32> to vector<16xi32>
        %swap3A_254 = vector.shape_cast %get3A_250 : vector<16xi32> to vector<16xi32>
        tpu.vector_store %arg14[%swap3A_251], %swap3A_254 {strides = array<i32>} : memref<80xi32, #tpu.memory_space<vmem>>, vector<16xi32>,
        %get3A_255 = arith.constant 64 : index
        %get3A_256 = tpu.vector_load %arg10[%get3A_255] {strides = array<i32>} : memref<160xi32, #tpu.memory_space<vmem>>, vector<16xi32>,
        %get3A_257 = vector.shape_cast %get3A_256 : vector<16xi32> to vector<16xi32>
        %swap3A_258 = arith.constant 64 : index
        %swap3A_259 = tpu.vector_load %arg14[%swap3A_258] {strides = array<i32>} : memref<80xi32, #tpu.memory_space<vmem>>, vector<16xi32>,
        %swap3A_260 = vector.shape_cast %swap3A_259 : vector<16xi32> to vector<16xi32>
        %swap3A_261 = vector.shape_cast %get3A_257 : vector<16xi32> to vector<16xi32>
        tpu.vector_store %arg14[%swap3A_258], %swap3A_261 {strides = array<i32>} : memref<80xi32, #tpu.memory_space<vmem>>, vector<16xi32>,
        %dma_wait3A_262 = arith.constant 0 : i32
        %dma_wait3A_263 = arith.constant 0 : i32
        %dma_wait3A_264 = tpu.memref_slice %arg2[%dma_wait3A_262, %dma_wait3A_263] : memref<20000x128xf32, #tpu.memory_space<hbm>> -> memref<80x128xf32, #tpu.memory_space<hbm>>
        %dma_wait3A_265 = arith.constant 0 : i32
        %dma_wait3A_266 = arith.constant 0 : i32
        %dma_wait3A_267 = tpu.memref_slice %arg2[%dma_wait3A_265, %dma_wait3A_266] : memref<20000x128xf32, #tpu.memory_space<hbm>> -> memref<80x128xf32, #tpu.memory_space<hbm>>
        tpu.wait_dma2 semaphore(%arg30 : memref<!tpu.dma_semaphore, #tpu.memory_space<semaphore_mem>>) src(%dma_wait3A_267 : memref<80x128xf32, #tpu.memory_space<hbm>>) dst(%arg18 : memref<80x128xf32, #tpu.memory_space<vmem>>)
        %dma_start3A_268 = arith.constant 0 : i32
        %dma_start3A_269 = arith.constant 0 : i32
        %dma_start3A_270 = tpu.memref_slice %arg5[%dma_start3A_268, %dma_start3A_269] : memref<10000x128xf32, #tpu.memory_space<vmem_shared>> -> memref<10000x128xf32, #tpu.memory_space<vmem_shared>>
        tpu.enqueue_indirect_dma source(%arg18 : memref<80x128xf32, #tpu.memory_space<vmem>>) target(%dma_start3A_270 : memref<10000x128xf32, #tpu.memory_space<vmem_shared>>) offsets(%arg14 : memref<80xi32, #tpu.memory_space<vmem>>) semaphore(%arg34 : memref<!tpu.dma_semaphore, #tpu.memory_space<semaphore_mem>>) {add = true}
        %add3A_271 = arith.constant 4 : i32
        %add3A_272 = arith.addi %add3A_228, %add3A_271 : i32
        %sub3A_273 = arith.constant 1 : i32
        %sub3A_274 = arith.subi %add3A_272, %sub3A_273 : i32
        %lt3A_275 = arith.constant 125 : i32
        %lt3A_276 = arith.cmpi slt, %sub3A_274, %lt3A_275 : i32
        %convert_element_type3A_277 = arith.extui %lt3A_276 : i1 to i32
        %cond3A_278 = arith.constant 0 : i32
        %cond3A_279 = arith.cmpi ne, %convert_element_type3A_277, %cond3A_278 : i32
        scf.if %cond3A_279 {
          %dma_wait3A_287 = arith.constant 0 : i32
          %dma_wait3A_288 = arith.constant 0 : i32
          %dma_wait3A_289 = tpu.memref_slice %arg3[%dma_wait3A_287, %dma_wait3A_288] : memref<4000x160xi32, #tpu.memory_space<hbm>> -> memref<1x160xi32, #tpu.memory_space<hbm>>
          %dma_wait3A_290 = tpu.memref_squeeze %dma_wait3A_289 : memref<1x160xi32, #tpu.memory_space<hbm>> -> memref<160xi32, #tpu.memory_space<hbm>>
          %dma_wait3A_291 = arith.constant 0 : i32
          %dma_wait3A_292 = tpu.memref_slice %arg3[%dma_wait3A_287, %dma_wait3A_291] : memref<4000x160xi32, #tpu.memory_space<hbm>> -> memref<1x160xi32, #tpu.memory_space<hbm>>
          %dma_wait3A_293 = tpu.memref_squeeze %dma_wait3A_292 : memref<1x160xi32, #tpu.memory_space<hbm>> -> memref<160xi32, #tpu.memory_space<hbm>>
          tpu.wait_dma2 semaphore(%arg29 : memref<!tpu.dma_semaphore, #tpu.memory_space<semaphore_mem>>) src(%dma_wait3A_293 : memref<160xi32, #tpu.memory_space<hbm>>) dst(%arg13 : memref<160xi32, #tpu.memory_space<vmem>>)
          %gt3A = arith.constant 0 : i32
          %gt3A_294 = arith.cmpi sgt, %add3A_228, %gt3A : i32
          %convert_element_type3A_295 = arith.extui %gt3A_294 : i1 to i32
          %cond3A_296 = arith.constant 0 : i32
          %cond3A_297 = arith.cmpi ne, %convert_element_type3A_295, %cond3A_296 : i32
          scf.if %cond3A_297 {
            %dma_wait3A_303 = arith.constant 0 : i32
            %dma_wait3A_304 = arith.constant 0 : i32
            %dma_wait3A_305 = tpu.memref_slice %arg5[%dma_wait3A_303, %dma_wait3A_304] : memref<10000x128xf32, #tpu.memory_space<vmem_shared>> -> memref<10000x128xf32, #tpu.memory_space<vmem_shared>>
            tpu.wait_indirect_dma semaphore(%arg37 : memref<!tpu.dma_semaphore, #tpu.memory_space<semaphore_mem>>) src(%arg21 : memref<80x128xf32, #tpu.memory_space<vmem>>) dst(%dma_wait3A_305 : memref<10000x128xf32, #tpu.memory_space<vmem_shared>>)
          } else {
          }
          %dma_start3A_298 = arith.constant 80 : i32
          %dma_start3A_299 = tpu.memref_slice %arg13[%dma_start3A_298] : memref<160xi32, #tpu.memory_space<vmem>> -> memref<80xi32, #tpu.memory_space<vmem>>
          %dma_start3A_300 = arith.constant 0 : i32
          %dma_start3A_301 = arith.constant 0 : i32
          %dma_start3A_302 = tpu.memref_slice %arg2[%dma_start3A_300, %dma_start3A_301] : memref<20000x128xf32, #tpu.memory_space<hbm>> -> memref<20000x128xf32, #tpu.memory_space<hbm>>
          tpu.enqueue_indirect_dma source(%dma_start3A_302 : memref<20000x128xf32, #tpu.memory_space<hbm>>) target(%arg21 : memref<80x128xf32, #tpu.memory_space<vmem>>) offsets(%dma_start3A_299 : memref<80xi32, #tpu.memory_space<vmem>>) semaphore(%arg33 : memref<!tpu.dma_semaphore, #tpu.memory_space<semaphore_mem>>)
        } else {
        }
        %add3A_280 = arith.constant 8 : i32
        %add3A_281 = arith.addi %add3A_228, %add3A_280 : i32
        %lt3A_282 = arith.constant 125 : i32
        %lt3A_283 = arith.cmpi slt, %add3A_281, %lt3A_282 : i32
        %convert_element_type3A_284 = arith.extui %lt3A_283 : i1 to i32
        %cond3A_285 = arith.constant 0 : i32
        %cond3A_286 = arith.cmpi ne, %convert_element_type3A_284, %cond3A_285 : i32
        scf.if %cond3A_286 {
          %add3A_287 = arith.constant 8 : i32
          %add3A_288 = arith.addi %add3A_228, %add3A_287 : i32
          %add3A_289 = arith.addi %mul3A_2, %add3A_288 : i32
          %dma_start3A_290 = arith.constant 0 : i32
          %dma_start3A_291 = tpu.memref_slice %arg3[%add3A_289, %dma_start3A_290] : memref<4000x160xi32, #tpu.memory_space<hbm>> -> memref<1x160xi32, #tpu.memory_space<hbm>>
          %dma_start3A_292 = tpu.memref_squeeze %dma_start3A_291 : memref<1x160xi32, #tpu.memory_space<hbm>> -> memref<160xi32, #tpu.memory_space<hbm>>
          %dma_start3A_293 = arith.constant 0 : i32
          %dma_start3A_294 = tpu.memref_slice %arg3[%add3A_289, %dma_start3A_293] : memref<4000x160xi32, #tpu.memory_space<hbm>> -> memref<1x160xi32, #tpu.memory_space<hbm>>
          %dma_start3A_295 = tpu.memref_squeeze %dma_start3A_294 : memref<1x160xi32, #tpu.memory_space<hbm>> -> memref<160xi32, #tpu.memory_space<hbm>>
          tpu.enqueue_dma source(%dma_start3A_295 : memref<160xi32, #tpu.memory_space<hbm>>) target(%arg10 : memref<160xi32, #tpu.memory_space<vmem>>) target_semaphore(%arg26 : memref<!tpu.dma_semaphore, #tpu.memory_space<semaphore_mem>>)
        } else {
        }
      } else {
      }
      %add3A_206 = arith.constant 5 : i32
      %add3A_207 = arith.addi %mul3A_171, %add3A_206 : i32
      %lt3A_208 = arith.constant 125 : i32
      %lt3A_209 = arith.cmpi slt, %add3A_207, %lt3A_208 : i32
      %convert_element_type3A_210 = arith.extui %lt3A_209 : i1 to i32
      %cond3A_211 = arith.constant 0 : i32
      %cond3A_212 = arith.cmpi ne, %convert_element_type3A_210, %cond3A_211 : i32
      scf.if %cond3A_212 {
        %add3A_227 = arith.constant 5 : i32
        %add3A_228 = arith.addi %mul3A_171, %add3A_227 : i32
        %get3A = arith.constant 0 : index
        %get3A_229 = tpu.vector_load %arg11[%get3A] {strides = array<i32>} : memref<160xi32, #tpu.memory_space<vmem>>, vector<16xi32>,
        %get3A_230 = vector.shape_cast %get3A_229 : vector<16xi32> to vector<16xi32>
        %swap3A = arith.constant 0 : index
        %swap3A_231 = tpu.vector_load %arg15[%swap3A] {strides = array<i32>} : memref<80xi32, #tpu.memory_space<vmem>>, vector<16xi32>,
        %swap3A_232 = vector.shape_cast %swap3A_231 : vector<16xi32> to vector<16xi32>
        %swap3A_233 = vector.shape_cast %get3A_230 : vector<16xi32> to vector<16xi32>
        tpu.vector_store %arg15[%swap3A], %swap3A_233 {strides = array<i32>} : memref<80xi32, #tpu.memory_space<vmem>>, vector<16xi32>,
        %get3A_234 = arith.constant 16 : index
        %get3A_235 = tpu.vector_load %arg11[%get3A_234] {strides = array<i32>} : memref<160xi32, #tpu.memory_space<vmem>>, vector<16xi32>,
        %get3A_236 = vector.shape_cast %get3A_235 : vector<16xi32> to vector<16xi32>
        %swap3A_237 = arith.constant 16 : index
        %swap3A_238 = tpu.vector_load %arg15[%swap3A_237] {strides = array<i32>} : memref<80xi32, #tpu.memory_space<vmem>>, vector<16xi32>,
        %swap3A_239 = vector.shape_cast %swap3A_238 : vector<16xi32> to vector<16xi32>
        %swap3A_240 = vector.shape_cast %get3A_236 : vector<16xi32> to vector<16xi32>
        tpu.vector_store %arg15[%swap3A_237], %swap3A_240 {strides = array<i32>} : memref<80xi32, #tpu.memory_space<vmem>>, vector<16xi32>,
        %get3A_241 = arith.constant 32 : index
        %get3A_242 = tpu.vector_load %arg11[%get3A_241] {strides = array<i32>} : memref<160xi32, #tpu.memory_space<vmem>>, vector<16xi32>,
        %get3A_243 = vector.shape_cast %get3A_242 : vector<16xi32> to vector<16xi32>
        %swap3A_244 = arith.constant 32 : index
        %swap3A_245 = tpu.vector_load %arg15[%swap3A_244] {strides = array<i32>} : memref<80xi32, #tpu.memory_space<vmem>>, vector<16xi32>,
        %swap3A_246 = vector.shape_cast %swap3A_245 : vector<16xi32> to vector<16xi32>
        %swap3A_247 = vector.shape_cast %get3A_243 : vector<16xi32> to vector<16xi32>
        tpu.vector_store %arg15[%swap3A_244], %swap3A_247 {strides = array<i32>} : memref<80xi32, #tpu.memory_space<vmem>>, vector<16xi32>,
        %get3A_248 = arith.constant 48 : index
        %get3A_249 = tpu.vector_load %arg11[%get3A_248] {strides = array<i32>} : memref<160xi32, #tpu.memory_space<vmem>>, vector<16xi32>,
        %get3A_250 = vector.shape_cast %get3A_249 : vector<16xi32> to vector<16xi32>
        %swap3A_251 = arith.constant 48 : index
        %swap3A_252 = tpu.vector_load %arg15[%swap3A_251] {strides = array<i32>} : memref<80xi32, #tpu.memory_space<vmem>>, vector<16xi32>,
        %swap3A_253 = vector.shape_cast %swap3A_252 : vector<16xi32> to vector<16xi32>
        %swap3A_254 = vector.shape_cast %get3A_250 : vector<16xi32> to vector<16xi32>
        tpu.vector_store %arg15[%swap3A_251], %swap3A_254 {strides = array<i32>} : memref<80xi32, #tpu.memory_space<vmem>>, vector<16xi32>,
        %get3A_255 = arith.constant 64 : index
        %get3A_256 = tpu.vector_load %arg11[%get3A_255] {strides = array<i32>} : memref<160xi32, #tpu.memory_space<vmem>>, vector<16xi32>,
        %get3A_257 = vector.shape_cast %get3A_256 : vector<16xi32> to vector<16xi32>
        %swap3A_258 = arith.constant 64 : index
        %swap3A_259 = tpu.vector_load %arg15[%swap3A_258] {strides = array<i32>} : memref<80xi32, #tpu.memory_space<vmem>>, vector<16xi32>,
        %swap3A_260 = vector.shape_cast %swap3A_259 : vector<16xi32> to vector<16xi32>
        %swap3A_261 = vector.shape_cast %get3A_257 : vector<16xi32> to vector<16xi32>
        tpu.vector_store %arg15[%swap3A_258], %swap3A_261 {strides = array<i32>} : memref<80xi32, #tpu.memory_space<vmem>>, vector<16xi32>,
        %dma_wait3A_262 = arith.constant 0 : i32
        %dma_wait3A_263 = arith.constant 0 : i32
        %dma_wait3A_264 = tpu.memref_slice %arg2[%dma_wait3A_262, %dma_wait3A_263] : memref<20000x128xf32, #tpu.memory_space<hbm>> -> memref<80x128xf32, #tpu.memory_space<hbm>>
        %dma_wait3A_265 = arith.constant 0 : i32
        %dma_wait3A_266 = arith.constant 0 : i32
        %dma_wait3A_267 = tpu.memref_slice %arg2[%dma_wait3A_265, %dma_wait3A_266] : memref<20000x128xf32, #tpu.memory_space<hbm>> -> memref<80x128xf32, #tpu.memory_space<hbm>>
        tpu.wait_dma2 semaphore(%arg31 : memref<!tpu.dma_semaphore, #tpu.memory_space<semaphore_mem>>) src(%dma_wait3A_267 : memref<80x128xf32, #tpu.memory_space<hbm>>) dst(%arg19 : memref<80x128xf32, #tpu.memory_space<vmem>>)
        %dma_start3A_268 = arith.constant 0 : i32
        %dma_start3A_269 = arith.constant 0 : i32
        %dma_start3A_270 = tpu.memref_slice %arg5[%dma_start3A_268, %dma_start3A_269] : memref<10000x128xf32, #tpu.memory_space<vmem_shared>> -> memref<10000x128xf32, #tpu.memory_space<vmem_shared>>
        tpu.enqueue_indirect_dma source(%arg19 : memref<80x128xf32, #tpu.memory_space<vmem>>) target(%dma_start3A_270 : memref<10000x128xf32, #tpu.memory_space<vmem_shared>>) offsets(%arg15 : memref<80xi32, #tpu.memory_space<vmem>>) semaphore(%arg35 : memref<!tpu.dma_semaphore, #tpu.memory_space<semaphore_mem>>) {add = true}
        %add3A_271 = arith.constant 4 : i32
        %add3A_272 = arith.addi %add3A_228, %add3A_271 : i32
        %sub3A_273 = arith.constant 1 : i32
        %sub3A_274 = arith.subi %add3A_272, %sub3A_273 : i32
        %lt3A_275 = arith.constant 125 : i32
        %lt3A_276 = arith.cmpi slt, %sub3A_274, %lt3A_275 : i32
        %convert_element_type3A_277 = arith.extui %lt3A_276 : i1 to i32
        %cond3A_278 = arith.constant 0 : i32
        %cond3A_279 = arith.cmpi ne, %convert_element_type3A_277, %cond3A_278 : i32
        scf.if %cond3A_279 {
          %dma_wait3A_287 = arith.constant 0 : i32
          %dma_wait3A_288 = arith.constant 0 : i32
          %dma_wait3A_289 = tpu.memref_slice %arg3[%dma_wait3A_287, %dma_wait3A_288] : memref<4000x160xi32, #tpu.memory_space<hbm>> -> memref<1x160xi32, #tpu.memory_space<hbm>>
          %dma_wait3A_290 = tpu.memref_squeeze %dma_wait3A_289 : memref<1x160xi32, #tpu.memory_space<hbm>> -> memref<160xi32, #tpu.memory_space<hbm>>
          %dma_wait3A_291 = arith.constant 0 : i32
          %dma_wait3A_292 = tpu.memref_slice %arg3[%dma_wait3A_287, %dma_wait3A_291] : memref<4000x160xi32, #tpu.memory_space<hbm>> -> memref<1x160xi32, #tpu.memory_space<hbm>>
          %dma_wait3A_293 = tpu.memref_squeeze %dma_wait3A_292 : memref<1x160xi32, #tpu.memory_space<hbm>> -> memref<160xi32, #tpu.memory_space<hbm>>
          tpu.wait_dma2 semaphore(%arg22 : memref<!tpu.dma_semaphore, #tpu.memory_space<semaphore_mem>>) src(%dma_wait3A_293 : memref<160xi32, #tpu.memory_space<hbm>>) dst(%arg6 : memref<160xi32, #tpu.memory_space<vmem>>)
          %gt3A = arith.constant 0 : i32
          %gt3A_294 = arith.cmpi sgt, %add3A_228, %gt3A : i32
          %convert_element_type3A_295 = arith.extui %gt3A_294 : i1 to i32
          %cond3A_296 = arith.constant 0 : i32
          %cond3A_297 = arith.cmpi ne, %convert_element_type3A_295, %cond3A_296 : i32
          scf.if %cond3A_297 {
            %dma_wait3A_303 = arith.constant 0 : i32
            %dma_wait3A_304 = arith.constant 0 : i32
            %dma_wait3A_305 = tpu.memref_slice %arg5[%dma_wait3A_303, %dma_wait3A_304] : memref<10000x128xf32, #tpu.memory_space<vmem_shared>> -> memref<10000x128xf32, #tpu.memory_space<vmem_shared>>
            tpu.wait_indirect_dma semaphore(%arg34 : memref<!tpu.dma_semaphore, #tpu.memory_space<semaphore_mem>>) src(%arg18 : memref<80x128xf32, #tpu.memory_space<vmem>>) dst(%dma_wait3A_305 : memref<10000x128xf32, #tpu.memory_space<vmem_shared>>)
          } else {
          }
          %dma_start3A_298 = arith.constant 80 : i32
          %dma_start3A_299 = tpu.memref_slice %arg6[%dma_start3A_298] : memref<160xi32, #tpu.memory_space<vmem>> -> memref<80xi32, #tpu.memory_space<vmem>>
          %dma_start3A_300 = arith.constant 0 : i32
          %dma_start3A_301 = arith.constant 0 : i32
          %dma_start3A_302 = tpu.memref_slice %arg2[%dma_start3A_300, %dma_start3A_301] : memref<20000x128xf32, #tpu.memory_space<hbm>> -> memref<20000x128xf32, #tpu.memory_space<hbm>>
          tpu.enqueue_indirect_dma source(%dma_start3A_302 : memref<20000x128xf32, #tpu.memory_space<hbm>>) target(%arg18 : memref<80x128xf32, #tpu.memory_space<vmem>>) offsets(%dma_start3A_299 : memref<80xi32, #tpu.memory_space<vmem>>) semaphore(%arg30 : memref<!tpu.dma_semaphore, #tpu.memory_space<semaphore_mem>>)
        } else {
        }
        %add3A_280 = arith.constant 8 : i32
        %add3A_281 = arith.addi %add3A_228, %add3A_280 : i32
        %lt3A_282 = arith.constant 125 : i32
        %lt3A_283 = arith.cmpi slt, %add3A_281, %lt3A_282 : i32
        %convert_element_type3A_284 = arith.extui %lt3A_283 : i1 to i32
        %cond3A_285 = arith.constant 0 : i32
        %cond3A_286 = arith.cmpi ne, %convert_element_type3A_284, %cond3A_285 : i32
        scf.if %cond3A_286 {
          %add3A_287 = arith.constant 8 : i32
          %add3A_288 = arith.addi %add3A_228, %add3A_287 : i32
          %add3A_289 = arith.addi %mul3A_2, %add3A_288 : i32
          %dma_start3A_290 = arith.constant 0 : i32
          %dma_start3A_291 = tpu.memref_slice %arg3[%add3A_289, %dma_start3A_290] : memref<4000x160xi32, #tpu.memory_space<hbm>> -> memref<1x160xi32, #tpu.memory_space<hbm>>
          %dma_start3A_292 = tpu.memref_squeeze %dma_start3A_291 : memref<1x160xi32, #tpu.memory_space<hbm>> -> memref<160xi32, #tpu.memory_space<hbm>>
          %dma_start3A_293 = arith.constant 0 : i32
          %dma_start3A_294 = tpu.memref_slice %arg3[%add3A_289, %dma_start3A_293] : memref<4000x160xi32, #tpu.memory_space<hbm>> -> memref<1x160xi32, #tpu.memory_space<hbm>>
          %dma_start3A_295 = tpu.memref_squeeze %dma_start3A_294 : memref<1x160xi32, #tpu.memory_space<hbm>> -> memref<160xi32, #tpu.memory_space<hbm>>
          tpu.enqueue_dma source(%dma_start3A_295 : memref<160xi32, #tpu.memory_space<hbm>>) target(%arg11 : memref<160xi32, #tpu.memory_space<vmem>>) target_semaphore(%arg27 : memref<!tpu.dma_semaphore, #tpu.memory_space<semaphore_mem>>)
        } else {
        }
      } else {
      }
      %add3A_213 = arith.constant 6 : i32
      %add3A_214 = arith.addi %mul3A_171, %add3A_213 : i32
      %lt3A_215 = arith.constant 125 : i32
      %lt3A_216 = arith.cmpi slt, %add3A_214, %lt3A_215 : i32
      %convert_element_type3A_217 = arith.extui %lt3A_216 : i1 to i32
      %cond3A_218 = arith.constant 0 : i32
      %cond3A_219 = arith.cmpi ne, %convert_element_type3A_217, %cond3A_218 : i32
      scf.if %cond3A_219 {
        %add3A_227 = arith.constant 6 : i32
        %add3A_228 = arith.addi %mul3A_171, %add3A_227 : i32
        %get3A = arith.constant 0 : index
        %get3A_229 = tpu.vector_load %arg12[%get3A] {strides = array<i32>} : memref<160xi32, #tpu.memory_space<vmem>>, vector<16xi32>,
        %get3A_230 = vector.shape_cast %get3A_229 : vector<16xi32> to vector<16xi32>
        %swap3A = arith.constant 0 : index
        %swap3A_231 = tpu.vector_load %arg16[%swap3A] {strides = array<i32>} : memref<80xi32, #tpu.memory_space<vmem>>, vector<16xi32>,
        %swap3A_232 = vector.shape_cast %swap3A_231 : vector<16xi32> to vector<16xi32>
        %swap3A_233 = vector.shape_cast %get3A_230 : vector<16xi32> to vector<16xi32>
        tpu.vector_store %arg16[%swap3A], %swap3A_233 {strides = array<i32>} : memref<80xi32, #tpu.memory_space<vmem>>, vector<16xi32>,
        %get3A_234 = arith.constant 16 : index
        %get3A_235 = tpu.vector_load %arg12[%get3A_234] {strides = array<i32>} : memref<160xi32, #tpu.memory_space<vmem>>, vector<16xi32>,
        %get3A_236 = vector.shape_cast %get3A_235 : vector<16xi32> to vector<16xi32>
        %swap3A_237 = arith.constant 16 : index
        %swap3A_238 = tpu.vector_load %arg16[%swap3A_237] {strides = array<i32>} : memref<80xi32, #tpu.memory_space<vmem>>, vector<16xi32>,
        %swap3A_239 = vector.shape_cast %swap3A_238 : vector<16xi32> to vector<16xi32>
        %swap3A_240 = vector.shape_cast %get3A_236 : vector<16xi32> to vector<16xi32>
        tpu.vector_store %arg16[%swap3A_237], %swap3A_240 {strides = array<i32>} : memref<80xi32, #tpu.memory_space<vmem>>, vector<16xi32>,
        %get3A_241 = arith.constant 32 : index
        %get3A_242 = tpu.vector_load %arg12[%get3A_241] {strides = array<i32>} : memref<160xi32, #tpu.memory_space<vmem>>, vector<16xi32>,
        %get3A_243 = vector.shape_cast %get3A_242 : vector<16xi32> to vector<16xi32>
        %swap3A_244 = arith.constant 32 : index
        %swap3A_245 = tpu.vector_load %arg16[%swap3A_244] {strides = array<i32>} : memref<80xi32, #tpu.memory_space<vmem>>, vector<16xi32>,
        %swap3A_246 = vector.shape_cast %swap3A_245 : vector<16xi32> to vector<16xi32>
        %swap3A_247 = vector.shape_cast %get3A_243 : vector<16xi32> to vector<16xi32>
        tpu.vector_store %arg16[%swap3A_244], %swap3A_247 {strides = array<i32>} : memref<80xi32, #tpu.memory_space<vmem>>, vector<16xi32>,
        %get3A_248 = arith.constant 48 : index
        %get3A_249 = tpu.vector_load %arg12[%get3A_248] {strides = array<i32>} : memref<160xi32, #tpu.memory_space<vmem>>, vector<16xi32>,
        %get3A_250 = vector.shape_cast %get3A_249 : vector<16xi32> to vector<16xi32>
        %swap3A_251 = arith.constant 48 : index
        %swap3A_252 = tpu.vector_load %arg16[%swap3A_251] {strides = array<i32>} : memref<80xi32, #tpu.memory_space<vmem>>, vector<16xi32>,
        %swap3A_253 = vector.shape_cast %swap3A_252 : vector<16xi32> to vector<16xi32>
        %swap3A_254 = vector.shape_cast %get3A_250 : vector<16xi32> to vector<16xi32>
        tpu.vector_store %arg16[%swap3A_251], %swap3A_254 {strides = array<i32>} : memref<80xi32, #tpu.memory_space<vmem>>, vector<16xi32>,
        %get3A_255 = arith.constant 64 : index
        %get3A_256 = tpu.vector_load %arg12[%get3A_255] {strides = array<i32>} : memref<160xi32, #tpu.memory_space<vmem>>, vector<16xi32>,
        %get3A_257 = vector.shape_cast %get3A_256 : vector<16xi32> to vector<16xi32>
        %swap3A_258 = arith.constant 64 : index
        %swap3A_259 = tpu.vector_load %arg16[%swap3A_258] {strides = array<i32>} : memref<80xi32, #tpu.memory_space<vmem>>, vector<16xi32>,
        %swap3A_260 = vector.shape_cast %swap3A_259 : vector<16xi32> to vector<16xi32>
        %swap3A_261 = vector.shape_cast %get3A_257 : vector<16xi32> to vector<16xi32>
        tpu.vector_store %arg16[%swap3A_258], %swap3A_261 {strides = array<i32>} : memref<80xi32, #tpu.memory_space<vmem>>, vector<16xi32>,
        %dma_wait3A_262 = arith.constant 0 : i32
        %dma_wait3A_263 = arith.constant 0 : i32
        %dma_wait3A_264 = tpu.memref_slice %arg2[%dma_wait3A_262, %dma_wait3A_263] : memref<20000x128xf32, #tpu.memory_space<hbm>> -> memref<80x128xf32, #tpu.memory_space<hbm>>
        %dma_wait3A_265 = arith.constant 0 : i32
        %dma_wait3A_266 = arith.constant 0 : i32
        %dma_wait3A_267 = tpu.memref_slice %arg2[%dma_wait3A_265, %dma_wait3A_266] : memref<20000x128xf32, #tpu.memory_space<hbm>> -> memref<80x128xf32, #tpu.memory_space<hbm>>
        tpu.wait_dma2 semaphore(%arg32 : memref<!tpu.dma_semaphore, #tpu.memory_space<semaphore_mem>>) src(%dma_wait3A_267 : memref<80x128xf32, #tpu.memory_space<hbm>>) dst(%arg20 : memref<80x128xf32, #tpu.memory_space<vmem>>)
        %dma_start3A_268 = arith.constant 0 : i32
        %dma_start3A_269 = arith.constant 0 : i32
        %dma_start3A_270 = tpu.memref_slice %arg5[%dma_start3A_268, %dma_start3A_269] : memref<10000x128xf32, #tpu.memory_space<vmem_shared>> -> memref<10000x128xf32, #tpu.memory_space<vmem_shared>>
        tpu.enqueue_indirect_dma source(%arg20 : memref<80x128xf32, #tpu.memory_space<vmem>>) target(%dma_start3A_270 : memref<10000x128xf32, #tpu.memory_space<vmem_shared>>) offsets(%arg16 : memref<80xi32, #tpu.memory_space<vmem>>) semaphore(%arg36 : memref<!tpu.dma_semaphore, #tpu.memory_space<semaphore_mem>>) {add = true}
        %add3A_271 = arith.constant 4 : i32
        %add3A_272 = arith.addi %add3A_228, %add3A_271 : i32
        %sub3A_273 = arith.constant 1 : i32
        %sub3A_274 = arith.subi %add3A_272, %sub3A_273 : i32
        %lt3A_275 = arith.constant 125 : i32
        %lt3A_276 = arith.cmpi slt, %sub3A_274, %lt3A_275 : i32
        %convert_element_type3A_277 = arith.extui %lt3A_276 : i1 to i32
        %cond3A_278 = arith.constant 0 : i32
        %cond3A_279 = arith.cmpi ne, %convert_element_type3A_277, %cond3A_278 : i32
        scf.if %cond3A_279 {
          %dma_wait3A_287 = arith.constant 0 : i32
          %dma_wait3A_288 = arith.constant 0 : i32
          %dma_wait3A_289 = tpu.memref_slice %arg3[%dma_wait3A_287, %dma_wait3A_288] : memref<4000x160xi32, #tpu.memory_space<hbm>> -> memref<1x160xi32, #tpu.memory_space<hbm>>
          %dma_wait3A_290 = tpu.memref_squeeze %dma_wait3A_289 : memref<1x160xi32, #tpu.memory_space<hbm>> -> memref<160xi32, #tpu.memory_space<hbm>>
          %dma_wait3A_291 = arith.constant 0 : i32
          %dma_wait3A_292 = tpu.memref_slice %arg3[%dma_wait3A_287, %dma_wait3A_291] : memref<4000x160xi32, #tpu.memory_space<hbm>> -> memref<1x160xi32, #tpu.memory_space<hbm>>
          %dma_wait3A_293 = tpu.memref_squeeze %dma_wait3A_292 : memref<1x160xi32, #tpu.memory_space<hbm>> -> memref<160xi32, #tpu.memory_space<hbm>>
          tpu.wait_dma2 semaphore(%arg23 : memref<!tpu.dma_semaphore, #tpu.memory_space<semaphore_mem>>) src(%dma_wait3A_293 : memref<160xi32, #tpu.memory_space<hbm>>) dst(%arg7 : memref<160xi32, #tpu.memory_space<vmem>>)
          %gt3A = arith.constant 0 : i32
          %gt3A_294 = arith.cmpi sgt, %add3A_228, %gt3A : i32
          %convert_element_type3A_295 = arith.extui %gt3A_294 : i1 to i32
          %cond3A_296 = arith.constant 0 : i32
          %cond3A_297 = arith.cmpi ne, %convert_element_type3A_295, %cond3A_296 : i32
          scf.if %cond3A_297 {
            %dma_wait3A_303 = arith.constant 0 : i32
            %dma_wait3A_304 = arith.constant 0 : i32
            %dma_wait3A_305 = tpu.memref_slice %arg5[%dma_wait3A_303, %dma_wait3A_304] : memref<10000x128xf32, #tpu.memory_space<vmem_shared>> -> memref<10000x128xf32, #tpu.memory_space<vmem_shared>>
            tpu.wait_indirect_dma semaphore(%arg35 : memref<!tpu.dma_semaphore, #tpu.memory_space<semaphore_mem>>) src(%arg19 : memref<80x128xf32, #tpu.memory_space<vmem>>) dst(%dma_wait3A_305 : memref<10000x128xf32, #tpu.memory_space<vmem_shared>>)
          } else {
          }
          %dma_start3A_298 = arith.constant 80 : i32
          %dma_start3A_299 = tpu.memref_slice %arg7[%dma_start3A_298] : memref<160xi32, #tpu.memory_space<vmem>> -> memref<80xi32, #tpu.memory_space<vmem>>
          %dma_start3A_300 = arith.constant 0 : i32
          %dma_start3A_301 = arith.constant 0 : i32
          %dma_start3A_302 = tpu.memref_slice %arg2[%dma_start3A_300, %dma_start3A_301] : memref<20000x128xf32, #tpu.memory_space<hbm>> -> memref<20000x128xf32, #tpu.memory_space<hbm>>
          tpu.enqueue_indirect_dma source(%dma_start3A_302 : memref<20000x128xf32, #tpu.memory_space<hbm>>) target(%arg19 : memref<80x128xf32, #tpu.memory_space<vmem>>) offsets(%dma_start3A_299 : memref<80xi32, #tpu.memory_space<vmem>>) semaphore(%arg31 : memref<!tpu.dma_semaphore, #tpu.memory_space<semaphore_mem>>)
        } else {
        }
        %add3A_280 = arith.constant 8 : i32
        %add3A_281 = arith.addi %add3A_228, %add3A_280 : i32
        %lt3A_282 = arith.constant 125 : i32
        %lt3A_283 = arith.cmpi slt, %add3A_281, %lt3A_282 : i32
        %convert_element_type3A_284 = arith.extui %lt3A_283 : i1 to i32
        %cond3A_285 = arith.constant 0 : i32
        %cond3A_286 = arith.cmpi ne, %convert_element_type3A_284, %cond3A_285 : i32
        scf.if %cond3A_286 {
          %add3A_287 = arith.constant 8 : i32
          %add3A_288 = arith.addi %add3A_228, %add3A_287 : i32
          %add3A_289 = arith.addi %mul3A_2, %add3A_288 : i32
          %dma_start3A_290 = arith.constant 0 : i32
          %dma_start3A_291 = tpu.memref_slice %arg3[%add3A_289, %dma_start3A_290] : memref<4000x160xi32, #tpu.memory_space<hbm>> -> memref<1x160xi32, #tpu.memory_space<hbm>>
          %dma_start3A_292 = tpu.memref_squeeze %dma_start3A_291 : memref<1x160xi32, #tpu.memory_space<hbm>> -> memref<160xi32, #tpu.memory_space<hbm>>
          %dma_start3A_293 = arith.constant 0 : i32
          %dma_start3A_294 = tpu.memref_slice %arg3[%add3A_289, %dma_start3A_293] : memref<4000x160xi32, #tpu.memory_space<hbm>> -> memref<1x160xi32, #tpu.memory_space<hbm>>
          %dma_start3A_295 = tpu.memref_squeeze %dma_start3A_294 : memref<1x160xi32, #tpu.memory_space<hbm>> -> memref<160xi32, #tpu.memory_space<hbm>>
          tpu.enqueue_dma source(%dma_start3A_295 : memref<160xi32, #tpu.memory_space<hbm>>) target(%arg12 : memref<160xi32, #tpu.memory_space<vmem>>) target_semaphore(%arg28 : memref<!tpu.dma_semaphore, #tpu.memory_space<semaphore_mem>>)
        } else {
        }
      } else {
      }
      %add3A_220 = arith.constant 7 : i32
      %add3A_221 = arith.addi %mul3A_171, %add3A_220 : i32
      %lt3A_222 = arith.constant 125 : i32
      %lt3A_223 = arith.cmpi slt, %add3A_221, %lt3A_222 : i32
      %convert_element_type3A_224 = arith.extui %lt3A_223 : i1 to i32
      %cond3A_225 = arith.constant 0 : i32
      %cond3A_226 = arith.cmpi ne, %convert_element_type3A_224, %cond3A_225 : i32
      scf.if %cond3A_226 {
        %add3A_227 = arith.constant 7 : i32
        %add3A_228 = arith.addi %mul3A_171, %add3A_227 : i32
        %get3A = arith.constant 0 : index
        %get3A_229 = tpu.vector_load %arg13[%get3A] {strides = array<i32>} : memref<160xi32, #tpu.memory_space<vmem>>, vector<16xi32>,
        %get3A_230 = vector.shape_cast %get3A_229 : vector<16xi32> to vector<16xi32>
        %swap3A = arith.constant 0 : index
        %swap3A_231 = tpu.vector_load %arg17[%swap3A] {strides = array<i32>} : memref<80xi32, #tpu.memory_space<vmem>>, vector<16xi32>,
        %swap3A_232 = vector.shape_cast %swap3A_231 : vector<16xi32> to vector<16xi32>
        %swap3A_233 = vector.shape_cast %get3A_230 : vector<16xi32> to vector<16xi32>
        tpu.vector_store %arg17[%swap3A], %swap3A_233 {strides = array<i32>} : memref<80xi32, #tpu.memory_space<vmem>>, vector<16xi32>,
        %get3A_234 = arith.constant 16 : index
        %get3A_235 = tpu.vector_load %arg13[%get3A_234] {strides = array<i32>} : memref<160xi32, #tpu.memory_space<vmem>>, vector<16xi32>,
        %get3A_236 = vector.shape_cast %get3A_235 : vector<16xi32> to vector<16xi32>
        %swap3A_237 = arith.constant 16 : index
        %swap3A_238 = tpu.vector_load %arg17[%swap3A_237] {strides = array<i32>} : memref<80xi32, #tpu.memory_space<vmem>>, vector<16xi32>,
        %swap3A_239 = vector.shape_cast %swap3A_238 : vector<16xi32> to vector<16xi32>
        %swap3A_240 = vector.shape_cast %get3A_236 : vector<16xi32> to vector<16xi32>
        tpu.vector_store %arg17[%swap3A_237], %swap3A_240 {strides = array<i32>} : memref<80xi32, #tpu.memory_space<vmem>>, vector<16xi32>,
        %get3A_241 = arith.constant 32 : index
        %get3A_242 = tpu.vector_load %arg13[%get3A_241] {strides = array<i32>} : memref<160xi32, #tpu.memory_space<vmem>>, vector<16xi32>,
        %get3A_243 = vector.shape_cast %get3A_242 : vector<16xi32> to vector<16xi32>
        %swap3A_244 = arith.constant 32 : index
        %swap3A_245 = tpu.vector_load %arg17[%swap3A_244] {strides = array<i32>} : memref<80xi32, #tpu.memory_space<vmem>>, vector<16xi32>,
        %swap3A_246 = vector.shape_cast %swap3A_245 : vector<16xi32> to vector<16xi32>
        %swap3A_247 = vector.shape_cast %get3A_243 : vector<16xi32> to vector<16xi32>
        tpu.vector_store %arg17[%swap3A_244], %swap3A_247 {strides = array<i32>} : memref<80xi32, #tpu.memory_space<vmem>>, vector<16xi32>,
        %get3A_248 = arith.constant 48 : index
        %get3A_249 = tpu.vector_load %arg13[%get3A_248] {strides = array<i32>} : memref<160xi32, #tpu.memory_space<vmem>>, vector<16xi32>,
        %get3A_250 = vector.shape_cast %get3A_249 : vector<16xi32> to vector<16xi32>
        %swap3A_251 = arith.constant 48 : index
        %swap3A_252 = tpu.vector_load %arg17[%swap3A_251] {strides = array<i32>} : memref<80xi32, #tpu.memory_space<vmem>>, vector<16xi32>,
        %swap3A_253 = vector.shape_cast %swap3A_252 : vector<16xi32> to vector<16xi32>
        %swap3A_254 = vector.shape_cast %get3A_250 : vector<16xi32> to vector<16xi32>
        tpu.vector_store %arg17[%swap3A_251], %swap3A_254 {strides = array<i32>} : memref<80xi32, #tpu.memory_space<vmem>>, vector<16xi32>,
        %get3A_255 = arith.constant 64 : index
        %get3A_256 = tpu.vector_load %arg13[%get3A_255] {strides = array<i32>} : memref<160xi32, #tpu.memory_space<vmem>>, vector<16xi32>,
        %get3A_257 = vector.shape_cast %get3A_256 : vector<16xi32> to vector<16xi32>
        %swap3A_258 = arith.constant 64 : index
        %swap3A_259 = tpu.vector_load %arg17[%swap3A_258] {strides = array<i32>} : memref<80xi32, #tpu.memory_space<vmem>>, vector<16xi32>,
        %swap3A_260 = vector.shape_cast %swap3A_259 : vector<16xi32> to vector<16xi32>
        %swap3A_261 = vector.shape_cast %get3A_257 : vector<16xi32> to vector<16xi32>
        tpu.vector_store %arg17[%swap3A_258], %swap3A_261 {strides = array<i32>} : memref<80xi32, #tpu.memory_space<vmem>>, vector<16xi32>,
        %dma_wait3A_262 = arith.constant 0 : i32
        %dma_wait3A_263 = arith.constant 0 : i32
        %dma_wait3A_264 = tpu.memref_slice %arg2[%dma_wait3A_262, %dma_wait3A_263] : memref<20000x128xf32, #tpu.memory_space<hbm>> -> memref<80x128xf32, #tpu.memory_space<hbm>>
        %dma_wait3A_265 = arith.constant 0 : i32
        %dma_wait3A_266 = arith.constant 0 : i32
        %dma_wait3A_267 = tpu.memref_slice %arg2[%dma_wait3A_265, %dma_wait3A_266] : memref<20000x128xf32, #tpu.memory_space<hbm>> -> memref<80x128xf32, #tpu.memory_space<hbm>>
        tpu.wait_dma2 semaphore(%arg33 : memref<!tpu.dma_semaphore, #tpu.memory_space<semaphore_mem>>) src(%dma_wait3A_267 : memref<80x128xf32, #tpu.memory_space<hbm>>) dst(%arg21 : memref<80x128xf32, #tpu.memory_space<vmem>>)
        %dma_start3A_268 = arith.constant 0 : i32
        %dma_start3A_269 = arith.constant 0 : i32
        %dma_start3A_270 = tpu.memref_slice %arg5[%dma_start3A_268, %dma_start3A_269] : memref<10000x128xf32, #tpu.memory_space<vmem_shared>> -> memref<10000x128xf32, #tpu.memory_space<vmem_shared>>
        tpu.enqueue_indirect_dma source(%arg21 : memref<80x128xf32, #tpu.memory_space<vmem>>) target(%dma_start3A_270 : memref<10000x128xf32, #tpu.memory_space<vmem_shared>>) offsets(%arg17 : memref<80xi32, #tpu.memory_space<vmem>>) semaphore(%arg37 : memref<!tpu.dma_semaphore, #tpu.memory_space<semaphore_mem>>) {add = true}
        %add3A_271 = arith.constant 4 : i32
        %add3A_272 = arith.addi %add3A_228, %add3A_271 : i32
        %sub3A_273 = arith.constant 1 : i32
        %sub3A_274 = arith.subi %add3A_272, %sub3A_273 : i32
        %lt3A_275 = arith.constant 125 : i32
        %lt3A_276 = arith.cmpi slt, %sub3A_274, %lt3A_275 : i32
        %convert_element_type3A_277 = arith.extui %lt3A_276 : i1 to i32
        %cond3A_278 = arith.constant 0 : i32
        %cond3A_279 = arith.cmpi ne, %convert_element_type3A_277, %cond3A_278 : i32
        scf.if %cond3A_279 {
          %dma_wait3A_287 = arith.constant 0 : i32
          %dma_wait3A_288 = arith.constant 0 : i32
          %dma_wait3A_289 = tpu.memref_slice %arg3[%dma_wait3A_287, %dma_wait3A_288] : memref<4000x160xi32, #tpu.memory_space<hbm>> -> memref<1x160xi32, #tpu.memory_space<hbm>>
          %dma_wait3A_290 = tpu.memref_squeeze %dma_wait3A_289 : memref<1x160xi32, #tpu.memory_space<hbm>> -> memref<160xi32, #tpu.memory_space<hbm>>
          %dma_wait3A_291 = arith.constant 0 : i32
          %dma_wait3A_292 = tpu.memref_slice %arg3[%dma_wait3A_287, %dma_wait3A_291] : memref<4000x160xi32, #tpu.memory_space<hbm>> -> memref<1x160xi32, #tpu.memory_space<hbm>>
          %dma_wait3A_293 = tpu.memref_squeeze %dma_wait3A_292 : memref<1x160xi32, #tpu.memory_space<hbm>> -> memref<160xi32, #tpu.memory_space<hbm>>
          tpu.wait_dma2 semaphore(%arg24 : memref<!tpu.dma_semaphore, #tpu.memory_space<semaphore_mem>>) src(%dma_wait3A_293 : memref<160xi32, #tpu.memory_space<hbm>>) dst(%arg8 : memref<160xi32, #tpu.memory_space<vmem>>)
          %gt3A = arith.constant 0 : i32
          %gt3A_294 = arith.cmpi sgt, %add3A_228, %gt3A : i32
          %convert_element_type3A_295 = arith.extui %gt3A_294 : i1 to i32
          %cond3A_296 = arith.constant 0 : i32
          %cond3A_297 = arith.cmpi ne, %convert_element_type3A_295, %cond3A_296 : i32
          scf.if %cond3A_297 {
            %dma_wait3A_303 = arith.constant 0 : i32
            %dma_wait3A_304 = arith.constant 0 : i32
            %dma_wait3A_305 = tpu.memref_slice %arg5[%dma_wait3A_303, %dma_wait3A_304] : memref<10000x128xf32, #tpu.memory_space<vmem_shared>> -> memref<10000x128xf32, #tpu.memory_space<vmem_shared>>
            tpu.wait_indirect_dma semaphore(%arg36 : memref<!tpu.dma_semaphore, #tpu.memory_space<semaphore_mem>>) src(%arg20 : memref<80x128xf32, #tpu.memory_space<vmem>>) dst(%dma_wait3A_305 : memref<10000x128xf32, #tpu.memory_space<vmem_shared>>)
          } else {
          }
          %dma_start3A_298 = arith.constant 80 : i32
          %dma_start3A_299 = tpu.memref_slice %arg8[%dma_start3A_298] : memref<160xi32, #tpu.memory_space<vmem>> -> memref<80xi32, #tpu.memory_space<vmem>>
          %dma_start3A_300 = arith.constant 0 : i32
          %dma_start3A_301 = arith.constant 0 : i32
          %dma_start3A_302 = tpu.memref_slice %arg2[%dma_start3A_300, %dma_start3A_301] : memref<20000x128xf32, #tpu.memory_space<hbm>> -> memref<20000x128xf32, #tpu.memory_space<hbm>>
          tpu.enqueue_indirect_dma source(%dma_start3A_302 : memref<20000x128xf32, #tpu.memory_space<hbm>>) target(%arg20 : memref<80x128xf32, #tpu.memory_space<vmem>>) offsets(%dma_start3A_299 : memref<80xi32, #tpu.memory_space<vmem>>) semaphore(%arg32 : memref<!tpu.dma_semaphore, #tpu.memory_space<semaphore_mem>>)
        } else {
        }
        %add3A_280 = arith.constant 8 : i32
        %add3A_281 = arith.addi %add3A_228, %add3A_280 : i32
        %lt3A_282 = arith.constant 125 : i32
        %lt3A_283 = arith.cmpi slt, %add3A_281, %lt3A_282 : i32
        %convert_element_type3A_284 = arith.extui %lt3A_283 : i1 to i32
        %cond3A_285 = arith.constant 0 : i32
        %cond3A_286 = arith.cmpi ne, %convert_element_type3A_284, %cond3A_285 : i32
        scf.if %cond3A_286 {
          %add3A_287 = arith.constant 8 : i32
          %add3A_288 = arith.addi %add3A_228, %add3A_287 : i32
          %add3A_289 = arith.addi %mul3A_2, %add3A_288 : i32
          %dma_start3A_290 = arith.constant 0 : i32
          %dma_start3A_291 = tpu.memref_slice %arg3[%add3A_289, %dma_start3A_290] : memref<4000x160xi32, #tpu.memory_space<hbm>> -> memref<1x160xi32, #tpu.memory_space<hbm>>
          %dma_start3A_292 = tpu.memref_squeeze %dma_start3A_291 : memref<1x160xi32, #tpu.memory_space<hbm>> -> memref<160xi32, #tpu.memory_space<hbm>>
          %dma_start3A_293 = arith.constant 0 : i32
          %dma_start3A_294 = tpu.memref_slice %arg3[%add3A_289, %dma_start3A_293] : memref<4000x160xi32, #tpu.memory_space<hbm>> -> memref<1x160xi32, #tpu.memory_space<hbm>>
          %dma_start3A_295 = tpu.memref_squeeze %dma_start3A_294 : memref<1x160xi32, #tpu.memory_space<hbm>> -> memref<160xi32, #tpu.memory_space<hbm>>
          tpu.enqueue_dma source(%dma_start3A_295 : memref<160xi32, #tpu.memory_space<hbm>>) target(%arg13 : memref<160xi32, #tpu.memory_space<vmem>>) target_semaphore(%arg29 : memref<!tpu.dma_semaphore, #tpu.memory_space<semaphore_mem>>)
        } else {
        }
      } else {
      }
    }
    %scan3A_146 = arith.constant 16 : i32
    %dma_wait3A_147 = arith.constant 0 : i32
    %dma_wait3A_148 = arith.constant 0 : i32
    %dma_wait3A_149 = tpu.memref_slice %arg5[%dma_wait3A_147, %dma_wait3A_148] : memref<10000x128xf32, #tpu.memory_space<vmem_shared>> -> memref<10000x128xf32, #tpu.memory_space<vmem_shared>>
    tpu.wait_indirect_dma semaphore(%arg34 : memref<!tpu.dma_semaphore, #tpu.memory_space<semaphore_mem>>) src(%arg18 : memref<80x128xf32, #tpu.memory_space<vmem>>) dst(%dma_wait3A_149 : memref<10000x128xf32, #tpu.memory_space<vmem_shared>>)
    %dma_wait3A_150 = arith.constant 0 : i32
    %dma_wait3A_151 = arith.constant 0 : i32
    %dma_wait3A_152 = tpu.memref_slice %arg5[%dma_wait3A_150, %dma_wait3A_151] : memref<10000x128xf32, #tpu.memory_space<vmem_shared>> -> memref<10000x128xf32, #tpu.memory_space<vmem_shared>>
    tpu.wait_indirect_dma semaphore(%arg35 : memref<!tpu.dma_semaphore, #tpu.memory_space<semaphore_mem>>) src(%arg19 : memref<80x128xf32, #tpu.memory_space<vmem>>) dst(%dma_wait3A_152 : memref<10000x128xf32, #tpu.memory_space<vmem_shared>>)
    %dma_wait3A_153 = arith.constant 0 : i32
    %dma_wait3A_154 = arith.constant 0 : i32
    %dma_wait3A_155 = tpu.memref_slice %arg5[%dma_wait3A_153, %dma_wait3A_154] : memref<10000x128xf32, #tpu.memory_space<vmem_shared>> -> memref<10000x128xf32, #tpu.memory_space<vmem_shared>>
    tpu.wait_indirect_dma semaphore(%arg36 : memref<!tpu.dma_semaphore, #tpu.memory_space<semaphore_mem>>) src(%arg20 : memref<80x128xf32, #tpu.memory_space<vmem>>) dst(%dma_wait3A_155 : memref<10000x128xf32, #tpu.memory_space<vmem_shared>>)
    %dma_wait3A_156 = arith.constant 0 : i32
    %dma_wait3A_157 = arith.constant 0 : i32
    %dma_wait3A_158 = tpu.memref_slice %arg5[%dma_wait3A_156, %dma_wait3A_157] : memref<10000x128xf32, #tpu.memory_space<vmem_shared>> -> memref<10000x128xf32, #tpu.memory_space<vmem_shared>>
    tpu.wait_indirect_dma semaphore(%arg37 : memref<!tpu.dma_semaphore, #tpu.memory_space<semaphore_mem>>) src(%arg21 : memref<80x128xf32, #tpu.memory_space<vmem>>) dst(%dma_wait3A_158 : memref<10000x128xf32, #tpu.memory_space<vmem_shared>>)
    %barrier3A_159 = arith.constant 0 : index
    tpu.barrier barrier_id(%barrier3A_159)
    %mul3A_160 = arith.constant 624 : i32
    %mul3A_161 = arith.muli %arg1, %mul3A_160 : i32
    %mul3A_162 = arith.constant 624 : i32
    %mul3A_163 = arith.muli %arg1, %mul3A_162 : i32
    "tpu.region"() ({
      %run_scoped3A = tpu.sem_alloc : memref<!tpu.dma_semaphore, #tpu.memory_space<semaphore_mem>>
      %dma_start3A_169 = arith.constant 0 : i32
      %dma_start3A_170 = tpu.memref_slice %arg4[%arg0, %mul3A_163, %dma_start3A_169] : memref<2x10000x128xf32, #tpu.memory_space<hbm>> -> memref<1x624x128xf32, #tpu.memory_space<hbm>>
      %dma_start3A_171 = tpu.memref_squeeze %dma_start3A_170 : memref<1x624x128xf32, #tpu.memory_space<hbm>> -> memref<624x128xf32, #tpu.memory_space<hbm>>
      %dma_start3A_172 = arith.constant 0 : i32
      %dma_start3A_173 = tpu.memref_slice %arg5[%mul3A_161, %dma_start3A_172] : memref<10000x128xf32, #tpu.memory_space<vmem_shared>> -> memref<624x128xf32, #tpu.memory_space<vmem_shared>>
      tpu.enqueue_dma source(%dma_start3A_173 : memref<624x128xf32, #tpu.memory_space<vmem_shared>>) target(%dma_start3A_171 : memref<624x128xf32, #tpu.memory_space<hbm>>) target_semaphore(%run_scoped3A : memref<!tpu.dma_semaphore, #tpu.memory_space<semaphore_mem>>)
      %dma_wait3A_174 = arith.constant 0 : i32
      %dma_wait3A_175 = tpu.memref_slice %arg4[%arg0, %mul3A_163, %dma_wait3A_174] : memref<2x10000x128xf32, #tpu.memory_space<hbm>> -> memref<1x624x128xf32, #tpu.memory_space<hbm>>
      %dma_wait3A_176 = tpu.memref_squeeze %dma_wait3A_175 : memref<1x624x128xf32, #tpu.memory_space<hbm>> -> memref<624x128xf32, #tpu.memory_space<hbm>>
      %dma_wait3A_177 = arith.constant 0 : i32
      %dma_wait3A_178 = tpu.memref_slice %arg5[%mul3A_161, %dma_wait3A_177] : memref<10000x128xf32, #tpu.memory_space<vmem_shared>> -> memref<624x128xf32, #tpu.memory_space<vmem_shared>>
      tpu.wait_dma2 semaphore(%run_scoped3A : memref<!tpu.dma_semaphore, #tpu.memory_space<semaphore_mem>>) src(%dma_wait3A_178 : memref<624x128xf32, #tpu.memory_space<vmem_shared>>) dst(%dma_wait3A_176 : memref<624x128xf32, #tpu.memory_space<hbm>>)
      tpu.yield
    }) : () -> ()
    %eq3A_164 = arith.constant 0 : i32
    %eq3A_165 = arith.cmpi eq, %arg1, %eq3A_164 : i32
    %convert_element_type3A_166 = arith.extui %eq3A_165 : i1 to i32
    %cond3A_167 = arith.constant 0 : i32
    %cond3A_168 = arith.cmpi ne, %convert_element_type3A_166, %cond3A_167 : i32
    scf.if %cond3A_168 {
      "tpu.region"() ({
        %run_scoped3A = tpu.sem_alloc : memref<!tpu.dma_semaphore, #tpu.memory_space<semaphore_mem>>
        %dma_start3A_169 = arith.constant 9984 : i32
        %dma_start3A_170 = arith.constant 0 : i32
        %dma_start3A_171 = tpu.memref_slice %arg4[%arg0, %dma_start3A_169, %dma_start3A_170] : memref<2x10000x128xf32, #tpu.memory_space<hbm>> -> memref<1x16x128xf32, #tpu.memory_space<hbm>>
        %dma_start3A_172 = tpu.memref_squeeze %dma_start3A_171 : memref<1x16x128xf32, #tpu.memory_space<hbm>> -> memref<16x128xf32, #tpu.memory_space<hbm>>
        %dma_start3A_173 = arith.constant 9984 : i32
        %dma_start3A_174 = arith.constant 0 : i32
        %dma_start3A_175 = tpu.memref_slice %arg5[%dma_start3A_173, %dma_start3A_174] : memref<10000x128xf32, #tpu.memory_space<vmem_shared>> -> memref<16x128xf32, #tpu.memory_space<vmem_shared>>
        tpu.enqueue_dma source(%dma_start3A_175 : memref<16x128xf32, #tpu.memory_space<vmem_shared>>) target(%dma_start3A_172 : memref<16x128xf32, #tpu.memory_space<hbm>>) target_semaphore(%run_scoped3A : memref<!tpu.dma_semaphore, #tpu.memory_space<semaphore_mem>>)
        %dma_wait3A_176 = arith.constant 9984 : i32
        %dma_wait3A_177 = arith.constant 0 : i32
        %dma_wait3A_178 = tpu.memref_slice %arg4[%arg0, %dma_wait3A_176, %dma_wait3A_177] : memref<2x10000x128xf32, #tpu.memory_space<hbm>> -> memref<1x16x128xf32, #tpu.memory_space<hbm>>
        %dma_wait3A_179 = tpu.memref_squeeze %dma_wait3A_178 : memref<1x16x128xf32, #tpu.memory_space<hbm>> -> memref<16x128xf32, #tpu.memory_space<hbm>>
        %dma_wait3A_180 = arith.constant 9984 : i32
        %dma_wait3A_181 = arith.constant 0 : i32
        %dma_wait3A_182 = tpu.memref_slice %arg5[%dma_wait3A_180, %dma_wait3A_181] : memref<10000x128xf32, #tpu.memory_space<vmem_shared>> -> memref<16x128xf32, #tpu.memory_space<vmem_shared>>
        tpu.wait_dma2 semaphore(%run_scoped3A : memref<!tpu.dma_semaphore, #tpu.memory_space<semaphore_mem>>) src(%dma_wait3A_182 : memref<16x128xf32, #tpu.memory_space<vmem_shared>>) dst(%dma_wait3A_179 : memref<16x128xf32, #tpu.memory_space<hbm>>)
        tpu.yield
      }) : () -> ()
    } else {
    }
    return
  }
}

#map = affine_map<(d0, d1) -> (0, 0)>
#map1 = affine_map<(d0, d1) -> (0, 0, 0)>
module attributes {stable_mosaic.version = 14 : i64} {
  func.func @_x1_kernel(%arg0: i32, %arg1: i32, %arg2: memref<10000x128xf32, #tpu.memory_space<hbm>>, %arg3: memref<4000x160xi32, #tpu.memory_space<hbm>>, %arg4: memref<2x10000x128xf32, #tpu.memory_space<hbm>>, %arg5: memref<10016x128xf32, #tpu.memory_space<vmem_shared>>, %arg6: memref<160xi32, #tpu.memory_space<vmem>>, %arg7: memref<160xi32, #tpu.memory_space<vmem>>, %arg8: memref<160xi32, #tpu.memory_space<vmem>>, %arg9: memref<160xi32, #tpu.memory_space<vmem>>, %arg10: memref<160xi32, #tpu.memory_space<vmem>>, %arg11: memref<160xi32, #tpu.memory_space<vmem>>, %arg12: memref<160xi32, #tpu.memory_space<vmem>>, %arg13: memref<160xi32, #tpu.memory_space<vmem>>, %arg14: memref<80xi32, #tpu.memory_space<vmem>>, %arg15: memref<80xi32, #tpu.memory_space<vmem>>, %arg16: memref<80xi32, #tpu.memory_space<vmem>>, %arg17: memref<80xi32, #tpu.memory_space<vmem>>, %arg18: memref<80x128xf32, #tpu.memory_space<vmem>>, %arg19: memref<80x128xf32, #tpu.memory_space<vmem>>, %arg20: memref<80x128xf32, #tpu.memory_space<vmem>>, %arg21: memref<80x128xf32, #tpu.memory_space<vmem>>, %arg22: memref<!tpu.dma_semaphore, #tpu.memory_space<semaphore_mem>>, %arg23: memref<!tpu.dma_semaphore, #tpu.memory_space<semaphore_mem>>, %arg24: memref<!tpu.dma_semaphore, #tpu.memory_space<semaphore_mem>>, %arg25: memref<!tpu.dma_semaphore, #tpu.memory_space<semaphore_mem>>, %arg26: memref<!tpu.dma_semaphore, #tpu.memory_space<semaphore_mem>>, %arg27: memref<!tpu.dma_semaphore, #tpu.memory_space<semaphore_mem>>, %arg28: memref<!tpu.dma_semaphore, #tpu.memory_space<semaphore_mem>>, %arg29: memref<!tpu.dma_semaphore, #tpu.memory_space<semaphore_mem>>, %arg30: memref<!tpu.dma_semaphore, #tpu.memory_space<semaphore_mem>>, %arg31: memref<!tpu.dma_semaphore, #tpu.memory_space<semaphore_mem>>, %arg32: memref<!tpu.dma_semaphore, #tpu.memory_space<semaphore_mem>>, %arg33: memref<!tpu.dma_semaphore, #tpu.memory_space<semaphore_mem>>, %arg34: memref<!tpu.dma_semaphore, #tpu.memory_space<semaphore_mem>>, %arg35: memref<!tpu.dma_semaphore, #tpu.memory_space<semaphore_mem>>, %arg36: memref<!tpu.dma_semaphore, #tpu.memory_space<semaphore_mem>>, %arg37: memref<!tpu.dma_semaphore, #tpu.memory_space<semaphore_mem>>) attributes {dimension_semantics = [#tpu.dimension_semantics<core_parallel>, #tpu.dimension_semantics<subcore_parallel>], iteration_bounds = array<i64: 2, 16>, scalar_prefetch = 0 : i64, scratch_operands = 33 : i64, tpu.core_type = #tpu.core_type<sc_vector_subcore>, window_params = [{transform_indices = #map}, {transform_indices = #map}, {transform_indices = #map1}]} {
    %mul3A = arith.constant 250 : i32
    %mul3A_0 = arith.muli %arg1, %mul3A : i32
    %mul3A_1 = arith.constant 10000 : i32
    %mul3A_2 = arith.muli %arg0, %mul3A_1 : i32
    %scan3A = arith.constant 0 : i32
    %scan3A_3 = arith.constant 0 : i32
    %scan3A_4 = arith.constant 80 : i32
    %scan3A_5 = arith.addi %scan3A_3, %scan3A_4 : i32
    %scan3A_6 = arith.constant 1 : i32
    scf.for %scan3A_168 = %scan3A_3 to %scan3A_5 step %scan3A_6  : i32 {
      %broadcast_in_dim3A = arith.constant 0.000000e+00 : f32
      %broadcast_in_dim3A_169 = vector.broadcast %broadcast_in_dim3A : f32 to vector<16xf32>
      %swap3A = arith.index_cast %scan3A_168 : i32 to index
      %swap3A_170 = arith.constant 0 : index
      %swap3A_171 = tpu.vector_load %arg18[%swap3A, %swap3A_170] {strides = array<i32>} : memref<80x128xf32, #tpu.memory_space<vmem>>, vector<1x16xf32>,
      %swap3A_172 = vector.shape_cast %swap3A_171 : vector<1x16xf32> to vector<16xf32>
      %swap3A_173 = vector.shape_cast %broadcast_in_dim3A_169 : vector<16xf32> to vector<1x16xf32>
      tpu.vector_store %arg18[%swap3A, %swap3A_170], %swap3A_173 {strides = array<i32>} : memref<80x128xf32, #tpu.memory_space<vmem>>, vector<1x16xf32>,
      %broadcast_in_dim3A_174 = arith.constant 0.000000e+00 : f32
      %broadcast_in_dim3A_175 = vector.broadcast %broadcast_in_dim3A_174 : f32 to vector<16xf32>
      %swap3A_176 = arith.index_cast %scan3A_168 : i32 to index
      %swap3A_177 = arith.constant 16 : index
      %swap3A_178 = tpu.vector_load %arg18[%swap3A_176, %swap3A_177] {strides = array<i32>} : memref<80x128xf32, #tpu.memory_space<vmem>>, vector<1x16xf32>,
      %swap3A_179 = vector.shape_cast %swap3A_178 : vector<1x16xf32> to vector<16xf32>
      %swap3A_180 = vector.shape_cast %broadcast_in_dim3A_175 : vector<16xf32> to vector<1x16xf32>
      tpu.vector_store %arg18[%swap3A_176, %swap3A_177], %swap3A_180 {strides = array<i32>} : memref<80x128xf32, #tpu.memory_space<vmem>>, vector<1x16xf32>,
      %broadcast_in_dim3A_181 = arith.constant 0.000000e+00 : f32
      %broadcast_in_dim3A_182 = vector.broadcast %broadcast_in_dim3A_181 : f32 to vector<16xf32>
      %swap3A_183 = arith.index_cast %scan3A_168 : i32 to index
      %swap3A_184 = arith.constant 32 : index
      %swap3A_185 = tpu.vector_load %arg18[%swap3A_183, %swap3A_184] {strides = array<i32>} : memref<80x128xf32, #tpu.memory_space<vmem>>, vector<1x16xf32>,
      %swap3A_186 = vector.shape_cast %swap3A_185 : vector<1x16xf32> to vector<16xf32>
      %swap3A_187 = vector.shape_cast %broadcast_in_dim3A_182 : vector<16xf32> to vector<1x16xf32>
      tpu.vector_store %arg18[%swap3A_183, %swap3A_184], %swap3A_187 {strides = array<i32>} : memref<80x128xf32, #tpu.memory_space<vmem>>, vector<1x16xf32>,
      %broadcast_in_dim3A_188 = arith.constant 0.000000e+00 : f32
      %broadcast_in_dim3A_189 = vector.broadcast %broadcast_in_dim3A_188 : f32 to vector<16xf32>
      %swap3A_190 = arith.index_cast %scan3A_168 : i32 to index
      %swap3A_191 = arith.constant 48 : index
      %swap3A_192 = tpu.vector_load %arg18[%swap3A_190, %swap3A_191] {strides = array<i32>} : memref<80x128xf32, #tpu.memory_space<vmem>>, vector<1x16xf32>,
      %swap3A_193 = vector.shape_cast %swap3A_192 : vector<1x16xf32> to vector<16xf32>
      %swap3A_194 = vector.shape_cast %broadcast_in_dim3A_189 : vector<16xf32> to vector<1x16xf32>
      tpu.vector_store %arg18[%swap3A_190, %swap3A_191], %swap3A_194 {strides = array<i32>} : memref<80x128xf32, #tpu.memory_space<vmem>>, vector<1x16xf32>,
      %broadcast_in_dim3A_195 = arith.constant 0.000000e+00 : f32
      %broadcast_in_dim3A_196 = vector.broadcast %broadcast_in_dim3A_195 : f32 to vector<16xf32>
      %swap3A_197 = arith.index_cast %scan3A_168 : i32 to index
      %swap3A_198 = arith.constant 64 : index
      %swap3A_199 = tpu.vector_load %arg18[%swap3A_197, %swap3A_198] {strides = array<i32>} : memref<80x128xf32, #tpu.memory_space<vmem>>, vector<1x16xf32>,
      %swap3A_200 = vector.shape_cast %swap3A_199 : vector<1x16xf32> to vector<16xf32>
      %swap3A_201 = vector.shape_cast %broadcast_in_dim3A_196 : vector<16xf32> to vector<1x16xf32>
      tpu.vector_store %arg18[%swap3A_197, %swap3A_198], %swap3A_201 {strides = array<i32>} : memref<80x128xf32, #tpu.memory_space<vmem>>, vector<1x16xf32>,
      %broadcast_in_dim3A_202 = arith.constant 0.000000e+00 : f32
      %broadcast_in_dim3A_203 = vector.broadcast %broadcast_in_dim3A_202 : f32 to vector<16xf32>
      %swap3A_204 = arith.index_cast %scan3A_168 : i32 to index
      %swap3A_205 = arith.constant 80 : index
      %swap3A_206 = tpu.vector_load %arg18[%swap3A_204, %swap3A_205] {strides = array<i32>} : memref<80x128xf32, #tpu.memory_space<vmem>>, vector<1x16xf32>,
      %swap3A_207 = vector.shape_cast %swap3A_206 : vector<1x16xf32> to vector<16xf32>
      %swap3A_208 = vector.shape_cast %broadcast_in_dim3A_203 : vector<16xf32> to vector<1x16xf32>
      tpu.vector_store %arg18[%swap3A_204, %swap3A_205], %swap3A_208 {strides = array<i32>} : memref<80x128xf32, #tpu.memory_space<vmem>>, vector<1x16xf32>,
      %broadcast_in_dim3A_209 = arith.constant 0.000000e+00 : f32
      %broadcast_in_dim3A_210 = vector.broadcast %broadcast_in_dim3A_209 : f32 to vector<16xf32>
      %swap3A_211 = arith.index_cast %scan3A_168 : i32 to index
      %swap3A_212 = arith.constant 96 : index
      %swap3A_213 = tpu.vector_load %arg18[%swap3A_211, %swap3A_212] {strides = array<i32>} : memref<80x128xf32, #tpu.memory_space<vmem>>, vector<1x16xf32>,
      %swap3A_214 = vector.shape_cast %swap3A_213 : vector<1x16xf32> to vector<16xf32>
      %swap3A_215 = vector.shape_cast %broadcast_in_dim3A_210 : vector<16xf32> to vector<1x16xf32>
      tpu.vector_store %arg18[%swap3A_211, %swap3A_212], %swap3A_215 {strides = array<i32>} : memref<80x128xf32, #tpu.memory_space<vmem>>, vector<1x16xf32>,
      %broadcast_in_dim3A_216 = arith.constant 0.000000e+00 : f32
      %broadcast_in_dim3A_217 = vector.broadcast %broadcast_in_dim3A_216 : f32 to vector<16xf32>
      %swap3A_218 = arith.index_cast %scan3A_168 : i32 to index
      %swap3A_219 = arith.constant 112 : index
      %swap3A_220 = tpu.vector_load %arg18[%swap3A_218, %swap3A_219] {strides = array<i32>} : memref<80x128xf32, #tpu.memory_space<vmem>>, vector<1x16xf32>,
      %swap3A_221 = vector.shape_cast %swap3A_220 : vector<1x16xf32> to vector<16xf32>
      %swap3A_222 = vector.shape_cast %broadcast_in_dim3A_217 : vector<16xf32> to vector<1x16xf32>
      tpu.vector_store %arg18[%swap3A_218, %swap3A_219], %swap3A_222 {strides = array<i32>} : memref<80x128xf32, #tpu.memory_space<vmem>>, vector<1x16xf32>,
    }
    %scan3A_7 = arith.constant 80 : i32
    %mul3A_8 = arith.constant 624 : i32
    %mul3A_9 = arith.muli %arg1, %mul3A_8 : i32
    %add3A = arith.constant 0 : i32
    %add3A_10 = arith.addi %mul3A_9, %add3A : i32
    "tpu.region"() ({
      %run_scoped3A = tpu.sem_alloc : memref<!tpu.dma_semaphore, #tpu.memory_space<semaphore_mem>>
      %dma_start3A_168 = arith.constant 0 : i32
      %dma_start3A_169 = tpu.memref_slice %arg5[%add3A_10, %dma_start3A_168] : memref<10016x128xf32, #tpu.memory_space<vmem_shared>> -> memref<80x128xf32, #tpu.memory_space<vmem_shared>>
      %dma_start3A_170 = arith.constant 0 : i32
      %dma_start3A_171 = tpu.memref_slice %arg5[%add3A_10, %dma_start3A_170] : memref<10016x128xf32, #tpu.memory_space<vmem_shared>> -> memref<80x128xf32, #tpu.memory_space<vmem_shared>>
      tpu.enqueue_dma source(%arg18 : memref<80x128xf32, #tpu.memory_space<vmem>>) target(%dma_start3A_171 : memref<80x128xf32, #tpu.memory_space<vmem_shared>>) target_semaphore(%run_scoped3A : memref<!tpu.dma_semaphore, #tpu.memory_space<semaphore_mem>>)
      %dma_wait3A_172 = arith.constant 0 : i32
      %dma_wait3A_173 = tpu.memref_slice %arg5[%add3A_10, %dma_wait3A_172] : memref<10016x128xf32, #tpu.memory_space<vmem_shared>> -> memref<80x128xf32, #tpu.memory_space<vmem_shared>>
      %dma_wait3A_174 = arith.constant 0 : i32
      %dma_wait3A_175 = tpu.memref_slice %arg5[%add3A_10, %dma_wait3A_174] : memref<10016x128xf32, #tpu.memory_space<vmem_shared>> -> memref<80x128xf32, #tpu.memory_space<vmem_shared>>
      tpu.wait_dma2 semaphore(%run_scoped3A : memref<!tpu.dma_semaphore, #tpu.memory_space<semaphore_mem>>) src(%arg18 : memref<80x128xf32, #tpu.memory_space<vmem>>) dst(%dma_wait3A_175 : memref<80x128xf32, #tpu.memory_space<vmem_shared>>)
      tpu.yield
    }) : () -> ()
    %mul3A_11 = arith.constant 624 : i32
    %mul3A_12 = arith.muli %arg1, %mul3A_11 : i32
    %add3A_13 = arith.constant 80 : i32
    %add3A_14 = arith.addi %mul3A_12, %add3A_13 : i32
    "tpu.region"() ({
      %run_scoped3A = tpu.sem_alloc : memref<!tpu.dma_semaphore, #tpu.memory_space<semaphore_mem>>
      %dma_start3A_168 = arith.constant 0 : i32
      %dma_start3A_169 = tpu.memref_slice %arg5[%add3A_14, %dma_start3A_168] : memref<10016x128xf32, #tpu.memory_space<vmem_shared>> -> memref<80x128xf32, #tpu.memory_space<vmem_shared>>
      %dma_start3A_170 = arith.constant 0 : i32
      %dma_start3A_171 = tpu.memref_slice %arg5[%add3A_14, %dma_start3A_170] : memref<10016x128xf32, #tpu.memory_space<vmem_shared>> -> memref<80x128xf32, #tpu.memory_space<vmem_shared>>
      tpu.enqueue_dma source(%arg18 : memref<80x128xf32, #tpu.memory_space<vmem>>) target(%dma_start3A_171 : memref<80x128xf32, #tpu.memory_space<vmem_shared>>) target_semaphore(%run_scoped3A : memref<!tpu.dma_semaphore, #tpu.memory_space<semaphore_mem>>)
      %dma_wait3A_172 = arith.constant 0 : i32
      %dma_wait3A_173 = tpu.memref_slice %arg5[%add3A_14, %dma_wait3A_172] : memref<10016x128xf32, #tpu.memory_space<vmem_shared>> -> memref<80x128xf32, #tpu.memory_space<vmem_shared>>
      %dma_wait3A_174 = arith.constant 0 : i32
      %dma_wait3A_175 = tpu.memref_slice %arg5[%add3A_14, %dma_wait3A_174] : memref<10016x128xf32, #tpu.memory_space<vmem_shared>> -> memref<80x128xf32, #tpu.memory_space<vmem_shared>>
      tpu.wait_dma2 semaphore(%run_scoped3A : memref<!tpu.dma_semaphore, #tpu.memory_space<semaphore_mem>>) src(%arg18 : memref<80x128xf32, #tpu.memory_space<vmem>>) dst(%dma_wait3A_175 : memref<80x128xf32, #tpu.memory_space<vmem_shared>>)
      tpu.yield
    }) : () -> ()
    %mul3A_15 = arith.constant 624 : i32
    %mul3A_16 = arith.muli %arg1, %mul3A_15 : i32
    %add3A_17 = arith.constant 160 : i32
    %add3A_18 = arith.addi %mul3A_16, %add3A_17 : i32
    "tpu.region"() ({
      %run_scoped3A = tpu.sem_alloc : memref<!tpu.dma_semaphore, #tpu.memory_space<semaphore_mem>>
      %dma_start3A_168 = arith.constant 0 : i32
      %dma_start3A_169 = tpu.memref_slice %arg5[%add3A_18, %dma_start3A_168] : memref<10016x128xf32, #tpu.memory_space<vmem_shared>> -> memref<80x128xf32, #tpu.memory_space<vmem_shared>>
      %dma_start3A_170 = arith.constant 0 : i32
      %dma_start3A_171 = tpu.memref_slice %arg5[%add3A_18, %dma_start3A_170] : memref<10016x128xf32, #tpu.memory_space<vmem_shared>> -> memref<80x128xf32, #tpu.memory_space<vmem_shared>>
      tpu.enqueue_dma source(%arg18 : memref<80x128xf32, #tpu.memory_space<vmem>>) target(%dma_start3A_171 : memref<80x128xf32, #tpu.memory_space<vmem_shared>>) target_semaphore(%run_scoped3A : memref<!tpu.dma_semaphore, #tpu.memory_space<semaphore_mem>>)
      %dma_wait3A_172 = arith.constant 0 : i32
      %dma_wait3A_173 = tpu.memref_slice %arg5[%add3A_18, %dma_wait3A_172] : memref<10016x128xf32, #tpu.memory_space<vmem_shared>> -> memref<80x128xf32, #tpu.memory_space<vmem_shared>>
      %dma_wait3A_174 = arith.constant 0 : i32
      %dma_wait3A_175 = tpu.memref_slice %arg5[%add3A_18, %dma_wait3A_174] : memref<10016x128xf32, #tpu.memory_space<vmem_shared>> -> memref<80x128xf32, #tpu.memory_space<vmem_shared>>
      tpu.wait_dma2 semaphore(%run_scoped3A : memref<!tpu.dma_semaphore, #tpu.memory_space<semaphore_mem>>) src(%arg18 : memref<80x128xf32, #tpu.memory_space<vmem>>) dst(%dma_wait3A_175 : memref<80x128xf32, #tpu.memory_space<vmem_shared>>)
      tpu.yield
    }) : () -> ()
    %mul3A_19 = arith.constant 624 : i32
    %mul3A_20 = arith.muli %arg1, %mul3A_19 : i32
    %add3A_21 = arith.constant 240 : i32
    %add3A_22 = arith.addi %mul3A_20, %add3A_21 : i32
    "tpu.region"() ({
      %run_scoped3A = tpu.sem_alloc : memref<!tpu.dma_semaphore, #tpu.memory_space<semaphore_mem>>
      %dma_start3A_168 = arith.constant 0 : i32
      %dma_start3A_169 = tpu.memref_slice %arg5[%add3A_22, %dma_start3A_168] : memref<10016x128xf32, #tpu.memory_space<vmem_shared>> -> memref<80x128xf32, #tpu.memory_space<vmem_shared>>
      %dma_start3A_170 = arith.constant 0 : i32
      %dma_start3A_171 = tpu.memref_slice %arg5[%add3A_22, %dma_start3A_170] : memref<10016x128xf32, #tpu.memory_space<vmem_shared>> -> memref<80x128xf32, #tpu.memory_space<vmem_shared>>
      tpu.enqueue_dma source(%arg18 : memref<80x128xf32, #tpu.memory_space<vmem>>) target(%dma_start3A_171 : memref<80x128xf32, #tpu.memory_space<vmem_shared>>) target_semaphore(%run_scoped3A : memref<!tpu.dma_semaphore, #tpu.memory_space<semaphore_mem>>)
      %dma_wait3A_172 = arith.constant 0 : i32
      %dma_wait3A_173 = tpu.memref_slice %arg5[%add3A_22, %dma_wait3A_172] : memref<10016x128xf32, #tpu.memory_space<vmem_shared>> -> memref<80x128xf32, #tpu.memory_space<vmem_shared>>
      %dma_wait3A_174 = arith.constant 0 : i32
      %dma_wait3A_175 = tpu.memref_slice %arg5[%add3A_22, %dma_wait3A_174] : memref<10016x128xf32, #tpu.memory_space<vmem_shared>> -> memref<80x128xf32, #tpu.memory_space<vmem_shared>>
      tpu.wait_dma2 semaphore(%run_scoped3A : memref<!tpu.dma_semaphore, #tpu.memory_space<semaphore_mem>>) src(%arg18 : memref<80x128xf32, #tpu.memory_space<vmem>>) dst(%dma_wait3A_175 : memref<80x128xf32, #tpu.memory_space<vmem_shared>>)
      tpu.yield
    }) : () -> ()
    %mul3A_23 = arith.constant 624 : i32
    %mul3A_24 = arith.muli %arg1, %mul3A_23 : i32
    %add3A_25 = arith.constant 320 : i32
    %add3A_26 = arith.addi %mul3A_24, %add3A_25 : i32
    "tpu.region"() ({
      %run_scoped3A = tpu.sem_alloc : memref<!tpu.dma_semaphore, #tpu.memory_space<semaphore_mem>>
      %dma_start3A_168 = arith.constant 0 : i32
      %dma_start3A_169 = tpu.memref_slice %arg5[%add3A_26, %dma_start3A_168] : memref<10016x128xf32, #tpu.memory_space<vmem_shared>> -> memref<80x128xf32, #tpu.memory_space<vmem_shared>>
      %dma_start3A_170 = arith.constant 0 : i32
      %dma_start3A_171 = tpu.memref_slice %arg5[%add3A_26, %dma_start3A_170] : memref<10016x128xf32, #tpu.memory_space<vmem_shared>> -> memref<80x128xf32, #tpu.memory_space<vmem_shared>>
      tpu.enqueue_dma source(%arg18 : memref<80x128xf32, #tpu.memory_space<vmem>>) target(%dma_start3A_171 : memref<80x128xf32, #tpu.memory_space<vmem_shared>>) target_semaphore(%run_scoped3A : memref<!tpu.dma_semaphore, #tpu.memory_space<semaphore_mem>>)
      %dma_wait3A_172 = arith.constant 0 : i32
      %dma_wait3A_173 = tpu.memref_slice %arg5[%add3A_26, %dma_wait3A_172] : memref<10016x128xf32, #tpu.memory_space<vmem_shared>> -> memref<80x128xf32, #tpu.memory_space<vmem_shared>>
      %dma_wait3A_174 = arith.constant 0 : i32
      %dma_wait3A_175 = tpu.memref_slice %arg5[%add3A_26, %dma_wait3A_174] : memref<10016x128xf32, #tpu.memory_space<vmem_shared>> -> memref<80x128xf32, #tpu.memory_space<vmem_shared>>
      tpu.wait_dma2 semaphore(%run_scoped3A : memref<!tpu.dma_semaphore, #tpu.memory_space<semaphore_mem>>) src(%arg18 : memref<80x128xf32, #tpu.memory_space<vmem>>) dst(%dma_wait3A_175 : memref<80x128xf32, #tpu.memory_space<vmem_shared>>)
      tpu.yield
    }) : () -> ()
    %mul3A_27 = arith.constant 624 : i32
    %mul3A_28 = arith.muli %arg1, %mul3A_27 : i32
    %add3A_29 = arith.constant 400 : i32
    %add3A_30 = arith.addi %mul3A_28, %add3A_29 : i32
    "tpu.region"() ({
      %run_scoped3A = tpu.sem_alloc : memref<!tpu.dma_semaphore, #tpu.memory_space<semaphore_mem>>
      %dma_start3A_168 = arith.constant 0 : i32
      %dma_start3A_169 = tpu.memref_slice %arg5[%add3A_30, %dma_start3A_168] : memref<10016x128xf32, #tpu.memory_space<vmem_shared>> -> memref<80x128xf32, #tpu.memory_space<vmem_shared>>
      %dma_start3A_170 = arith.constant 0 : i32
      %dma_start3A_171 = tpu.memref_slice %arg5[%add3A_30, %dma_start3A_170] : memref<10016x128xf32, #tpu.memory_space<vmem_shared>> -> memref<80x128xf32, #tpu.memory_space<vmem_shared>>
      tpu.enqueue_dma source(%arg18 : memref<80x128xf32, #tpu.memory_space<vmem>>) target(%dma_start3A_171 : memref<80x128xf32, #tpu.memory_space<vmem_shared>>) target_semaphore(%run_scoped3A : memref<!tpu.dma_semaphore, #tpu.memory_space<semaphore_mem>>)
      %dma_wait3A_172 = arith.constant 0 : i32
      %dma_wait3A_173 = tpu.memref_slice %arg5[%add3A_30, %dma_wait3A_172] : memref<10016x128xf32, #tpu.memory_space<vmem_shared>> -> memref<80x128xf32, #tpu.memory_space<vmem_shared>>
      %dma_wait3A_174 = arith.constant 0 : i32
      %dma_wait3A_175 = tpu.memref_slice %arg5[%add3A_30, %dma_wait3A_174] : memref<10016x128xf32, #tpu.memory_space<vmem_shared>> -> memref<80x128xf32, #tpu.memory_space<vmem_shared>>
      tpu.wait_dma2 semaphore(%run_scoped3A : memref<!tpu.dma_semaphore, #tpu.memory_space<semaphore_mem>>) src(%arg18 : memref<80x128xf32, #tpu.memory_space<vmem>>) dst(%dma_wait3A_175 : memref<80x128xf32, #tpu.memory_space<vmem_shared>>)
      tpu.yield
    }) : () -> ()
    %mul3A_31 = arith.constant 624 : i32
    %mul3A_32 = arith.muli %arg1, %mul3A_31 : i32
    %add3A_33 = arith.constant 480 : i32
    %add3A_34 = arith.addi %mul3A_32, %add3A_33 : i32
    "tpu.region"() ({
      %run_scoped3A = tpu.sem_alloc : memref<!tpu.dma_semaphore, #tpu.memory_space<semaphore_mem>>
      %dma_start3A_168 = arith.constant 0 : i32
      %dma_start3A_169 = tpu.memref_slice %arg5[%add3A_34, %dma_start3A_168] : memref<10016x128xf32, #tpu.memory_space<vmem_shared>> -> memref<80x128xf32, #tpu.memory_space<vmem_shared>>
      %dma_start3A_170 = arith.constant 0 : i32
      %dma_start3A_171 = tpu.memref_slice %arg5[%add3A_34, %dma_start3A_170] : memref<10016x128xf32, #tpu.memory_space<vmem_shared>> -> memref<80x128xf32, #tpu.memory_space<vmem_shared>>
      tpu.enqueue_dma source(%arg18 : memref<80x128xf32, #tpu.memory_space<vmem>>) target(%dma_start3A_171 : memref<80x128xf32, #tpu.memory_space<vmem_shared>>) target_semaphore(%run_scoped3A : memref<!tpu.dma_semaphore, #tpu.memory_space<semaphore_mem>>)
      %dma_wait3A_172 = arith.constant 0 : i32
      %dma_wait3A_173 = tpu.memref_slice %arg5[%add3A_34, %dma_wait3A_172] : memref<10016x128xf32, #tpu.memory_space<vmem_shared>> -> memref<80x128xf32, #tpu.memory_space<vmem_shared>>
      %dma_wait3A_174 = arith.constant 0 : i32
      %dma_wait3A_175 = tpu.memref_slice %arg5[%add3A_34, %dma_wait3A_174] : memref<10016x128xf32, #tpu.memory_space<vmem_shared>> -> memref<80x128xf32, #tpu.memory_space<vmem_shared>>
      tpu.wait_dma2 semaphore(%run_scoped3A : memref<!tpu.dma_semaphore, #tpu.memory_space<semaphore_mem>>) src(%arg18 : memref<80x128xf32, #tpu.memory_space<vmem>>) dst(%dma_wait3A_175 : memref<80x128xf32, #tpu.memory_space<vmem_shared>>)
      tpu.yield
    }) : () -> ()
    %mul3A_35 = arith.constant 624 : i32
    %mul3A_36 = arith.muli %arg1, %mul3A_35 : i32
    %add3A_37 = arith.constant 624 : i32
    %add3A_38 = arith.addi %mul3A_36, %add3A_37 : i32
    %sub3A = arith.constant 64 : i32
    %sub3A_39 = arith.subi %add3A_38, %sub3A : i32
    "tpu.region"() ({
      %run_scoped3A = tpu.sem_alloc : memref<!tpu.dma_semaphore, #tpu.memory_space<semaphore_mem>>
      %dma_start3A_168 = arith.constant 0 : i32
      %dma_start3A_169 = arith.constant 0 : i32
      %dma_start3A_170 = tpu.memref_slice %arg18[%dma_start3A_168, %dma_start3A_169] : memref<80x128xf32, #tpu.memory_space<vmem>> -> memref<64x128xf32, #tpu.memory_space<vmem>>
      %dma_start3A_171 = arith.constant 0 : i32
      %dma_start3A_172 = tpu.memref_slice %arg5[%sub3A_39, %dma_start3A_171] : memref<10016x128xf32, #tpu.memory_space<vmem_shared>> -> memref<64x128xf32, #tpu.memory_space<vmem_shared>>
      %dma_start3A_173 = arith.constant 0 : i32
      %dma_start3A_174 = tpu.memref_slice %arg5[%sub3A_39, %dma_start3A_173] : memref<10016x128xf32, #tpu.memory_space<vmem_shared>> -> memref<64x128xf32, #tpu.memory_space<vmem_shared>>
      %dma_start3A_175 = arith.constant 0 : i32
      %dma_start3A_176 = arith.constant 0 : i32
      %dma_start3A_177 = tpu.memref_slice %arg18[%dma_start3A_175, %dma_start3A_176] : memref<80x128xf32, #tpu.memory_space<vmem>> -> memref<64x128xf32, #tpu.memory_space<vmem>>
      tpu.enqueue_dma source(%dma_start3A_177 : memref<64x128xf32, #tpu.memory_space<vmem>>) target(%dma_start3A_174 : memref<64x128xf32, #tpu.memory_space<vmem_shared>>) target_semaphore(%run_scoped3A : memref<!tpu.dma_semaphore, #tpu.memory_space<semaphore_mem>>)
      %dma_wait3A_178 = arith.constant 0 : i32
      %dma_wait3A_179 = arith.constant 0 : i32
      %dma_wait3A_180 = tpu.memref_slice %arg18[%dma_wait3A_178, %dma_wait3A_179] : memref<80x128xf32, #tpu.memory_space<vmem>> -> memref<64x128xf32, #tpu.memory_space<vmem>>
      %dma_wait3A_181 = arith.constant 0 : i32
      %dma_wait3A_182 = tpu.memref_slice %arg5[%sub3A_39, %dma_wait3A_181] : memref<10016x128xf32, #tpu.memory_space<vmem_shared>> -> memref<64x128xf32, #tpu.memory_space<vmem_shared>>
      %dma_wait3A_183 = arith.constant 0 : i32
      %dma_wait3A_184 = tpu.memref_slice %arg5[%sub3A_39, %dma_wait3A_183] : memref<10016x128xf32, #tpu.memory_space<vmem_shared>> -> memref<64x128xf32, #tpu.memory_space<vmem_shared>>
      %dma_wait3A_185 = arith.constant 0 : i32
      %dma_wait3A_186 = arith.constant 0 : i32
      %dma_wait3A_187 = tpu.memref_slice %arg18[%dma_wait3A_185, %dma_wait3A_186] : memref<80x128xf32, #tpu.memory_space<vmem>> -> memref<64x128xf32, #tpu.memory_space<vmem>>
      tpu.wait_dma2 semaphore(%run_scoped3A : memref<!tpu.dma_semaphore, #tpu.memory_space<semaphore_mem>>) src(%dma_wait3A_187 : memref<64x128xf32, #tpu.memory_space<vmem>>) dst(%dma_wait3A_184 : memref<64x128xf32, #tpu.memory_space<vmem_shared>>)
      tpu.yield
    }) : () -> ()
    %eq3A = arith.constant 0 : i32
    %eq3A_40 = arith.cmpi eq, %arg1, %eq3A : i32
    %convert_element_type3A = arith.extui %eq3A_40 : i1 to i32
    %cond3A = arith.constant 0 : i32
    %cond3A_41 = arith.cmpi ne, %convert_element_type3A, %cond3A : i32
    scf.if %cond3A_41 {
      "tpu.region"() ({
        %run_scoped3A = tpu.sem_alloc : memref<!tpu.dma_semaphore, #tpu.memory_space<semaphore_mem>>
        %dma_start3A_168 = arith.constant 0 : i32
        %dma_start3A_169 = arith.constant 0 : i32
        %dma_start3A_170 = tpu.memref_slice %arg18[%dma_start3A_168, %dma_start3A_169] : memref<80x128xf32, #tpu.memory_space<vmem>> -> memref<16x128xf32, #tpu.memory_space<vmem>>
        %dma_start3A_171 = arith.constant 9984 : i32
        %dma_start3A_172 = arith.constant 0 : i32
        %dma_start3A_173 = tpu.memref_slice %arg5[%dma_start3A_171, %dma_start3A_172] : memref<10016x128xf32, #tpu.memory_space<vmem_shared>> -> memref<16x128xf32, #tpu.memory_space<vmem_shared>>
        %dma_start3A_174 = arith.constant 9984 : i32
        %dma_start3A_175 = arith.constant 0 : i32
        %dma_start3A_176 = tpu.memref_slice %arg5[%dma_start3A_174, %dma_start3A_175] : memref<10016x128xf32, #tpu.memory_space<vmem_shared>> -> memref<16x128xf32, #tpu.memory_space<vmem_shared>>
        %dma_start3A_177 = arith.constant 0 : i32
        %dma_start3A_178 = arith.constant 0 : i32
        %dma_start3A_179 = tpu.memref_slice %arg18[%dma_start3A_177, %dma_start3A_178] : memref<80x128xf32, #tpu.memory_space<vmem>> -> memref<16x128xf32, #tpu.memory_space<vmem>>
        tpu.enqueue_dma source(%dma_start3A_179 : memref<16x128xf32, #tpu.memory_space<vmem>>) target(%dma_start3A_176 : memref<16x128xf32, #tpu.memory_space<vmem_shared>>) target_semaphore(%run_scoped3A : memref<!tpu.dma_semaphore, #tpu.memory_space<semaphore_mem>>)
        %dma_wait3A_180 = arith.constant 0 : i32
        %dma_wait3A_181 = arith.constant 0 : i32
        %dma_wait3A_182 = tpu.memref_slice %arg18[%dma_wait3A_180, %dma_wait3A_181] : memref<80x128xf32, #tpu.memory_space<vmem>> -> memref<16x128xf32, #tpu.memory_space<vmem>>
        %dma_wait3A_183 = arith.constant 9984 : i32
        %dma_wait3A_184 = arith.constant 0 : i32
        %dma_wait3A_185 = tpu.memref_slice %arg5[%dma_wait3A_183, %dma_wait3A_184] : memref<10016x128xf32, #tpu.memory_space<vmem_shared>> -> memref<16x128xf32, #tpu.memory_space<vmem_shared>>
        %dma_wait3A_186 = arith.constant 9984 : i32
        %dma_wait3A_187 = arith.constant 0 : i32
        %dma_wait3A_188 = tpu.memref_slice %arg5[%dma_wait3A_186, %dma_wait3A_187] : memref<10016x128xf32, #tpu.memory_space<vmem_shared>> -> memref<16x128xf32, #tpu.memory_space<vmem_shared>>
        %dma_wait3A_189 = arith.constant 0 : i32
        %dma_wait3A_190 = arith.constant 0 : i32
        %dma_wait3A_191 = tpu.memref_slice %arg18[%dma_wait3A_189, %dma_wait3A_190] : memref<80x128xf32, #tpu.memory_space<vmem>> -> memref<16x128xf32, #tpu.memory_space<vmem>>
        tpu.wait_dma2 semaphore(%run_scoped3A : memref<!tpu.dma_semaphore, #tpu.memory_space<semaphore_mem>>) src(%dma_wait3A_191 : memref<16x128xf32, #tpu.memory_space<vmem>>) dst(%dma_wait3A_188 : memref<16x128xf32, #tpu.memory_space<vmem_shared>>)
        tpu.yield
      }) : () -> ()
    } else {
    }
    %barrier3A = arith.constant 0 : index
    tpu.barrier barrier_id(%barrier3A)
    %add3A_42 = arith.constant 0 : i32
    %add3A_43 = arith.addi %mul3A_0, %add3A_42 : i32
    %dma_start3A = arith.constant 0 : i32
    %dma_start3A_44 = tpu.memref_slice %arg3[%add3A_43, %dma_start3A] : memref<4000x160xi32, #tpu.memory_space<hbm>> -> memref<1x160xi32, #tpu.memory_space<hbm>>
    %dma_start3A_45 = tpu.memref_squeeze %dma_start3A_44 : memref<1x160xi32, #tpu.memory_space<hbm>> -> memref<160xi32, #tpu.memory_space<hbm>>
    %dma_start3A_46 = arith.constant 0 : i32
    %dma_start3A_47 = tpu.memref_slice %arg3[%add3A_43, %dma_start3A_46] : memref<4000x160xi32, #tpu.memory_space<hbm>> -> memref<1x160xi32, #tpu.memory_space<hbm>>
    %dma_start3A_48 = tpu.memref_squeeze %dma_start3A_47 : memref<1x160xi32, #tpu.memory_space<hbm>> -> memref<160xi32, #tpu.memory_space<hbm>>
    tpu.enqueue_dma source(%dma_start3A_48 : memref<160xi32, #tpu.memory_space<hbm>>) target(%arg6 : memref<160xi32, #tpu.memory_space<vmem>>) target_semaphore(%arg22 : memref<!tpu.dma_semaphore, #tpu.memory_space<semaphore_mem>>)
    %dma_wait3A = arith.constant 0 : i32
    %dma_wait3A_49 = arith.constant 0 : i32
    %dma_wait3A_50 = tpu.memref_slice %arg3[%dma_wait3A, %dma_wait3A_49] : memref<4000x160xi32, #tpu.memory_space<hbm>> -> memref<1x160xi32, #tpu.memory_space<hbm>>
    %dma_wait3A_51 = tpu.memref_squeeze %dma_wait3A_50 : memref<1x160xi32, #tpu.memory_space<hbm>> -> memref<160xi32, #tpu.memory_space<hbm>>
    %dma_wait3A_52 = arith.constant 0 : i32
    %dma_wait3A_53 = tpu.memref_slice %arg3[%dma_wait3A, %dma_wait3A_52] : memref<4000x160xi32, #tpu.memory_space<hbm>> -> memref<1x160xi32, #tpu.memory_space<hbm>>
    %dma_wait3A_54 = tpu.memref_squeeze %dma_wait3A_53 : memref<1x160xi32, #tpu.memory_space<hbm>> -> memref<160xi32, #tpu.memory_space<hbm>>
    tpu.wait_dma2 semaphore(%arg22 : memref<!tpu.dma_semaphore, #tpu.memory_space<semaphore_mem>>) src(%dma_wait3A_54 : memref<160xi32, #tpu.memory_space<hbm>>) dst(%arg6 : memref<160xi32, #tpu.memory_space<vmem>>)
    %dma_start3A_55 = arith.constant 0 : i32
    %dma_start3A_56 = tpu.memref_slice %arg6[%dma_start3A_55] : memref<160xi32, #tpu.memory_space<vmem>> -> memref<80xi32, #tpu.memory_space<vmem>>
    %dma_start3A_57 = arith.constant 0 : i32
    %dma_start3A_58 = arith.constant 0 : i32
    %dma_start3A_59 = tpu.memref_slice %arg2[%dma_start3A_57, %dma_start3A_58] : memref<10000x128xf32, #tpu.memory_space<hbm>> -> memref<10000x128xf32, #tpu.memory_space<hbm>>
    tpu.enqueue_indirect_dma source(%dma_start3A_59 : memref<10000x128xf32, #tpu.memory_space<hbm>>) target(%arg18 : memref<80x128xf32, #tpu.memory_space<vmem>>) offsets(%dma_start3A_56 : memref<80xi32, #tpu.memory_space<vmem>>) semaphore(%arg30 : memref<!tpu.dma_semaphore, #tpu.memory_space<semaphore_mem>>)
    %add3A_60 = arith.constant 1 : i32
    %add3A_61 = arith.addi %mul3A_0, %add3A_60 : i32
    %dma_start3A_62 = arith.constant 0 : i32
    %dma_start3A_63 = tpu.memref_slice %arg3[%add3A_61, %dma_start3A_62] : memref<4000x160xi32, #tpu.memory_space<hbm>> -> memref<1x160xi32, #tpu.memory_space<hbm>>
    %dma_start3A_64 = tpu.memref_squeeze %dma_start3A_63 : memref<1x160xi32, #tpu.memory_space<hbm>> -> memref<160xi32, #tpu.memory_space<hbm>>
    %dma_start3A_65 = arith.constant 0 : i32
    %dma_start3A_66 = tpu.memref_slice %arg3[%add3A_61, %dma_start3A_65] : memref<4000x160xi32, #tpu.memory_space<hbm>> -> memref<1x160xi32, #tpu.memory_space<hbm>>
    %dma_start3A_67 = tpu.memref_squeeze %dma_start3A_66 : memref<1x160xi32, #tpu.memory_space<hbm>> -> memref<160xi32, #tpu.memory_space<hbm>>
    tpu.enqueue_dma source(%dma_start3A_67 : memref<160xi32, #tpu.memory_space<hbm>>) target(%arg7 : memref<160xi32, #tpu.memory_space<vmem>>) target_semaphore(%arg23 : memref<!tpu.dma_semaphore, #tpu.memory_space<semaphore_mem>>)
    %dma_wait3A_68 = arith.constant 0 : i32
    %dma_wait3A_69 = arith.constant 0 : i32
    %dma_wait3A_70 = tpu.memref_slice %arg3[%dma_wait3A_68, %dma_wait3A_69] : memref<4000x160xi32, #tpu.memory_space<hbm>> -> memref<1x160xi32, #tpu.memory_space<hbm>>
    %dma_wait3A_71 = tpu.memref_squeeze %dma_wait3A_70 : memref<1x160xi32, #tpu.memory_space<hbm>> -> memref<160xi32, #tpu.memory_space<hbm>>
    %dma_wait3A_72 = arith.constant 0 : i32
    %dma_wait3A_73 = tpu.memref_slice %arg3[%dma_wait3A_68, %dma_wait3A_72] : memref<4000x160xi32, #tpu.memory_space<hbm>> -> memref<1x160xi32, #tpu.memory_space<hbm>>
    %dma_wait3A_74 = tpu.memref_squeeze %dma_wait3A_73 : memref<1x160xi32, #tpu.memory_space<hbm>> -> memref<160xi32, #tpu.memory_space<hbm>>
    tpu.wait_dma2 semaphore(%arg23 : memref<!tpu.dma_semaphore, #tpu.memory_space<semaphore_mem>>) src(%dma_wait3A_74 : memref<160xi32, #tpu.memory_space<hbm>>) dst(%arg7 : memref<160xi32, #tpu.memory_space<vmem>>)
    %dma_start3A_75 = arith.constant 0 : i32
    %dma_start3A_76 = tpu.memref_slice %arg7[%dma_start3A_75] : memref<160xi32, #tpu.memory_space<vmem>> -> memref<80xi32, #tpu.memory_space<vmem>>
    %dma_start3A_77 = arith.constant 0 : i32
    %dma_start3A_78 = arith.constant 0 : i32
    %dma_start3A_79 = tpu.memref_slice %arg2[%dma_start3A_77, %dma_start3A_78] : memref<10000x128xf32, #tpu.memory_space<hbm>> -> memref<10000x128xf32, #tpu.memory_space<hbm>>
    tpu.enqueue_indirect_dma source(%dma_start3A_79 : memref<10000x128xf32, #tpu.memory_space<hbm>>) target(%arg19 : memref<80x128xf32, #tpu.memory_space<vmem>>) offsets(%dma_start3A_76 : memref<80xi32, #tpu.memory_space<vmem>>) semaphore(%arg31 : memref<!tpu.dma_semaphore, #tpu.memory_space<semaphore_mem>>)
    %add3A_80 = arith.constant 2 : i32
    %add3A_81 = arith.addi %mul3A_0, %add3A_80 : i32
    %dma_start3A_82 = arith.constant 0 : i32
    %dma_start3A_83 = tpu.memref_slice %arg3[%add3A_81, %dma_start3A_82] : memref<4000x160xi32, #tpu.memory_space<hbm>> -> memref<1x160xi32, #tpu.memory_space<hbm>>
    %dma_start3A_84 = tpu.memref_squeeze %dma_start3A_83 : memref<1x160xi32, #tpu.memory_space<hbm>> -> memref<160xi32, #tpu.memory_space<hbm>>
    %dma_start3A_85 = arith.constant 0 : i32
    %dma_start3A_86 = tpu.memref_slice %arg3[%add3A_81, %dma_start3A_85] : memref<4000x160xi32, #tpu.memory_space<hbm>> -> memref<1x160xi32, #tpu.memory_space<hbm>>
    %dma_start3A_87 = tpu.memref_squeeze %dma_start3A_86 : memref<1x160xi32, #tpu.memory_space<hbm>> -> memref<160xi32, #tpu.memory_space<hbm>>
    tpu.enqueue_dma source(%dma_start3A_87 : memref<160xi32, #tpu.memory_space<hbm>>) target(%arg8 : memref<160xi32, #tpu.memory_space<vmem>>) target_semaphore(%arg24 : memref<!tpu.dma_semaphore, #tpu.memory_space<semaphore_mem>>)
    %dma_wait3A_88 = arith.constant 0 : i32
    %dma_wait3A_89 = arith.constant 0 : i32
    %dma_wait3A_90 = tpu.memref_slice %arg3[%dma_wait3A_88, %dma_wait3A_89] : memref<4000x160xi32, #tpu.memory_space<hbm>> -> memref<1x160xi32, #tpu.memory_space<hbm>>
    %dma_wait3A_91 = tpu.memref_squeeze %dma_wait3A_90 : memref<1x160xi32, #tpu.memory_space<hbm>> -> memref<160xi32, #tpu.memory_space<hbm>>
    %dma_wait3A_92 = arith.constant 0 : i32
    %dma_wait3A_93 = tpu.memref_slice %arg3[%dma_wait3A_88, %dma_wait3A_92] : memref<4000x160xi32, #tpu.memory_space<hbm>> -> memref<1x160xi32, #tpu.memory_space<hbm>>
    %dma_wait3A_94 = tpu.memref_squeeze %dma_wait3A_93 : memref<1x160xi32, #tpu.memory_space<hbm>> -> memref<160xi32, #tpu.memory_space<hbm>>
    tpu.wait_dma2 semaphore(%arg24 : memref<!tpu.dma_semaphore, #tpu.memory_space<semaphore_mem>>) src(%dma_wait3A_94 : memref<160xi32, #tpu.memory_space<hbm>>) dst(%arg8 : memref<160xi32, #tpu.memory_space<vmem>>)
    %dma_start3A_95 = arith.constant 0 : i32
    %dma_start3A_96 = tpu.memref_slice %arg8[%dma_start3A_95] : memref<160xi32, #tpu.memory_space<vmem>> -> memref<80xi32, #tpu.memory_space<vmem>>
    %dma_start3A_97 = arith.constant 0 : i32
    %dma_start3A_98 = arith.constant 0 : i32
    %dma_start3A_99 = tpu.memref_slice %arg2[%dma_start3A_97, %dma_start3A_98] : memref<10000x128xf32, #tpu.memory_space<hbm>> -> memref<10000x128xf32, #tpu.memory_space<hbm>>
    tpu.enqueue_indirect_dma source(%dma_start3A_99 : memref<10000x128xf32, #tpu.memory_space<hbm>>) target(%arg20 : memref<80x128xf32, #tpu.memory_space<vmem>>) offsets(%dma_start3A_96 : memref<80xi32, #tpu.memory_space<vmem>>) semaphore(%arg32 : memref<!tpu.dma_semaphore, #tpu.memory_space<semaphore_mem>>)
    %add3A_100 = arith.constant 3 : i32
    %add3A_101 = arith.addi %mul3A_0, %add3A_100 : i32
    %dma_start3A_102 = arith.constant 0 : i32
    %dma_start3A_103 = tpu.memref_slice %arg3[%add3A_101, %dma_start3A_102] : memref<4000x160xi32, #tpu.memory_space<hbm>> -> memref<1x160xi32, #tpu.memory_space<hbm>>
    %dma_start3A_104 = tpu.memref_squeeze %dma_start3A_103 : memref<1x160xi32, #tpu.memory_space<hbm>> -> memref<160xi32, #tpu.memory_space<hbm>>
    %dma_start3A_105 = arith.constant 0 : i32
    %dma_start3A_106 = tpu.memref_slice %arg3[%add3A_101, %dma_start3A_105] : memref<4000x160xi32, #tpu.memory_space<hbm>> -> memref<1x160xi32, #tpu.memory_space<hbm>>
    %dma_start3A_107 = tpu.memref_squeeze %dma_start3A_106 : memref<1x160xi32, #tpu.memory_space<hbm>> -> memref<160xi32, #tpu.memory_space<hbm>>
    tpu.enqueue_dma source(%dma_start3A_107 : memref<160xi32, #tpu.memory_space<hbm>>) target(%arg9 : memref<160xi32, #tpu.memory_space<vmem>>) target_semaphore(%arg25 : memref<!tpu.dma_semaphore, #tpu.memory_space<semaphore_mem>>)
    %add3A_108 = arith.constant 4 : i32
    %add3A_109 = arith.addi %mul3A_0, %add3A_108 : i32
    %dma_start3A_110 = arith.constant 0 : i32
    %dma_start3A_111 = tpu.memref_slice %arg3[%add3A_109, %dma_start3A_110] : memref<4000x160xi32, #tpu.memory_space<hbm>> -> memref<1x160xi32, #tpu.memory_space<hbm>>
    %dma_start3A_112 = tpu.memref_squeeze %dma_start3A_111 : memref<1x160xi32, #tpu.memory_space<hbm>> -> memref<160xi32, #tpu.memory_space<hbm>>
    %dma_start3A_113 = arith.constant 0 : i32
    %dma_start3A_114 = tpu.memref_slice %arg3[%add3A_109, %dma_start3A_113] : memref<4000x160xi32, #tpu.memory_space<hbm>> -> memref<1x160xi32, #tpu.memory_space<hbm>>
    %dma_start3A_115 = tpu.memref_squeeze %dma_start3A_114 : memref<1x160xi32, #tpu.memory_space<hbm>> -> memref<160xi32, #tpu.memory_space<hbm>>
    tpu.enqueue_dma source(%dma_start3A_115 : memref<160xi32, #tpu.memory_space<hbm>>) target(%arg10 : memref<160xi32, #tpu.memory_space<vmem>>) target_semaphore(%arg26 : memref<!tpu.dma_semaphore, #tpu.memory_space<semaphore_mem>>)
    %add3A_116 = arith.constant 5 : i32
    %add3A_117 = arith.addi %mul3A_0, %add3A_116 : i32
    %dma_start3A_118 = arith.constant 0 : i32
    %dma_start3A_119 = tpu.memref_slice %arg3[%add3A_117, %dma_start3A_118] : memref<4000x160xi32, #tpu.memory_space<hbm>> -> memref<1x160xi32, #tpu.memory_space<hbm>>
    %dma_start3A_120 = tpu.memref_squeeze %dma_start3A_119 : memref<1x160xi32, #tpu.memory_space<hbm>> -> memref<160xi32, #tpu.memory_space<hbm>>
    %dma_start3A_121 = arith.constant 0 : i32
    %dma_start3A_122 = tpu.memref_slice %arg3[%add3A_117, %dma_start3A_121] : memref<4000x160xi32, #tpu.memory_space<hbm>> -> memref<1x160xi32, #tpu.memory_space<hbm>>
    %dma_start3A_123 = tpu.memref_squeeze %dma_start3A_122 : memref<1x160xi32, #tpu.memory_space<hbm>> -> memref<160xi32, #tpu.memory_space<hbm>>
    tpu.enqueue_dma source(%dma_start3A_123 : memref<160xi32, #tpu.memory_space<hbm>>) target(%arg11 : memref<160xi32, #tpu.memory_space<vmem>>) target_semaphore(%arg27 : memref<!tpu.dma_semaphore, #tpu.memory_space<semaphore_mem>>)
    %add3A_124 = arith.constant 6 : i32
    %add3A_125 = arith.addi %mul3A_0, %add3A_124 : i32
    %dma_start3A_126 = arith.constant 0 : i32
    %dma_start3A_127 = tpu.memref_slice %arg3[%add3A_125, %dma_start3A_126] : memref<4000x160xi32, #tpu.memory_space<hbm>> -> memref<1x160xi32, #tpu.memory_space<hbm>>
    %dma_start3A_128 = tpu.memref_squeeze %dma_start3A_127 : memref<1x160xi32, #tpu.memory_space<hbm>> -> memref<160xi32, #tpu.memory_space<hbm>>
    %dma_start3A_129 = arith.constant 0 : i32
    %dma_start3A_130 = tpu.memref_slice %arg3[%add3A_125, %dma_start3A_129] : memref<4000x160xi32, #tpu.memory_space<hbm>> -> memref<1x160xi32, #tpu.memory_space<hbm>>
    %dma_start3A_131 = tpu.memref_squeeze %dma_start3A_130 : memref<1x160xi32, #tpu.memory_space<hbm>> -> memref<160xi32, #tpu.memory_space<hbm>>
    tpu.enqueue_dma source(%dma_start3A_131 : memref<160xi32, #tpu.memory_space<hbm>>) target(%arg12 : memref<160xi32, #tpu.memory_space<vmem>>) target_semaphore(%arg28 : memref<!tpu.dma_semaphore, #tpu.memory_space<semaphore_mem>>)
    %add3A_132 = arith.constant 7 : i32
    %add3A_133 = arith.addi %mul3A_0, %add3A_132 : i32
    %dma_start3A_134 = arith.constant 0 : i32
    %dma_start3A_135 = tpu.memref_slice %arg3[%add3A_133, %dma_start3A_134] : memref<4000x160xi32, #tpu.memory_space<hbm>> -> memref<1x160xi32, #tpu.memory_space<hbm>>
    %dma_start3A_136 = tpu.memref_squeeze %dma_start3A_135 : memref<1x160xi32, #tpu.memory_space<hbm>> -> memref<160xi32, #tpu.memory_space<hbm>>
    %dma_start3A_137 = arith.constant 0 : i32
    %dma_start3A_138 = tpu.memref_slice %arg3[%add3A_133, %dma_start3A_137] : memref<4000x160xi32, #tpu.memory_space<hbm>> -> memref<1x160xi32, #tpu.memory_space<hbm>>
    %dma_start3A_139 = tpu.memref_squeeze %dma_start3A_138 : memref<1x160xi32, #tpu.memory_space<hbm>> -> memref<160xi32, #tpu.memory_space<hbm>>
    tpu.enqueue_dma source(%dma_start3A_139 : memref<160xi32, #tpu.memory_space<hbm>>) target(%arg13 : memref<160xi32, #tpu.memory_space<vmem>>) target_semaphore(%arg29 : memref<!tpu.dma_semaphore, #tpu.memory_space<semaphore_mem>>)
    %scan3A_140 = arith.constant 0 : i32
    %scan3A_141 = arith.constant 0 : i32
    %scan3A_142 = arith.constant 32 : i32
    %scan3A_143 = arith.addi %scan3A_141, %scan3A_142 : i32
    %scan3A_144 = arith.constant 1 : i32
    scf.for %scan3A_168 = %scan3A_141 to %scan3A_143 step %scan3A_144  : i32 {
      %mul3A_169 = arith.constant 8 : i32
      %mul3A_170 = arith.muli %scan3A_168, %mul3A_169 : i32
      %add3A_171 = arith.constant 0 : i32
      %add3A_172 = arith.addi %mul3A_170, %add3A_171 : i32
      %lt3A = arith.constant 250 : i32
      %lt3A_173 = arith.cmpi slt, %add3A_172, %lt3A : i32
      %convert_element_type3A_174 = arith.extui %lt3A_173 : i1 to i32
      %cond3A_175 = arith.constant 0 : i32
      %cond3A_176 = arith.cmpi ne, %convert_element_type3A_174, %cond3A_175 : i32
      scf.if %cond3A_176 {
        %add3A_226 = arith.constant 0 : i32
        %add3A_227 = arith.addi %mul3A_170, %add3A_226 : i32
        %get3A = arith.constant 80 : index
        %get3A_228 = tpu.vector_load %arg6[%get3A] {strides = array<i32>} : memref<160xi32, #tpu.memory_space<vmem>>, vector<16xi32>,
        %get3A_229 = vector.shape_cast %get3A_228 : vector<16xi32> to vector<16xi32>
        %sub3A_230 = vector.broadcast %mul3A_2 : i32 to vector<16xi32>
        %sub3A_231 = arith.subi %get3A_229, %sub3A_230 : vector<16xi32>
        %ge3A = arith.constant 0 : i32
        %ge3A_232 = vector.broadcast %ge3A : i32 to vector<16xi32>
        %ge3A_233 = arith.cmpi sge, %sub3A_231, %ge3A_232 : vector<16xi32>
        %lt3A_234 = arith.constant 10000 : i32
        %lt3A_235 = vector.broadcast %lt3A_234 : i32 to vector<16xi32>
        %lt3A_236 = arith.cmpi slt, %sub3A_231, %lt3A_235 : vector<16xi32>
        %and3A = arith.andi %ge3A_233, %lt3A_236 : vector<16xi1>
        %jit3A = arith.constant 10000 : i32
        %broadcast_in_dim3A = vector.broadcast %jit3A : i32 to vector<16xi32>
        %select_n3A = arith.select %and3A, %sub3A_231, %broadcast_in_dim3A : vector<16xi1>, vector<16xi32>
        %swap3A = arith.constant 0 : index
        %swap3A_237 = tpu.vector_load %arg14[%swap3A] {strides = array<i32>} : memref<80xi32, #tpu.memory_space<vmem>>, vector<16xi32>,
        %swap3A_238 = vector.shape_cast %swap3A_237 : vector<16xi32> to vector<16xi32>
        %swap3A_239 = vector.shape_cast %select_n3A : vector<16xi32> to vector<16xi32>
        tpu.vector_store %arg14[%swap3A], %swap3A_239 {strides = array<i32>} : memref<80xi32, #tpu.memory_space<vmem>>, vector<16xi32>,
        %get3A_240 = arith.constant 96 : index
        %get3A_241 = tpu.vector_load %arg6[%get3A_240] {strides = array<i32>} : memref<160xi32, #tpu.memory_space<vmem>>, vector<16xi32>,
        %get3A_242 = vector.shape_cast %get3A_241 : vector<16xi32> to vector<16xi32>
        %sub3A_243 = vector.broadcast %mul3A_2 : i32 to vector<16xi32>
        %sub3A_244 = arith.subi %get3A_242, %sub3A_243 : vector<16xi32>
        %ge3A_245 = arith.constant 0 : i32
        %ge3A_246 = vector.broadcast %ge3A_245 : i32 to vector<16xi32>
        %ge3A_247 = arith.cmpi sge, %sub3A_244, %ge3A_246 : vector<16xi32>
        %lt3A_248 = arith.constant 10000 : i32
        %lt3A_249 = vector.broadcast %lt3A_248 : i32 to vector<16xi32>
        %lt3A_250 = arith.cmpi slt, %sub3A_244, %lt3A_249 : vector<16xi32>
        %and3A_251 = arith.andi %ge3A_247, %lt3A_250 : vector<16xi1>
        %jit3A_252 = arith.constant 10000 : i32
        %broadcast_in_dim3A_253 = vector.broadcast %jit3A_252 : i32 to vector<16xi32>
        %select_n3A_254 = arith.select %and3A_251, %sub3A_244, %broadcast_in_dim3A_253 : vector<16xi1>, vector<16xi32>
        %swap3A_255 = arith.constant 16 : index
        %swap3A_256 = tpu.vector_load %arg14[%swap3A_255] {strides = array<i32>} : memref<80xi32, #tpu.memory_space<vmem>>, vector<16xi32>,
        %swap3A_257 = vector.shape_cast %swap3A_256 : vector<16xi32> to vector<16xi32>
        %swap3A_258 = vector.shape_cast %select_n3A_254 : vector<16xi32> to vector<16xi32>
        tpu.vector_store %arg14[%swap3A_255], %swap3A_258 {strides = array<i32>} : memref<80xi32, #tpu.memory_space<vmem>>, vector<16xi32>,
        %get3A_259 = arith.constant 112 : index
        %get3A_260 = tpu.vector_load %arg6[%get3A_259] {strides = array<i32>} : memref<160xi32, #tpu.memory_space<vmem>>, vector<16xi32>,
        %get3A_261 = vector.shape_cast %get3A_260 : vector<16xi32> to vector<16xi32>
        %sub3A_262 = vector.broadcast %mul3A_2 : i32 to vector<16xi32>
        %sub3A_263 = arith.subi %get3A_261, %sub3A_262 : vector<16xi32>
        %ge3A_264 = arith.constant 0 : i32
        %ge3A_265 = vector.broadcast %ge3A_264 : i32 to vector<16xi32>
        %ge3A_266 = arith.cmpi sge, %sub3A_263, %ge3A_265 : vector<16xi32>
        %lt3A_267 = arith.constant 10000 : i32
        %lt3A_268 = vector.broadcast %lt3A_267 : i32 to vector<16xi32>
        %lt3A_269 = arith.cmpi slt, %sub3A_263, %lt3A_268 : vector<16xi32>
        %and3A_270 = arith.andi %ge3A_266, %lt3A_269 : vector<16xi1>
        %jit3A_271 = arith.constant 10000 : i32
        %broadcast_in_dim3A_272 = vector.broadcast %jit3A_271 : i32 to vector<16xi32>
        %select_n3A_273 = arith.select %and3A_270, %sub3A_263, %broadcast_in_dim3A_272 : vector<16xi1>, vector<16xi32>
        %swap3A_274 = arith.constant 32 : index
        %swap3A_275 = tpu.vector_load %arg14[%swap3A_274] {strides = array<i32>} : memref<80xi32, #tpu.memory_space<vmem>>, vector<16xi32>,
        %swap3A_276 = vector.shape_cast %swap3A_275 : vector<16xi32> to vector<16xi32>
        %swap3A_277 = vector.shape_cast %select_n3A_273 : vector<16xi32> to vector<16xi32>
        tpu.vector_store %arg14[%swap3A_274], %swap3A_277 {strides = array<i32>} : memref<80xi32, #tpu.memory_space<vmem>>, vector<16xi32>,
        %get3A_278 = arith.constant 128 : index
        %get3A_279 = tpu.vector_load %arg6[%get3A_278] {strides = array<i32>} : memref<160xi32, #tpu.memory_space<vmem>>, vector<16xi32>,
        %get3A_280 = vector.shape_cast %get3A_279 : vector<16xi32> to vector<16xi32>
        %sub3A_281 = vector.broadcast %mul3A_2 : i32 to vector<16xi32>
        %sub3A_282 = arith.subi %get3A_280, %sub3A_281 : vector<16xi32>
        %ge3A_283 = arith.constant 0 : i32
        %ge3A_284 = vector.broadcast %ge3A_283 : i32 to vector<16xi32>
        %ge3A_285 = arith.cmpi sge, %sub3A_282, %ge3A_284 : vector<16xi32>
        %lt3A_286 = arith.constant 10000 : i32
        %lt3A_287 = vector.broadcast %lt3A_286 : i32 to vector<16xi32>
        %lt3A_288 = arith.cmpi slt, %sub3A_282, %lt3A_287 : vector<16xi32>
        %and3A_289 = arith.andi %ge3A_285, %lt3A_288 : vector<16xi1>
        %jit3A_290 = arith.constant 10000 : i32
        %broadcast_in_dim3A_291 = vector.broadcast %jit3A_290 : i32 to vector<16xi32>
        %select_n3A_292 = arith.select %and3A_289, %sub3A_282, %broadcast_in_dim3A_291 : vector<16xi1>, vector<16xi32>
        %swap3A_293 = arith.constant 48 : index
        %swap3A_294 = tpu.vector_load %arg14[%swap3A_293] {strides = array<i32>} : memref<80xi32, #tpu.memory_space<vmem>>, vector<16xi32>,
        %swap3A_295 = vector.shape_cast %swap3A_294 : vector<16xi32> to vector<16xi32>
        %swap3A_296 = vector.shape_cast %select_n3A_292 : vector<16xi32> to vector<16xi32>
        tpu.vector_store %arg14[%swap3A_293], %swap3A_296 {strides = array<i32>} : memref<80xi32, #tpu.memory_space<vmem>>, vector<16xi32>,
        %get3A_297 = arith.constant 144 : index
        %get3A_298 = tpu.vector_load %arg6[%get3A_297] {strides = array<i32>} : memref<160xi32, #tpu.memory_space<vmem>>, vector<16xi32>,
        %get3A_299 = vector.shape_cast %get3A_298 : vector<16xi32> to vector<16xi32>
        %sub3A_300 = vector.broadcast %mul3A_2 : i32 to vector<16xi32>
        %sub3A_301 = arith.subi %get3A_299, %sub3A_300 : vector<16xi32>
        %ge3A_302 = arith.constant 0 : i32
        %ge3A_303 = vector.broadcast %ge3A_302 : i32 to vector<16xi32>
        %ge3A_304 = arith.cmpi sge, %sub3A_301, %ge3A_303 : vector<16xi32>
        %lt3A_305 = arith.constant 10000 : i32
        %lt3A_306 = vector.broadcast %lt3A_305 : i32 to vector<16xi32>
        %lt3A_307 = arith.cmpi slt, %sub3A_301, %lt3A_306 : vector<16xi32>
        %and3A_308 = arith.andi %ge3A_304, %lt3A_307 : vector<16xi1>
        %jit3A_309 = arith.constant 10000 : i32
        %broadcast_in_dim3A_310 = vector.broadcast %jit3A_309 : i32 to vector<16xi32>
        %select_n3A_311 = arith.select %and3A_308, %sub3A_301, %broadcast_in_dim3A_310 : vector<16xi1>, vector<16xi32>
        %swap3A_312 = arith.constant 64 : index
        %swap3A_313 = tpu.vector_load %arg14[%swap3A_312] {strides = array<i32>} : memref<80xi32, #tpu.memory_space<vmem>>, vector<16xi32>,
        %swap3A_314 = vector.shape_cast %swap3A_313 : vector<16xi32> to vector<16xi32>
        %swap3A_315 = vector.shape_cast %select_n3A_311 : vector<16xi32> to vector<16xi32>
        tpu.vector_store %arg14[%swap3A_312], %swap3A_315 {strides = array<i32>} : memref<80xi32, #tpu.memory_space<vmem>>, vector<16xi32>,
        %dma_wait3A_316 = arith.constant 0 : i32
        %dma_wait3A_317 = arith.constant 0 : i32
        %dma_wait3A_318 = tpu.memref_slice %arg2[%dma_wait3A_316, %dma_wait3A_317] : memref<10000x128xf32, #tpu.memory_space<hbm>> -> memref<80x128xf32, #tpu.memory_space<hbm>>
        %dma_wait3A_319 = arith.constant 0 : i32
        %dma_wait3A_320 = arith.constant 0 : i32
        %dma_wait3A_321 = tpu.memref_slice %arg2[%dma_wait3A_319, %dma_wait3A_320] : memref<10000x128xf32, #tpu.memory_space<hbm>> -> memref<80x128xf32, #tpu.memory_space<hbm>>
        tpu.wait_dma2 semaphore(%arg30 : memref<!tpu.dma_semaphore, #tpu.memory_space<semaphore_mem>>) src(%dma_wait3A_321 : memref<80x128xf32, #tpu.memory_space<hbm>>) dst(%arg18 : memref<80x128xf32, #tpu.memory_space<vmem>>)
        %dma_start3A_322 = arith.constant 0 : i32
        %dma_start3A_323 = arith.constant 0 : i32
        %dma_start3A_324 = tpu.memref_slice %arg5[%dma_start3A_322, %dma_start3A_323] : memref<10016x128xf32, #tpu.memory_space<vmem_shared>> -> memref<10016x128xf32, #tpu.memory_space<vmem_shared>>
        tpu.enqueue_indirect_dma source(%arg18 : memref<80x128xf32, #tpu.memory_space<vmem>>) target(%dma_start3A_324 : memref<10016x128xf32, #tpu.memory_space<vmem_shared>>) offsets(%arg14 : memref<80xi32, #tpu.memory_space<vmem>>) semaphore(%arg34 : memref<!tpu.dma_semaphore, #tpu.memory_space<semaphore_mem>>) {add = true}
        %add3A_325 = arith.constant 4 : i32
        %add3A_326 = arith.addi %add3A_227, %add3A_325 : i32
        %sub3A_327 = arith.constant 1 : i32
        %sub3A_328 = arith.subi %add3A_326, %sub3A_327 : i32
        %lt3A_329 = arith.constant 250 : i32
        %lt3A_330 = arith.cmpi slt, %sub3A_328, %lt3A_329 : i32
        %convert_element_type3A_331 = arith.extui %lt3A_330 : i1 to i32
        %cond3A_332 = arith.constant 0 : i32
        %cond3A_333 = arith.cmpi ne, %convert_element_type3A_331, %cond3A_332 : i32
        scf.if %cond3A_333 {
          %dma_wait3A_341 = arith.constant 0 : i32
          %dma_wait3A_342 = arith.constant 0 : i32
          %dma_wait3A_343 = tpu.memref_slice %arg3[%dma_wait3A_341, %dma_wait3A_342] : memref<4000x160xi32, #tpu.memory_space<hbm>> -> memref<1x160xi32, #tpu.memory_space<hbm>>
          %dma_wait3A_344 = tpu.memref_squeeze %dma_wait3A_343 : memref<1x160xi32, #tpu.memory_space<hbm>> -> memref<160xi32, #tpu.memory_space<hbm>>
          %dma_wait3A_345 = arith.constant 0 : i32
          %dma_wait3A_346 = tpu.memref_slice %arg3[%dma_wait3A_341, %dma_wait3A_345] : memref<4000x160xi32, #tpu.memory_space<hbm>> -> memref<1x160xi32, #tpu.memory_space<hbm>>
          %dma_wait3A_347 = tpu.memref_squeeze %dma_wait3A_346 : memref<1x160xi32, #tpu.memory_space<hbm>> -> memref<160xi32, #tpu.memory_space<hbm>>
          tpu.wait_dma2 semaphore(%arg25 : memref<!tpu.dma_semaphore, #tpu.memory_space<semaphore_mem>>) src(%dma_wait3A_347 : memref<160xi32, #tpu.memory_space<hbm>>) dst(%arg9 : memref<160xi32, #tpu.memory_space<vmem>>)
          %gt3A = arith.constant 0 : i32
          %gt3A_348 = arith.cmpi sgt, %add3A_227, %gt3A : i32
          %convert_element_type3A_349 = arith.extui %gt3A_348 : i1 to i32
          %cond3A_350 = arith.constant 0 : i32
          %cond3A_351 = arith.cmpi ne, %convert_element_type3A_349, %cond3A_350 : i32
          scf.if %cond3A_351 {
            %dma_wait3A_357 = arith.constant 0 : i32
            %dma_wait3A_358 = arith.constant 0 : i32
            %dma_wait3A_359 = tpu.memref_slice %arg5[%dma_wait3A_357, %dma_wait3A_358] : memref<10016x128xf32, #tpu.memory_space<vmem_shared>> -> memref<10016x128xf32, #tpu.memory_space<vmem_shared>>
            tpu.wait_indirect_dma semaphore(%arg37 : memref<!tpu.dma_semaphore, #tpu.memory_space<semaphore_mem>>) src(%arg21 : memref<80x128xf32, #tpu.memory_space<vmem>>) dst(%dma_wait3A_359 : memref<10016x128xf32, #tpu.memory_space<vmem_shared>>)
          } else {
          }
          %dma_start3A_352 = arith.constant 0 : i32
          %dma_start3A_353 = tpu.memref_slice %arg9[%dma_start3A_352] : memref<160xi32, #tpu.memory_space<vmem>> -> memref<80xi32, #tpu.memory_space<vmem>>
          %dma_start3A_354 = arith.constant 0 : i32
          %dma_start3A_355 = arith.constant 0 : i32
          %dma_start3A_356 = tpu.memref_slice %arg2[%dma_start3A_354, %dma_start3A_355] : memref<10000x128xf32, #tpu.memory_space<hbm>> -> memref<10000x128xf32, #tpu.memory_space<hbm>>
          tpu.enqueue_indirect_dma source(%dma_start3A_356 : memref<10000x128xf32, #tpu.memory_space<hbm>>) target(%arg21 : memref<80x128xf32, #tpu.memory_space<vmem>>) offsets(%dma_start3A_353 : memref<80xi32, #tpu.memory_space<vmem>>) semaphore(%arg33 : memref<!tpu.dma_semaphore, #tpu.memory_space<semaphore_mem>>)
        } else {
        }
        %add3A_334 = arith.constant 8 : i32
        %add3A_335 = arith.addi %add3A_227, %add3A_334 : i32
        %lt3A_336 = arith.constant 250 : i32
        %lt3A_337 = arith.cmpi slt, %add3A_335, %lt3A_336 : i32
        %convert_element_type3A_338 = arith.extui %lt3A_337 : i1 to i32
        %cond3A_339 = arith.constant 0 : i32
        %cond3A_340 = arith.cmpi ne, %convert_element_type3A_338, %cond3A_339 : i32
        scf.if %cond3A_340 {
          %add3A_341 = arith.constant 8 : i32
          %add3A_342 = arith.addi %add3A_227, %add3A_341 : i32
          %add3A_343 = arith.addi %mul3A_0, %add3A_342 : i32
          %dma_start3A_344 = arith.constant 0 : i32
          %dma_start3A_345 = tpu.memref_slice %arg3[%add3A_343, %dma_start3A_344] : memref<4000x160xi32, #tpu.memory_space<hbm>> -> memref<1x160xi32, #tpu.memory_space<hbm>>
          %dma_start3A_346 = tpu.memref_squeeze %dma_start3A_345 : memref<1x160xi32, #tpu.memory_space<hbm>> -> memref<160xi32, #tpu.memory_space<hbm>>
          %dma_start3A_347 = arith.constant 0 : i32
          %dma_start3A_348 = tpu.memref_slice %arg3[%add3A_343, %dma_start3A_347] : memref<4000x160xi32, #tpu.memory_space<hbm>> -> memref<1x160xi32, #tpu.memory_space<hbm>>
          %dma_start3A_349 = tpu.memref_squeeze %dma_start3A_348 : memref<1x160xi32, #tpu.memory_space<hbm>> -> memref<160xi32, #tpu.memory_space<hbm>>
          tpu.enqueue_dma source(%dma_start3A_349 : memref<160xi32, #tpu.memory_space<hbm>>) target(%arg6 : memref<160xi32, #tpu.memory_space<vmem>>) target_semaphore(%arg22 : memref<!tpu.dma_semaphore, #tpu.memory_space<semaphore_mem>>)
        } else {
        }
      } else {
      }
      %add3A_177 = arith.constant 1 : i32
      %add3A_178 = arith.addi %mul3A_170, %add3A_177 : i32
      %lt3A_179 = arith.constant 250 : i32
      %lt3A_180 = arith.cmpi slt, %add3A_178, %lt3A_179 : i32
      %convert_element_type3A_181 = arith.extui %lt3A_180 : i1 to i32
      %cond3A_182 = arith.constant 0 : i32
      %cond3A_183 = arith.cmpi ne, %convert_element_type3A_181, %cond3A_182 : i32
      scf.if %cond3A_183 {
        %add3A_226 = arith.constant 1 : i32
        %add3A_227 = arith.addi %mul3A_170, %add3A_226 : i32
        %get3A = arith.constant 80 : index
        %get3A_228 = tpu.vector_load %arg7[%get3A] {strides = array<i32>} : memref<160xi32, #tpu.memory_space<vmem>>, vector<16xi32>,
        %get3A_229 = vector.shape_cast %get3A_228 : vector<16xi32> to vector<16xi32>
        %sub3A_230 = vector.broadcast %mul3A_2 : i32 to vector<16xi32>
        %sub3A_231 = arith.subi %get3A_229, %sub3A_230 : vector<16xi32>
        %ge3A = arith.constant 0 : i32
        %ge3A_232 = vector.broadcast %ge3A : i32 to vector<16xi32>
        %ge3A_233 = arith.cmpi sge, %sub3A_231, %ge3A_232 : vector<16xi32>
        %lt3A_234 = arith.constant 10000 : i32
        %lt3A_235 = vector.broadcast %lt3A_234 : i32 to vector<16xi32>
        %lt3A_236 = arith.cmpi slt, %sub3A_231, %lt3A_235 : vector<16xi32>
        %and3A = arith.andi %ge3A_233, %lt3A_236 : vector<16xi1>
        %jit3A = arith.constant 10000 : i32
        %broadcast_in_dim3A = vector.broadcast %jit3A : i32 to vector<16xi32>
        %select_n3A = arith.select %and3A, %sub3A_231, %broadcast_in_dim3A : vector<16xi1>, vector<16xi32>
        %swap3A = arith.constant 0 : index
        %swap3A_237 = tpu.vector_load %arg15[%swap3A] {strides = array<i32>} : memref<80xi32, #tpu.memory_space<vmem>>, vector<16xi32>,
        %swap3A_238 = vector.shape_cast %swap3A_237 : vector<16xi32> to vector<16xi32>
        %swap3A_239 = vector.shape_cast %select_n3A : vector<16xi32> to vector<16xi32>
        tpu.vector_store %arg15[%swap3A], %swap3A_239 {strides = array<i32>} : memref<80xi32, #tpu.memory_space<vmem>>, vector<16xi32>,
        %get3A_240 = arith.constant 96 : index
        %get3A_241 = tpu.vector_load %arg7[%get3A_240] {strides = array<i32>} : memref<160xi32, #tpu.memory_space<vmem>>, vector<16xi32>,
        %get3A_242 = vector.shape_cast %get3A_241 : vector<16xi32> to vector<16xi32>
        %sub3A_243 = vector.broadcast %mul3A_2 : i32 to vector<16xi32>
        %sub3A_244 = arith.subi %get3A_242, %sub3A_243 : vector<16xi32>
        %ge3A_245 = arith.constant 0 : i32
        %ge3A_246 = vector.broadcast %ge3A_245 : i32 to vector<16xi32>
        %ge3A_247 = arith.cmpi sge, %sub3A_244, %ge3A_246 : vector<16xi32>
        %lt3A_248 = arith.constant 10000 : i32
        %lt3A_249 = vector.broadcast %lt3A_248 : i32 to vector<16xi32>
        %lt3A_250 = arith.cmpi slt, %sub3A_244, %lt3A_249 : vector<16xi32>
        %and3A_251 = arith.andi %ge3A_247, %lt3A_250 : vector<16xi1>
        %jit3A_252 = arith.constant 10000 : i32
        %broadcast_in_dim3A_253 = vector.broadcast %jit3A_252 : i32 to vector<16xi32>
        %select_n3A_254 = arith.select %and3A_251, %sub3A_244, %broadcast_in_dim3A_253 : vector<16xi1>, vector<16xi32>
        %swap3A_255 = arith.constant 16 : index
        %swap3A_256 = tpu.vector_load %arg15[%swap3A_255] {strides = array<i32>} : memref<80xi32, #tpu.memory_space<vmem>>, vector<16xi32>,
        %swap3A_257 = vector.shape_cast %swap3A_256 : vector<16xi32> to vector<16xi32>
        %swap3A_258 = vector.shape_cast %select_n3A_254 : vector<16xi32> to vector<16xi32>
        tpu.vector_store %arg15[%swap3A_255], %swap3A_258 {strides = array<i32>} : memref<80xi32, #tpu.memory_space<vmem>>, vector<16xi32>,
        %get3A_259 = arith.constant 112 : index
        %get3A_260 = tpu.vector_load %arg7[%get3A_259] {strides = array<i32>} : memref<160xi32, #tpu.memory_space<vmem>>, vector<16xi32>,
        %get3A_261 = vector.shape_cast %get3A_260 : vector<16xi32> to vector<16xi32>
        %sub3A_262 = vector.broadcast %mul3A_2 : i32 to vector<16xi32>
        %sub3A_263 = arith.subi %get3A_261, %sub3A_262 : vector<16xi32>
        %ge3A_264 = arith.constant 0 : i32
        %ge3A_265 = vector.broadcast %ge3A_264 : i32 to vector<16xi32>
        %ge3A_266 = arith.cmpi sge, %sub3A_263, %ge3A_265 : vector<16xi32>
        %lt3A_267 = arith.constant 10000 : i32
        %lt3A_268 = vector.broadcast %lt3A_267 : i32 to vector<16xi32>
        %lt3A_269 = arith.cmpi slt, %sub3A_263, %lt3A_268 : vector<16xi32>
        %and3A_270 = arith.andi %ge3A_266, %lt3A_269 : vector<16xi1>
        %jit3A_271 = arith.constant 10000 : i32
        %broadcast_in_dim3A_272 = vector.broadcast %jit3A_271 : i32 to vector<16xi32>
        %select_n3A_273 = arith.select %and3A_270, %sub3A_263, %broadcast_in_dim3A_272 : vector<16xi1>, vector<16xi32>
        %swap3A_274 = arith.constant 32 : index
        %swap3A_275 = tpu.vector_load %arg15[%swap3A_274] {strides = array<i32>} : memref<80xi32, #tpu.memory_space<vmem>>, vector<16xi32>,
        %swap3A_276 = vector.shape_cast %swap3A_275 : vector<16xi32> to vector<16xi32>
        %swap3A_277 = vector.shape_cast %select_n3A_273 : vector<16xi32> to vector<16xi32>
        tpu.vector_store %arg15[%swap3A_274], %swap3A_277 {strides = array<i32>} : memref<80xi32, #tpu.memory_space<vmem>>, vector<16xi32>,
        %get3A_278 = arith.constant 128 : index
        %get3A_279 = tpu.vector_load %arg7[%get3A_278] {strides = array<i32>} : memref<160xi32, #tpu.memory_space<vmem>>, vector<16xi32>,
        %get3A_280 = vector.shape_cast %get3A_279 : vector<16xi32> to vector<16xi32>
        %sub3A_281 = vector.broadcast %mul3A_2 : i32 to vector<16xi32>
        %sub3A_282 = arith.subi %get3A_280, %sub3A_281 : vector<16xi32>
        %ge3A_283 = arith.constant 0 : i32
        %ge3A_284 = vector.broadcast %ge3A_283 : i32 to vector<16xi32>
        %ge3A_285 = arith.cmpi sge, %sub3A_282, %ge3A_284 : vector<16xi32>
        %lt3A_286 = arith.constant 10000 : i32
        %lt3A_287 = vector.broadcast %lt3A_286 : i32 to vector<16xi32>
        %lt3A_288 = arith.cmpi slt, %sub3A_282, %lt3A_287 : vector<16xi32>
        %and3A_289 = arith.andi %ge3A_285, %lt3A_288 : vector<16xi1>
        %jit3A_290 = arith.constant 10000 : i32
        %broadcast_in_dim3A_291 = vector.broadcast %jit3A_290 : i32 to vector<16xi32>
        %select_n3A_292 = arith.select %and3A_289, %sub3A_282, %broadcast_in_dim3A_291 : vector<16xi1>, vector<16xi32>
        %swap3A_293 = arith.constant 48 : index
        %swap3A_294 = tpu.vector_load %arg15[%swap3A_293] {strides = array<i32>} : memref<80xi32, #tpu.memory_space<vmem>>, vector<16xi32>,
        %swap3A_295 = vector.shape_cast %swap3A_294 : vector<16xi32> to vector<16xi32>
        %swap3A_296 = vector.shape_cast %select_n3A_292 : vector<16xi32> to vector<16xi32>
        tpu.vector_store %arg15[%swap3A_293], %swap3A_296 {strides = array<i32>} : memref<80xi32, #tpu.memory_space<vmem>>, vector<16xi32>,
        %get3A_297 = arith.constant 144 : index
        %get3A_298 = tpu.vector_load %arg7[%get3A_297] {strides = array<i32>} : memref<160xi32, #tpu.memory_space<vmem>>, vector<16xi32>,
        %get3A_299 = vector.shape_cast %get3A_298 : vector<16xi32> to vector<16xi32>
        %sub3A_300 = vector.broadcast %mul3A_2 : i32 to vector<16xi32>
        %sub3A_301 = arith.subi %get3A_299, %sub3A_300 : vector<16xi32>
        %ge3A_302 = arith.constant 0 : i32
        %ge3A_303 = vector.broadcast %ge3A_302 : i32 to vector<16xi32>
        %ge3A_304 = arith.cmpi sge, %sub3A_301, %ge3A_303 : vector<16xi32>
        %lt3A_305 = arith.constant 10000 : i32
        %lt3A_306 = vector.broadcast %lt3A_305 : i32 to vector<16xi32>
        %lt3A_307 = arith.cmpi slt, %sub3A_301, %lt3A_306 : vector<16xi32>
        %and3A_308 = arith.andi %ge3A_304, %lt3A_307 : vector<16xi1>
        %jit3A_309 = arith.constant 10000 : i32
        %broadcast_in_dim3A_310 = vector.broadcast %jit3A_309 : i32 to vector<16xi32>
        %select_n3A_311 = arith.select %and3A_308, %sub3A_301, %broadcast_in_dim3A_310 : vector<16xi1>, vector<16xi32>
        %swap3A_312 = arith.constant 64 : index
        %swap3A_313 = tpu.vector_load %arg15[%swap3A_312] {strides = array<i32>} : memref<80xi32, #tpu.memory_space<vmem>>, vector<16xi32>,
        %swap3A_314 = vector.shape_cast %swap3A_313 : vector<16xi32> to vector<16xi32>
        %swap3A_315 = vector.shape_cast %select_n3A_311 : vector<16xi32> to vector<16xi32>
        tpu.vector_store %arg15[%swap3A_312], %swap3A_315 {strides = array<i32>} : memref<80xi32, #tpu.memory_space<vmem>>, vector<16xi32>,
        %dma_wait3A_316 = arith.constant 0 : i32
        %dma_wait3A_317 = arith.constant 0 : i32
        %dma_wait3A_318 = tpu.memref_slice %arg2[%dma_wait3A_316, %dma_wait3A_317] : memref<10000x128xf32, #tpu.memory_space<hbm>> -> memref<80x128xf32, #tpu.memory_space<hbm>>
        %dma_wait3A_319 = arith.constant 0 : i32
        %dma_wait3A_320 = arith.constant 0 : i32
        %dma_wait3A_321 = tpu.memref_slice %arg2[%dma_wait3A_319, %dma_wait3A_320] : memref<10000x128xf32, #tpu.memory_space<hbm>> -> memref<80x128xf32, #tpu.memory_space<hbm>>
        tpu.wait_dma2 semaphore(%arg31 : memref<!tpu.dma_semaphore, #tpu.memory_space<semaphore_mem>>) src(%dma_wait3A_321 : memref<80x128xf32, #tpu.memory_space<hbm>>) dst(%arg19 : memref<80x128xf32, #tpu.memory_space<vmem>>)
        %dma_start3A_322 = arith.constant 0 : i32
        %dma_start3A_323 = arith.constant 0 : i32
        %dma_start3A_324 = tpu.memref_slice %arg5[%dma_start3A_322, %dma_start3A_323] : memref<10016x128xf32, #tpu.memory_space<vmem_shared>> -> memref<10016x128xf32, #tpu.memory_space<vmem_shared>>
        tpu.enqueue_indirect_dma source(%arg19 : memref<80x128xf32, #tpu.memory_space<vmem>>) target(%dma_start3A_324 : memref<10016x128xf32, #tpu.memory_space<vmem_shared>>) offsets(%arg15 : memref<80xi32, #tpu.memory_space<vmem>>) semaphore(%arg35 : memref<!tpu.dma_semaphore, #tpu.memory_space<semaphore_mem>>) {add = true}
        %add3A_325 = arith.constant 4 : i32
        %add3A_326 = arith.addi %add3A_227, %add3A_325 : i32
        %sub3A_327 = arith.constant 1 : i32
        %sub3A_328 = arith.subi %add3A_326, %sub3A_327 : i32
        %lt3A_329 = arith.constant 250 : i32
        %lt3A_330 = arith.cmpi slt, %sub3A_328, %lt3A_329 : i32
        %convert_element_type3A_331 = arith.extui %lt3A_330 : i1 to i32
        %cond3A_332 = arith.constant 0 : i32
        %cond3A_333 = arith.cmpi ne, %convert_element_type3A_331, %cond3A_332 : i32
        scf.if %cond3A_333 {
          %dma_wait3A_341 = arith.constant 0 : i32
          %dma_wait3A_342 = arith.constant 0 : i32
          %dma_wait3A_343 = tpu.memref_slice %arg3[%dma_wait3A_341, %dma_wait3A_342] : memref<4000x160xi32, #tpu.memory_space<hbm>> -> memref<1x160xi32, #tpu.memory_space<hbm>>
          %dma_wait3A_344 = tpu.memref_squeeze %dma_wait3A_343 : memref<1x160xi32, #tpu.memory_space<hbm>> -> memref<160xi32, #tpu.memory_space<hbm>>
          %dma_wait3A_345 = arith.constant 0 : i32
          %dma_wait3A_346 = tpu.memref_slice %arg3[%dma_wait3A_341, %dma_wait3A_345] : memref<4000x160xi32, #tpu.memory_space<hbm>> -> memref<1x160xi32, #tpu.memory_space<hbm>>
          %dma_wait3A_347 = tpu.memref_squeeze %dma_wait3A_346 : memref<1x160xi32, #tpu.memory_space<hbm>> -> memref<160xi32, #tpu.memory_space<hbm>>
          tpu.wait_dma2 semaphore(%arg26 : memref<!tpu.dma_semaphore, #tpu.memory_space<semaphore_mem>>) src(%dma_wait3A_347 : memref<160xi32, #tpu.memory_space<hbm>>) dst(%arg10 : memref<160xi32, #tpu.memory_space<vmem>>)
          %gt3A = arith.constant 0 : i32
          %gt3A_348 = arith.cmpi sgt, %add3A_227, %gt3A : i32
          %convert_element_type3A_349 = arith.extui %gt3A_348 : i1 to i32
          %cond3A_350 = arith.constant 0 : i32
          %cond3A_351 = arith.cmpi ne, %convert_element_type3A_349, %cond3A_350 : i32
          scf.if %cond3A_351 {
            %dma_wait3A_357 = arith.constant 0 : i32
            %dma_wait3A_358 = arith.constant 0 : i32
            %dma_wait3A_359 = tpu.memref_slice %arg5[%dma_wait3A_357, %dma_wait3A_358] : memref<10016x128xf32, #tpu.memory_space<vmem_shared>> -> memref<10016x128xf32, #tpu.memory_space<vmem_shared>>
            tpu.wait_indirect_dma semaphore(%arg34 : memref<!tpu.dma_semaphore, #tpu.memory_space<semaphore_mem>>) src(%arg18 : memref<80x128xf32, #tpu.memory_space<vmem>>) dst(%dma_wait3A_359 : memref<10016x128xf32, #tpu.memory_space<vmem_shared>>)
          } else {
          }
          %dma_start3A_352 = arith.constant 0 : i32
          %dma_start3A_353 = tpu.memref_slice %arg10[%dma_start3A_352] : memref<160xi32, #tpu.memory_space<vmem>> -> memref<80xi32, #tpu.memory_space<vmem>>
          %dma_start3A_354 = arith.constant 0 : i32
          %dma_start3A_355 = arith.constant 0 : i32
          %dma_start3A_356 = tpu.memref_slice %arg2[%dma_start3A_354, %dma_start3A_355] : memref<10000x128xf32, #tpu.memory_space<hbm>> -> memref<10000x128xf32, #tpu.memory_space<hbm>>
          tpu.enqueue_indirect_dma source(%dma_start3A_356 : memref<10000x128xf32, #tpu.memory_space<hbm>>) target(%arg18 : memref<80x128xf32, #tpu.memory_space<vmem>>) offsets(%dma_start3A_353 : memref<80xi32, #tpu.memory_space<vmem>>) semaphore(%arg30 : memref<!tpu.dma_semaphore, #tpu.memory_space<semaphore_mem>>)
        } else {
        }
        %add3A_334 = arith.constant 8 : i32
        %add3A_335 = arith.addi %add3A_227, %add3A_334 : i32
        %lt3A_336 = arith.constant 250 : i32
        %lt3A_337 = arith.cmpi slt, %add3A_335, %lt3A_336 : i32
        %convert_element_type3A_338 = arith.extui %lt3A_337 : i1 to i32
        %cond3A_339 = arith.constant 0 : i32
        %cond3A_340 = arith.cmpi ne, %convert_element_type3A_338, %cond3A_339 : i32
        scf.if %cond3A_340 {
          %add3A_341 = arith.constant 8 : i32
          %add3A_342 = arith.addi %add3A_227, %add3A_341 : i32
          %add3A_343 = arith.addi %mul3A_0, %add3A_342 : i32
          %dma_start3A_344 = arith.constant 0 : i32
          %dma_start3A_345 = tpu.memref_slice %arg3[%add3A_343, %dma_start3A_344] : memref<4000x160xi32, #tpu.memory_space<hbm>> -> memref<1x160xi32, #tpu.memory_space<hbm>>
          %dma_start3A_346 = tpu.memref_squeeze %dma_start3A_345 : memref<1x160xi32, #tpu.memory_space<hbm>> -> memref<160xi32, #tpu.memory_space<hbm>>
          %dma_start3A_347 = arith.constant 0 : i32
          %dma_start3A_348 = tpu.memref_slice %arg3[%add3A_343, %dma_start3A_347] : memref<4000x160xi32, #tpu.memory_space<hbm>> -> memref<1x160xi32, #tpu.memory_space<hbm>>
          %dma_start3A_349 = tpu.memref_squeeze %dma_start3A_348 : memref<1x160xi32, #tpu.memory_space<hbm>> -> memref<160xi32, #tpu.memory_space<hbm>>
          tpu.enqueue_dma source(%dma_start3A_349 : memref<160xi32, #tpu.memory_space<hbm>>) target(%arg7 : memref<160xi32, #tpu.memory_space<vmem>>) target_semaphore(%arg23 : memref<!tpu.dma_semaphore, #tpu.memory_space<semaphore_mem>>)
        } else {
        }
      } else {
      }
      %add3A_184 = arith.constant 2 : i32
      %add3A_185 = arith.addi %mul3A_170, %add3A_184 : i32
      %lt3A_186 = arith.constant 250 : i32
      %lt3A_187 = arith.cmpi slt, %add3A_185, %lt3A_186 : i32
      %convert_element_type3A_188 = arith.extui %lt3A_187 : i1 to i32
      %cond3A_189 = arith.constant 0 : i32
      %cond3A_190 = arith.cmpi ne, %convert_element_type3A_188, %cond3A_189 : i32
      scf.if %cond3A_190 {
        %add3A_226 = arith.constant 2 : i32
        %add3A_227 = arith.addi %mul3A_170, %add3A_226 : i32
        %get3A = arith.constant 80 : index
        %get3A_228 = tpu.vector_load %arg8[%get3A] {strides = array<i32>} : memref<160xi32, #tpu.memory_space<vmem>>, vector<16xi32>,
        %get3A_229 = vector.shape_cast %get3A_228 : vector<16xi32> to vector<16xi32>
        %sub3A_230 = vector.broadcast %mul3A_2 : i32 to vector<16xi32>
        %sub3A_231 = arith.subi %get3A_229, %sub3A_230 : vector<16xi32>
        %ge3A = arith.constant 0 : i32
        %ge3A_232 = vector.broadcast %ge3A : i32 to vector<16xi32>
        %ge3A_233 = arith.cmpi sge, %sub3A_231, %ge3A_232 : vector<16xi32>
        %lt3A_234 = arith.constant 10000 : i32
        %lt3A_235 = vector.broadcast %lt3A_234 : i32 to vector<16xi32>
        %lt3A_236 = arith.cmpi slt, %sub3A_231, %lt3A_235 : vector<16xi32>
        %and3A = arith.andi %ge3A_233, %lt3A_236 : vector<16xi1>
        %jit3A = arith.constant 10000 : i32
        %broadcast_in_dim3A = vector.broadcast %jit3A : i32 to vector<16xi32>
        %select_n3A = arith.select %and3A, %sub3A_231, %broadcast_in_dim3A : vector<16xi1>, vector<16xi32>
        %swap3A = arith.constant 0 : index
        %swap3A_237 = tpu.vector_load %arg16[%swap3A] {strides = array<i32>} : memref<80xi32, #tpu.memory_space<vmem>>, vector<16xi32>,
        %swap3A_238 = vector.shape_cast %swap3A_237 : vector<16xi32> to vector<16xi32>
        %swap3A_239 = vector.shape_cast %select_n3A : vector<16xi32> to vector<16xi32>
        tpu.vector_store %arg16[%swap3A], %swap3A_239 {strides = array<i32>} : memref<80xi32, #tpu.memory_space<vmem>>, vector<16xi32>,
        %get3A_240 = arith.constant 96 : index
        %get3A_241 = tpu.vector_load %arg8[%get3A_240] {strides = array<i32>} : memref<160xi32, #tpu.memory_space<vmem>>, vector<16xi32>,
        %get3A_242 = vector.shape_cast %get3A_241 : vector<16xi32> to vector<16xi32>
        %sub3A_243 = vector.broadcast %mul3A_2 : i32 to vector<16xi32>
        %sub3A_244 = arith.subi %get3A_242, %sub3A_243 : vector<16xi32>
        %ge3A_245 = arith.constant 0 : i32
        %ge3A_246 = vector.broadcast %ge3A_245 : i32 to vector<16xi32>
        %ge3A_247 = arith.cmpi sge, %sub3A_244, %ge3A_246 : vector<16xi32>
        %lt3A_248 = arith.constant 10000 : i32
        %lt3A_249 = vector.broadcast %lt3A_248 : i32 to vector<16xi32>
        %lt3A_250 = arith.cmpi slt, %sub3A_244, %lt3A_249 : vector<16xi32>
        %and3A_251 = arith.andi %ge3A_247, %lt3A_250 : vector<16xi1>
        %jit3A_252 = arith.constant 10000 : i32
        %broadcast_in_dim3A_253 = vector.broadcast %jit3A_252 : i32 to vector<16xi32>
        %select_n3A_254 = arith.select %and3A_251, %sub3A_244, %broadcast_in_dim3A_253 : vector<16xi1>, vector<16xi32>
        %swap3A_255 = arith.constant 16 : index
        %swap3A_256 = tpu.vector_load %arg16[%swap3A_255] {strides = array<i32>} : memref<80xi32, #tpu.memory_space<vmem>>, vector<16xi32>,
        %swap3A_257 = vector.shape_cast %swap3A_256 : vector<16xi32> to vector<16xi32>
        %swap3A_258 = vector.shape_cast %select_n3A_254 : vector<16xi32> to vector<16xi32>
        tpu.vector_store %arg16[%swap3A_255], %swap3A_258 {strides = array<i32>} : memref<80xi32, #tpu.memory_space<vmem>>, vector<16xi32>,
        %get3A_259 = arith.constant 112 : index
        %get3A_260 = tpu.vector_load %arg8[%get3A_259] {strides = array<i32>} : memref<160xi32, #tpu.memory_space<vmem>>, vector<16xi32>,
        %get3A_261 = vector.shape_cast %get3A_260 : vector<16xi32> to vector<16xi32>
        %sub3A_262 = vector.broadcast %mul3A_2 : i32 to vector<16xi32>
        %sub3A_263 = arith.subi %get3A_261, %sub3A_262 : vector<16xi32>
        %ge3A_264 = arith.constant 0 : i32
        %ge3A_265 = vector.broadcast %ge3A_264 : i32 to vector<16xi32>
        %ge3A_266 = arith.cmpi sge, %sub3A_263, %ge3A_265 : vector<16xi32>
        %lt3A_267 = arith.constant 10000 : i32
        %lt3A_268 = vector.broadcast %lt3A_267 : i32 to vector<16xi32>
        %lt3A_269 = arith.cmpi slt, %sub3A_263, %lt3A_268 : vector<16xi32>
        %and3A_270 = arith.andi %ge3A_266, %lt3A_269 : vector<16xi1>
        %jit3A_271 = arith.constant 10000 : i32
        %broadcast_in_dim3A_272 = vector.broadcast %jit3A_271 : i32 to vector<16xi32>
        %select_n3A_273 = arith.select %and3A_270, %sub3A_263, %broadcast_in_dim3A_272 : vector<16xi1>, vector<16xi32>
        %swap3A_274 = arith.constant 32 : index
        %swap3A_275 = tpu.vector_load %arg16[%swap3A_274] {strides = array<i32>} : memref<80xi32, #tpu.memory_space<vmem>>, vector<16xi32>,
        %swap3A_276 = vector.shape_cast %swap3A_275 : vector<16xi32> to vector<16xi32>
        %swap3A_277 = vector.shape_cast %select_n3A_273 : vector<16xi32> to vector<16xi32>
        tpu.vector_store %arg16[%swap3A_274], %swap3A_277 {strides = array<i32>} : memref<80xi32, #tpu.memory_space<vmem>>, vector<16xi32>,
        %get3A_278 = arith.constant 128 : index
        %get3A_279 = tpu.vector_load %arg8[%get3A_278] {strides = array<i32>} : memref<160xi32, #tpu.memory_space<vmem>>, vector<16xi32>,
        %get3A_280 = vector.shape_cast %get3A_279 : vector<16xi32> to vector<16xi32>
        %sub3A_281 = vector.broadcast %mul3A_2 : i32 to vector<16xi32>
        %sub3A_282 = arith.subi %get3A_280, %sub3A_281 : vector<16xi32>
        %ge3A_283 = arith.constant 0 : i32
        %ge3A_284 = vector.broadcast %ge3A_283 : i32 to vector<16xi32>
        %ge3A_285 = arith.cmpi sge, %sub3A_282, %ge3A_284 : vector<16xi32>
        %lt3A_286 = arith.constant 10000 : i32
        %lt3A_287 = vector.broadcast %lt3A_286 : i32 to vector<16xi32>
        %lt3A_288 = arith.cmpi slt, %sub3A_282, %lt3A_287 : vector<16xi32>
        %and3A_289 = arith.andi %ge3A_285, %lt3A_288 : vector<16xi1>
        %jit3A_290 = arith.constant 10000 : i32
        %broadcast_in_dim3A_291 = vector.broadcast %jit3A_290 : i32 to vector<16xi32>
        %select_n3A_292 = arith.select %and3A_289, %sub3A_282, %broadcast_in_dim3A_291 : vector<16xi1>, vector<16xi32>
        %swap3A_293 = arith.constant 48 : index
        %swap3A_294 = tpu.vector_load %arg16[%swap3A_293] {strides = array<i32>} : memref<80xi32, #tpu.memory_space<vmem>>, vector<16xi32>,
        %swap3A_295 = vector.shape_cast %swap3A_294 : vector<16xi32> to vector<16xi32>
        %swap3A_296 = vector.shape_cast %select_n3A_292 : vector<16xi32> to vector<16xi32>
        tpu.vector_store %arg16[%swap3A_293], %swap3A_296 {strides = array<i32>} : memref<80xi32, #tpu.memory_space<vmem>>, vector<16xi32>,
        %get3A_297 = arith.constant 144 : index
        %get3A_298 = tpu.vector_load %arg8[%get3A_297] {strides = array<i32>} : memref<160xi32, #tpu.memory_space<vmem>>, vector<16xi32>,
        %get3A_299 = vector.shape_cast %get3A_298 : vector<16xi32> to vector<16xi32>
        %sub3A_300 = vector.broadcast %mul3A_2 : i32 to vector<16xi32>
        %sub3A_301 = arith.subi %get3A_299, %sub3A_300 : vector<16xi32>
        %ge3A_302 = arith.constant 0 : i32
        %ge3A_303 = vector.broadcast %ge3A_302 : i32 to vector<16xi32>
        %ge3A_304 = arith.cmpi sge, %sub3A_301, %ge3A_303 : vector<16xi32>
        %lt3A_305 = arith.constant 10000 : i32
        %lt3A_306 = vector.broadcast %lt3A_305 : i32 to vector<16xi32>
        %lt3A_307 = arith.cmpi slt, %sub3A_301, %lt3A_306 : vector<16xi32>
        %and3A_308 = arith.andi %ge3A_304, %lt3A_307 : vector<16xi1>
        %jit3A_309 = arith.constant 10000 : i32
        %broadcast_in_dim3A_310 = vector.broadcast %jit3A_309 : i32 to vector<16xi32>
        %select_n3A_311 = arith.select %and3A_308, %sub3A_301, %broadcast_in_dim3A_310 : vector<16xi1>, vector<16xi32>
        %swap3A_312 = arith.constant 64 : index
        %swap3A_313 = tpu.vector_load %arg16[%swap3A_312] {strides = array<i32>} : memref<80xi32, #tpu.memory_space<vmem>>, vector<16xi32>,
        %swap3A_314 = vector.shape_cast %swap3A_313 : vector<16xi32> to vector<16xi32>
        %swap3A_315 = vector.shape_cast %select_n3A_311 : vector<16xi32> to vector<16xi32>
        tpu.vector_store %arg16[%swap3A_312], %swap3A_315 {strides = array<i32>} : memref<80xi32, #tpu.memory_space<vmem>>, vector<16xi32>,
        %dma_wait3A_316 = arith.constant 0 : i32
        %dma_wait3A_317 = arith.constant 0 : i32
        %dma_wait3A_318 = tpu.memref_slice %arg2[%dma_wait3A_316, %dma_wait3A_317] : memref<10000x128xf32, #tpu.memory_space<hbm>> -> memref<80x128xf32, #tpu.memory_space<hbm>>
        %dma_wait3A_319 = arith.constant 0 : i32
        %dma_wait3A_320 = arith.constant 0 : i32
        %dma_wait3A_321 = tpu.memref_slice %arg2[%dma_wait3A_319, %dma_wait3A_320] : memref<10000x128xf32, #tpu.memory_space<hbm>> -> memref<80x128xf32, #tpu.memory_space<hbm>>
        tpu.wait_dma2 semaphore(%arg32 : memref<!tpu.dma_semaphore, #tpu.memory_space<semaphore_mem>>) src(%dma_wait3A_321 : memref<80x128xf32, #tpu.memory_space<hbm>>) dst(%arg20 : memref<80x128xf32, #tpu.memory_space<vmem>>)
        %dma_start3A_322 = arith.constant 0 : i32
        %dma_start3A_323 = arith.constant 0 : i32
        %dma_start3A_324 = tpu.memref_slice %arg5[%dma_start3A_322, %dma_start3A_323] : memref<10016x128xf32, #tpu.memory_space<vmem_shared>> -> memref<10016x128xf32, #tpu.memory_space<vmem_shared>>
        tpu.enqueue_indirect_dma source(%arg20 : memref<80x128xf32, #tpu.memory_space<vmem>>) target(%dma_start3A_324 : memref<10016x128xf32, #tpu.memory_space<vmem_shared>>) offsets(%arg16 : memref<80xi32, #tpu.memory_space<vmem>>) semaphore(%arg36 : memref<!tpu.dma_semaphore, #tpu.memory_space<semaphore_mem>>) {add = true}
        %add3A_325 = arith.constant 4 : i32
        %add3A_326 = arith.addi %add3A_227, %add3A_325 : i32
        %sub3A_327 = arith.constant 1 : i32
        %sub3A_328 = arith.subi %add3A_326, %sub3A_327 : i32
        %lt3A_329 = arith.constant 250 : i32
        %lt3A_330 = arith.cmpi slt, %sub3A_328, %lt3A_329 : i32
        %convert_element_type3A_331 = arith.extui %lt3A_330 : i1 to i32
        %cond3A_332 = arith.constant 0 : i32
        %cond3A_333 = arith.cmpi ne, %convert_element_type3A_331, %cond3A_332 : i32
        scf.if %cond3A_333 {
          %dma_wait3A_341 = arith.constant 0 : i32
          %dma_wait3A_342 = arith.constant 0 : i32
          %dma_wait3A_343 = tpu.memref_slice %arg3[%dma_wait3A_341, %dma_wait3A_342] : memref<4000x160xi32, #tpu.memory_space<hbm>> -> memref<1x160xi32, #tpu.memory_space<hbm>>
          %dma_wait3A_344 = tpu.memref_squeeze %dma_wait3A_343 : memref<1x160xi32, #tpu.memory_space<hbm>> -> memref<160xi32, #tpu.memory_space<hbm>>
          %dma_wait3A_345 = arith.constant 0 : i32
          %dma_wait3A_346 = tpu.memref_slice %arg3[%dma_wait3A_341, %dma_wait3A_345] : memref<4000x160xi32, #tpu.memory_space<hbm>> -> memref<1x160xi32, #tpu.memory_space<hbm>>
          %dma_wait3A_347 = tpu.memref_squeeze %dma_wait3A_346 : memref<1x160xi32, #tpu.memory_space<hbm>> -> memref<160xi32, #tpu.memory_space<hbm>>
          tpu.wait_dma2 semaphore(%arg27 : memref<!tpu.dma_semaphore, #tpu.memory_space<semaphore_mem>>) src(%dma_wait3A_347 : memref<160xi32, #tpu.memory_space<hbm>>) dst(%arg11 : memref<160xi32, #tpu.memory_space<vmem>>)
          %gt3A = arith.constant 0 : i32
          %gt3A_348 = arith.cmpi sgt, %add3A_227, %gt3A : i32
          %convert_element_type3A_349 = arith.extui %gt3A_348 : i1 to i32
          %cond3A_350 = arith.constant 0 : i32
          %cond3A_351 = arith.cmpi ne, %convert_element_type3A_349, %cond3A_350 : i32
          scf.if %cond3A_351 {
            %dma_wait3A_357 = arith.constant 0 : i32
            %dma_wait3A_358 = arith.constant 0 : i32
            %dma_wait3A_359 = tpu.memref_slice %arg5[%dma_wait3A_357, %dma_wait3A_358] : memref<10016x128xf32, #tpu.memory_space<vmem_shared>> -> memref<10016x128xf32, #tpu.memory_space<vmem_shared>>
            tpu.wait_indirect_dma semaphore(%arg35 : memref<!tpu.dma_semaphore, #tpu.memory_space<semaphore_mem>>) src(%arg19 : memref<80x128xf32, #tpu.memory_space<vmem>>) dst(%dma_wait3A_359 : memref<10016x128xf32, #tpu.memory_space<vmem_shared>>)
          } else {
          }
          %dma_start3A_352 = arith.constant 0 : i32
          %dma_start3A_353 = tpu.memref_slice %arg11[%dma_start3A_352] : memref<160xi32, #tpu.memory_space<vmem>> -> memref<80xi32, #tpu.memory_space<vmem>>
          %dma_start3A_354 = arith.constant 0 : i32
          %dma_start3A_355 = arith.constant 0 : i32
          %dma_start3A_356 = tpu.memref_slice %arg2[%dma_start3A_354, %dma_start3A_355] : memref<10000x128xf32, #tpu.memory_space<hbm>> -> memref<10000x128xf32, #tpu.memory_space<hbm>>
          tpu.enqueue_indirect_dma source(%dma_start3A_356 : memref<10000x128xf32, #tpu.memory_space<hbm>>) target(%arg19 : memref<80x128xf32, #tpu.memory_space<vmem>>) offsets(%dma_start3A_353 : memref<80xi32, #tpu.memory_space<vmem>>) semaphore(%arg31 : memref<!tpu.dma_semaphore, #tpu.memory_space<semaphore_mem>>)
        } else {
        }
        %add3A_334 = arith.constant 8 : i32
        %add3A_335 = arith.addi %add3A_227, %add3A_334 : i32
        %lt3A_336 = arith.constant 250 : i32
        %lt3A_337 = arith.cmpi slt, %add3A_335, %lt3A_336 : i32
        %convert_element_type3A_338 = arith.extui %lt3A_337 : i1 to i32
        %cond3A_339 = arith.constant 0 : i32
        %cond3A_340 = arith.cmpi ne, %convert_element_type3A_338, %cond3A_339 : i32
        scf.if %cond3A_340 {
          %add3A_341 = arith.constant 8 : i32
          %add3A_342 = arith.addi %add3A_227, %add3A_341 : i32
          %add3A_343 = arith.addi %mul3A_0, %add3A_342 : i32
          %dma_start3A_344 = arith.constant 0 : i32
          %dma_start3A_345 = tpu.memref_slice %arg3[%add3A_343, %dma_start3A_344] : memref<4000x160xi32, #tpu.memory_space<hbm>> -> memref<1x160xi32, #tpu.memory_space<hbm>>
          %dma_start3A_346 = tpu.memref_squeeze %dma_start3A_345 : memref<1x160xi32, #tpu.memory_space<hbm>> -> memref<160xi32, #tpu.memory_space<hbm>>
          %dma_start3A_347 = arith.constant 0 : i32
          %dma_start3A_348 = tpu.memref_slice %arg3[%add3A_343, %dma_start3A_347] : memref<4000x160xi32, #tpu.memory_space<hbm>> -> memref<1x160xi32, #tpu.memory_space<hbm>>
          %dma_start3A_349 = tpu.memref_squeeze %dma_start3A_348 : memref<1x160xi32, #tpu.memory_space<hbm>> -> memref<160xi32, #tpu.memory_space<hbm>>
          tpu.enqueue_dma source(%dma_start3A_349 : memref<160xi32, #tpu.memory_space<hbm>>) target(%arg8 : memref<160xi32, #tpu.memory_space<vmem>>) target_semaphore(%arg24 : memref<!tpu.dma_semaphore, #tpu.memory_space<semaphore_mem>>)
        } else {
        }
      } else {
      }
      %add3A_191 = arith.constant 3 : i32
      %add3A_192 = arith.addi %mul3A_170, %add3A_191 : i32
      %lt3A_193 = arith.constant 250 : i32
      %lt3A_194 = arith.cmpi slt, %add3A_192, %lt3A_193 : i32
      %convert_element_type3A_195 = arith.extui %lt3A_194 : i1 to i32
      %cond3A_196 = arith.constant 0 : i32
      %cond3A_197 = arith.cmpi ne, %convert_element_type3A_195, %cond3A_196 : i32
      scf.if %cond3A_197 {
        %add3A_226 = arith.constant 3 : i32
        %add3A_227 = arith.addi %mul3A_170, %add3A_226 : i32
        %get3A = arith.constant 80 : index
        %get3A_228 = tpu.vector_load %arg9[%get3A] {strides = array<i32>} : memref<160xi32, #tpu.memory_space<vmem>>, vector<16xi32>,
        %get3A_229 = vector.shape_cast %get3A_228 : vector<16xi32> to vector<16xi32>
        %sub3A_230 = vector.broadcast %mul3A_2 : i32 to vector<16xi32>
        %sub3A_231 = arith.subi %get3A_229, %sub3A_230 : vector<16xi32>
        %ge3A = arith.constant 0 : i32
        %ge3A_232 = vector.broadcast %ge3A : i32 to vector<16xi32>
        %ge3A_233 = arith.cmpi sge, %sub3A_231, %ge3A_232 : vector<16xi32>
        %lt3A_234 = arith.constant 10000 : i32
        %lt3A_235 = vector.broadcast %lt3A_234 : i32 to vector<16xi32>
        %lt3A_236 = arith.cmpi slt, %sub3A_231, %lt3A_235 : vector<16xi32>
        %and3A = arith.andi %ge3A_233, %lt3A_236 : vector<16xi1>
        %jit3A = arith.constant 10000 : i32
        %broadcast_in_dim3A = vector.broadcast %jit3A : i32 to vector<16xi32>
        %select_n3A = arith.select %and3A, %sub3A_231, %broadcast_in_dim3A : vector<16xi1>, vector<16xi32>
        %swap3A = arith.constant 0 : index
        %swap3A_237 = tpu.vector_load %arg17[%swap3A] {strides = array<i32>} : memref<80xi32, #tpu.memory_space<vmem>>, vector<16xi32>,
        %swap3A_238 = vector.shape_cast %swap3A_237 : vector<16xi32> to vector<16xi32>
        %swap3A_239 = vector.shape_cast %select_n3A : vector<16xi32> to vector<16xi32>
        tpu.vector_store %arg17[%swap3A], %swap3A_239 {strides = array<i32>} : memref<80xi32, #tpu.memory_space<vmem>>, vector<16xi32>,
        %get3A_240 = arith.constant 96 : index
        %get3A_241 = tpu.vector_load %arg9[%get3A_240] {strides = array<i32>} : memref<160xi32, #tpu.memory_space<vmem>>, vector<16xi32>,
        %get3A_242 = vector.shape_cast %get3A_241 : vector<16xi32> to vector<16xi32>
        %sub3A_243 = vector.broadcast %mul3A_2 : i32 to vector<16xi32>
        %sub3A_244 = arith.subi %get3A_242, %sub3A_243 : vector<16xi32>
        %ge3A_245 = arith.constant 0 : i32
        %ge3A_246 = vector.broadcast %ge3A_245 : i32 to vector<16xi32>
        %ge3A_247 = arith.cmpi sge, %sub3A_244, %ge3A_246 : vector<16xi32>
        %lt3A_248 = arith.constant 10000 : i32
        %lt3A_249 = vector.broadcast %lt3A_248 : i32 to vector<16xi32>
        %lt3A_250 = arith.cmpi slt, %sub3A_244, %lt3A_249 : vector<16xi32>
        %and3A_251 = arith.andi %ge3A_247, %lt3A_250 : vector<16xi1>
        %jit3A_252 = arith.constant 10000 : i32
        %broadcast_in_dim3A_253 = vector.broadcast %jit3A_252 : i32 to vector<16xi32>
        %select_n3A_254 = arith.select %and3A_251, %sub3A_244, %broadcast_in_dim3A_253 : vector<16xi1>, vector<16xi32>
        %swap3A_255 = arith.constant 16 : index
        %swap3A_256 = tpu.vector_load %arg17[%swap3A_255] {strides = array<i32>} : memref<80xi32, #tpu.memory_space<vmem>>, vector<16xi32>,
        %swap3A_257 = vector.shape_cast %swap3A_256 : vector<16xi32> to vector<16xi32>
        %swap3A_258 = vector.shape_cast %select_n3A_254 : vector<16xi32> to vector<16xi32>
        tpu.vector_store %arg17[%swap3A_255], %swap3A_258 {strides = array<i32>} : memref<80xi32, #tpu.memory_space<vmem>>, vector<16xi32>,
        %get3A_259 = arith.constant 112 : index
        %get3A_260 = tpu.vector_load %arg9[%get3A_259] {strides = array<i32>} : memref<160xi32, #tpu.memory_space<vmem>>, vector<16xi32>,
        %get3A_261 = vector.shape_cast %get3A_260 : vector<16xi32> to vector<16xi32>
        %sub3A_262 = vector.broadcast %mul3A_2 : i32 to vector<16xi32>
        %sub3A_263 = arith.subi %get3A_261, %sub3A_262 : vector<16xi32>
        %ge3A_264 = arith.constant 0 : i32
        %ge3A_265 = vector.broadcast %ge3A_264 : i32 to vector<16xi32>
        %ge3A_266 = arith.cmpi sge, %sub3A_263, %ge3A_265 : vector<16xi32>
        %lt3A_267 = arith.constant 10000 : i32
        %lt3A_268 = vector.broadcast %lt3A_267 : i32 to vector<16xi32>
        %lt3A_269 = arith.cmpi slt, %sub3A_263, %lt3A_268 : vector<16xi32>
        %and3A_270 = arith.andi %ge3A_266, %lt3A_269 : vector<16xi1>
        %jit3A_271 = arith.constant 10000 : i32
        %broadcast_in_dim3A_272 = vector.broadcast %jit3A_271 : i32 to vector<16xi32>
        %select_n3A_273 = arith.select %and3A_270, %sub3A_263, %broadcast_in_dim3A_272 : vector<16xi1>, vector<16xi32>
        %swap3A_274 = arith.constant 32 : index
        %swap3A_275 = tpu.vector_load %arg17[%swap3A_274] {strides = array<i32>} : memref<80xi32, #tpu.memory_space<vmem>>, vector<16xi32>,
        %swap3A_276 = vector.shape_cast %swap3A_275 : vector<16xi32> to vector<16xi32>
        %swap3A_277 = vector.shape_cast %select_n3A_273 : vector<16xi32> to vector<16xi32>
        tpu.vector_store %arg17[%swap3A_274], %swap3A_277 {strides = array<i32>} : memref<80xi32, #tpu.memory_space<vmem>>, vector<16xi32>,
        %get3A_278 = arith.constant 128 : index
        %get3A_279 = tpu.vector_load %arg9[%get3A_278] {strides = array<i32>} : memref<160xi32, #tpu.memory_space<vmem>>, vector<16xi32>,
        %get3A_280 = vector.shape_cast %get3A_279 : vector<16xi32> to vector<16xi32>
        %sub3A_281 = vector.broadcast %mul3A_2 : i32 to vector<16xi32>
        %sub3A_282 = arith.subi %get3A_280, %sub3A_281 : vector<16xi32>
        %ge3A_283 = arith.constant 0 : i32
        %ge3A_284 = vector.broadcast %ge3A_283 : i32 to vector<16xi32>
        %ge3A_285 = arith.cmpi sge, %sub3A_282, %ge3A_284 : vector<16xi32>
        %lt3A_286 = arith.constant 10000 : i32
        %lt3A_287 = vector.broadcast %lt3A_286 : i32 to vector<16xi32>
        %lt3A_288 = arith.cmpi slt, %sub3A_282, %lt3A_287 : vector<16xi32>
        %and3A_289 = arith.andi %ge3A_285, %lt3A_288 : vector<16xi1>
        %jit3A_290 = arith.constant 10000 : i32
        %broadcast_in_dim3A_291 = vector.broadcast %jit3A_290 : i32 to vector<16xi32>
        %select_n3A_292 = arith.select %and3A_289, %sub3A_282, %broadcast_in_dim3A_291 : vector<16xi1>, vector<16xi32>
        %swap3A_293 = arith.constant 48 : index
        %swap3A_294 = tpu.vector_load %arg17[%swap3A_293] {strides = array<i32>} : memref<80xi32, #tpu.memory_space<vmem>>, vector<16xi32>,
        %swap3A_295 = vector.shape_cast %swap3A_294 : vector<16xi32> to vector<16xi32>
        %swap3A_296 = vector.shape_cast %select_n3A_292 : vector<16xi32> to vector<16xi32>
        tpu.vector_store %arg17[%swap3A_293], %swap3A_296 {strides = array<i32>} : memref<80xi32, #tpu.memory_space<vmem>>, vector<16xi32>,
        %get3A_297 = arith.constant 144 : index
        %get3A_298 = tpu.vector_load %arg9[%get3A_297] {strides = array<i32>} : memref<160xi32, #tpu.memory_space<vmem>>, vector<16xi32>,
        %get3A_299 = vector.shape_cast %get3A_298 : vector<16xi32> to vector<16xi32>
        %sub3A_300 = vector.broadcast %mul3A_2 : i32 to vector<16xi32>
        %sub3A_301 = arith.subi %get3A_299, %sub3A_300 : vector<16xi32>
        %ge3A_302 = arith.constant 0 : i32
        %ge3A_303 = vector.broadcast %ge3A_302 : i32 to vector<16xi32>
        %ge3A_304 = arith.cmpi sge, %sub3A_301, %ge3A_303 : vector<16xi32>
        %lt3A_305 = arith.constant 10000 : i32
        %lt3A_306 = vector.broadcast %lt3A_305 : i32 to vector<16xi32>
        %lt3A_307 = arith.cmpi slt, %sub3A_301, %lt3A_306 : vector<16xi32>
        %and3A_308 = arith.andi %ge3A_304, %lt3A_307 : vector<16xi1>
        %jit3A_309 = arith.constant 10000 : i32
        %broadcast_in_dim3A_310 = vector.broadcast %jit3A_309 : i32 to vector<16xi32>
        %select_n3A_311 = arith.select %and3A_308, %sub3A_301, %broadcast_in_dim3A_310 : vector<16xi1>, vector<16xi32>
        %swap3A_312 = arith.constant 64 : index
        %swap3A_313 = tpu.vector_load %arg17[%swap3A_312] {strides = array<i32>} : memref<80xi32, #tpu.memory_space<vmem>>, vector<16xi32>,
        %swap3A_314 = vector.shape_cast %swap3A_313 : vector<16xi32> to vector<16xi32>
        %swap3A_315 = vector.shape_cast %select_n3A_311 : vector<16xi32> to vector<16xi32>
        tpu.vector_store %arg17[%swap3A_312], %swap3A_315 {strides = array<i32>} : memref<80xi32, #tpu.memory_space<vmem>>, vector<16xi32>,
        %dma_wait3A_316 = arith.constant 0 : i32
        %dma_wait3A_317 = arith.constant 0 : i32
        %dma_wait3A_318 = tpu.memref_slice %arg2[%dma_wait3A_316, %dma_wait3A_317] : memref<10000x128xf32, #tpu.memory_space<hbm>> -> memref<80x128xf32, #tpu.memory_space<hbm>>
        %dma_wait3A_319 = arith.constant 0 : i32
        %dma_wait3A_320 = arith.constant 0 : i32
        %dma_wait3A_321 = tpu.memref_slice %arg2[%dma_wait3A_319, %dma_wait3A_320] : memref<10000x128xf32, #tpu.memory_space<hbm>> -> memref<80x128xf32, #tpu.memory_space<hbm>>
        tpu.wait_dma2 semaphore(%arg33 : memref<!tpu.dma_semaphore, #tpu.memory_space<semaphore_mem>>) src(%dma_wait3A_321 : memref<80x128xf32, #tpu.memory_space<hbm>>) dst(%arg21 : memref<80x128xf32, #tpu.memory_space<vmem>>)
        %dma_start3A_322 = arith.constant 0 : i32
        %dma_start3A_323 = arith.constant 0 : i32
        %dma_start3A_324 = tpu.memref_slice %arg5[%dma_start3A_322, %dma_start3A_323] : memref<10016x128xf32, #tpu.memory_space<vmem_shared>> -> memref<10016x128xf32, #tpu.memory_space<vmem_shared>>
        tpu.enqueue_indirect_dma source(%arg21 : memref<80x128xf32, #tpu.memory_space<vmem>>) target(%dma_start3A_324 : memref<10016x128xf32, #tpu.memory_space<vmem_shared>>) offsets(%arg17 : memref<80xi32, #tpu.memory_space<vmem>>) semaphore(%arg37 : memref<!tpu.dma_semaphore, #tpu.memory_space<semaphore_mem>>) {add = true}
        %add3A_325 = arith.constant 4 : i32
        %add3A_326 = arith.addi %add3A_227, %add3A_325 : i32
        %sub3A_327 = arith.constant 1 : i32
        %sub3A_328 = arith.subi %add3A_326, %sub3A_327 : i32
        %lt3A_329 = arith.constant 250 : i32
        %lt3A_330 = arith.cmpi slt, %sub3A_328, %lt3A_329 : i32
        %convert_element_type3A_331 = arith.extui %lt3A_330 : i1 to i32
        %cond3A_332 = arith.constant 0 : i32
        %cond3A_333 = arith.cmpi ne, %convert_element_type3A_331, %cond3A_332 : i32
        scf.if %cond3A_333 {
          %dma_wait3A_341 = arith.constant 0 : i32
          %dma_wait3A_342 = arith.constant 0 : i32
          %dma_wait3A_343 = tpu.memref_slice %arg3[%dma_wait3A_341, %dma_wait3A_342] : memref<4000x160xi32, #tpu.memory_space<hbm>> -> memref<1x160xi32, #tpu.memory_space<hbm>>
          %dma_wait3A_344 = tpu.memref_squeeze %dma_wait3A_343 : memref<1x160xi32, #tpu.memory_space<hbm>> -> memref<160xi32, #tpu.memory_space<hbm>>
          %dma_wait3A_345 = arith.constant 0 : i32
          %dma_wait3A_346 = tpu.memref_slice %arg3[%dma_wait3A_341, %dma_wait3A_345] : memref<4000x160xi32, #tpu.memory_space<hbm>> -> memref<1x160xi32, #tpu.memory_space<hbm>>
          %dma_wait3A_347 = tpu.memref_squeeze %dma_wait3A_346 : memref<1x160xi32, #tpu.memory_space<hbm>> -> memref<160xi32, #tpu.memory_space<hbm>>
          tpu.wait_dma2 semaphore(%arg28 : memref<!tpu.dma_semaphore, #tpu.memory_space<semaphore_mem>>) src(%dma_wait3A_347 : memref<160xi32, #tpu.memory_space<hbm>>) dst(%arg12 : memref<160xi32, #tpu.memory_space<vmem>>)
          %gt3A = arith.constant 0 : i32
          %gt3A_348 = arith.cmpi sgt, %add3A_227, %gt3A : i32
          %convert_element_type3A_349 = arith.extui %gt3A_348 : i1 to i32
          %cond3A_350 = arith.constant 0 : i32
          %cond3A_351 = arith.cmpi ne, %convert_element_type3A_349, %cond3A_350 : i32
          scf.if %cond3A_351 {
            %dma_wait3A_357 = arith.constant 0 : i32
            %dma_wait3A_358 = arith.constant 0 : i32
            %dma_wait3A_359 = tpu.memref_slice %arg5[%dma_wait3A_357, %dma_wait3A_358] : memref<10016x128xf32, #tpu.memory_space<vmem_shared>> -> memref<10016x128xf32, #tpu.memory_space<vmem_shared>>
            tpu.wait_indirect_dma semaphore(%arg36 : memref<!tpu.dma_semaphore, #tpu.memory_space<semaphore_mem>>) src(%arg20 : memref<80x128xf32, #tpu.memory_space<vmem>>) dst(%dma_wait3A_359 : memref<10016x128xf32, #tpu.memory_space<vmem_shared>>)
          } else {
          }
          %dma_start3A_352 = arith.constant 0 : i32
          %dma_start3A_353 = tpu.memref_slice %arg12[%dma_start3A_352] : memref<160xi32, #tpu.memory_space<vmem>> -> memref<80xi32, #tpu.memory_space<vmem>>
          %dma_start3A_354 = arith.constant 0 : i32
          %dma_start3A_355 = arith.constant 0 : i32
          %dma_start3A_356 = tpu.memref_slice %arg2[%dma_start3A_354, %dma_start3A_355] : memref<10000x128xf32, #tpu.memory_space<hbm>> -> memref<10000x128xf32, #tpu.memory_space<hbm>>
          tpu.enqueue_indirect_dma source(%dma_start3A_356 : memref<10000x128xf32, #tpu.memory_space<hbm>>) target(%arg20 : memref<80x128xf32, #tpu.memory_space<vmem>>) offsets(%dma_start3A_353 : memref<80xi32, #tpu.memory_space<vmem>>) semaphore(%arg32 : memref<!tpu.dma_semaphore, #tpu.memory_space<semaphore_mem>>)
        } else {
        }
        %add3A_334 = arith.constant 8 : i32
        %add3A_335 = arith.addi %add3A_227, %add3A_334 : i32
        %lt3A_336 = arith.constant 250 : i32
        %lt3A_337 = arith.cmpi slt, %add3A_335, %lt3A_336 : i32
        %convert_element_type3A_338 = arith.extui %lt3A_337 : i1 to i32
        %cond3A_339 = arith.constant 0 : i32
        %cond3A_340 = arith.cmpi ne, %convert_element_type3A_338, %cond3A_339 : i32
        scf.if %cond3A_340 {
          %add3A_341 = arith.constant 8 : i32
          %add3A_342 = arith.addi %add3A_227, %add3A_341 : i32
          %add3A_343 = arith.addi %mul3A_0, %add3A_342 : i32
          %dma_start3A_344 = arith.constant 0 : i32
          %dma_start3A_345 = tpu.memref_slice %arg3[%add3A_343, %dma_start3A_344] : memref<4000x160xi32, #tpu.memory_space<hbm>> -> memref<1x160xi32, #tpu.memory_space<hbm>>
          %dma_start3A_346 = tpu.memref_squeeze %dma_start3A_345 : memref<1x160xi32, #tpu.memory_space<hbm>> -> memref<160xi32, #tpu.memory_space<hbm>>
          %dma_start3A_347 = arith.constant 0 : i32
          %dma_start3A_348 = tpu.memref_slice %arg3[%add3A_343, %dma_start3A_347] : memref<4000x160xi32, #tpu.memory_space<hbm>> -> memref<1x160xi32, #tpu.memory_space<hbm>>
          %dma_start3A_349 = tpu.memref_squeeze %dma_start3A_348 : memref<1x160xi32, #tpu.memory_space<hbm>> -> memref<160xi32, #tpu.memory_space<hbm>>
          tpu.enqueue_dma source(%dma_start3A_349 : memref<160xi32, #tpu.memory_space<hbm>>) target(%arg9 : memref<160xi32, #tpu.memory_space<vmem>>) target_semaphore(%arg25 : memref<!tpu.dma_semaphore, #tpu.memory_space<semaphore_mem>>)
        } else {
        }
      } else {
      }
      %add3A_198 = arith.constant 4 : i32
      %add3A_199 = arith.addi %mul3A_170, %add3A_198 : i32
      %lt3A_200 = arith.constant 250 : i32
      %lt3A_201 = arith.cmpi slt, %add3A_199, %lt3A_200 : i32
      %convert_element_type3A_202 = arith.extui %lt3A_201 : i1 to i32
      %cond3A_203 = arith.constant 0 : i32
      %cond3A_204 = arith.cmpi ne, %convert_element_type3A_202, %cond3A_203 : i32
      scf.if %cond3A_204 {
        %add3A_226 = arith.constant 4 : i32
        %add3A_227 = arith.addi %mul3A_170, %add3A_226 : i32
        %get3A = arith.constant 80 : index
        %get3A_228 = tpu.vector_load %arg10[%get3A] {strides = array<i32>} : memref<160xi32, #tpu.memory_space<vmem>>, vector<16xi32>,
        %get3A_229 = vector.shape_cast %get3A_228 : vector<16xi32> to vector<16xi32>
        %sub3A_230 = vector.broadcast %mul3A_2 : i32 to vector<16xi32>
        %sub3A_231 = arith.subi %get3A_229, %sub3A_230 : vector<16xi32>
        %ge3A = arith.constant 0 : i32
        %ge3A_232 = vector.broadcast %ge3A : i32 to vector<16xi32>
        %ge3A_233 = arith.cmpi sge, %sub3A_231, %ge3A_232 : vector<16xi32>
        %lt3A_234 = arith.constant 10000 : i32
        %lt3A_235 = vector.broadcast %lt3A_234 : i32 to vector<16xi32>
        %lt3A_236 = arith.cmpi slt, %sub3A_231, %lt3A_235 : vector<16xi32>
        %and3A = arith.andi %ge3A_233, %lt3A_236 : vector<16xi1>
        %jit3A = arith.constant 10000 : i32
        %broadcast_in_dim3A = vector.broadcast %jit3A : i32 to vector<16xi32>
        %select_n3A = arith.select %and3A, %sub3A_231, %broadcast_in_dim3A : vector<16xi1>, vector<16xi32>
        %swap3A = arith.constant 0 : index
        %swap3A_237 = tpu.vector_load %arg14[%swap3A] {strides = array<i32>} : memref<80xi32, #tpu.memory_space<vmem>>, vector<16xi32>,
        %swap3A_238 = vector.shape_cast %swap3A_237 : vector<16xi32> to vector<16xi32>
        %swap3A_239 = vector.shape_cast %select_n3A : vector<16xi32> to vector<16xi32>
        tpu.vector_store %arg14[%swap3A], %swap3A_239 {strides = array<i32>} : memref<80xi32, #tpu.memory_space<vmem>>, vector<16xi32>,
        %get3A_240 = arith.constant 96 : index
        %get3A_241 = tpu.vector_load %arg10[%get3A_240] {strides = array<i32>} : memref<160xi32, #tpu.memory_space<vmem>>, vector<16xi32>,
        %get3A_242 = vector.shape_cast %get3A_241 : vector<16xi32> to vector<16xi32>
        %sub3A_243 = vector.broadcast %mul3A_2 : i32 to vector<16xi32>
        %sub3A_244 = arith.subi %get3A_242, %sub3A_243 : vector<16xi32>
        %ge3A_245 = arith.constant 0 : i32
        %ge3A_246 = vector.broadcast %ge3A_245 : i32 to vector<16xi32>
        %ge3A_247 = arith.cmpi sge, %sub3A_244, %ge3A_246 : vector<16xi32>
        %lt3A_248 = arith.constant 10000 : i32
        %lt3A_249 = vector.broadcast %lt3A_248 : i32 to vector<16xi32>
        %lt3A_250 = arith.cmpi slt, %sub3A_244, %lt3A_249 : vector<16xi32>
        %and3A_251 = arith.andi %ge3A_247, %lt3A_250 : vector<16xi1>
        %jit3A_252 = arith.constant 10000 : i32
        %broadcast_in_dim3A_253 = vector.broadcast %jit3A_252 : i32 to vector<16xi32>
        %select_n3A_254 = arith.select %and3A_251, %sub3A_244, %broadcast_in_dim3A_253 : vector<16xi1>, vector<16xi32>
        %swap3A_255 = arith.constant 16 : index
        %swap3A_256 = tpu.vector_load %arg14[%swap3A_255] {strides = array<i32>} : memref<80xi32, #tpu.memory_space<vmem>>, vector<16xi32>,
        %swap3A_257 = vector.shape_cast %swap3A_256 : vector<16xi32> to vector<16xi32>
        %swap3A_258 = vector.shape_cast %select_n3A_254 : vector<16xi32> to vector<16xi32>
        tpu.vector_store %arg14[%swap3A_255], %swap3A_258 {strides = array<i32>} : memref<80xi32, #tpu.memory_space<vmem>>, vector<16xi32>,
        %get3A_259 = arith.constant 112 : index
        %get3A_260 = tpu.vector_load %arg10[%get3A_259] {strides = array<i32>} : memref<160xi32, #tpu.memory_space<vmem>>, vector<16xi32>,
        %get3A_261 = vector.shape_cast %get3A_260 : vector<16xi32> to vector<16xi32>
        %sub3A_262 = vector.broadcast %mul3A_2 : i32 to vector<16xi32>
        %sub3A_263 = arith.subi %get3A_261, %sub3A_262 : vector<16xi32>
        %ge3A_264 = arith.constant 0 : i32
        %ge3A_265 = vector.broadcast %ge3A_264 : i32 to vector<16xi32>
        %ge3A_266 = arith.cmpi sge, %sub3A_263, %ge3A_265 : vector<16xi32>
        %lt3A_267 = arith.constant 10000 : i32
        %lt3A_268 = vector.broadcast %lt3A_267 : i32 to vector<16xi32>
        %lt3A_269 = arith.cmpi slt, %sub3A_263, %lt3A_268 : vector<16xi32>
        %and3A_270 = arith.andi %ge3A_266, %lt3A_269 : vector<16xi1>
        %jit3A_271 = arith.constant 10000 : i32
        %broadcast_in_dim3A_272 = vector.broadcast %jit3A_271 : i32 to vector<16xi32>
        %select_n3A_273 = arith.select %and3A_270, %sub3A_263, %broadcast_in_dim3A_272 : vector<16xi1>, vector<16xi32>
        %swap3A_274 = arith.constant 32 : index
        %swap3A_275 = tpu.vector_load %arg14[%swap3A_274] {strides = array<i32>} : memref<80xi32, #tpu.memory_space<vmem>>, vector<16xi32>,
        %swap3A_276 = vector.shape_cast %swap3A_275 : vector<16xi32> to vector<16xi32>
        %swap3A_277 = vector.shape_cast %select_n3A_273 : vector<16xi32> to vector<16xi32>
        tpu.vector_store %arg14[%swap3A_274], %swap3A_277 {strides = array<i32>} : memref<80xi32, #tpu.memory_space<vmem>>, vector<16xi32>,
        %get3A_278 = arith.constant 128 : index
        %get3A_279 = tpu.vector_load %arg10[%get3A_278] {strides = array<i32>} : memref<160xi32, #tpu.memory_space<vmem>>, vector<16xi32>,
        %get3A_280 = vector.shape_cast %get3A_279 : vector<16xi32> to vector<16xi32>
        %sub3A_281 = vector.broadcast %mul3A_2 : i32 to vector<16xi32>
        %sub3A_282 = arith.subi %get3A_280, %sub3A_281 : vector<16xi32>
        %ge3A_283 = arith.constant 0 : i32
        %ge3A_284 = vector.broadcast %ge3A_283 : i32 to vector<16xi32>
        %ge3A_285 = arith.cmpi sge, %sub3A_282, %ge3A_284 : vector<16xi32>
        %lt3A_286 = arith.constant 10000 : i32
        %lt3A_287 = vector.broadcast %lt3A_286 : i32 to vector<16xi32>
        %lt3A_288 = arith.cmpi slt, %sub3A_282, %lt3A_287 : vector<16xi32>
        %and3A_289 = arith.andi %ge3A_285, %lt3A_288 : vector<16xi1>
        %jit3A_290 = arith.constant 10000 : i32
        %broadcast_in_dim3A_291 = vector.broadcast %jit3A_290 : i32 to vector<16xi32>
        %select_n3A_292 = arith.select %and3A_289, %sub3A_282, %broadcast_in_dim3A_291 : vector<16xi1>, vector<16xi32>
        %swap3A_293 = arith.constant 48 : index
        %swap3A_294 = tpu.vector_load %arg14[%swap3A_293] {strides = array<i32>} : memref<80xi32, #tpu.memory_space<vmem>>, vector<16xi32>,
        %swap3A_295 = vector.shape_cast %swap3A_294 : vector<16xi32> to vector<16xi32>
        %swap3A_296 = vector.shape_cast %select_n3A_292 : vector<16xi32> to vector<16xi32>
        tpu.vector_store %arg14[%swap3A_293], %swap3A_296 {strides = array<i32>} : memref<80xi32, #tpu.memory_space<vmem>>, vector<16xi32>,
        %get3A_297 = arith.constant 144 : index
        %get3A_298 = tpu.vector_load %arg10[%get3A_297] {strides = array<i32>} : memref<160xi32, #tpu.memory_space<vmem>>, vector<16xi32>,
        %get3A_299 = vector.shape_cast %get3A_298 : vector<16xi32> to vector<16xi32>
        %sub3A_300 = vector.broadcast %mul3A_2 : i32 to vector<16xi32>
        %sub3A_301 = arith.subi %get3A_299, %sub3A_300 : vector<16xi32>
        %ge3A_302 = arith.constant 0 : i32
        %ge3A_303 = vector.broadcast %ge3A_302 : i32 to vector<16xi32>
        %ge3A_304 = arith.cmpi sge, %sub3A_301, %ge3A_303 : vector<16xi32>
        %lt3A_305 = arith.constant 10000 : i32
        %lt3A_306 = vector.broadcast %lt3A_305 : i32 to vector<16xi32>
        %lt3A_307 = arith.cmpi slt, %sub3A_301, %lt3A_306 : vector<16xi32>
        %and3A_308 = arith.andi %ge3A_304, %lt3A_307 : vector<16xi1>
        %jit3A_309 = arith.constant 10000 : i32
        %broadcast_in_dim3A_310 = vector.broadcast %jit3A_309 : i32 to vector<16xi32>
        %select_n3A_311 = arith.select %and3A_308, %sub3A_301, %broadcast_in_dim3A_310 : vector<16xi1>, vector<16xi32>
        %swap3A_312 = arith.constant 64 : index
        %swap3A_313 = tpu.vector_load %arg14[%swap3A_312] {strides = array<i32>} : memref<80xi32, #tpu.memory_space<vmem>>, vector<16xi32>,
        %swap3A_314 = vector.shape_cast %swap3A_313 : vector<16xi32> to vector<16xi32>
        %swap3A_315 = vector.shape_cast %select_n3A_311 : vector<16xi32> to vector<16xi32>
        tpu.vector_store %arg14[%swap3A_312], %swap3A_315 {strides = array<i32>} : memref<80xi32, #tpu.memory_space<vmem>>, vector<16xi32>,
        %dma_wait3A_316 = arith.constant 0 : i32
        %dma_wait3A_317 = arith.constant 0 : i32
        %dma_wait3A_318 = tpu.memref_slice %arg2[%dma_wait3A_316, %dma_wait3A_317] : memref<10000x128xf32, #tpu.memory_space<hbm>> -> memref<80x128xf32, #tpu.memory_space<hbm>>
        %dma_wait3A_319 = arith.constant 0 : i32
        %dma_wait3A_320 = arith.constant 0 : i32
        %dma_wait3A_321 = tpu.memref_slice %arg2[%dma_wait3A_319, %dma_wait3A_320] : memref<10000x128xf32, #tpu.memory_space<hbm>> -> memref<80x128xf32, #tpu.memory_space<hbm>>
        tpu.wait_dma2 semaphore(%arg30 : memref<!tpu.dma_semaphore, #tpu.memory_space<semaphore_mem>>) src(%dma_wait3A_321 : memref<80x128xf32, #tpu.memory_space<hbm>>) dst(%arg18 : memref<80x128xf32, #tpu.memory_space<vmem>>)
        %dma_start3A_322 = arith.constant 0 : i32
        %dma_start3A_323 = arith.constant 0 : i32
        %dma_start3A_324 = tpu.memref_slice %arg5[%dma_start3A_322, %dma_start3A_323] : memref<10016x128xf32, #tpu.memory_space<vmem_shared>> -> memref<10016x128xf32, #tpu.memory_space<vmem_shared>>
        tpu.enqueue_indirect_dma source(%arg18 : memref<80x128xf32, #tpu.memory_space<vmem>>) target(%dma_start3A_324 : memref<10016x128xf32, #tpu.memory_space<vmem_shared>>) offsets(%arg14 : memref<80xi32, #tpu.memory_space<vmem>>) semaphore(%arg34 : memref<!tpu.dma_semaphore, #tpu.memory_space<semaphore_mem>>) {add = true}
        %add3A_325 = arith.constant 4 : i32
        %add3A_326 = arith.addi %add3A_227, %add3A_325 : i32
        %sub3A_327 = arith.constant 1 : i32
        %sub3A_328 = arith.subi %add3A_326, %sub3A_327 : i32
        %lt3A_329 = arith.constant 250 : i32
        %lt3A_330 = arith.cmpi slt, %sub3A_328, %lt3A_329 : i32
        %convert_element_type3A_331 = arith.extui %lt3A_330 : i1 to i32
        %cond3A_332 = arith.constant 0 : i32
        %cond3A_333 = arith.cmpi ne, %convert_element_type3A_331, %cond3A_332 : i32
        scf.if %cond3A_333 {
          %dma_wait3A_341 = arith.constant 0 : i32
          %dma_wait3A_342 = arith.constant 0 : i32
          %dma_wait3A_343 = tpu.memref_slice %arg3[%dma_wait3A_341, %dma_wait3A_342] : memref<4000x160xi32, #tpu.memory_space<hbm>> -> memref<1x160xi32, #tpu.memory_space<hbm>>
          %dma_wait3A_344 = tpu.memref_squeeze %dma_wait3A_343 : memref<1x160xi32, #tpu.memory_space<hbm>> -> memref<160xi32, #tpu.memory_space<hbm>>
          %dma_wait3A_345 = arith.constant 0 : i32
          %dma_wait3A_346 = tpu.memref_slice %arg3[%dma_wait3A_341, %dma_wait3A_345] : memref<4000x160xi32, #tpu.memory_space<hbm>> -> memref<1x160xi32, #tpu.memory_space<hbm>>
          %dma_wait3A_347 = tpu.memref_squeeze %dma_wait3A_346 : memref<1x160xi32, #tpu.memory_space<hbm>> -> memref<160xi32, #tpu.memory_space<hbm>>
          tpu.wait_dma2 semaphore(%arg29 : memref<!tpu.dma_semaphore, #tpu.memory_space<semaphore_mem>>) src(%dma_wait3A_347 : memref<160xi32, #tpu.memory_space<hbm>>) dst(%arg13 : memref<160xi32, #tpu.memory_space<vmem>>)
          %gt3A = arith.constant 0 : i32
          %gt3A_348 = arith.cmpi sgt, %add3A_227, %gt3A : i32
          %convert_element_type3A_349 = arith.extui %gt3A_348 : i1 to i32
          %cond3A_350 = arith.constant 0 : i32
          %cond3A_351 = arith.cmpi ne, %convert_element_type3A_349, %cond3A_350 : i32
          scf.if %cond3A_351 {
            %dma_wait3A_357 = arith.constant 0 : i32
            %dma_wait3A_358 = arith.constant 0 : i32
            %dma_wait3A_359 = tpu.memref_slice %arg5[%dma_wait3A_357, %dma_wait3A_358] : memref<10016x128xf32, #tpu.memory_space<vmem_shared>> -> memref<10016x128xf32, #tpu.memory_space<vmem_shared>>
            tpu.wait_indirect_dma semaphore(%arg37 : memref<!tpu.dma_semaphore, #tpu.memory_space<semaphore_mem>>) src(%arg21 : memref<80x128xf32, #tpu.memory_space<vmem>>) dst(%dma_wait3A_359 : memref<10016x128xf32, #tpu.memory_space<vmem_shared>>)
          } else {
          }
          %dma_start3A_352 = arith.constant 0 : i32
          %dma_start3A_353 = tpu.memref_slice %arg13[%dma_start3A_352] : memref<160xi32, #tpu.memory_space<vmem>> -> memref<80xi32, #tpu.memory_space<vmem>>
          %dma_start3A_354 = arith.constant 0 : i32
          %dma_start3A_355 = arith.constant 0 : i32
          %dma_start3A_356 = tpu.memref_slice %arg2[%dma_start3A_354, %dma_start3A_355] : memref<10000x128xf32, #tpu.memory_space<hbm>> -> memref<10000x128xf32, #tpu.memory_space<hbm>>
          tpu.enqueue_indirect_dma source(%dma_start3A_356 : memref<10000x128xf32, #tpu.memory_space<hbm>>) target(%arg21 : memref<80x128xf32, #tpu.memory_space<vmem>>) offsets(%dma_start3A_353 : memref<80xi32, #tpu.memory_space<vmem>>) semaphore(%arg33 : memref<!tpu.dma_semaphore, #tpu.memory_space<semaphore_mem>>)
        } else {
        }
        %add3A_334 = arith.constant 8 : i32
        %add3A_335 = arith.addi %add3A_227, %add3A_334 : i32
        %lt3A_336 = arith.constant 250 : i32
        %lt3A_337 = arith.cmpi slt, %add3A_335, %lt3A_336 : i32
        %convert_element_type3A_338 = arith.extui %lt3A_337 : i1 to i32
        %cond3A_339 = arith.constant 0 : i32
        %cond3A_340 = arith.cmpi ne, %convert_element_type3A_338, %cond3A_339 : i32
        scf.if %cond3A_340 {
          %add3A_341 = arith.constant 8 : i32
          %add3A_342 = arith.addi %add3A_227, %add3A_341 : i32
          %add3A_343 = arith.addi %mul3A_0, %add3A_342 : i32
          %dma_start3A_344 = arith.constant 0 : i32
          %dma_start3A_345 = tpu.memref_slice %arg3[%add3A_343, %dma_start3A_344] : memref<4000x160xi32, #tpu.memory_space<hbm>> -> memref<1x160xi32, #tpu.memory_space<hbm>>
          %dma_start3A_346 = tpu.memref_squeeze %dma_start3A_345 : memref<1x160xi32, #tpu.memory_space<hbm>> -> memref<160xi32, #tpu.memory_space<hbm>>
          %dma_start3A_347 = arith.constant 0 : i32
          %dma_start3A_348 = tpu.memref_slice %arg3[%add3A_343, %dma_start3A_347] : memref<4000x160xi32, #tpu.memory_space<hbm>> -> memref<1x160xi32, #tpu.memory_space<hbm>>
          %dma_start3A_349 = tpu.memref_squeeze %dma_start3A_348 : memref<1x160xi32, #tpu.memory_space<hbm>> -> memref<160xi32, #tpu.memory_space<hbm>>
          tpu.enqueue_dma source(%dma_start3A_349 : memref<160xi32, #tpu.memory_space<hbm>>) target(%arg10 : memref<160xi32, #tpu.memory_space<vmem>>) target_semaphore(%arg26 : memref<!tpu.dma_semaphore, #tpu.memory_space<semaphore_mem>>)
        } else {
        }
      } else {
      }
      %add3A_205 = arith.constant 5 : i32
      %add3A_206 = arith.addi %mul3A_170, %add3A_205 : i32
      %lt3A_207 = arith.constant 250 : i32
      %lt3A_208 = arith.cmpi slt, %add3A_206, %lt3A_207 : i32
      %convert_element_type3A_209 = arith.extui %lt3A_208 : i1 to i32
      %cond3A_210 = arith.constant 0 : i32
      %cond3A_211 = arith.cmpi ne, %convert_element_type3A_209, %cond3A_210 : i32
      scf.if %cond3A_211 {
        %add3A_226 = arith.constant 5 : i32
        %add3A_227 = arith.addi %mul3A_170, %add3A_226 : i32
        %get3A = arith.constant 80 : index
        %get3A_228 = tpu.vector_load %arg11[%get3A] {strides = array<i32>} : memref<160xi32, #tpu.memory_space<vmem>>, vector<16xi32>,
        %get3A_229 = vector.shape_cast %get3A_228 : vector<16xi32> to vector<16xi32>
        %sub3A_230 = vector.broadcast %mul3A_2 : i32 to vector<16xi32>
        %sub3A_231 = arith.subi %get3A_229, %sub3A_230 : vector<16xi32>
        %ge3A = arith.constant 0 : i32
        %ge3A_232 = vector.broadcast %ge3A : i32 to vector<16xi32>
        %ge3A_233 = arith.cmpi sge, %sub3A_231, %ge3A_232 : vector<16xi32>
        %lt3A_234 = arith.constant 10000 : i32
        %lt3A_235 = vector.broadcast %lt3A_234 : i32 to vector<16xi32>
        %lt3A_236 = arith.cmpi slt, %sub3A_231, %lt3A_235 : vector<16xi32>
        %and3A = arith.andi %ge3A_233, %lt3A_236 : vector<16xi1>
        %jit3A = arith.constant 10000 : i32
        %broadcast_in_dim3A = vector.broadcast %jit3A : i32 to vector<16xi32>
        %select_n3A = arith.select %and3A, %sub3A_231, %broadcast_in_dim3A : vector<16xi1>, vector<16xi32>
        %swap3A = arith.constant 0 : index
        %swap3A_237 = tpu.vector_load %arg15[%swap3A] {strides = array<i32>} : memref<80xi32, #tpu.memory_space<vmem>>, vector<16xi32>,
        %swap3A_238 = vector.shape_cast %swap3A_237 : vector<16xi32> to vector<16xi32>
        %swap3A_239 = vector.shape_cast %select_n3A : vector<16xi32> to vector<16xi32>
        tpu.vector_store %arg15[%swap3A], %swap3A_239 {strides = array<i32>} : memref<80xi32, #tpu.memory_space<vmem>>, vector<16xi32>,
        %get3A_240 = arith.constant 96 : index
        %get3A_241 = tpu.vector_load %arg11[%get3A_240] {strides = array<i32>} : memref<160xi32, #tpu.memory_space<vmem>>, vector<16xi32>,
        %get3A_242 = vector.shape_cast %get3A_241 : vector<16xi32> to vector<16xi32>
        %sub3A_243 = vector.broadcast %mul3A_2 : i32 to vector<16xi32>
        %sub3A_244 = arith.subi %get3A_242, %sub3A_243 : vector<16xi32>
        %ge3A_245 = arith.constant 0 : i32
        %ge3A_246 = vector.broadcast %ge3A_245 : i32 to vector<16xi32>
        %ge3A_247 = arith.cmpi sge, %sub3A_244, %ge3A_246 : vector<16xi32>
        %lt3A_248 = arith.constant 10000 : i32
        %lt3A_249 = vector.broadcast %lt3A_248 : i32 to vector<16xi32>
        %lt3A_250 = arith.cmpi slt, %sub3A_244, %lt3A_249 : vector<16xi32>
        %and3A_251 = arith.andi %ge3A_247, %lt3A_250 : vector<16xi1>
        %jit3A_252 = arith.constant 10000 : i32
        %broadcast_in_dim3A_253 = vector.broadcast %jit3A_252 : i32 to vector<16xi32>
        %select_n3A_254 = arith.select %and3A_251, %sub3A_244, %broadcast_in_dim3A_253 : vector<16xi1>, vector<16xi32>
        %swap3A_255 = arith.constant 16 : index
        %swap3A_256 = tpu.vector_load %arg15[%swap3A_255] {strides = array<i32>} : memref<80xi32, #tpu.memory_space<vmem>>, vector<16xi32>,
        %swap3A_257 = vector.shape_cast %swap3A_256 : vector<16xi32> to vector<16xi32>
        %swap3A_258 = vector.shape_cast %select_n3A_254 : vector<16xi32> to vector<16xi32>
        tpu.vector_store %arg15[%swap3A_255], %swap3A_258 {strides = array<i32>} : memref<80xi32, #tpu.memory_space<vmem>>, vector<16xi32>,
        %get3A_259 = arith.constant 112 : index
        %get3A_260 = tpu.vector_load %arg11[%get3A_259] {strides = array<i32>} : memref<160xi32, #tpu.memory_space<vmem>>, vector<16xi32>,
        %get3A_261 = vector.shape_cast %get3A_260 : vector<16xi32> to vector<16xi32>
        %sub3A_262 = vector.broadcast %mul3A_2 : i32 to vector<16xi32>
        %sub3A_263 = arith.subi %get3A_261, %sub3A_262 : vector<16xi32>
        %ge3A_264 = arith.constant 0 : i32
        %ge3A_265 = vector.broadcast %ge3A_264 : i32 to vector<16xi32>
        %ge3A_266 = arith.cmpi sge, %sub3A_263, %ge3A_265 : vector<16xi32>
        %lt3A_267 = arith.constant 10000 : i32
        %lt3A_268 = vector.broadcast %lt3A_267 : i32 to vector<16xi32>
        %lt3A_269 = arith.cmpi slt, %sub3A_263, %lt3A_268 : vector<16xi32>
        %and3A_270 = arith.andi %ge3A_266, %lt3A_269 : vector<16xi1>
        %jit3A_271 = arith.constant 10000 : i32
        %broadcast_in_dim3A_272 = vector.broadcast %jit3A_271 : i32 to vector<16xi32>
        %select_n3A_273 = arith.select %and3A_270, %sub3A_263, %broadcast_in_dim3A_272 : vector<16xi1>, vector<16xi32>
        %swap3A_274 = arith.constant 32 : index
        %swap3A_275 = tpu.vector_load %arg15[%swap3A_274] {strides = array<i32>} : memref<80xi32, #tpu.memory_space<vmem>>, vector<16xi32>,
        %swap3A_276 = vector.shape_cast %swap3A_275 : vector<16xi32> to vector<16xi32>
        %swap3A_277 = vector.shape_cast %select_n3A_273 : vector<16xi32> to vector<16xi32>
        tpu.vector_store %arg15[%swap3A_274], %swap3A_277 {strides = array<i32>} : memref<80xi32, #tpu.memory_space<vmem>>, vector<16xi32>,
        %get3A_278 = arith.constant 128 : index
        %get3A_279 = tpu.vector_load %arg11[%get3A_278] {strides = array<i32>} : memref<160xi32, #tpu.memory_space<vmem>>, vector<16xi32>,
        %get3A_280 = vector.shape_cast %get3A_279 : vector<16xi32> to vector<16xi32>
        %sub3A_281 = vector.broadcast %mul3A_2 : i32 to vector<16xi32>
        %sub3A_282 = arith.subi %get3A_280, %sub3A_281 : vector<16xi32>
        %ge3A_283 = arith.constant 0 : i32
        %ge3A_284 = vector.broadcast %ge3A_283 : i32 to vector<16xi32>
        %ge3A_285 = arith.cmpi sge, %sub3A_282, %ge3A_284 : vector<16xi32>
        %lt3A_286 = arith.constant 10000 : i32
        %lt3A_287 = vector.broadcast %lt3A_286 : i32 to vector<16xi32>
        %lt3A_288 = arith.cmpi slt, %sub3A_282, %lt3A_287 : vector<16xi32>
        %and3A_289 = arith.andi %ge3A_285, %lt3A_288 : vector<16xi1>
        %jit3A_290 = arith.constant 10000 : i32
        %broadcast_in_dim3A_291 = vector.broadcast %jit3A_290 : i32 to vector<16xi32>
        %select_n3A_292 = arith.select %and3A_289, %sub3A_282, %broadcast_in_dim3A_291 : vector<16xi1>, vector<16xi32>
        %swap3A_293 = arith.constant 48 : index
        %swap3A_294 = tpu.vector_load %arg15[%swap3A_293] {strides = array<i32>} : memref<80xi32, #tpu.memory_space<vmem>>, vector<16xi32>,
        %swap3A_295 = vector.shape_cast %swap3A_294 : vector<16xi32> to vector<16xi32>
        %swap3A_296 = vector.shape_cast %select_n3A_292 : vector<16xi32> to vector<16xi32>
        tpu.vector_store %arg15[%swap3A_293], %swap3A_296 {strides = array<i32>} : memref<80xi32, #tpu.memory_space<vmem>>, vector<16xi32>,
        %get3A_297 = arith.constant 144 : index
        %get3A_298 = tpu.vector_load %arg11[%get3A_297] {strides = array<i32>} : memref<160xi32, #tpu.memory_space<vmem>>, vector<16xi32>,
        %get3A_299 = vector.shape_cast %get3A_298 : vector<16xi32> to vector<16xi32>
        %sub3A_300 = vector.broadcast %mul3A_2 : i32 to vector<16xi32>
        %sub3A_301 = arith.subi %get3A_299, %sub3A_300 : vector<16xi32>
        %ge3A_302 = arith.constant 0 : i32
        %ge3A_303 = vector.broadcast %ge3A_302 : i32 to vector<16xi32>
        %ge3A_304 = arith.cmpi sge, %sub3A_301, %ge3A_303 : vector<16xi32>
        %lt3A_305 = arith.constant 10000 : i32
        %lt3A_306 = vector.broadcast %lt3A_305 : i32 to vector<16xi32>
        %lt3A_307 = arith.cmpi slt, %sub3A_301, %lt3A_306 : vector<16xi32>
        %and3A_308 = arith.andi %ge3A_304, %lt3A_307 : vector<16xi1>
        %jit3A_309 = arith.constant 10000 : i32
        %broadcast_in_dim3A_310 = vector.broadcast %jit3A_309 : i32 to vector<16xi32>
        %select_n3A_311 = arith.select %and3A_308, %sub3A_301, %broadcast_in_dim3A_310 : vector<16xi1>, vector<16xi32>
        %swap3A_312 = arith.constant 64 : index
        %swap3A_313 = tpu.vector_load %arg15[%swap3A_312] {strides = array<i32>} : memref<80xi32, #tpu.memory_space<vmem>>, vector<16xi32>,
        %swap3A_314 = vector.shape_cast %swap3A_313 : vector<16xi32> to vector<16xi32>
        %swap3A_315 = vector.shape_cast %select_n3A_311 : vector<16xi32> to vector<16xi32>
        tpu.vector_store %arg15[%swap3A_312], %swap3A_315 {strides = array<i32>} : memref<80xi32, #tpu.memory_space<vmem>>, vector<16xi32>,
        %dma_wait3A_316 = arith.constant 0 : i32
        %dma_wait3A_317 = arith.constant 0 : i32
        %dma_wait3A_318 = tpu.memref_slice %arg2[%dma_wait3A_316, %dma_wait3A_317] : memref<10000x128xf32, #tpu.memory_space<hbm>> -> memref<80x128xf32, #tpu.memory_space<hbm>>
        %dma_wait3A_319 = arith.constant 0 : i32
        %dma_wait3A_320 = arith.constant 0 : i32
        %dma_wait3A_321 = tpu.memref_slice %arg2[%dma_wait3A_319, %dma_wait3A_320] : memref<10000x128xf32, #tpu.memory_space<hbm>> -> memref<80x128xf32, #tpu.memory_space<hbm>>
        tpu.wait_dma2 semaphore(%arg31 : memref<!tpu.dma_semaphore, #tpu.memory_space<semaphore_mem>>) src(%dma_wait3A_321 : memref<80x128xf32, #tpu.memory_space<hbm>>) dst(%arg19 : memref<80x128xf32, #tpu.memory_space<vmem>>)
        %dma_start3A_322 = arith.constant 0 : i32
        %dma_start3A_323 = arith.constant 0 : i32
        %dma_start3A_324 = tpu.memref_slice %arg5[%dma_start3A_322, %dma_start3A_323] : memref<10016x128xf32, #tpu.memory_space<vmem_shared>> -> memref<10016x128xf32, #tpu.memory_space<vmem_shared>>
        tpu.enqueue_indirect_dma source(%arg19 : memref<80x128xf32, #tpu.memory_space<vmem>>) target(%dma_start3A_324 : memref<10016x128xf32, #tpu.memory_space<vmem_shared>>) offsets(%arg15 : memref<80xi32, #tpu.memory_space<vmem>>) semaphore(%arg35 : memref<!tpu.dma_semaphore, #tpu.memory_space<semaphore_mem>>) {add = true}
        %add3A_325 = arith.constant 4 : i32
        %add3A_326 = arith.addi %add3A_227, %add3A_325 : i32
        %sub3A_327 = arith.constant 1 : i32
        %sub3A_328 = arith.subi %add3A_326, %sub3A_327 : i32
        %lt3A_329 = arith.constant 250 : i32
        %lt3A_330 = arith.cmpi slt, %sub3A_328, %lt3A_329 : i32
        %convert_element_type3A_331 = arith.extui %lt3A_330 : i1 to i32
        %cond3A_332 = arith.constant 0 : i32
        %cond3A_333 = arith.cmpi ne, %convert_element_type3A_331, %cond3A_332 : i32
        scf.if %cond3A_333 {
          %dma_wait3A_341 = arith.constant 0 : i32
          %dma_wait3A_342 = arith.constant 0 : i32
          %dma_wait3A_343 = tpu.memref_slice %arg3[%dma_wait3A_341, %dma_wait3A_342] : memref<4000x160xi32, #tpu.memory_space<hbm>> -> memref<1x160xi32, #tpu.memory_space<hbm>>
          %dma_wait3A_344 = tpu.memref_squeeze %dma_wait3A_343 : memref<1x160xi32, #tpu.memory_space<hbm>> -> memref<160xi32, #tpu.memory_space<hbm>>
          %dma_wait3A_345 = arith.constant 0 : i32
          %dma_wait3A_346 = tpu.memref_slice %arg3[%dma_wait3A_341, %dma_wait3A_345] : memref<4000x160xi32, #tpu.memory_space<hbm>> -> memref<1x160xi32, #tpu.memory_space<hbm>>
          %dma_wait3A_347 = tpu.memref_squeeze %dma_wait3A_346 : memref<1x160xi32, #tpu.memory_space<hbm>> -> memref<160xi32, #tpu.memory_space<hbm>>
          tpu.wait_dma2 semaphore(%arg22 : memref<!tpu.dma_semaphore, #tpu.memory_space<semaphore_mem>>) src(%dma_wait3A_347 : memref<160xi32, #tpu.memory_space<hbm>>) dst(%arg6 : memref<160xi32, #tpu.memory_space<vmem>>)
          %gt3A = arith.constant 0 : i32
          %gt3A_348 = arith.cmpi sgt, %add3A_227, %gt3A : i32
          %convert_element_type3A_349 = arith.extui %gt3A_348 : i1 to i32
          %cond3A_350 = arith.constant 0 : i32
          %cond3A_351 = arith.cmpi ne, %convert_element_type3A_349, %cond3A_350 : i32
          scf.if %cond3A_351 {
            %dma_wait3A_357 = arith.constant 0 : i32
            %dma_wait3A_358 = arith.constant 0 : i32
            %dma_wait3A_359 = tpu.memref_slice %arg5[%dma_wait3A_357, %dma_wait3A_358] : memref<10016x128xf32, #tpu.memory_space<vmem_shared>> -> memref<10016x128xf32, #tpu.memory_space<vmem_shared>>
            tpu.wait_indirect_dma semaphore(%arg34 : memref<!tpu.dma_semaphore, #tpu.memory_space<semaphore_mem>>) src(%arg18 : memref<80x128xf32, #tpu.memory_space<vmem>>) dst(%dma_wait3A_359 : memref<10016x128xf32, #tpu.memory_space<vmem_shared>>)
          } else {
          }
          %dma_start3A_352 = arith.constant 0 : i32
          %dma_start3A_353 = tpu.memref_slice %arg6[%dma_start3A_352] : memref<160xi32, #tpu.memory_space<vmem>> -> memref<80xi32, #tpu.memory_space<vmem>>
          %dma_start3A_354 = arith.constant 0 : i32
          %dma_start3A_355 = arith.constant 0 : i32
          %dma_start3A_356 = tpu.memref_slice %arg2[%dma_start3A_354, %dma_start3A_355] : memref<10000x128xf32, #tpu.memory_space<hbm>> -> memref<10000x128xf32, #tpu.memory_space<hbm>>
          tpu.enqueue_indirect_dma source(%dma_start3A_356 : memref<10000x128xf32, #tpu.memory_space<hbm>>) target(%arg18 : memref<80x128xf32, #tpu.memory_space<vmem>>) offsets(%dma_start3A_353 : memref<80xi32, #tpu.memory_space<vmem>>) semaphore(%arg30 : memref<!tpu.dma_semaphore, #tpu.memory_space<semaphore_mem>>)
        } else {
        }
        %add3A_334 = arith.constant 8 : i32
        %add3A_335 = arith.addi %add3A_227, %add3A_334 : i32
        %lt3A_336 = arith.constant 250 : i32
        %lt3A_337 = arith.cmpi slt, %add3A_335, %lt3A_336 : i32
        %convert_element_type3A_338 = arith.extui %lt3A_337 : i1 to i32
        %cond3A_339 = arith.constant 0 : i32
        %cond3A_340 = arith.cmpi ne, %convert_element_type3A_338, %cond3A_339 : i32
        scf.if %cond3A_340 {
          %add3A_341 = arith.constant 8 : i32
          %add3A_342 = arith.addi %add3A_227, %add3A_341 : i32
          %add3A_343 = arith.addi %mul3A_0, %add3A_342 : i32
          %dma_start3A_344 = arith.constant 0 : i32
          %dma_start3A_345 = tpu.memref_slice %arg3[%add3A_343, %dma_start3A_344] : memref<4000x160xi32, #tpu.memory_space<hbm>> -> memref<1x160xi32, #tpu.memory_space<hbm>>
          %dma_start3A_346 = tpu.memref_squeeze %dma_start3A_345 : memref<1x160xi32, #tpu.memory_space<hbm>> -> memref<160xi32, #tpu.memory_space<hbm>>
          %dma_start3A_347 = arith.constant 0 : i32
          %dma_start3A_348 = tpu.memref_slice %arg3[%add3A_343, %dma_start3A_347] : memref<4000x160xi32, #tpu.memory_space<hbm>> -> memref<1x160xi32, #tpu.memory_space<hbm>>
          %dma_start3A_349 = tpu.memref_squeeze %dma_start3A_348 : memref<1x160xi32, #tpu.memory_space<hbm>> -> memref<160xi32, #tpu.memory_space<hbm>>
          tpu.enqueue_dma source(%dma_start3A_349 : memref<160xi32, #tpu.memory_space<hbm>>) target(%arg11 : memref<160xi32, #tpu.memory_space<vmem>>) target_semaphore(%arg27 : memref<!tpu.dma_semaphore, #tpu.memory_space<semaphore_mem>>)
        } else {
        }
      } else {
      }
      %add3A_212 = arith.constant 6 : i32
      %add3A_213 = arith.addi %mul3A_170, %add3A_212 : i32
      %lt3A_214 = arith.constant 250 : i32
      %lt3A_215 = arith.cmpi slt, %add3A_213, %lt3A_214 : i32
      %convert_element_type3A_216 = arith.extui %lt3A_215 : i1 to i32
      %cond3A_217 = arith.constant 0 : i32
      %cond3A_218 = arith.cmpi ne, %convert_element_type3A_216, %cond3A_217 : i32
      scf.if %cond3A_218 {
        %add3A_226 = arith.constant 6 : i32
        %add3A_227 = arith.addi %mul3A_170, %add3A_226 : i32
        %get3A = arith.constant 80 : index
        %get3A_228 = tpu.vector_load %arg12[%get3A] {strides = array<i32>} : memref<160xi32, #tpu.memory_space<vmem>>, vector<16xi32>,
        %get3A_229 = vector.shape_cast %get3A_228 : vector<16xi32> to vector<16xi32>
        %sub3A_230 = vector.broadcast %mul3A_2 : i32 to vector<16xi32>
        %sub3A_231 = arith.subi %get3A_229, %sub3A_230 : vector<16xi32>
        %ge3A = arith.constant 0 : i32
        %ge3A_232 = vector.broadcast %ge3A : i32 to vector<16xi32>
        %ge3A_233 = arith.cmpi sge, %sub3A_231, %ge3A_232 : vector<16xi32>
        %lt3A_234 = arith.constant 10000 : i32
        %lt3A_235 = vector.broadcast %lt3A_234 : i32 to vector<16xi32>
        %lt3A_236 = arith.cmpi slt, %sub3A_231, %lt3A_235 : vector<16xi32>
        %and3A = arith.andi %ge3A_233, %lt3A_236 : vector<16xi1>
        %jit3A = arith.constant 10000 : i32
        %broadcast_in_dim3A = vector.broadcast %jit3A : i32 to vector<16xi32>
        %select_n3A = arith.select %and3A, %sub3A_231, %broadcast_in_dim3A : vector<16xi1>, vector<16xi32>
        %swap3A = arith.constant 0 : index
        %swap3A_237 = tpu.vector_load %arg16[%swap3A] {strides = array<i32>} : memref<80xi32, #tpu.memory_space<vmem>>, vector<16xi32>,
        %swap3A_238 = vector.shape_cast %swap3A_237 : vector<16xi32> to vector<16xi32>
        %swap3A_239 = vector.shape_cast %select_n3A : vector<16xi32> to vector<16xi32>
        tpu.vector_store %arg16[%swap3A], %swap3A_239 {strides = array<i32>} : memref<80xi32, #tpu.memory_space<vmem>>, vector<16xi32>,
        %get3A_240 = arith.constant 96 : index
        %get3A_241 = tpu.vector_load %arg12[%get3A_240] {strides = array<i32>} : memref<160xi32, #tpu.memory_space<vmem>>, vector<16xi32>,
        %get3A_242 = vector.shape_cast %get3A_241 : vector<16xi32> to vector<16xi32>
        %sub3A_243 = vector.broadcast %mul3A_2 : i32 to vector<16xi32>
        %sub3A_244 = arith.subi %get3A_242, %sub3A_243 : vector<16xi32>
        %ge3A_245 = arith.constant 0 : i32
        %ge3A_246 = vector.broadcast %ge3A_245 : i32 to vector<16xi32>
        %ge3A_247 = arith.cmpi sge, %sub3A_244, %ge3A_246 : vector<16xi32>
        %lt3A_248 = arith.constant 10000 : i32
        %lt3A_249 = vector.broadcast %lt3A_248 : i32 to vector<16xi32>
        %lt3A_250 = arith.cmpi slt, %sub3A_244, %lt3A_249 : vector<16xi32>
        %and3A_251 = arith.andi %ge3A_247, %lt3A_250 : vector<16xi1>
        %jit3A_252 = arith.constant 10000 : i32
        %broadcast_in_dim3A_253 = vector.broadcast %jit3A_252 : i32 to vector<16xi32>
        %select_n3A_254 = arith.select %and3A_251, %sub3A_244, %broadcast_in_dim3A_253 : vector<16xi1>, vector<16xi32>
        %swap3A_255 = arith.constant 16 : index
        %swap3A_256 = tpu.vector_load %arg16[%swap3A_255] {strides = array<i32>} : memref<80xi32, #tpu.memory_space<vmem>>, vector<16xi32>,
        %swap3A_257 = vector.shape_cast %swap3A_256 : vector<16xi32> to vector<16xi32>
        %swap3A_258 = vector.shape_cast %select_n3A_254 : vector<16xi32> to vector<16xi32>
        tpu.vector_store %arg16[%swap3A_255], %swap3A_258 {strides = array<i32>} : memref<80xi32, #tpu.memory_space<vmem>>, vector<16xi32>,
        %get3A_259 = arith.constant 112 : index
        %get3A_260 = tpu.vector_load %arg12[%get3A_259] {strides = array<i32>} : memref<160xi32, #tpu.memory_space<vmem>>, vector<16xi32>,
        %get3A_261 = vector.shape_cast %get3A_260 : vector<16xi32> to vector<16xi32>
        %sub3A_262 = vector.broadcast %mul3A_2 : i32 to vector<16xi32>
        %sub3A_263 = arith.subi %get3A_261, %sub3A_262 : vector<16xi32>
        %ge3A_264 = arith.constant 0 : i32
        %ge3A_265 = vector.broadcast %ge3A_264 : i32 to vector<16xi32>
        %ge3A_266 = arith.cmpi sge, %sub3A_263, %ge3A_265 : vector<16xi32>
        %lt3A_267 = arith.constant 10000 : i32
        %lt3A_268 = vector.broadcast %lt3A_267 : i32 to vector<16xi32>
        %lt3A_269 = arith.cmpi slt, %sub3A_263, %lt3A_268 : vector<16xi32>
        %and3A_270 = arith.andi %ge3A_266, %lt3A_269 : vector<16xi1>
        %jit3A_271 = arith.constant 10000 : i32
        %broadcast_in_dim3A_272 = vector.broadcast %jit3A_271 : i32 to vector<16xi32>
        %select_n3A_273 = arith.select %and3A_270, %sub3A_263, %broadcast_in_dim3A_272 : vector<16xi1>, vector<16xi32>
        %swap3A_274 = arith.constant 32 : index
        %swap3A_275 = tpu.vector_load %arg16[%swap3A_274] {strides = array<i32>} : memref<80xi32, #tpu.memory_space<vmem>>, vector<16xi32>,
        %swap3A_276 = vector.shape_cast %swap3A_275 : vector<16xi32> to vector<16xi32>
        %swap3A_277 = vector.shape_cast %select_n3A_273 : vector<16xi32> to vector<16xi32>
        tpu.vector_store %arg16[%swap3A_274], %swap3A_277 {strides = array<i32>} : memref<80xi32, #tpu.memory_space<vmem>>, vector<16xi32>,
        %get3A_278 = arith.constant 128 : index
        %get3A_279 = tpu.vector_load %arg12[%get3A_278] {strides = array<i32>} : memref<160xi32, #tpu.memory_space<vmem>>, vector<16xi32>,
        %get3A_280 = vector.shape_cast %get3A_279 : vector<16xi32> to vector<16xi32>
        %sub3A_281 = vector.broadcast %mul3A_2 : i32 to vector<16xi32>
        %sub3A_282 = arith.subi %get3A_280, %sub3A_281 : vector<16xi32>
        %ge3A_283 = arith.constant 0 : i32
        %ge3A_284 = vector.broadcast %ge3A_283 : i32 to vector<16xi32>
        %ge3A_285 = arith.cmpi sge, %sub3A_282, %ge3A_284 : vector<16xi32>
        %lt3A_286 = arith.constant 10000 : i32
        %lt3A_287 = vector.broadcast %lt3A_286 : i32 to vector<16xi32>
        %lt3A_288 = arith.cmpi slt, %sub3A_282, %lt3A_287 : vector<16xi32>
        %and3A_289 = arith.andi %ge3A_285, %lt3A_288 : vector<16xi1>
        %jit3A_290 = arith.constant 10000 : i32
        %broadcast_in_dim3A_291 = vector.broadcast %jit3A_290 : i32 to vector<16xi32>
        %select_n3A_292 = arith.select %and3A_289, %sub3A_282, %broadcast_in_dim3A_291 : vector<16xi1>, vector<16xi32>
        %swap3A_293 = arith.constant 48 : index
        %swap3A_294 = tpu.vector_load %arg16[%swap3A_293] {strides = array<i32>} : memref<80xi32, #tpu.memory_space<vmem>>, vector<16xi32>,
        %swap3A_295 = vector.shape_cast %swap3A_294 : vector<16xi32> to vector<16xi32>
        %swap3A_296 = vector.shape_cast %select_n3A_292 : vector<16xi32> to vector<16xi32>
        tpu.vector_store %arg16[%swap3A_293], %swap3A_296 {strides = array<i32>} : memref<80xi32, #tpu.memory_space<vmem>>, vector<16xi32>,
        %get3A_297 = arith.constant 144 : index
        %get3A_298 = tpu.vector_load %arg12[%get3A_297] {strides = array<i32>} : memref<160xi32, #tpu.memory_space<vmem>>, vector<16xi32>,
        %get3A_299 = vector.shape_cast %get3A_298 : vector<16xi32> to vector<16xi32>
        %sub3A_300 = vector.broadcast %mul3A_2 : i32 to vector<16xi32>
        %sub3A_301 = arith.subi %get3A_299, %sub3A_300 : vector<16xi32>
        %ge3A_302 = arith.constant 0 : i32
        %ge3A_303 = vector.broadcast %ge3A_302 : i32 to vector<16xi32>
        %ge3A_304 = arith.cmpi sge, %sub3A_301, %ge3A_303 : vector<16xi32>
        %lt3A_305 = arith.constant 10000 : i32
        %lt3A_306 = vector.broadcast %lt3A_305 : i32 to vector<16xi32>
        %lt3A_307 = arith.cmpi slt, %sub3A_301, %lt3A_306 : vector<16xi32>
        %and3A_308 = arith.andi %ge3A_304, %lt3A_307 : vector<16xi1>
        %jit3A_309 = arith.constant 10000 : i32
        %broadcast_in_dim3A_310 = vector.broadcast %jit3A_309 : i32 to vector<16xi32>
        %select_n3A_311 = arith.select %and3A_308, %sub3A_301, %broadcast_in_dim3A_310 : vector<16xi1>, vector<16xi32>
        %swap3A_312 = arith.constant 64 : index
        %swap3A_313 = tpu.vector_load %arg16[%swap3A_312] {strides = array<i32>} : memref<80xi32, #tpu.memory_space<vmem>>, vector<16xi32>,
        %swap3A_314 = vector.shape_cast %swap3A_313 : vector<16xi32> to vector<16xi32>
        %swap3A_315 = vector.shape_cast %select_n3A_311 : vector<16xi32> to vector<16xi32>
        tpu.vector_store %arg16[%swap3A_312], %swap3A_315 {strides = array<i32>} : memref<80xi32, #tpu.memory_space<vmem>>, vector<16xi32>,
        %dma_wait3A_316 = arith.constant 0 : i32
        %dma_wait3A_317 = arith.constant 0 : i32
        %dma_wait3A_318 = tpu.memref_slice %arg2[%dma_wait3A_316, %dma_wait3A_317] : memref<10000x128xf32, #tpu.memory_space<hbm>> -> memref<80x128xf32, #tpu.memory_space<hbm>>
        %dma_wait3A_319 = arith.constant 0 : i32
        %dma_wait3A_320 = arith.constant 0 : i32
        %dma_wait3A_321 = tpu.memref_slice %arg2[%dma_wait3A_319, %dma_wait3A_320] : memref<10000x128xf32, #tpu.memory_space<hbm>> -> memref<80x128xf32, #tpu.memory_space<hbm>>
        tpu.wait_dma2 semaphore(%arg32 : memref<!tpu.dma_semaphore, #tpu.memory_space<semaphore_mem>>) src(%dma_wait3A_321 : memref<80x128xf32, #tpu.memory_space<hbm>>) dst(%arg20 : memref<80x128xf32, #tpu.memory_space<vmem>>)
        %dma_start3A_322 = arith.constant 0 : i32
        %dma_start3A_323 = arith.constant 0 : i32
        %dma_start3A_324 = tpu.memref_slice %arg5[%dma_start3A_322, %dma_start3A_323] : memref<10016x128xf32, #tpu.memory_space<vmem_shared>> -> memref<10016x128xf32, #tpu.memory_space<vmem_shared>>
        tpu.enqueue_indirect_dma source(%arg20 : memref<80x128xf32, #tpu.memory_space<vmem>>) target(%dma_start3A_324 : memref<10016x128xf32, #tpu.memory_space<vmem_shared>>) offsets(%arg16 : memref<80xi32, #tpu.memory_space<vmem>>) semaphore(%arg36 : memref<!tpu.dma_semaphore, #tpu.memory_space<semaphore_mem>>) {add = true}
        %add3A_325 = arith.constant 4 : i32
        %add3A_326 = arith.addi %add3A_227, %add3A_325 : i32
        %sub3A_327 = arith.constant 1 : i32
        %sub3A_328 = arith.subi %add3A_326, %sub3A_327 : i32
        %lt3A_329 = arith.constant 250 : i32
        %lt3A_330 = arith.cmpi slt, %sub3A_328, %lt3A_329 : i32
        %convert_element_type3A_331 = arith.extui %lt3A_330 : i1 to i32
        %cond3A_332 = arith.constant 0 : i32
        %cond3A_333 = arith.cmpi ne, %convert_element_type3A_331, %cond3A_332 : i32
        scf.if %cond3A_333 {
          %dma_wait3A_341 = arith.constant 0 : i32
          %dma_wait3A_342 = arith.constant 0 : i32
          %dma_wait3A_343 = tpu.memref_slice %arg3[%dma_wait3A_341, %dma_wait3A_342] : memref<4000x160xi32, #tpu.memory_space<hbm>> -> memref<1x160xi32, #tpu.memory_space<hbm>>
          %dma_wait3A_344 = tpu.memref_squeeze %dma_wait3A_343 : memref<1x160xi32, #tpu.memory_space<hbm>> -> memref<160xi32, #tpu.memory_space<hbm>>
          %dma_wait3A_345 = arith.constant 0 : i32
          %dma_wait3A_346 = tpu.memref_slice %arg3[%dma_wait3A_341, %dma_wait3A_345] : memref<4000x160xi32, #tpu.memory_space<hbm>> -> memref<1x160xi32, #tpu.memory_space<hbm>>
          %dma_wait3A_347 = tpu.memref_squeeze %dma_wait3A_346 : memref<1x160xi32, #tpu.memory_space<hbm>> -> memref<160xi32, #tpu.memory_space<hbm>>
          tpu.wait_dma2 semaphore(%arg23 : memref<!tpu.dma_semaphore, #tpu.memory_space<semaphore_mem>>) src(%dma_wait3A_347 : memref<160xi32, #tpu.memory_space<hbm>>) dst(%arg7 : memref<160xi32, #tpu.memory_space<vmem>>)
          %gt3A = arith.constant 0 : i32
          %gt3A_348 = arith.cmpi sgt, %add3A_227, %gt3A : i32
          %convert_element_type3A_349 = arith.extui %gt3A_348 : i1 to i32
          %cond3A_350 = arith.constant 0 : i32
          %cond3A_351 = arith.cmpi ne, %convert_element_type3A_349, %cond3A_350 : i32
          scf.if %cond3A_351 {
            %dma_wait3A_357 = arith.constant 0 : i32
            %dma_wait3A_358 = arith.constant 0 : i32
            %dma_wait3A_359 = tpu.memref_slice %arg5[%dma_wait3A_357, %dma_wait3A_358] : memref<10016x128xf32, #tpu.memory_space<vmem_shared>> -> memref<10016x128xf32, #tpu.memory_space<vmem_shared>>
            tpu.wait_indirect_dma semaphore(%arg35 : memref<!tpu.dma_semaphore, #tpu.memory_space<semaphore_mem>>) src(%arg19 : memref<80x128xf32, #tpu.memory_space<vmem>>) dst(%dma_wait3A_359 : memref<10016x128xf32, #tpu.memory_space<vmem_shared>>)
          } else {
          }
          %dma_start3A_352 = arith.constant 0 : i32
          %dma_start3A_353 = tpu.memref_slice %arg7[%dma_start3A_352] : memref<160xi32, #tpu.memory_space<vmem>> -> memref<80xi32, #tpu.memory_space<vmem>>
          %dma_start3A_354 = arith.constant 0 : i32
          %dma_start3A_355 = arith.constant 0 : i32
          %dma_start3A_356 = tpu.memref_slice %arg2[%dma_start3A_354, %dma_start3A_355] : memref<10000x128xf32, #tpu.memory_space<hbm>> -> memref<10000x128xf32, #tpu.memory_space<hbm>>
          tpu.enqueue_indirect_dma source(%dma_start3A_356 : memref<10000x128xf32, #tpu.memory_space<hbm>>) target(%arg19 : memref<80x128xf32, #tpu.memory_space<vmem>>) offsets(%dma_start3A_353 : memref<80xi32, #tpu.memory_space<vmem>>) semaphore(%arg31 : memref<!tpu.dma_semaphore, #tpu.memory_space<semaphore_mem>>)
        } else {
        }
        %add3A_334 = arith.constant 8 : i32
        %add3A_335 = arith.addi %add3A_227, %add3A_334 : i32
        %lt3A_336 = arith.constant 250 : i32
        %lt3A_337 = arith.cmpi slt, %add3A_335, %lt3A_336 : i32
        %convert_element_type3A_338 = arith.extui %lt3A_337 : i1 to i32
        %cond3A_339 = arith.constant 0 : i32
        %cond3A_340 = arith.cmpi ne, %convert_element_type3A_338, %cond3A_339 : i32
        scf.if %cond3A_340 {
          %add3A_341 = arith.constant 8 : i32
          %add3A_342 = arith.addi %add3A_227, %add3A_341 : i32
          %add3A_343 = arith.addi %mul3A_0, %add3A_342 : i32
          %dma_start3A_344 = arith.constant 0 : i32
          %dma_start3A_345 = tpu.memref_slice %arg3[%add3A_343, %dma_start3A_344] : memref<4000x160xi32, #tpu.memory_space<hbm>> -> memref<1x160xi32, #tpu.memory_space<hbm>>
          %dma_start3A_346 = tpu.memref_squeeze %dma_start3A_345 : memref<1x160xi32, #tpu.memory_space<hbm>> -> memref<160xi32, #tpu.memory_space<hbm>>
          %dma_start3A_347 = arith.constant 0 : i32
          %dma_start3A_348 = tpu.memref_slice %arg3[%add3A_343, %dma_start3A_347] : memref<4000x160xi32, #tpu.memory_space<hbm>> -> memref<1x160xi32, #tpu.memory_space<hbm>>
          %dma_start3A_349 = tpu.memref_squeeze %dma_start3A_348 : memref<1x160xi32, #tpu.memory_space<hbm>> -> memref<160xi32, #tpu.memory_space<hbm>>
          tpu.enqueue_dma source(%dma_start3A_349 : memref<160xi32, #tpu.memory_space<hbm>>) target(%arg12 : memref<160xi32, #tpu.memory_space<vmem>>) target_semaphore(%arg28 : memref<!tpu.dma_semaphore, #tpu.memory_space<semaphore_mem>>)
        } else {
        }
      } else {
      }
      %add3A_219 = arith.constant 7 : i32
      %add3A_220 = arith.addi %mul3A_170, %add3A_219 : i32
      %lt3A_221 = arith.constant 250 : i32
      %lt3A_222 = arith.cmpi slt, %add3A_220, %lt3A_221 : i32
      %convert_element_type3A_223 = arith.extui %lt3A_222 : i1 to i32
      %cond3A_224 = arith.constant 0 : i32
      %cond3A_225 = arith.cmpi ne, %convert_element_type3A_223, %cond3A_224 : i32
      scf.if %cond3A_225 {
        %add3A_226 = arith.constant 7 : i32
        %add3A_227 = arith.addi %mul3A_170, %add3A_226 : i32
        %get3A = arith.constant 80 : index
        %get3A_228 = tpu.vector_load %arg13[%get3A] {strides = array<i32>} : memref<160xi32, #tpu.memory_space<vmem>>, vector<16xi32>,
        %get3A_229 = vector.shape_cast %get3A_228 : vector<16xi32> to vector<16xi32>
        %sub3A_230 = vector.broadcast %mul3A_2 : i32 to vector<16xi32>
        %sub3A_231 = arith.subi %get3A_229, %sub3A_230 : vector<16xi32>
        %ge3A = arith.constant 0 : i32
        %ge3A_232 = vector.broadcast %ge3A : i32 to vector<16xi32>
        %ge3A_233 = arith.cmpi sge, %sub3A_231, %ge3A_232 : vector<16xi32>
        %lt3A_234 = arith.constant 10000 : i32
        %lt3A_235 = vector.broadcast %lt3A_234 : i32 to vector<16xi32>
        %lt3A_236 = arith.cmpi slt, %sub3A_231, %lt3A_235 : vector<16xi32>
        %and3A = arith.andi %ge3A_233, %lt3A_236 : vector<16xi1>
        %jit3A = arith.constant 10000 : i32
        %broadcast_in_dim3A = vector.broadcast %jit3A : i32 to vector<16xi32>
        %select_n3A = arith.select %and3A, %sub3A_231, %broadcast_in_dim3A : vector<16xi1>, vector<16xi32>
        %swap3A = arith.constant 0 : index
        %swap3A_237 = tpu.vector_load %arg17[%swap3A] {strides = array<i32>} : memref<80xi32, #tpu.memory_space<vmem>>, vector<16xi32>,
        %swap3A_238 = vector.shape_cast %swap3A_237 : vector<16xi32> to vector<16xi32>
        %swap3A_239 = vector.shape_cast %select_n3A : vector<16xi32> to vector<16xi32>
        tpu.vector_store %arg17[%swap3A], %swap3A_239 {strides = array<i32>} : memref<80xi32, #tpu.memory_space<vmem>>, vector<16xi32>,
        %get3A_240 = arith.constant 96 : index
        %get3A_241 = tpu.vector_load %arg13[%get3A_240] {strides = array<i32>} : memref<160xi32, #tpu.memory_space<vmem>>, vector<16xi32>,
        %get3A_242 = vector.shape_cast %get3A_241 : vector<16xi32> to vector<16xi32>
        %sub3A_243 = vector.broadcast %mul3A_2 : i32 to vector<16xi32>
        %sub3A_244 = arith.subi %get3A_242, %sub3A_243 : vector<16xi32>
        %ge3A_245 = arith.constant 0 : i32
        %ge3A_246 = vector.broadcast %ge3A_245 : i32 to vector<16xi32>
        %ge3A_247 = arith.cmpi sge, %sub3A_244, %ge3A_246 : vector<16xi32>
        %lt3A_248 = arith.constant 10000 : i32
        %lt3A_249 = vector.broadcast %lt3A_248 : i32 to vector<16xi32>
        %lt3A_250 = arith.cmpi slt, %sub3A_244, %lt3A_249 : vector<16xi32>
        %and3A_251 = arith.andi %ge3A_247, %lt3A_250 : vector<16xi1>
        %jit3A_252 = arith.constant 10000 : i32
        %broadcast_in_dim3A_253 = vector.broadcast %jit3A_252 : i32 to vector<16xi32>
        %select_n3A_254 = arith.select %and3A_251, %sub3A_244, %broadcast_in_dim3A_253 : vector<16xi1>, vector<16xi32>
        %swap3A_255 = arith.constant 16 : index
        %swap3A_256 = tpu.vector_load %arg17[%swap3A_255] {strides = array<i32>} : memref<80xi32, #tpu.memory_space<vmem>>, vector<16xi32>,
        %swap3A_257 = vector.shape_cast %swap3A_256 : vector<16xi32> to vector<16xi32>
        %swap3A_258 = vector.shape_cast %select_n3A_254 : vector<16xi32> to vector<16xi32>
        tpu.vector_store %arg17[%swap3A_255], %swap3A_258 {strides = array<i32>} : memref<80xi32, #tpu.memory_space<vmem>>, vector<16xi32>,
        %get3A_259 = arith.constant 112 : index
        %get3A_260 = tpu.vector_load %arg13[%get3A_259] {strides = array<i32>} : memref<160xi32, #tpu.memory_space<vmem>>, vector<16xi32>,
        %get3A_261 = vector.shape_cast %get3A_260 : vector<16xi32> to vector<16xi32>
        %sub3A_262 = vector.broadcast %mul3A_2 : i32 to vector<16xi32>
        %sub3A_263 = arith.subi %get3A_261, %sub3A_262 : vector<16xi32>
        %ge3A_264 = arith.constant 0 : i32
        %ge3A_265 = vector.broadcast %ge3A_264 : i32 to vector<16xi32>
        %ge3A_266 = arith.cmpi sge, %sub3A_263, %ge3A_265 : vector<16xi32>
        %lt3A_267 = arith.constant 10000 : i32
        %lt3A_268 = vector.broadcast %lt3A_267 : i32 to vector<16xi32>
        %lt3A_269 = arith.cmpi slt, %sub3A_263, %lt3A_268 : vector<16xi32>
        %and3A_270 = arith.andi %ge3A_266, %lt3A_269 : vector<16xi1>
        %jit3A_271 = arith.constant 10000 : i32
        %broadcast_in_dim3A_272 = vector.broadcast %jit3A_271 : i32 to vector<16xi32>
        %select_n3A_273 = arith.select %and3A_270, %sub3A_263, %broadcast_in_dim3A_272 : vector<16xi1>, vector<16xi32>
        %swap3A_274 = arith.constant 32 : index
        %swap3A_275 = tpu.vector_load %arg17[%swap3A_274] {strides = array<i32>} : memref<80xi32, #tpu.memory_space<vmem>>, vector<16xi32>,
        %swap3A_276 = vector.shape_cast %swap3A_275 : vector<16xi32> to vector<16xi32>
        %swap3A_277 = vector.shape_cast %select_n3A_273 : vector<16xi32> to vector<16xi32>
        tpu.vector_store %arg17[%swap3A_274], %swap3A_277 {strides = array<i32>} : memref<80xi32, #tpu.memory_space<vmem>>, vector<16xi32>,
        %get3A_278 = arith.constant 128 : index
        %get3A_279 = tpu.vector_load %arg13[%get3A_278] {strides = array<i32>} : memref<160xi32, #tpu.memory_space<vmem>>, vector<16xi32>,
        %get3A_280 = vector.shape_cast %get3A_279 : vector<16xi32> to vector<16xi32>
        %sub3A_281 = vector.broadcast %mul3A_2 : i32 to vector<16xi32>
        %sub3A_282 = arith.subi %get3A_280, %sub3A_281 : vector<16xi32>
        %ge3A_283 = arith.constant 0 : i32
        %ge3A_284 = vector.broadcast %ge3A_283 : i32 to vector<16xi32>
        %ge3A_285 = arith.cmpi sge, %sub3A_282, %ge3A_284 : vector<16xi32>
        %lt3A_286 = arith.constant 10000 : i32
        %lt3A_287 = vector.broadcast %lt3A_286 : i32 to vector<16xi32>
        %lt3A_288 = arith.cmpi slt, %sub3A_282, %lt3A_287 : vector<16xi32>
        %and3A_289 = arith.andi %ge3A_285, %lt3A_288 : vector<16xi1>
        %jit3A_290 = arith.constant 10000 : i32
        %broadcast_in_dim3A_291 = vector.broadcast %jit3A_290 : i32 to vector<16xi32>
        %select_n3A_292 = arith.select %and3A_289, %sub3A_282, %broadcast_in_dim3A_291 : vector<16xi1>, vector<16xi32>
        %swap3A_293 = arith.constant 48 : index
        %swap3A_294 = tpu.vector_load %arg17[%swap3A_293] {strides = array<i32>} : memref<80xi32, #tpu.memory_space<vmem>>, vector<16xi32>,
        %swap3A_295 = vector.shape_cast %swap3A_294 : vector<16xi32> to vector<16xi32>
        %swap3A_296 = vector.shape_cast %select_n3A_292 : vector<16xi32> to vector<16xi32>
        tpu.vector_store %arg17[%swap3A_293], %swap3A_296 {strides = array<i32>} : memref<80xi32, #tpu.memory_space<vmem>>, vector<16xi32>,
        %get3A_297 = arith.constant 144 : index
        %get3A_298 = tpu.vector_load %arg13[%get3A_297] {strides = array<i32>} : memref<160xi32, #tpu.memory_space<vmem>>, vector<16xi32>,
        %get3A_299 = vector.shape_cast %get3A_298 : vector<16xi32> to vector<16xi32>
        %sub3A_300 = vector.broadcast %mul3A_2 : i32 to vector<16xi32>
        %sub3A_301 = arith.subi %get3A_299, %sub3A_300 : vector<16xi32>
        %ge3A_302 = arith.constant 0 : i32
        %ge3A_303 = vector.broadcast %ge3A_302 : i32 to vector<16xi32>
        %ge3A_304 = arith.cmpi sge, %sub3A_301, %ge3A_303 : vector<16xi32>
        %lt3A_305 = arith.constant 10000 : i32
        %lt3A_306 = vector.broadcast %lt3A_305 : i32 to vector<16xi32>
        %lt3A_307 = arith.cmpi slt, %sub3A_301, %lt3A_306 : vector<16xi32>
        %and3A_308 = arith.andi %ge3A_304, %lt3A_307 : vector<16xi1>
        %jit3A_309 = arith.constant 10000 : i32
        %broadcast_in_dim3A_310 = vector.broadcast %jit3A_309 : i32 to vector<16xi32>
        %select_n3A_311 = arith.select %and3A_308, %sub3A_301, %broadcast_in_dim3A_310 : vector<16xi1>, vector<16xi32>
        %swap3A_312 = arith.constant 64 : index
        %swap3A_313 = tpu.vector_load %arg17[%swap3A_312] {strides = array<i32>} : memref<80xi32, #tpu.memory_space<vmem>>, vector<16xi32>,
        %swap3A_314 = vector.shape_cast %swap3A_313 : vector<16xi32> to vector<16xi32>
        %swap3A_315 = vector.shape_cast %select_n3A_311 : vector<16xi32> to vector<16xi32>
        tpu.vector_store %arg17[%swap3A_312], %swap3A_315 {strides = array<i32>} : memref<80xi32, #tpu.memory_space<vmem>>, vector<16xi32>,
        %dma_wait3A_316 = arith.constant 0 : i32
        %dma_wait3A_317 = arith.constant 0 : i32
        %dma_wait3A_318 = tpu.memref_slice %arg2[%dma_wait3A_316, %dma_wait3A_317] : memref<10000x128xf32, #tpu.memory_space<hbm>> -> memref<80x128xf32, #tpu.memory_space<hbm>>
        %dma_wait3A_319 = arith.constant 0 : i32
        %dma_wait3A_320 = arith.constant 0 : i32
        %dma_wait3A_321 = tpu.memref_slice %arg2[%dma_wait3A_319, %dma_wait3A_320] : memref<10000x128xf32, #tpu.memory_space<hbm>> -> memref<80x128xf32, #tpu.memory_space<hbm>>
        tpu.wait_dma2 semaphore(%arg33 : memref<!tpu.dma_semaphore, #tpu.memory_space<semaphore_mem>>) src(%dma_wait3A_321 : memref<80x128xf32, #tpu.memory_space<hbm>>) dst(%arg21 : memref<80x128xf32, #tpu.memory_space<vmem>>)
        %dma_start3A_322 = arith.constant 0 : i32
        %dma_start3A_323 = arith.constant 0 : i32
        %dma_start3A_324 = tpu.memref_slice %arg5[%dma_start3A_322, %dma_start3A_323] : memref<10016x128xf32, #tpu.memory_space<vmem_shared>> -> memref<10016x128xf32, #tpu.memory_space<vmem_shared>>
        tpu.enqueue_indirect_dma source(%arg21 : memref<80x128xf32, #tpu.memory_space<vmem>>) target(%dma_start3A_324 : memref<10016x128xf32, #tpu.memory_space<vmem_shared>>) offsets(%arg17 : memref<80xi32, #tpu.memory_space<vmem>>) semaphore(%arg37 : memref<!tpu.dma_semaphore, #tpu.memory_space<semaphore_mem>>) {add = true}
        %add3A_325 = arith.constant 4 : i32
        %add3A_326 = arith.addi %add3A_227, %add3A_325 : i32
        %sub3A_327 = arith.constant 1 : i32
        %sub3A_328 = arith.subi %add3A_326, %sub3A_327 : i32
        %lt3A_329 = arith.constant 250 : i32
        %lt3A_330 = arith.cmpi slt, %sub3A_328, %lt3A_329 : i32
        %convert_element_type3A_331 = arith.extui %lt3A_330 : i1 to i32
        %cond3A_332 = arith.constant 0 : i32
        %cond3A_333 = arith.cmpi ne, %convert_element_type3A_331, %cond3A_332 : i32
        scf.if %cond3A_333 {
          %dma_wait3A_341 = arith.constant 0 : i32
          %dma_wait3A_342 = arith.constant 0 : i32
          %dma_wait3A_343 = tpu.memref_slice %arg3[%dma_wait3A_341, %dma_wait3A_342] : memref<4000x160xi32, #tpu.memory_space<hbm>> -> memref<1x160xi32, #tpu.memory_space<hbm>>
          %dma_wait3A_344 = tpu.memref_squeeze %dma_wait3A_343 : memref<1x160xi32, #tpu.memory_space<hbm>> -> memref<160xi32, #tpu.memory_space<hbm>>
          %dma_wait3A_345 = arith.constant 0 : i32
          %dma_wait3A_346 = tpu.memref_slice %arg3[%dma_wait3A_341, %dma_wait3A_345] : memref<4000x160xi32, #tpu.memory_space<hbm>> -> memref<1x160xi32, #tpu.memory_space<hbm>>
          %dma_wait3A_347 = tpu.memref_squeeze %dma_wait3A_346 : memref<1x160xi32, #tpu.memory_space<hbm>> -> memref<160xi32, #tpu.memory_space<hbm>>
          tpu.wait_dma2 semaphore(%arg24 : memref<!tpu.dma_semaphore, #tpu.memory_space<semaphore_mem>>) src(%dma_wait3A_347 : memref<160xi32, #tpu.memory_space<hbm>>) dst(%arg8 : memref<160xi32, #tpu.memory_space<vmem>>)
          %gt3A = arith.constant 0 : i32
          %gt3A_348 = arith.cmpi sgt, %add3A_227, %gt3A : i32
          %convert_element_type3A_349 = arith.extui %gt3A_348 : i1 to i32
          %cond3A_350 = arith.constant 0 : i32
          %cond3A_351 = arith.cmpi ne, %convert_element_type3A_349, %cond3A_350 : i32
          scf.if %cond3A_351 {
            %dma_wait3A_357 = arith.constant 0 : i32
            %dma_wait3A_358 = arith.constant 0 : i32
            %dma_wait3A_359 = tpu.memref_slice %arg5[%dma_wait3A_357, %dma_wait3A_358] : memref<10016x128xf32, #tpu.memory_space<vmem_shared>> -> memref<10016x128xf32, #tpu.memory_space<vmem_shared>>
            tpu.wait_indirect_dma semaphore(%arg36 : memref<!tpu.dma_semaphore, #tpu.memory_space<semaphore_mem>>) src(%arg20 : memref<80x128xf32, #tpu.memory_space<vmem>>) dst(%dma_wait3A_359 : memref<10016x128xf32, #tpu.memory_space<vmem_shared>>)
          } else {
          }
          %dma_start3A_352 = arith.constant 0 : i32
          %dma_start3A_353 = tpu.memref_slice %arg8[%dma_start3A_352] : memref<160xi32, #tpu.memory_space<vmem>> -> memref<80xi32, #tpu.memory_space<vmem>>
          %dma_start3A_354 = arith.constant 0 : i32
          %dma_start3A_355 = arith.constant 0 : i32
          %dma_start3A_356 = tpu.memref_slice %arg2[%dma_start3A_354, %dma_start3A_355] : memref<10000x128xf32, #tpu.memory_space<hbm>> -> memref<10000x128xf32, #tpu.memory_space<hbm>>
          tpu.enqueue_indirect_dma source(%dma_start3A_356 : memref<10000x128xf32, #tpu.memory_space<hbm>>) target(%arg20 : memref<80x128xf32, #tpu.memory_space<vmem>>) offsets(%dma_start3A_353 : memref<80xi32, #tpu.memory_space<vmem>>) semaphore(%arg32 : memref<!tpu.dma_semaphore, #tpu.memory_space<semaphore_mem>>)
        } else {
        }
        %add3A_334 = arith.constant 8 : i32
        %add3A_335 = arith.addi %add3A_227, %add3A_334 : i32
        %lt3A_336 = arith.constant 250 : i32
        %lt3A_337 = arith.cmpi slt, %add3A_335, %lt3A_336 : i32
        %convert_element_type3A_338 = arith.extui %lt3A_337 : i1 to i32
        %cond3A_339 = arith.constant 0 : i32
        %cond3A_340 = arith.cmpi ne, %convert_element_type3A_338, %cond3A_339 : i32
        scf.if %cond3A_340 {
          %add3A_341 = arith.constant 8 : i32
          %add3A_342 = arith.addi %add3A_227, %add3A_341 : i32
          %add3A_343 = arith.addi %mul3A_0, %add3A_342 : i32
          %dma_start3A_344 = arith.constant 0 : i32
          %dma_start3A_345 = tpu.memref_slice %arg3[%add3A_343, %dma_start3A_344] : memref<4000x160xi32, #tpu.memory_space<hbm>> -> memref<1x160xi32, #tpu.memory_space<hbm>>
          %dma_start3A_346 = tpu.memref_squeeze %dma_start3A_345 : memref<1x160xi32, #tpu.memory_space<hbm>> -> memref<160xi32, #tpu.memory_space<hbm>>
          %dma_start3A_347 = arith.constant 0 : i32
          %dma_start3A_348 = tpu.memref_slice %arg3[%add3A_343, %dma_start3A_347] : memref<4000x160xi32, #tpu.memory_space<hbm>> -> memref<1x160xi32, #tpu.memory_space<hbm>>
          %dma_start3A_349 = tpu.memref_squeeze %dma_start3A_348 : memref<1x160xi32, #tpu.memory_space<hbm>> -> memref<160xi32, #tpu.memory_space<hbm>>
          tpu.enqueue_dma source(%dma_start3A_349 : memref<160xi32, #tpu.memory_space<hbm>>) target(%arg13 : memref<160xi32, #tpu.memory_space<vmem>>) target_semaphore(%arg29 : memref<!tpu.dma_semaphore, #tpu.memory_space<semaphore_mem>>)
        } else {
        }
      } else {
      }
    }
    %scan3A_145 = arith.constant 32 : i32
    %dma_wait3A_146 = arith.constant 0 : i32
    %dma_wait3A_147 = arith.constant 0 : i32
    %dma_wait3A_148 = tpu.memref_slice %arg5[%dma_wait3A_146, %dma_wait3A_147] : memref<10016x128xf32, #tpu.memory_space<vmem_shared>> -> memref<10016x128xf32, #tpu.memory_space<vmem_shared>>
    tpu.wait_indirect_dma semaphore(%arg34 : memref<!tpu.dma_semaphore, #tpu.memory_space<semaphore_mem>>) src(%arg18 : memref<80x128xf32, #tpu.memory_space<vmem>>) dst(%dma_wait3A_148 : memref<10016x128xf32, #tpu.memory_space<vmem_shared>>)
    %dma_wait3A_149 = arith.constant 0 : i32
    %dma_wait3A_150 = arith.constant 0 : i32
    %dma_wait3A_151 = tpu.memref_slice %arg5[%dma_wait3A_149, %dma_wait3A_150] : memref<10016x128xf32, #tpu.memory_space<vmem_shared>> -> memref<10016x128xf32, #tpu.memory_space<vmem_shared>>
    tpu.wait_indirect_dma semaphore(%arg35 : memref<!tpu.dma_semaphore, #tpu.memory_space<semaphore_mem>>) src(%arg19 : memref<80x128xf32, #tpu.memory_space<vmem>>) dst(%dma_wait3A_151 : memref<10016x128xf32, #tpu.memory_space<vmem_shared>>)
    %dma_wait3A_152 = arith.constant 0 : i32
    %dma_wait3A_153 = arith.constant 0 : i32
    %dma_wait3A_154 = tpu.memref_slice %arg5[%dma_wait3A_152, %dma_wait3A_153] : memref<10016x128xf32, #tpu.memory_space<vmem_shared>> -> memref<10016x128xf32, #tpu.memory_space<vmem_shared>>
    tpu.wait_indirect_dma semaphore(%arg36 : memref<!tpu.dma_semaphore, #tpu.memory_space<semaphore_mem>>) src(%arg20 : memref<80x128xf32, #tpu.memory_space<vmem>>) dst(%dma_wait3A_154 : memref<10016x128xf32, #tpu.memory_space<vmem_shared>>)
    %dma_wait3A_155 = arith.constant 0 : i32
    %dma_wait3A_156 = arith.constant 0 : i32
    %dma_wait3A_157 = tpu.memref_slice %arg5[%dma_wait3A_155, %dma_wait3A_156] : memref<10016x128xf32, #tpu.memory_space<vmem_shared>> -> memref<10016x128xf32, #tpu.memory_space<vmem_shared>>
    tpu.wait_indirect_dma semaphore(%arg37 : memref<!tpu.dma_semaphore, #tpu.memory_space<semaphore_mem>>) src(%arg21 : memref<80x128xf32, #tpu.memory_space<vmem>>) dst(%dma_wait3A_157 : memref<10016x128xf32, #tpu.memory_space<vmem_shared>>)
    %barrier3A_158 = arith.constant 0 : index
    tpu.barrier barrier_id(%barrier3A_158)
    %mul3A_159 = arith.constant 624 : i32
    %mul3A_160 = arith.muli %arg1, %mul3A_159 : i32
    %mul3A_161 = arith.constant 624 : i32
    %mul3A_162 = arith.muli %arg1, %mul3A_161 : i32
    "tpu.region"() ({
      %run_scoped3A = tpu.sem_alloc : memref<!tpu.dma_semaphore, #tpu.memory_space<semaphore_mem>>
      %dma_start3A_168 = arith.constant 0 : i32
      %dma_start3A_169 = tpu.memref_slice %arg4[%arg0, %mul3A_162, %dma_start3A_168] : memref<2x10000x128xf32, #tpu.memory_space<hbm>> -> memref<1x624x128xf32, #tpu.memory_space<hbm>>
      %dma_start3A_170 = tpu.memref_squeeze %dma_start3A_169 : memref<1x624x128xf32, #tpu.memory_space<hbm>> -> memref<624x128xf32, #tpu.memory_space<hbm>>
      %dma_start3A_171 = arith.constant 0 : i32
      %dma_start3A_172 = tpu.memref_slice %arg5[%mul3A_160, %dma_start3A_171] : memref<10016x128xf32, #tpu.memory_space<vmem_shared>> -> memref<624x128xf32, #tpu.memory_space<vmem_shared>>
      tpu.enqueue_dma source(%dma_start3A_172 : memref<624x128xf32, #tpu.memory_space<vmem_shared>>) target(%dma_start3A_170 : memref<624x128xf32, #tpu.memory_space<hbm>>) target_semaphore(%run_scoped3A : memref<!tpu.dma_semaphore, #tpu.memory_space<semaphore_mem>>)
      %dma_wait3A_173 = arith.constant 0 : i32
      %dma_wait3A_174 = tpu.memref_slice %arg4[%arg0, %mul3A_162, %dma_wait3A_173] : memref<2x10000x128xf32, #tpu.memory_space<hbm>> -> memref<1x624x128xf32, #tpu.memory_space<hbm>>
      %dma_wait3A_175 = tpu.memref_squeeze %dma_wait3A_174 : memref<1x624x128xf32, #tpu.memory_space<hbm>> -> memref<624x128xf32, #tpu.memory_space<hbm>>
      %dma_wait3A_176 = arith.constant 0 : i32
      %dma_wait3A_177 = tpu.memref_slice %arg5[%mul3A_160, %dma_wait3A_176] : memref<10016x128xf32, #tpu.memory_space<vmem_shared>> -> memref<624x128xf32, #tpu.memory_space<vmem_shared>>
      tpu.wait_dma2 semaphore(%run_scoped3A : memref<!tpu.dma_semaphore, #tpu.memory_space<semaphore_mem>>) src(%dma_wait3A_177 : memref<624x128xf32, #tpu.memory_space<vmem_shared>>) dst(%dma_wait3A_175 : memref<624x128xf32, #tpu.memory_space<hbm>>)
      tpu.yield
    }) : () -> ()
    %eq3A_163 = arith.constant 0 : i32
    %eq3A_164 = arith.cmpi eq, %arg1, %eq3A_163 : i32
    %convert_element_type3A_165 = arith.extui %eq3A_164 : i1 to i32
    %cond3A_166 = arith.constant 0 : i32
    %cond3A_167 = arith.cmpi ne, %convert_element_type3A_165, %cond3A_166 : i32
    scf.if %cond3A_167 {
      "tpu.region"() ({
        %run_scoped3A = tpu.sem_alloc : memref<!tpu.dma_semaphore, #tpu.memory_space<semaphore_mem>>
        %dma_start3A_168 = arith.constant 9984 : i32
        %dma_start3A_169 = arith.constant 0 : i32
        %dma_start3A_170 = tpu.memref_slice %arg4[%arg0, %dma_start3A_168, %dma_start3A_169] : memref<2x10000x128xf32, #tpu.memory_space<hbm>> -> memref<1x16x128xf32, #tpu.memory_space<hbm>>
        %dma_start3A_171 = tpu.memref_squeeze %dma_start3A_170 : memref<1x16x128xf32, #tpu.memory_space<hbm>> -> memref<16x128xf32, #tpu.memory_space<hbm>>
        %dma_start3A_172 = arith.constant 9984 : i32
        %dma_start3A_173 = arith.constant 0 : i32
        %dma_start3A_174 = tpu.memref_slice %arg5[%dma_start3A_172, %dma_start3A_173] : memref<10016x128xf32, #tpu.memory_space<vmem_shared>> -> memref<16x128xf32, #tpu.memory_space<vmem_shared>>
        tpu.enqueue_dma source(%dma_start3A_174 : memref<16x128xf32, #tpu.memory_space<vmem_shared>>) target(%dma_start3A_171 : memref<16x128xf32, #tpu.memory_space<hbm>>) target_semaphore(%run_scoped3A : memref<!tpu.dma_semaphore, #tpu.memory_space<semaphore_mem>>)
        %dma_wait3A_175 = arith.constant 9984 : i32
        %dma_wait3A_176 = arith.constant 0 : i32
        %dma_wait3A_177 = tpu.memref_slice %arg4[%arg0, %dma_wait3A_175, %dma_wait3A_176] : memref<2x10000x128xf32, #tpu.memory_space<hbm>> -> memref<1x16x128xf32, #tpu.memory_space<hbm>>
        %dma_wait3A_178 = tpu.memref_squeeze %dma_wait3A_177 : memref<1x16x128xf32, #tpu.memory_space<hbm>> -> memref<16x128xf32, #tpu.memory_space<hbm>>
        %dma_wait3A_179 = arith.constant 9984 : i32
        %dma_wait3A_180 = arith.constant 0 : i32
        %dma_wait3A_181 = tpu.memref_slice %arg5[%dma_wait3A_179, %dma_wait3A_180] : memref<10016x128xf32, #tpu.memory_space<vmem_shared>> -> memref<16x128xf32, #tpu.memory_space<vmem_shared>>
        tpu.wait_dma2 semaphore(%run_scoped3A : memref<!tpu.dma_semaphore, #tpu.memory_space<semaphore_mem>>) src(%dma_wait3A_181 : memref<16x128xf32, #tpu.memory_space<vmem_shared>>) dst(%dma_wait3A_178 : memref<16x128xf32, #tpu.memory_space<hbm>>)
        tpu.yield
      }) : () -> ()
    } else {
    }
    return
  }
}

module attributes {stable_mosaic.version = 14 : i64} {
  func.func @_mm_body(%arg0: i32, %arg1: memref<1000x128xf32, #tpu.memory_space<vmem>>, %arg2: memref<1000x128xf32, #tpu.memory_space<vmem>>, %arg3: memref<128x128xf32, #tpu.memory_space<vmem>>, %arg4: memref<1000x128xf32, #tpu.memory_space<vmem>>) attributes {dimension_semantics = [#tpu.dimension_semantics<arbitrary>], iteration_bounds = array<i64: 10>, scalar_prefetch = 0 : i64, scratch_operands = 0 : i64, tpu.core_type = #tpu.core_type<tc>, window_params = [{transform_indices = @transform_0, window_bounds = array<i64: 1000, 128>}, {transform_indices = @transform_1, window_bounds = array<i64: 1000, 128>}, {pipeline_mode = #tpu.pipeline_mode<synchronous>, transform_indices = @transform_2, window_bounds = array<i64: 128, 128>}, {transform_indices = @transform_3, window_bounds = array<i64: 1000, 128>}]} {
    %get3A = arith.constant 0 : index
    %get3A_0 = arith.constant 0 : index
    %get3A_1 = vector.load %arg1[%get3A, %get3A_0] : memref<1000x128xf32, #tpu.memory_space<vmem>>, vector<1000x128xf32>
    %get3A_2 = arith.constant 0 : index
    %get3A_3 = arith.constant 0 : index
    %get3A_4 = vector.load %arg2[%get3A_2, %get3A_3] : memref<1000x128xf32, #tpu.memory_space<vmem>>, vector<1000x128xf32>
    %add3A = arith.addf %get3A_1, %get3A_4 : vector<1000x128xf32>
    %get3A_5 = arith.constant 0 : index
    %get3A_6 = arith.constant 0 : index
    %get3A_7 = vector.load %arg3[%get3A_5, %get3A_6] : memref<128x128xf32, #tpu.memory_space<vmem>>, vector<128x128xf32>
    %dot_general3A = arith.constant dense<0.000000e+00> : vector<1000x128xf32>
    %dot_general3A_8 = tpu.matmul %add3A, %get3A_7, %dot_general3A {dimension_numbers = #tpu.dot_dimension_numbers<[1], [0], [0], [1], [0, 0, 1, 1], [], []>, transpose_lhs_hint = false} : vector<1000x128xf32>, vector<128x128xf32>, vector<1000x128xf32> -> vector<1000x128xf32>
    %swap3A = arith.constant 0 : index
    %swap3A_9 = arith.constant 0 : index
    %swap3A_10 = vector.load %arg4[%swap3A, %swap3A_9] : memref<1000x128xf32, #tpu.memory_space<vmem>>, vector<1000x128xf32>
    tpu.vector_store %arg4[%swap3A, %swap3A_9], %dot_general3A_8 {strides = array<i32>} : memref<1000x128xf32, #tpu.memory_space<vmem>>, vector<1000x128xf32>,
    return
  }
  func.func @transform_0(%arg0: i32) -> (i32, i32) {
    %c0_i32 = arith.constant 0 : i32
    %c0_i32_0 = arith.constant 0 : i32
    return %arg0, %c0_i32 : i32, i32
  }
  func.func @transform_1(%arg0: i32) -> (i32, i32) {
    %c0_i32 = arith.constant 0 : i32
    %c0_i32_0 = arith.constant 0 : i32
    return %arg0, %c0_i32 : i32, i32
  }
  func.func @transform_2(%arg0: i32) -> (i32, i32) {
    %c0_i32 = arith.constant 0 : i32
    %c0_i32_0 = arith.constant 0 : i32
    %c0_i32_1 = arith.constant 0 : i32
    return %c0_i32, %c0_i32_0 : i32, i32
  }
  func.func @transform_3(%arg0: i32) -> (i32, i32) {
    %c0_i32 = arith.constant 0 : i32
    %c0_i32_0 = arith.constant 0 : i32
    return %arg0, %c0_i32 : i32, i32
  }
}

</mosaic_0001>

<sc_bundles>
// kernel: kernel.5.cloned.1.call-start
scs
__scs_entry_jumppad:
0x0: {  	(pc) =	sbr.rel $0x88, $3  }
0x1: {  	(tag) =	ssettag $0x0;
	lr =	simm.s32 $0x1  }
0x2: {  	[smem:$0x3F9D] =	sst lr;
	_ =	strace $0xD0000000  }
0x3: {  	_ = 	snop  }
0x4: {  	_ = 	snop  }
0x5: {  	_ = 	snop  }
0x6: {  	_ = 	snop  }
0x7: {  	_ = 	snop  }
__scs_overlays_trampoline_lowered:
0x8: {  	[smem:$0x3FAC] =	sst s0  }
0x9: {  	[smem:$0x3FAD] =	sst s1  }
0xa: {  	[smem:$0x3FAE] =	sst s2  }
0xb: {  	[smem:$0x3FAF] =	sst s3  }
0xc: {  	[smem:$0x3FB0] =	sst s4  }
0xd: {  	[smem:$0x3FB1] =	sst s5  }
0xe: {  	[smem:$0x3FB2] =	sst s6  }
0xf: {  	[smem:$0x3FB3] =	sst s7  }
0x10: {  	[smem:$0x3FB4] =	sst s8  }
0x11: {  	[smem:$0x3FB5] =	sst s9;
	s0 =	simm.s32 @!p0 $0x0  }
0x12: {  	s1 =	sld [smem:$0x3F9B];
	s0 =	simm.s32 @p0 $0x1  }
0x13: {  	[smem:$0x3FB6] =	sst s0;
	s0 =	simm.s32 @!p1 $0x0  }
0x14: {  	s2 =	sld [smem:$0x3F9A];
	s0 =	simm.s32 @p1 $0x1  }
0x15: {  	[smem:$0x3FB7] =	sst s0;
	s0 =	simm.s32 @!p2 $0x0  }
0x16: {  	s3 =	sld [smem:$0x3FDB];
	s0 =	simm.s32 @p2 $0x1  }
0x17: {  	s4 =	simm.s32 $0x1BF5;
	[smem:$0x3FB9] =	sst s0  }
0x18: {  	s0 =	sld [smem:$0x3F9C];
	_ =	swait.ge [sflag:s4], $0x0  }
0x19: {  	s7 =	sld [smem:$0x3F9D]  }
0x1a: {  	s8 =	sadd.s32 $0xFFFFE003, lr  }
0x1b: {  	s9 =	sadd.s32 $0xFFFFFEF7, lr;
	s5 =	simm.s32 $0xFFFFFFFF;
	p2 =	slt.u32 s8, $0xFFFFF086  }
0x1c: {  	p1 =	slt.u32 s9, $0xF7A;
	s5 =	simm.s32 @!p2 $0x0  }
0x1d: {  	s5 =	simm.s32 @p1 $0x1;
	p0 =	seq.s32 s7, s2  }
0x1e: {  	s7 =	smul.u32 @!p0 $0xF7A, s2;
	p2 =	seq.s32 @!p0 s5, $0x0  }
0x1f: {  	s9 =	smul.u32 $0xF7A, s1;
	s8 =	simm.s32 @!p0 $0x1BF5;
	p2 =	por !p2, p0  }
0x20: {  	[sflag:s8] =	ssyncset.s32 @!p0 $0xFFFFF086;
	s6 =	sadd.s32 @!p0 s3, s7;
	s7 =	simm.s32 @!p0 $0x108  }
0x21: {  	s3 =	sadd.s32 s3, s9;
	s6 =	sadd.s32 @!p0 $0x88, s6;
	s7 =	simm.s32 @p2 $0x1082  }
0x22: {  	[simem:s7], [sflag:s8] =	dma.local @!p0 [hbm:s6], $0xF7A  }
0x23: {  	s9 =	sor.u32 $0xD0000000, s2;
	s6 =	simm.s32 $0x108;
	_ =	swait.ge @!p0 [sflag:s8], $0x0  }
0x24: {  	s3 =	sadd.s32 $0x88, s3;
	s6 =	simm.s32 @!p1 $0x1082;
	[sflag:s4] =	ssyncset.s32 $0xFFFFF086  }
0x25: {  	[simem:s6], [sflag:s4] =	dma.local [hbm:s3], $0xF7A  }
0x26: {  	[smem:$0x3F9D] =	sst s1;
	(tag) =	ssettag s2;
	_ =	strace s9  }
0x27: {  	s1 =	sld [smem:$0x3FAD]  }
0x28: {  	s2 =	sld [smem:$0x3FAE]  }
0x29: {  	s4 =	sld [smem:$0x3FB0]  }
0x2a: {  	p0 =	seq.s32 s5, $0x0;
	s5 =	sld [smem:$0x3FB1]  }
0x2b: {  	s6 =	sld [smem:$0x3FB2]  }
0x2c: {  	s7 =	sld [smem:$0x3FB3]  }
0x2d: {  	s3 =	simm.s32 $0x108;
	s8 =	sld [smem:$0x3FB4]  }
0x2e: {  	s3 =	simm.s32 @!p0 $0x1082;
	s9 =	sld [smem:$0x3FB5]  }
0x2f: {  	lr =	sadd.s32 s0, s3;
	s0 =	sld [smem:$0x3FAC]  }
0x30: {  	s3 =	sld [smem:$0x3FAF]  }
0x31: {  	[smem:$0x3FB8] =	sst s10  }
0x32: {  	s10 =	sld [smem:$0x3FB6];
	_ =	sdelay $0x3  }
0x33: {  	p0 =	seq.s32 s10, $0x1;
	s10 =	sld [smem:$0x3FB8];
	_ =	sdelay $0x3  }
0x34: {  	[smem:$0x3FB8] =	sst s10  }
0x35: {  	s10 =	sld [smem:$0x3FB7];
	_ =	sdelay $0x3  }
0x36: {  	p1 =	seq.s32 s10, $0x1;
	s10 =	sld [smem:$0x3FB8];
	_ =	sdelay $0x3  }
0x37: {  	[smem:$0x3FB8] =	sst s10  }
0x38: {  	s10 =	sld [smem:$0x3FB9]  }
0x39: {  	_ = 	snop;
	(pc) =	sbr.ind lr, $3  }
0x3a: {  	_ = 	snop  }
0x3b: {  	_ = 	snop  }
0x3c: {  	p2 =	seq.s32 s10, $0x1;
	s10 =	sld [smem:$0x3FB8]  }
0x3d: {  	_ =	shalt  }
0x3e: {  	_ =	shalt  }
0x3f: {  	_ =	shalt  }
0x40: {  	_ =	shalt  }
0x41: {  	_ =	shalt  }
0x42: {  	_ =	shalt  }
0x43: {  	_ =	shalt  }
0x44: {  	_ =	shalt  }
0x45: {  	_ =	shalt  }
0x46: {  	_ =	shalt  }
0x47: {  	_ =	shalt  }
0x48: {  	_ =	shalt  }
0x49: {  	_ =	shalt  }
0x4a: {  	_ =	shalt  }
0x4b: {  	_ =	shalt  }
0x4c: {  	_ =	shalt  }
0x4d: {  	_ =	shalt  }
0x4e: {  	_ =	shalt  }
0x4f: {  	_ =	shalt  }
0x50: {  	_ =	shalt  }
0x51: {  	_ =	shalt  }
0x52: {  	_ =	shalt  }
0x53: {  	_ =	shalt  }
0x54: {  	_ =	shalt  }
0x55: {  	_ =	shalt  }
0x56: {  	_ =	shalt  }
0x57: {  	_ =	shalt  }
0x58: {  	_ =	shalt  }
0x59: {  	_ =	shalt  }
0x5a: {  	_ =	shalt  }
0x5b: {  	_ =	shalt  }
0x5c: {  	_ =	shalt  }
0x5d: {  	_ =	shalt  }
0x5e: {  	_ =	shalt  }
0x5f: {  	_ =	shalt  }
0x60: {  	_ =	shalt  }
0x61: {  	_ =	shalt  }
0x62: {  	_ =	shalt  }
0x63: {  	_ =	shalt  }
0x64: {  	_ =	shalt  }
0x65: {  	_ =	shalt  }
0x66: {  	_ =	shalt  }
0x67: {  	_ =	shalt  }
0x68: {  	_ =	shalt  }
0x69: {  	_ =	shalt  }
0x6a: {  	_ =	shalt  }
0x6b: {  	_ =	shalt  }
0x6c: {  	_ =	shalt  }
0x6d: {  	_ =	shalt  }
0x6e: {  	_ =	shalt  }
0x6f: {  	_ =	shalt  }
0x70: {  	_ =	shalt  }
0x71: {  	_ =	shalt  }
0x72: {  	_ =	shalt  }
0x73: {  	_ =	shalt  }
0x74: {  	_ =	shalt  }
0x75: {  	_ =	shalt  }
0x76: {  	_ =	shalt  }
0x77: {  	_ =	shalt  }
0x78: {  	_ =	shalt  }
0x79: {  	_ =	shalt  }
0x7a: {  	_ =	shalt  }
0x7b: {  	_ =	shalt  }
0x7c: {  	_ =	shalt  }
0x7d: {  	_ =	shalt  }
0x7e: {  	_ =	shalt  }
0x7f: {  	_ =	shalt  }
0x80: {  	_ =	shalt  }
0x81: {  	_ =	shalt  }
0x82: {  	_ =	shalt  }
0x83: {  	_ =	shalt  }
0x84: {  	_ =	shalt  }
0x85: {  	_ =	shalt  }
0x86: {  	_ =	shalt  }
0x87: {  	_ =	shalt  }
.Lfunc_end0:
.L_simem_size_0:
called_computation_lowered:
.L_overlay_start_0:
0x88: {  	s2 =	sld [smem:$0x3FD9]  }
0x89: {  	s3 =	sld [smem:$0x3FFE];
	_ =	sdelay $0x1  }
0x8a: {  	s1 =	srdreg.scid  }
0x8b: {  	s0 =	sand.u32 $0x1, s1  }
0x8c: {  	s15 =	sshll.u32 s0, $0xA;
	s2 =	sadd.s32 s3, s2  }
0x8d: {  	s2 =	sadd.s32 s2, s15  }
0x8e: {  	[smem:$0x3FC4] =	sst s2  }
0x8f: {  	_ = 	snop  }
0x90: {  	s2 =	sld [smem:$0x3FD0];
	_ =	sdelay $0x2  }
0x91: {  	s4 =	simm.s32 $0xA;
	s5 =	simm.s32 $0x10;
	s16 =	sld [smem:$0x3FC9]  }
0x92: {  	[smem:s5], [sflag:s4] =	dma.local [hbm:s2], $0x1  }
0x93: {  	_ =	swait.eq [sflag:s4], $0x1  }
0x94: {  	[sflag:s4] =	ssyncset.done $0x0  }
0x95: {  	s17 =	sld [smem:$0x10];
	[sflag:s4] =	ssyncadd.s32 $0xFFFFFFFF  }
0x96: {  	s18 =	sld [smem:$0x11];
	(tm) =	ssettm $0x1  }
0x97: {  	s19 =	sld [smem:$0x3FFB];
	_ =	sdelay $0x3  }
0x98: {  	_ =	strace s19  }
0x99: {  	s5 =	sld [smem:$0x3FFC];
	_ =	sdelay $0x3  }
0x9a: {  	_ =	strace s5  }
0x9b: {  	s5 =	sld [smem:$0x3FFD];
	_ =	sdelay $0x3  }
0x9c: {  	_ =	strace s5  }
0x9d: {  	_ =	strace $0x8FFFFFFF  }
0x9e: {  	s20 =	sld [smem:$0x3FDB];
	_ =	sdelay $0x1  }
0x9f: {  	s6 =	simm.s32 $_scs_section_size  }
0xa0: {  	s7 =	simm.s32 $_size__tile_overlayer_lowered;
	s8 =	simm.s32 $_tile_overlayer_lowered  }
0xa1: {  	s23 =	simm.s32 $0x1BFF;
	s22 =	sshll.u32 s8, $0x1;
	s5 =	sadd.s32 s6, s20  }
0xa2: {  	s9 =	simm.s32 $0x0;
	s21 =	sshll.u32 s7, $0x1;
	s7 =	sadd.s32 s22, s5  }
0xa3: {  	[timem:s9], [sflag:s23] =	dma.local [hbm:s7], s21  }
0xa4: {  	_ =	swait.ge [sflag:s23], s21  }
0xa5: {  	s6 =	ssub.s32 $0x0, s21;
	[sflag:s23] =	ssyncset.done $0x0  }
0xa6: {  	[sflag:s23] =	ssyncadd.s32 s6;
	_ =	sdelay $0x1  }
0xa7: {  	s24 =	simm.s32 $0x1B8B  }
0xa8: {  	_ =	swait.ge [sflag:s24], $0x1  }
0xa9: {  	[sflag:s24] =	ssyncset.done $0x0  }
0xaa: {  	s25 =	simm.s32 $0x1B8E;
	[sflag:s24] =	ssyncadd.s32 $0xFFFFFFFF  }
0xab: {  	s26 =	simm.s32 $execute0_lowered;
	[smem:$0x3FD2] =	sst s25  }
0xac: {  	s6 =	sshll.u32 s26, $0x1;
	_ =	strace $0x80000046;
	[dreg:$0x1] =	wrdreg $0xFFFFFFFF  }
0xad: {  	s28 =	simm.s32 $_size_execute0_lowered;
	s5 =	sadd.s32 s5, s6;
	[dreg:$0x0] =	wrdreg $0x0  }
0xae: {  	s6 =	sshll.u32 s28, $0x1;
	[dreg:$0x2] =	wrdreg s5  }
0xaf: {  	[dreg:$0x3] =	wrdreg s6  }
0xb0: {  	[dreg:$0x4] =	wrdreg $0xC0  }
0xb1: {  	_ =	task [dreg:s9], $0x5FFFF  }
0xb2: {  	[dreg:$0x1] =	wrdreg $0xFFFFFFFF  }
0xb3: {  	[dreg:$0x0] =	wrdreg $0x60  }
0xb4: {  	[dreg:$0x2] =	wrdreg s16  }
0xb5: {  	[dreg:$0x3] =	wrdreg s17  }
0xb6: {  	[dreg:$0x4] =	wrdreg s18  }
0xb7: {  	[dreg:$0x5] =	wrdreg $0x0  }
0xb8: {  	[dreg:$0x6] =	wrdreg $0x9  }
0xb9: {  	_ =	task.clear_ibuf [dreg:s9], $0x7FFFF;
	_ =	strace $0x90000046  }
0xba: {  	s29 =	simm.s32 $0x9;
	_ =	strace $0x80000048  }
0xbb: {  	_ =	swait.ge [sflag:s29], $0x1  }
0xbc: {  	[sflag:s29] =	ssyncadd.s32 $0xFFFFFFFF  }
0xbd: {  	_ =	strace $0x90000048  }
0xbe: {  	_ =	sfence  }
0xbf: {  	s30 =	sld [smem:$0x0];
	_ =	sdelay $0x2  }
0xc0: {  	s31 =	sshll.u32 s1, $0xD;
	s1 =	sshrl.u32 s1, $0x2  }
0xc1: {  	s3 =	sand.u32 $0x4000, s31;
	s1 =	sadd.s32 s1, s30  }
0xc2: {  	s0 =	sor.u32 s3, s0;
	s1 =	sshll.u32 s1, $0x11  }
0xc3: {  	s0 =	sor.u32 s1, s0  }
0xc4: {  	s0 =	sadd.s32 $0x8F2B, s0  }
0xc5: {  	[sflag:s0] =	ssyncadd.remote.s32 $0x1  }
0xc6: {  	_ =	sfence.sel $0xFFFF  }
0xc7: {  	[dreg:$0x0] =	wrdreg $0xFFFFFFFF;
	(pc) =	sbr.abs _section_cstart, $3  }
0xc8: {  	[dreg:$0x1] =	wrdreg $0xFFFFFFFF  }
0xc9: {  	_ =	task.clear_ibuf [dreg:s9], $0x2FFFF;
	_ =	strace $0x9FFFFFFF  }
0xca: {  	(tm) =	ssettm $0x7FFFFFFF  }
0xcb: {  	_ =	shalt  }
tec
execute0_lowered:
.L_overlay_start_1:
0x0: {  	(tag) =	ssettag $0x1  }
0x1: {  	s1 =	rddreg [dreg:$0x0]  }
0x2: {  	s2 =	rddreg [dreg:$0x1]  }
0x3: {  	s0 =	rddreg [dreg:$0x2]  }
0x4: {  	s3 =	rddreg [dreg:$0x3]  }
0x5: {  	s4 =	srdreg.scid;
	s13 =	stileid.u32  }
0x6: {  	s14 =	simm.s32 $0x0;
	s29 =	simm.s32 $0x9;
	s6 =	smul.u32 $0x4E000, s13  }
0x7: {  	s30 =	simm.s32 $0xA;
	s31 =	simm.s32 $0xB;
	s8 =	smul.u32 $0xFA00, s13  }
0x8: {  	s5 =	sand.u32 $0x1, s4;
	[smem:$0x7FF] =	sst s14;
	s9 =	smul.u32 $0xFA, s13  }
0x9: {  	s16 =	sshll.u32 s13, $0x8;
	p0 =	sne.s32 s13, $0x0;
	s12 =	smul.u32 $0x2710, s5  }
0xa: {  	s4 =	ssub.s32 $0x2, s5;
	_ =	strace $0x80000047;
	s5 =	smul.u32 $0x138800, s5  }
0xb: {  	s7 =	sshrl.u32 s4, $0x1;
	s6 =	sshrl.u32 s6, $0x2;
	s8 =	sand.u32 $0xFF800, s8  }
0xc: {  	s20 =	sadd.s32 $0x2, s9;
	s22 =	sadd.s32 $0x3, s9;
	s11 =	sadd.s32 $0x4, s9  }
0xd: {  	s26 =	sadd.s32 $0x5, s9;
	s4 =	ssub.s32 s4, s7;
	s7 =	sand.u32 $0x300, s16  }
0xe: {  	s15 =	sadd.s32 s6, s3;
	s21 =	sshll.u32 s20, $0x5;
	s10 =	sshll.u32 s22, $0x4  }
0xf: {  	s24 =	sshll.u32 s11, $0x4;
	s25 =	sshll.u32 s11, $0x5;
	s28 =	sshll.u32 s26, $0x4  }
0x10: {  	s11 =	sshll.u32 s26, $0x5;
	s17 =	sor.u32 s7, s8;
	s18 =	sadd.s32 $0x2800, s15  }
0x11: {  	s19 =	sadd.s32 $0x5000, s15;
	s7 =	sand.u32 $0x3FF00, s21;
	s8 =	sshll.u32 s22, $0x5  }
0x12: {  	s10 =	sand.u32 $0x70, s10;
	s16 =	sand.u32 $0x70, s28;
	[dreg:$0x6] =	wrdreg s15  }
0x13: {  	s21 =	sadd.s32 $0x7, s9;
	s22 =	sshll.u32 s13, $0x5;
	[dreg:$0x7] =	wrdreg s18  }
0x14: {  	s4 =	smax.u32 s4, $0x1;
	s6 =	sshrl.u32 s17, $0x3;
	[dreg:$0x8] =	wrdreg s19  }
0x15: {  	s8 =	sand.u32 $0x3FF00, s8;
	s10 =	sadd.s32 s2, s10;
	s18 =	sadd.s32 $0x6, s9  }
0x16: {  	s9 =	sshll.u32 s21, $0x5;
	s28 =	sadd.s32 $0x20, s22;
	[dreg:$0x12] =	wrdreg s4  }
0x17: {  	s17 =	sadd.s32 s2, s6;
	s6 =	sshll.u32 s20, $0x4;
	s23 =	sadd.s32 s8, s10  }
0x18: {  	s19 =	sshll.u32 s18, $0x5;
	s20 =	sshll.u32 s18, $0x4;
	s8 =	sshll.u32 s21, $0x4  }
0x19: {  	s9 =	sand.u32 $0x3FF00, s9;
	s10 =	smul.u32 $0xFA0, s13;
	s6 =	sand.u32 $0x60, s6  }
0x1a: {  	[dreg:$0xb] =	wrdreg s23;
	s8 =	sand.u32 $0x70, s8;
	s23 =	smul.u32 $0x13800, s13  }
0x1b: {  	[dreg:$0x9] =	wrdreg s17;
	s6 =	sadd.s32 s2, s6;
	s8 =	sadd.s32 s2, s8  }
0x1c: {  	s6 =	sadd.s32 s7, s6;
	s7 =	sand.u32 $0x3FF00, s25;
	s25 =	sand.u32 $0x60, s22  }
0x1d: {  	s26 =	sadd.s32 s23, s5;
	s5 =	sshrl.u32 s5, $0x3;
	s23 =	sadd.s32 $0xA000, s15  }
0x1e: {  	[dreg:$0xa] =	wrdreg s6;
	s6 =	sand.u32 $0x60, s24;
	s24 =	sadd.s32 s9, s8  }
0x1f: {  	s5 =	sadd.s32 s0, s5;
	s8 =	sxor.u32 $0x40, s25;
	[dreg:$0x19] =	wrdreg s23  }
0x20: {  	s9 =	sadd.s32 $0x60, s22;
	s22 =	sadd.s32 $0x7800, s15;
	[dreg:$0xf] =	wrdreg s24  }
0x21: {  	s23 =	sadd.s32 $0x138000, s3;
	s6 =	sadd.s32 s2, s6;
	[dreg:$0x18] =	wrdreg s22  }
0x22: {  	s5 =	sadd.s32 $0x27000, s5;
	s18 =	sadd.s32 s2, s8;
	[dreg:$0x1d] =	wrdreg s23  }
0x23: {  	s24 =	sadd.s32 $0xC800, s15;
	s8 =	simm.s32 $0xC;
	[dreg:$0x11] =	wrdreg s5  }
0x24: {  	s22 =	simm.s32 $0xE;
	s6 =	sadd.s32 s7, s6;
	[dreg:$0x14] =	wrdreg s18  }
0x25: {  	s7 =	sadd.s32 s2, s16;
	s16 =	sadd.s32 s2, s25;
	[dreg:$0x1a] =	wrdreg s24  }
0x26: {  	s25 =	sadd.s32 $0xF000, s15;
	s24 =	simm.s32 $0x11;
	s18 =	simm.s32 $0xF  }
0x27: {  	[dreg:$0xc] =	wrdreg s6;
	s6 =	sand.u32 $0x3FF00, s11;
	s11 =	smul.u32 $0x1F40, s13  }
0x28: {  	[dreg:$0x1b] =	wrdreg s25;
	s4 =	sadd.s32 $0x10, s16;
	s13 =	simm.s32 $0x50  }
0x29: {  	s25 =	simm.s32 $0x19300;
	s6 =	sadd.s32 s6, s7;
	s7 =	sand.u32 $0x60, s20  }
0x2a: {  	s20 =	sadd.s32 $0xF0, s10;
	s10 =	simm.s32 $0x80;
	[dreg:$0xd] =	wrdreg s6  }
0x2b: {  	s6 =	sand.u32 $0x3FF00, s19;
	s7 =	sadd.s32 s2, s7;
	[dreg:$0x16] =	wrdreg s20  }
0x2c: {  	s21 =	sadd.s32 $0x1E0, s11;
	s11 =	simm.s32 $0x400;
	s20 =	simm.s32 $0x8  }
0x2d: {  	s6 =	sadd.s32 s6, s7;
	s7 =	sshrl.u32 s26, $0x3;
	[dreg:$0x17] =	wrdreg s21  }
0x2e: {  	s26 =	sadd.s32 $0x11800, s15;
	s21 =	simm.s32 $0x10;
	[dreg:$0xe] =	wrdreg s6  }
0x2f: {  	s0 =	sadd.s32 s0, s7;
	s7 =	sand.u32 $0x60, s28;
	s6 =	sand.u32 $0x60, s9  }
.Ltmp0:
0x30: {  	[dreg:$0x1c] =	wrdreg s26;
	s28 =	sadd.s32 $0x10, s17;
	(pc) =	sbr.rel .LBB2_1-.Ltmp0, $4  }
0x31: {  	s17 =	simm.s32 $0x16B00;
	s9 =	simm.s32 $0x1BB00;
	[dreg:$0x10] =	wrdreg s0  }
0x32: {  	s26 =	simm.s32 $0x7;
	s0 =	sadd.s32 s2, s7;
	[dreg:$0x1e] =	wrdreg s28  }
0x33: {  	s19 =	sadd.s32 s2, s6;
	s7 =	simm.s32 $0x14300;
	[dreg:$0x13] =	wrdreg s0  }
0x34: {  	v1 =	vimm.f32 $0.0e+00;
	v0 =	vmov s12;
	s6 =	simm.s32 $0xD;
	[dreg:$0x15] =	wrdreg s19;
	s19 =	simm.s32 $0x5  }
.LBB2_10:
0x35: {  	_ =	swait.ge [sflag:s6], $0x2800  }
0x36: {  	[sflag:s6] =	ssyncset.done $0x0  }
0x37: {  	[sflag:s6] =	ssyncadd.s32 $0xFFFFD800  }
0x38: {  	_ =	swait.ge [sflag:s22], $0x2800  }
0x39: {  	[sflag:s22] =	ssyncset.done $0x0  }
0x3a: {  	[sflag:s22] =	ssyncadd.s32 $0xFFFFD800  }
0x3b: {  	_ =	swait.ge [sflag:s18], $0x2800  }
0x3c: {  	[sflag:s18] =	ssyncset.done $0x0  }
0x3d: {  	[sflag:s18] =	ssyncadd.s32 $0xFFFFD800  }
0x3e: {  	_ =	swait.ge [sflag:s21], $0x2800  }
0x3f: {  	[sflag:s21] =	ssyncset.done $0x0  }
0x40: {  	[sflag:s21] =	ssyncadd.s32 $0xFFFFD800  }
0x41: {  	s0 =	stileid.u32;
	[bflag:$0x0] =	sbarrier.arrive $0xFFFF  }
0x42: {  	s24 =	simm.s32 $0x11;
	s0 =	sshll.u32 s0, $0x6;
	s15 =	rddreg [dreg:$0x6]  }
0x43: {  	s0 =	sor.u32 $0x1C11, s0;
	s12 =	rddreg [dreg:$0x10];
	s5 =	sshrl.u32 s15, $0x3  }
0x44: {  	[hbm:s12], [sflag:s0] =	dma.local [spmem:s5], $0x2700  }
0x45: {  	_ =	swait.ge [sflag:s24], $0x2700  }
0x46: {  	[sflag:s24] =	ssyncset.done $0x0;
	s23 =	rddreg [dreg:$0x1d]  }
0x47: {  	s12 =	rddreg [dreg:$0x11];
	[sflag:s24] =	ssyncadd.s32 $0xFFFFD900;
	s5 =	sshrl.u32 @!p0 s23, $0x3  }
0x48: {  	[hbm:s12], [sflag:s0] =	dma.local @!p0 [spmem:s5], $0x100  }
0x49: {  	s0 =	simm.s32 @!p0 $0x11  }
0x4a: {  	_ =	swait.ge @!p0 [sflag:s0], $0x100  }
0x4b: {  	s14 =	rddreg [dreg:$0x5]  }
0x4c: {  	s28 =	rddreg [dreg:$0x12];
	s14 =	sadd.s32 $0x1, s14  }
0x4d: {  	p1 =	sne.s32 s14, s28  }
.Ltmp1:
0x4e: {  	_ = 	snop;
	(pc) =	sbr.rel @!p1 .LBB2_11-.Ltmp1, $3  }
0x4f: {  	_ =	sdelay $0x1  }
0x50: {  	[sflag:s0] =	ssyncset.done @!p0 $0x0  }
0x51: {  	[sflag:s0] =	ssyncadd.s32 @!p0 $0xFFFFFF00  }
.LBB2_1:
0x52: {  	[dreg:$0x5] =	wrdreg s14;
	s12 =	simm.s32 $0x0;
	s14 =	simm.s32 $0x200  }
.LBB2_2:
0x53: {  	p1 =	sne.s32 s14, $0x9E00;
	[tilespmem:s12+$0x14370] =	vst v1  }
0x54: {  	[tilespmem:s12+$0x14300] =	vst v1  }
0x55: {  	[tilespmem:s12+$0x14310] =	vst v1  }
.Ltmp2:
0x56: {  	[tilespmem:s12+$0x14320] =	vst v1;
	(pc) =	sbr.rel @p1 .LBB2_2-.Ltmp2, $4  }
0x57: {  	[tilespmem:s12+$0x14330] =	vst v1  }
0x58: {  	[tilespmem:s12+$0x14340] =	vst v1  }
0x59: {  	[tilespmem:s12+$0x14350] =	vst v1  }
0x5a: {  	[tilespmem:s12+$0x14360] =	vst v1;
	s12 =	sshra.s32 s14, $0x2;
	s14 =	sadd.s32 $0x200, s14  }
0x5b: {  	[tilespmem:s12+$0x14370] =	vst v1  }
0x5c: {  	[tilespmem:s12+$0x14300] =	vst v1  }
0x5d: {  	[tilespmem:s12+$0x14310] =	vst v1  }
0x5e: {  	[tilespmem:s12+$0x14320] =	vst v1  }
0x5f: {  	[tilespmem:s12+$0x14330] =	vst v1  }
0x60: {  	[tilespmem:s12+$0x14340] =	vst v1  }
0x61: {  	[tilespmem:s12+$0x14350] =	vst v1  }
0x62: {  	[tilespmem:s12+$0x14360] =	vst v1  }
0x63: {  	[spmem:s15] =	stream.linear.scatter [tilespmem:s7], [sflag:$0x11], $0x2800, $0x38;
	[tilespmem:$0x1E300] =	vst v63  }
0x64: {  	_ =	swait.ge [sflag:s24], $0x2800  }
0x65: {  	[sflag:s24] =	ssyncset.done $0x0  }
0x66: {  	s0 =	rddreg [dreg:$0x7];
	[sflag:s24] =	ssyncadd.s32 $0xFFFFD800  }
0x67: {  	[spmem:s0] =	stream.linear.scatter [tilespmem:s7], [sflag:$0x11], $0x2800, $0x38;
	[tilespmem:$0x1E300] =	vst v63  }
0x68: {  	_ =	swait.ge [sflag:s24], $0x2800  }
0x69: {  	[sflag:s24] =	ssyncset.done $0x0  }
0x6a: {  	s15 =	rddreg [dreg:$0x8];
	[sflag:s24] =	ssyncadd.s32 $0xFFFFD800  }
0x6b: {  	[spmem:s15] =	stream.linear.scatter [tilespmem:s7], [sflag:$0x11], $0x2800, $0x38;
	[tilespmem:$0x1E300] =	vst v63  }
0x6c: {  	_ =	swait.ge [sflag:s24], $0x2800  }
0x6d: {  	[sflag:s24] =	ssyncset.done $0x0  }
0x6e: {  	s5 =	rddreg [dreg:$0x18];
	[sflag:s24] =	ssyncadd.s32 $0xFFFFD800  }
0x6f: {  	[spmem:s5] =	stream.linear.scatter [tilespmem:s7], [sflag:$0x11], $0x2800, $0x38;
	[tilespmem:$0x1E300] =	vst v63  }
0x70: {  	_ =	swait.ge [sflag:s24], $0x2800  }
0x71: {  	[sflag:s24] =	ssyncset.done $0x0  }
0x72: {  	s12 =	rddreg [dreg:$0x19];
	[sflag:s24] =	ssyncadd.s32 $0xFFFFD800  }
0x73: {  	[spmem:s12] =	stream.linear.scatter [tilespmem:s7], [sflag:$0x11], $0x2800, $0x38;
	[tilespmem:$0x1E300] =	vst v63  }
0x74: {  	_ =	swait.ge [sflag:s24], $0x2800  }
0x75: {  	[sflag:s24] =	ssyncset.done $0x0  }
0x76: {  	s14 =	rddreg [dreg:$0x1a];
	[sflag:s24] =	ssyncadd.s32 $0xFFFFD800  }
0x77: {  	[spmem:s14] =	stream.linear.scatter [tilespmem:s7], [sflag:$0x11], $0x2800, $0x38;
	[tilespmem:$0x1E300] =	vst v63  }
0x78: {  	_ =	swait.ge [sflag:s24], $0x2800  }
0x79: {  	[sflag:s24] =	ssyncset.done $0x0  }
0x7a: {  	s15 =	rddreg [dreg:$0x1b];
	[sflag:s24] =	ssyncadd.s32 $0xFFFFD800  }
0x7b: {  	[spmem:s15] =	stream.linear.scatter [tilespmem:s7], [sflag:$0x11], $0x2800, $0x38;
	[tilespmem:$0x1E300] =	vst v63  }
0x7c: {  	_ =	swait.ge [sflag:s24], $0x2800  }
0x7d: {  	[sflag:s24] =	ssyncset.done $0x0  }
0x7e: {  	s5 =	rddreg [dreg:$0x1c];
	[sflag:s24] =	ssyncadd.s32 $0xFFFFD800  }
0x7f: {  	[spmem:s5] =	stream.linear.scatter [tilespmem:s7], [sflag:$0x11], $0x2000, $0x38;
	[tilespmem:$0x1E300] =	vst v63  }
0x80: {  	_ =	swait.ge [sflag:s24], $0x2000  }
0x81: {  	[sflag:s24] =	ssyncset.done $0x0  }
0x82: {  	s12 =	simm.s32 @!p0 $0x14300;
	[sflag:s24] =	ssyncadd.s32 $0xFFFFE000  }
0x83: {  	[spmem:s23] =	stream.linear.scatter @!p0 [tilespmem:s12], [sflag:$0x11], $0x800, $0x38;
	[tilespmem:$0x1E300] =	vst v63  }
0x84: {  	s12 =	simm.s32 @!p0 $0x11  }
0x85: {  	_ =	swait.ge @!p0 [sflag:s12], $0x800  }
0x86: {  	[sflag:s12] =	ssyncset.done @!p0 $0x0  }
0x87: {  	[sflag:s12] =	ssyncadd.s32 @!p0 $0xFFFFF800  }
0x88: {  	[bflag:$0x0] =	sbarrier.arrive $0xFFFF  }
0x89: {  	s14 =	simm.s32 $0x1;
	s5 =	simm.s32 $0x13900;
	s12 =	rddreg [dreg:$0x9]  }
0x8a: {  	[tilespmem:s5], [sflag:$0x1] =	stream.strided.gather [hbm4b:s12+s10], $0x100, s11, s10, $0x38;
	[tilespmem:$0x1E300] =	vst v63  }
0x8b: {  	_ =	swait.ge [sflag:s14], $0x100  }
0x8c: {  	[sflag:s14] =	ssyncset.done $0x0  }
0x8d: {  	[sflag:s14] =	ssyncadd.s32 $0xFFFFFF00  }
0x8e: {  	[tilespmem:s7], [sflag:$0x9] =	stream.indirect.gather [hbm4b:s1+s13], $0x80, s5, s13, $0xb8;
	[tilespmem:$0x1E300] =	vst v63  }
0x8f: {  	s24 =	simm.s32 $0x2;
	s23 =	simm.s32 $0x13A00;
	s15 =	rddreg [dreg:$0x1e]  }
0x90: {  	[tilespmem:s23], [sflag:$0x2] =	stream.strided.gather [hbm4b:s15+s10], $0x100, s11, s10, $0x38;
	[tilespmem:$0x1E300] =	vst v63  }
0x91: {  	_ =	swait.ge [sflag:s24], $0x100  }
0x92: {  	[sflag:s24] =	ssyncset.done $0x0  }
0x93: {  	[sflag:s24] =	ssyncadd.s32 $0xFFFFFF00  }
0x94: {  	[tilespmem:s17], [sflag:$0xA] =	stream.indirect.gather [hbm4b:s1+s13], $0x80, s23, s13, $0xb8;
	[tilespmem:$0x1E300] =	vst v63  }
0x95: {  	s12 =	simm.s32 $0x13B00;
	s14 =	simm.s32 $0x3;
	s5 =	rddreg [dreg:$0xa]  }
0x96: {  	[tilespmem:s12], [sflag:$0x3] =	stream.strided.gather [hbm4b:s5+s10], $0x100, s11, s10, $0x38;
	[tilespmem:$0x1E300] =	vst v63  }
0x97: {  	_ =	swait.ge [sflag:s14], $0x100  }
0x98: {  	[sflag:s14] =	ssyncset.done $0x0  }
0x99: {  	s15 =	rddreg [dreg:$0xb];
	[sflag:s14] =	ssyncadd.s32 $0xFFFFFF00  }
0x9a: {  	[tilespmem:s25], [sflag:$0xB] =	stream.indirect.gather [hbm4b:s1+s13], $0x80, s12, s13, $0xb8;
	[tilespmem:$0x1E300] =	vst v63  }
0x9b: {  	s24 =	simm.s32 $0x13C00;
	s12 =	rddreg [dreg:$0xc]  }
0x9c: {  	[tilespmem:s24], [sflag:$0x4] =	stream.strided.gather [hbm4b:s15+s10], $0x100, s11, s10, $0x38;
	[tilespmem:$0x1E300] =	vst v63  }
0x9d: {  	s14 =	simm.s32 $0x13D00;
	s15 =	rddreg [dreg:$0xd]  }
0x9e: {  	[tilespmem:s14], [sflag:$0x5] =	stream.strided.gather [hbm4b:s12+s10], $0x100, s11, s10, $0x38;
	[tilespmem:$0x1E300] =	vst v63  }
0x9f: {  	s24 =	simm.s32 $0x13E00;
	s12 =	rddreg [dreg:$0xe]  }
0xa0: {  	[tilespmem:s24], [sflag:$0x6] =	stream.strided.gather [hbm4b:s15+s10], $0x100, s11, s10, $0x38;
	[tilespmem:$0x1E300] =	vst v63  }
.Ltmp3:
0xa1: {  	s14 =	simm.s32 $0x13F00;
	s15 =	rddreg [dreg:$0xf];
	(pc) =	sbr.rel .LBB2_4-.Ltmp3, $4  }
0xa2: {  	[tilespmem:s14], [sflag:$0x7] =	stream.strided.gather [hbm4b:s12+s10], $0x100, s11, s10, $0x38;
	[tilespmem:$0x1E300] =	vst v63  }
0xa3: {  	s14 =	rddreg [dreg:$0x17]  }
0xa4: {  	s28 =	simm.s32 $0x0;
	s24 =	simm.s32 $0x14000;
	s12 =	rddreg [dreg:$0x16]  }
0xa5: {  	[tilespmem:s24], [sflag:$0x8] =	stream.strided.gather [hbm4b:s15+s10], $0x100, s11, s10, $0x38;
	[tilespmem:$0x1E300] =	vst v63  }
.LBB2_9:
0xa6: {  	s28 =	sadd.s32 $0x1, s28;
	s12 =	sadd.s32 $0x80, s12;
	s14 =	sadd.s32 $0x100, s14  }
.LBB2_4:
0xa7: {  	v2 =	vld [tilespmem:$0x13950]  }
0xa8: {  	v3 =	vld [tilespmem:$0x13960]  }
0xa9: {  	v4 =	vld [tilespmem:$0x13970]  }
0xaa: {  	v5 =	vld [tilespmem:$0x13980]  }
0xab: {  	v6 =	vld [tilespmem:$0x13990]  }
0xac: {  	v2 =	vsub.s32 v2, v0  }
0xad: {  	v3 =	vsub.s32 v3, v0;
	v2 =	vmin.u32 v2, $0x2710  }
0xae: {  	[tilespmem:$0x14100] =	vst v2;
	v2 =	vmin.u32 v3, $0x2710;
	v3 =	vsub.s32 v4, v0  }
0xaf: {  	[tilespmem:$0x14110] =	vst v2;
	v2 =	vmin.u32 v3, $0x2710;
	v3 =	vsub.s32 v5, v0  }
0xb0: {  	[tilespmem:$0x14120] =	vst v2;
	v2 =	vmin.u32 v3, $0x2710;
	v3 =	vsub.s32 v6, v0  }
0xb1: {  	[tilespmem:$0x14130] =	vst v2;
	v2 =	vmin.u32 v3, $0x2710  }
0xb2: {  	[tilespmem:$0x14140] =	vst v2  }
0xb3: {  	_ =	swait.ge [sflag:s29], $0x2800  }
0xb4: {  	p2 =	seq.s32 s28, $0x1F;
	[sflag:s29] =	ssyncset.done $0x0  }
0xb5: {  	s0 =	simm.s32 $0x14100;
	s15 =	simm.s32 @!p2 $0x4;
	[sflag:s29] =	ssyncadd.s32 $0xFFFFD800  }
0xb6: {  	[spmem:s3] =	stream.indirect.scatter.add.f32 [tilespmem:s7], [sflag:$0xD], $0x80, s0, s13, $0xb8;
	[tilespmem:$0x1E300] =	vst v63  }
0xb7: {  	p1 =	seq.s32 @!p2 s28, $0x0;
	_ =	swait.ge @!p2 [sflag:s15], $0x100  }
0xb8: {  	p1 =	por p1, p2;
	[sflag:s15] =	ssyncset.done @!p2 $0x0  }
0xb9: {  	[sflag:s15] =	ssyncadd.s32 @!p2 $0xFFFFFF00;
	s15 =	simm.s32 @!p1 $0x10  }
0xba: {  	_ =	swait.ge @!p1 [sflag:s15], $0x2800  }
0xbb: {  	s24 =	simm.s32 @!p2 $0x13C00;
	[sflag:s15] =	ssyncset.done @!p1 $0x0  }
0xbc: {  	s5 =	simm.s32 @!p2 $0x1BB00;
	[sflag:s15] =	ssyncadd.s32 @!p1 $0xFFFFD800;
	s15 =	simm.s32 @!p2 $0x50  }
0xbd: {  	[tilespmem:s5], [sflag:$0xC] =	stream.indirect.gather @!p2 [hbm4b:s1+s15], $0x80, s24, s15, $0xb8;
	[tilespmem:$0x1E300] =	vst v63  }
0xbe: {  	s5 =	sadd.s32 @!p2 $0xFFFFFF20, s14  }
0xbf: {  	s0 =	simm.s32 @!p2 $0x13900;
	s5 =	sand.u32 @!p2 $0x3FF00, s5  }
0xc0: {  	s15 =	simm.s32 @!p2 $0x80;
	s24 =	simm.s32 @!p2 $0x400;
	s5 =	sadd.s32 @!p2 s5, s16  }
0xc1: {  	[tilespmem:s0], [sflag:$0x1] =	stream.strided.gather @!p2 [hbm4b:s5+s15], $0x100, s24, s15, $0x38;
	[tilespmem:$0x1E300] =	vst v63  }
0xc2: {  	v2 =	vld [tilespmem:$0x13A50]  }
0xc3: {  	v3 =	vld [tilespmem:$0x13A60]  }
0xc4: {  	v61 =	vld [tilespmem:$0x13A70]  }
0xc5: {  	v62 =	vld [tilespmem:$0x13A80]  }
0xc6: {  	v63 =	vld [tilespmem:$0x13A90]  }
0xc7: {  	v2 =	vsub.s32 v2, v0  }
0xc8: {  	v3 =	vsub.s32 v3, v0;
	v2 =	vmin.u32 v2, $0x2710  }
0xc9: {  	[tilespmem:$0x14180] =	vst v2;
	v2 =	vmin.u32 v3, $0x2710;
	v3 =	vsub.s32 v61, v0  }
0xca: {  	[tilespmem:$0x14190] =	vst v2;
	v2 =	vmin.u32 v3, $0x2710;
	v3 =	vsub.s32 v62, v0  }
0xcb: {  	[tilespmem:$0x141A0] =	vst v2;
	v2 =	vmin.u32 v3, $0x2710;
	v3 =	vsub.s32 v63, v0  }
0xcc: {  	p1 =	sgt.u32 s28, $0x1E;
	[tilespmem:$0x141B0] =	vst v2;
	v2 =	vmin.u32 v3, $0x2710  }
.Ltmp4:
0xcd: {  	[tilespmem:$0x141C0] =	vst v2;
	(pc) =	sbr.rel @p1 .LBB2_6-.Ltmp4, $4  }
0xce: {  	_ =	swait.ge [sflag:s30], $0x2800  }
0xcf: {  	[sflag:s30] =	ssyncset.done $0x0  }
0xd0: {  	s24 =	simm.s32 $0x14180;
	[sflag:s30] =	ssyncadd.s32 $0xFFFFD800  }
0xd1: {  	[spmem:s3] =	stream.indirect.scatter.add.f32 [tilespmem:s17], [sflag:$0xE], $0x80, s24, s13, $0xb8;
	[tilespmem:$0x1E300] =	vst v63  }
0xd2: {  	_ =	swait.ge [sflag:s19], $0x100  }
0xd3: {  	[sflag:s19] =	ssyncset.done $0x0  }
.Ltmp5:
0xd4: {  	[sflag:s19] =	ssyncadd.s32 $0xFFFFFF00;
	(pc) =	sbr.rel .LBB2_7-.Ltmp5, $4  }
0xd5: {  	_ =	swait.ge [sflag:s6], $0x2800  }
0xd6: {  	[sflag:s6] =	ssyncset.done $0x0  }
0xd7: {  	s0 =	simm.s32 $0x13D00;
	[sflag:s6] =	ssyncadd.s32 $0xFFFFD800  }
0xd8: {  	[tilespmem:s7], [sflag:$0x9] =	stream.indirect.gather [hbm4b:s1+s13], $0x80, s0, s13, $0xb8;
	[tilespmem:$0x1E300] =	vst v63  }
.LBB2_6:
.Ltmp6:
0xd9: {  	(pc) =	sbr.rel @p2 .LBB2_10-.Ltmp6, $1  }
0xda: {  	_ =	sdelay $0x3  }
.LBB2_7:
0xdb: {  	s0 =	sadd.s32 $0xFFFFFF20, s14  }
0xdc: {  	s0 =	sand.u32 $0x3FF00, s0  }
0xdd: {  	s0 =	sadd.s32 s0, s4  }
0xde: {  	[tilespmem:s23], [sflag:$0x2] =	stream.strided.gather [hbm4b:s0+s10], $0x100, s11, s10, $0x38;
	[tilespmem:$0x1E300] =	vst v63  }
0xdf: {  	v2 =	vld [tilespmem:$0x13B50]  }
0xe0: {  	v3 =	vld [tilespmem:$0x13B60]  }
0xe1: {  	v4 =	vld [tilespmem:$0x13B70]  }
0xe2: {  	v5 =	vld [tilespmem:$0x13B80]  }
0xe3: {  	v6 =	vld [tilespmem:$0x13B90]  }
0xe4: {  	v2 =	vsub.s32 v2, v0  }
0xe5: {  	v3 =	vsub.s32 v3, v0;
	v2 =	vmin.u32 v2, $0x2710  }
0xe6: {  	[tilespmem:$0x14200] =	vst v2;
	v2 =	vmin.u32 v3, $0x2710;
	v3 =	vsub.s32 v4, v0  }
0xe7: {  	[tilespmem:$0x14210] =	vst v2;
	v2 =	vmin.u32 v3, $0x2710;
	v3 =	vsub.s32 v5, v0  }
0xe8: {  	[tilespmem:$0x14220] =	vst v2;
	v2 =	vmin.u32 v3, $0x2710;
	v3 =	vsub.s32 v6, v0  }
0xe9: {  	[tilespmem:$0x14230] =	vst v2;
	v2 =	vmin.u32 v3, $0x2710  }
0xea: {  	[tilespmem:$0x14240] =	vst v2  }
0xeb: {  	_ =	swait.ge [sflag:s31], $0x2800  }
0xec: {  	[sflag:s31] =	ssyncset.done $0x0  }
0xed: {  	s5 =	simm.s32 $0x14200;
	s0 =	simm.s32 @!p1 $0x6;
	[sflag:s31] =	ssyncadd.s32 $0xFFFFD800  }
0xee: {  	[spmem:s3] =	stream.indirect.scatter.add.f32 [tilespmem:s25], [sflag:$0xF], $0x80, s5, s13, $0xb8;
	[tilespmem:$0x1E300] =	vst v63  }
0xef: {  	_ =	swait.ge @!p1 [sflag:s0], $0x100  }
0xf0: {  	[sflag:s0] =	ssyncset.done @!p1 $0x0  }
0xf1: {  	[sflag:s0] =	ssyncadd.s32 @!p1 $0xFFFFFF00;
	s0 =	simm.s32 @!p1 $0xE  }
0xf2: {  	p2 =	seq.s32 @!p1 s28, $0x1E;
	_ =	swait.ge @!p1 [sflag:s0], $0x2800  }
0xf3: {  	s15 =	simm.s32 @!p1 $0x16B00;
	p3 =	por p1, !p2;
	[sflag:s0] =	ssyncset.done @!p1 $0x0  }
0xf4: {  	s5 =	simm.s32 @!p1 $0x13E00;
	[sflag:s0] =	ssyncadd.s32 @!p1 $0xFFFFD800;
	s0 =	simm.s32 @!p1 $0x50  }
0xf5: {  	[tilespmem:s15], [sflag:$0xA] =	stream.indirect.gather @!p1 [hbm4b:s1+s0], $0x80, s5, s0, $0xb8;
	[tilespmem:$0x1E300] =	vst v63  }
0xf6: {  	s0 =	sadd.s32 @p3 $0xFFFFFF60, s14  }
0xf7: {  	s5 =	rddreg @p3 [dreg:$0x13];
	s0 =	sand.u32 @p3 $0x3FF00, s0  }
0xf8: {  	s0 =	sadd.s32 @p3 s0, s5;
	s5 =	simm.s32 @p3 $0x13B00  }
0xf9: {  	[tilespmem:s5], [sflag:$0x3] =	stream.strided.gather @p3 [hbm4b:s0+s10], $0x100, s11, s10, $0x38;
	[tilespmem:$0x1E300] =	vst v63  }
0xfa: {  	v2 =	vld [tilespmem:$0x13C50]  }
0xfb: {  	v3 =	vld [tilespmem:$0x13C60]  }
0xfc: {  	v61 =	vld [tilespmem:$0x13C70]  }
0xfd: {  	v62 =	vld [tilespmem:$0x13C80]  }
0xfe: {  	v63 =	vld [tilespmem:$0x13C90]  }
0xff: {  	v2 =	vsub.s32 v2, v0  }
0x100: {  	v3 =	vsub.s32 v3, v0;
	v2 =	vmin.u32 v2, $0x2710  }
0x101: {  	[tilespmem:$0x14280] =	vst v2;
	v2 =	vmin.u32 v3, $0x2710;
	v3 =	vsub.s32 v61, v0  }
0x102: {  	[tilespmem:$0x14290] =	vst v2;
	v2 =	vmin.u32 v3, $0x2710;
	v3 =	vsub.s32 v62, v0  }
0x103: {  	[tilespmem:$0x142A0] =	vst v2;
	v2 =	vmin.u32 v3, $0x2710;
	v3 =	vsub.s32 v63, v0  }
0x104: {  	[tilespmem:$0x142B0] =	vst v2;
	v2 =	vmin.u32 v3, $0x2710  }
0x105: {  	[tilespmem:$0x142C0] =	vst v2  }
0x106: {  	_ =	swait.ge [sflag:s8], $0x2800  }
0x107: {  	[sflag:s8] =	ssyncset.done $0x0  }
0x108: {  	s15 =	simm.s32 $0x14280;
	[sflag:s8] =	ssyncadd.s32 $0xFFFFD800  }
0x109: {  	[spmem:s3] =	stream.indirect.scatter.add.f32 [tilespmem:s9], [sflag:$0x10], $0x80, s15, s13, $0xb8;
	[tilespmem:$0x1E300] =	vst v63  }
0x10a: {  	p2 =	por @!p1 $0x1, $0x1;
	_ =	swait.ge [sflag:s26], $0x100  }
0x10b: {  	p2 =	por @p3 $0x0, $0x0;
	[sflag:s26] =	ssyncset.done $0x0  }
0x10c: {  	s0 =	sadd.s32 @!p2 $0xFFFFFFC0, s12;
	s5 =	sadd.s32 @!p2 $0xFFFFFF80, s14;
	[sflag:s26] =	ssyncadd.s32 $0xFFFFFF00  }
0x10d: {  	s0 =	sand.u32 @!p2 $0x70, s0;
	s5 =	sand.u32 @!p2 $0x3FF00, s5;
	_ =	swait.ge [sflag:s18], $0x2800  }
.Ltmp7:
0x10e: {  	s0 =	sadd.s32 @!p2 s2, s0;
	[sflag:s18] =	ssyncset.done $0x0;
	(pc) =	sbr.rel @p1 .LBB2_9-.Ltmp7, $4  }
0x10f: {  	s24 =	simm.s32 $0x13F00;
	s0 =	sadd.s32 @!p2 s5, s0;
	[sflag:s18] =	ssyncadd.s32 $0xFFFFD800  }
0x110: {  	[tilespmem:s25], [sflag:$0xB] =	stream.indirect.gather [hbm4b:s1+s13], $0x80, s24, s13, $0xb8;
	[tilespmem:$0x1E300] =	vst v63  }
0x111: {  	s5 =	simm.s32 @!p2 $0x80;
	s15 =	simm.s32 @!p2 $0x400;
	s24 =	simm.s32 @!p2 $0x13C00  }
0x112: {  	[tilespmem:s24], [sflag:$0x4] =	stream.strided.gather @!p2 [hbm4b:s0+s5], $0x100, s15, s5, $0x38;
	[tilespmem:$0x1E300] =	vst v63  }
0x113: {  	v2 =	vld [tilespmem:$0x13D50]  }
0x114: {  	v3 =	vld [tilespmem:$0x13D60]  }
0x115: {  	v4 =	vld [tilespmem:$0x13D70]  }
0x116: {  	v5 =	vld [tilespmem:$0x13D80]  }
0x117: {  	v6 =	vld [tilespmem:$0x13D90]  }
0x118: {  	v2 =	vsub.s32 v2, v0  }
0x119: {  	v3 =	vsub.s32 v3, v0;
	v2 =	vmin.u32 v2, $0x2710  }
0x11a: {  	[tilespmem:$0x14100] =	vst v2;
	v2 =	vmin.u32 v3, $0x2710;
	v3 =	vsub.s32 v4, v0  }
0x11b: {  	[tilespmem:$0x14110] =	vst v2;
	v2 =	vmin.u32 v3, $0x2710;
	v3 =	vsub.s32 v5, v0  }
0x11c: {  	[tilespmem:$0x14120] =	vst v2;
	v2 =	vmin.u32 v3, $0x2710;
	v3 =	vsub.s32 v6, v0  }
0x11d: {  	[tilespmem:$0x14130] =	vst v2;
	v2 =	vmin.u32 v3, $0x2710  }
0x11e: {  	[tilespmem:$0x14140] =	vst v2  }
0x11f: {  	_ =	swait.ge [sflag:s29], $0x2800  }
0x120: {  	[sflag:s29] =	ssyncset.done $0x0  }
0x121: {  	s0 =	simm.s32 $0x14100;
	[sflag:s29] =	ssyncadd.s32 $0xFFFFD800  }
0x122: {  	[spmem:s3] =	stream.indirect.scatter.add.f32 [tilespmem:s7], [sflag:$0xD], $0x80, s0, s13, $0xb8;
	[tilespmem:$0x1E300] =	vst v63  }
0x123: {  	_ =	swait.ge [sflag:s20], $0x100  }
0x124: {  	[sflag:s20] =	ssyncset.done $0x0  }
0x125: {  	[sflag:s20] =	ssyncadd.s32 $0xFFFFFF00  }
0x126: {  	s24 =	simm.s32 $0x14000;
	p1 =	seq.s32 s28, $0x1E;
	_ =	swait.ge [sflag:s21], $0x2800  }
0x127: {  	s15 =	simm.s32 @!p1 $0x80;
	s0 =	sadd.s32 @!p1 $0xFFFFFFA0, s14;
	[sflag:s21] =	ssyncset.done $0x0  }
0x128: {  	s0 =	sand.u32 @!p1 $0x3FF00, s0;
	s5 =	rddreg [dreg:$0x14];
	[sflag:s21] =	ssyncadd.s32 $0xFFFFD800  }
0x129: {  	[tilespmem:s9], [sflag:$0xC] =	stream.indirect.gather [hbm4b:s1+s13], $0x80, s24, s13, $0xb8;
	[tilespmem:$0x1E300] =	vst v63  }
0x12a: {  	s0 =	sadd.s32 @!p1 s0, s5;
	s5 =	simm.s32 @!p1 $0x13D00;
	s24 =	simm.s32 @!p1 $0x400  }
0x12b: {  	[tilespmem:s5], [sflag:$0x5] =	stream.strided.gather @!p1 [hbm4b:s0+s15], $0x100, s24, s15, $0x38;
	[tilespmem:$0x1E300] =	vst v63  }
0x12c: {  	v2 =	vld [tilespmem:$0x13E50]  }
0x12d: {  	v3 =	vld [tilespmem:$0x13E60]  }
0x12e: {  	v55 =	vld [tilespmem:$0x13E70]  }
0x12f: {  	v56 =	vld [tilespmem:$0x13E80]  }
0x130: {  	v57 =	vld [tilespmem:$0x13E90]  }
0x131: {  	v2 =	vsub.s32 v2, v0  }
0x132: {  	v3 =	vsub.s32 v3, v0;
	v2 =	vmin.u32 v2, $0x2710  }
0x133: {  	[tilespmem:$0x14180] =	vst v2;
	v2 =	vmin.u32 v3, $0x2710;
	v3 =	vsub.s32 v55, v0  }
0x134: {  	[tilespmem:$0x14190] =	vst v2;
	v2 =	vmin.u32 v3, $0x2710;
	v3 =	vsub.s32 v56, v0  }
0x135: {  	[tilespmem:$0x141A0] =	vst v2;
	v2 =	vmin.u32 v3, $0x2710;
	v3 =	vsub.s32 v57, v0  }
0x136: {  	[tilespmem:$0x141B0] =	vst v2;
	v2 =	vmin.u32 v3, $0x2710  }
0x137: {  	[tilespmem:$0x141C0] =	vst v2  }
0x138: {  	_ =	swait.ge [sflag:s30], $0x2800  }
0x139: {  	[sflag:s30] =	ssyncset.done $0x0  }
0x13a: {  	s5 =	simm.s32 $0x14180;
	[sflag:s30] =	ssyncadd.s32 $0xFFFFD800  }
0x13b: {  	[spmem:s3] =	stream.indirect.scatter.add.f32 [tilespmem:s17], [sflag:$0xE], $0x80, s5, s13, $0xb8;
	[tilespmem:$0x1E300] =	vst v63  }
0x13c: {  	s5 =	simm.s32 $0x1  }
0x13d: {  	_ =	swait.ge [sflag:s5], $0x100  }
0x13e: {  	[sflag:s5] =	ssyncset.done $0x0  }
0x13f: {  	[sflag:s5] =	ssyncadd.s32 $0xFFFFFF00  }
0x140: {  	_ =	swait.ge [sflag:s6], $0x2800  }
0x141: {  	[sflag:s6] =	ssyncset.done $0x0  }
0x142: {  	s0 =	sadd.s32 @!p1 $0xFFFFFFE0, s12;
	s5 =	simm.s32 $0x13900;
	[sflag:s6] =	ssyncadd.s32 $0xFFFFD800  }
0x143: {  	[tilespmem:s7], [sflag:$0x9] =	stream.indirect.gather [hbm4b:s1+s13], $0x80, s5, s13, $0xb8;
	[tilespmem:$0x1E300] =	vst v63  }
0x144: {  	s0 =	sand.u32 @!p1 $0x70, s0;
	s5 =	sadd.s32 @!p1 $0xFFFFFFC0, s14  }
0x145: {  	s0 =	sadd.s32 @!p1 s2, s0;
	s5 =	sand.u32 @!p1 $0x3FF00, s5  }
0x146: {  	s0 =	sadd.s32 @!p1 s5, s0;
	s5 =	simm.s32 @!p1 $0x13E00  }
0x147: {  	[tilespmem:s5], [sflag:$0x6] =	stream.strided.gather @!p1 [hbm4b:s0+s15], $0x100, s24, s15, $0x38;
	[tilespmem:$0x1E300] =	vst v63  }
0x148: {  	v2 =	vld [tilespmem:$0x13F50]  }
0x149: {  	v3 =	vld [tilespmem:$0x13F60]  }
0x14a: {  	v58 =	vld [tilespmem:$0x13F70]  }
0x14b: {  	v59 =	vld [tilespmem:$0x13F80]  }
0x14c: {  	v60 =	vld [tilespmem:$0x13F90]  }
0x14d: {  	v2 =	vsub.s32 v2, v0  }
0x14e: {  	v3 =	vsub.s32 v3, v0;
	v2 =	vmin.u32 v2, $0x2710  }
0x14f: {  	[tilespmem:$0x14200] =	vst v2;
	v2 =	vmin.u32 v3, $0x2710;
	v3 =	vsub.s32 v58, v0  }
0x150: {  	[tilespmem:$0x14210] =	vst v2;
	v2 =	vmin.u32 v3, $0x2710;
	v3 =	vsub.s32 v59, v0  }
0x151: {  	[tilespmem:$0x14220] =	vst v2;
	v2 =	vmin.u32 v3, $0x2710;
	v3 =	vsub.s32 v60, v0  }
0x152: {  	[tilespmem:$0x14230] =	vst v2;
	v2 =	vmin.u32 v3, $0x2710  }
0x153: {  	[tilespmem:$0x14240] =	vst v2  }
0x154: {  	_ =	swait.ge [sflag:s31], $0x2800  }
0x155: {  	[sflag:s31] =	ssyncset.done $0x0  }
0x156: {  	s5 =	simm.s32 $0x14200;
	[sflag:s31] =	ssyncadd.s32 $0xFFFFD800  }
0x157: {  	[spmem:s3] =	stream.indirect.scatter.add.f32 [tilespmem:s25], [sflag:$0xF], $0x80, s5, s13, $0xb8;
	[tilespmem:$0x1E300] =	vst v63  }
0x158: {  	s5 =	simm.s32 $0x2  }
0x159: {  	_ =	swait.ge [sflag:s5], $0x100  }
0x15a: {  	[sflag:s5] =	ssyncset.done $0x0  }
0x15b: {  	[sflag:s5] =	ssyncadd.s32 $0xFFFFFF00  }
0x15c: {  	_ =	swait.ge [sflag:s22], $0x2800  }
0x15d: {  	s0 =	sadd.s32 @!p1 $0xFFFFFFE0, s14;
	[sflag:s22] =	ssyncset.done $0x0  }
0x15e: {  	s0 =	sand.u32 @!p1 $0x3FF00, s0;
	s5 =	rddreg [dreg:$0x15];
	[sflag:s22] =	ssyncadd.s32 $0xFFFFD800  }
0x15f: {  	[tilespmem:s17], [sflag:$0xA] =	stream.indirect.gather [hbm4b:s1+s13], $0x80, s23, s13, $0xb8;
	[tilespmem:$0x1E300] =	vst v63  }
0x160: {  	s0 =	sadd.s32 @!p1 s0, s5;
	s5 =	simm.s32 @!p1 $0x13F00  }
0x161: {  	[tilespmem:s5], [sflag:$0x7] =	stream.strided.gather @!p1 [hbm4b:s0+s15], $0x100, s24, s15, $0x38;
	[tilespmem:$0x1E300] =	vst v63  }
0x162: {  	v2 =	vld [tilespmem:$0x14050]  }
0x163: {  	v3 =	vld [tilespmem:$0x14060]  }
0x164: {  	v61 =	vld [tilespmem:$0x14070]  }
0x165: {  	v62 =	vld [tilespmem:$0x14080]  }
0x166: {  	v63 =	vld [tilespmem:$0x14090]  }
0x167: {  	v2 =	vsub.s32 v2, v0  }
0x168: {  	v3 =	vsub.s32 v3, v0;
	v2 =	vmin.u32 v2, $0x2710  }
0x169: {  	[tilespmem:$0x14280] =	vst v2;
	v2 =	vmin.u32 v3, $0x2710;
	v3 =	vsub.s32 v61, v0  }
0x16a: {  	[tilespmem:$0x14290] =	vst v2;
	v2 =	vmin.u32 v3, $0x2710;
	v3 =	vsub.s32 v62, v0  }
0x16b: {  	[tilespmem:$0x142A0] =	vst v2;
	v2 =	vmin.u32 v3, $0x2710;
	v3 =	vsub.s32 v63, v0  }
0x16c: {  	[tilespmem:$0x142B0] =	vst v2;
	v2 =	vmin.u32 v3, $0x2710  }
0x16d: {  	[tilespmem:$0x142C0] =	vst v2  }
0x16e: {  	_ =	swait.ge [sflag:s8], $0x2800  }
0x16f: {  	[sflag:s8] =	ssyncset.done $0x0  }
0x170: {  	s23 =	simm.s32 $0x14280;
	s0 =	simm.s32 @!p1 $0x3;
	[sflag:s8] =	ssyncadd.s32 $0xFFFFD800  }
0x171: {  	[spmem:s3] =	stream.indirect.scatter.add.f32 [tilespmem:s9], [sflag:$0x10], $0x80, s23, s13, $0xb8;
	[tilespmem:$0x1E300] =	vst v63  }
0x172: {  	_ =	swait.ge @!p1 [sflag:s0], $0x100  }
0x173: {  	[sflag:s0] =	ssyncset.done @!p1 $0x0  }
0x174: {  	[sflag:s0] =	ssyncadd.s32 @!p1 $0xFFFFFF00;
	s0 =	simm.s32 @!p1 $0xF  }
0x175: {  	_ =	swait.ge @!p1 [sflag:s0], $0x2800  }
0x176: {  	s5 =	simm.s32 @!p1 $0x13B00;
	[sflag:s0] =	ssyncset.done @!p1 $0x0  }
0x177: {  	s23 =	simm.s32 @!p1 $0x19300;
	[sflag:s0] =	ssyncadd.s32 @!p1 $0xFFFFD800;
	s0 =	simm.s32 @!p1 $0x50  }
0x178: {  	[tilespmem:s23], [sflag:$0xB] =	stream.indirect.gather @!p1 [hbm4b:s1+s0], $0x80, s5, s0, $0xb8;
	[tilespmem:$0x1E300] =	vst v63  }
.Ltmp8:
0x179: {  	_ = 	snop;
	(pc) =	sbr.rel .LBB2_9-.Ltmp8, $4  }
0x17a: {  	s0 =	sand.u32 @!p1 $0x70, s12  }
0x17b: {  	s5 =	sand.u32 @!p1 $0x3FF00, s14;
	s0 =	sadd.s32 @!p1 s2, s0  }
0x17c: {  	s23 =	simm.s32 $0x13A00;
	s0 =	sadd.s32 @!p1 s5, s0;
	s5 =	simm.s32 @!p1 $0x14000  }
0x17d: {  	[tilespmem:s5], [sflag:$0x8] =	stream.strided.gather @!p1 [hbm4b:s0+s15], $0x100, s24, s15, $0x38;
	[tilespmem:$0x1E300] =	vst v63  }
.LBB2_11:
0x17e: {  	_ =	sfence.sel $0x180000  }
0x17f: {  	[bflag:$0x0] =	sbarrier.arrive $0xFFFF  }
0x180: {  	_ =	strace $0x90000047  }
0x181: {  	[bflag:$0x2] =	sbarrier.arrive $0xFFFF  }
0x182: {  	s0 =	rddreg [dreg:$0x4]  }
0x183: {  	s0 =	sadd.s32 @!p0 $0x100000, s0  }
0x184: {  	[sflag:s0] =	ssyncadd.tile.s32 @!p0 $0x1;
	_ =	shalt  }
.Lfunc_end2:
_tile_overlayer_lowered:
.L_overlay_start_2:
0x185: {  	(tag) =	ssettag $0x2  }
0x186: {  	s0 =	rddreg [dreg:$0x0];
	s2 =	stileid.u32  }
0x187: {  	s1 =	rddreg [dreg:$0x1];
	p0 =	sne.s32 s2, $0x0  }
0x188: {  	s3 =	rddreg [dreg:$0x2];
	[bflag:$0x3] =	sbarrier.arrive $0xFFFF;
	s2 =	simm.s32 @!p0 $0x1C11  }
0x189: {  	[timem:s3], [sflag:s2] =	dma.local @!p0 [hbm:s0], s1  }
0x18a: {  	s0 =	simm.s32 @!p0 $0x11  }
0x18b: {  	_ =	swait.ge @!p0 [sflag:s0], s1  }
0x18c: {  	s1 =	ssub.s32 @!p0 $0x0, s1;
	[sflag:s0] =	ssyncset.done @!p0 $0x0  }
0x18d: {  	[sflag:s0] =	ssyncadd.s32 @!p0 s1  }
0x18e: {  	[bflag:$0x3] =	sbarrier.arrive $0xFFFF  }
0x18f: {  	_ =	shalt  }

// kernel: kernel.8.cloned.1.call-start
scs
__scs_entry_jumppad:
0x0: {  	(pc) =	sbr.rel $0x88, $3  }
0x1: {  	(tag) =	ssettag $0x0;
	lr =	simm.s32 $0x1  }
0x2: {  	[smem:$0x3F9D] =	sst lr;
	_ =	strace $0xD0000000  }
0x3: {  	_ = 	snop  }
0x4: {  	_ = 	snop  }
0x5: {  	_ = 	snop  }
0x6: {  	_ = 	snop  }
0x7: {  	_ = 	snop  }
__scs_overlays_trampoline_lowered:
0x8: {  	[smem:$0x3FAC] =	sst s0  }
0x9: {  	[smem:$0x3FAD] =	sst s1  }
0xa: {  	[smem:$0x3FAE] =	sst s2  }
0xb: {  	[smem:$0x3FAF] =	sst s3  }
0xc: {  	[smem:$0x3FB0] =	sst s4  }
0xd: {  	[smem:$0x3FB1] =	sst s5  }
0xe: {  	[smem:$0x3FB2] =	sst s6  }
0xf: {  	[smem:$0x3FB3] =	sst s7  }
0x10: {  	[smem:$0x3FB4] =	sst s8  }
0x11: {  	[smem:$0x3FB5] =	sst s9;
	s0 =	simm.s32 @!p0 $0x0  }
0x12: {  	s1 =	sld [smem:$0x3F9B];
	s0 =	simm.s32 @p0 $0x1  }
0x13: {  	[smem:$0x3FB6] =	sst s0;
	s0 =	simm.s32 @!p1 $0x0  }
0x14: {  	s2 =	sld [smem:$0x3F9A];
	s0 =	simm.s32 @p1 $0x1  }
0x15: {  	[smem:$0x3FB7] =	sst s0;
	s0 =	simm.s32 @!p2 $0x0  }
0x16: {  	s3 =	sld [smem:$0x3FDB];
	s0 =	simm.s32 @p2 $0x1  }
0x17: {  	s4 =	simm.s32 $0x1BF5;
	[smem:$0x3FB9] =	sst s0  }
0x18: {  	s0 =	sld [smem:$0x3F9C];
	_ =	swait.ge [sflag:s4], $0x0  }
0x19: {  	s7 =	sld [smem:$0x3F9D]  }
0x1a: {  	s8 =	sadd.s32 $0xFFFFE003, lr  }
0x1b: {  	s9 =	sadd.s32 $0xFFFFFEF7, lr;
	s5 =	simm.s32 $0xFFFFFFFF;
	p2 =	slt.u32 s8, $0xFFFFF086  }
0x1c: {  	p1 =	slt.u32 s9, $0xF7A;
	s5 =	simm.s32 @!p2 $0x0  }
0x1d: {  	s5 =	simm.s32 @p1 $0x1;
	p0 =	seq.s32 s7, s2  }
0x1e: {  	s7 =	smul.u32 @!p0 $0xF7A, s2;
	p2 =	seq.s32 @!p0 s5, $0x0  }
0x1f: {  	s9 =	smul.u32 $0xF7A, s1;
	s8 =	simm.s32 @!p0 $0x1BF5;
	p2 =	por !p2, p0  }
0x20: {  	[sflag:s8] =	ssyncset.s32 @!p0 $0xFFFFF086;
	s6 =	sadd.s32 @!p0 s3, s7;
	s7 =	simm.s32 @!p0 $0x108  }
0x21: {  	s3 =	sadd.s32 s3, s9;
	s6 =	sadd.s32 @!p0 $0x88, s6;
	s7 =	simm.s32 @p2 $0x1082  }
0x22: {  	[simem:s7], [sflag:s8] =	dma.local @!p0 [hbm:s6], $0xF7A  }
0x23: {  	s9 =	sor.u32 $0xD0000000, s2;
	s6 =	simm.s32 $0x108;
	_ =	swait.ge @!p0 [sflag:s8], $0x0  }
0x24: {  	s3 =	sadd.s32 $0x88, s3;
	s6 =	simm.s32 @!p1 $0x1082;
	[sflag:s4] =	ssyncset.s32 $0xFFFFF086  }
0x25: {  	[simem:s6], [sflag:s4] =	dma.local [hbm:s3], $0xF7A  }
0x26: {  	[smem:$0x3F9D] =	sst s1;
	(tag) =	ssettag s2;
	_ =	strace s9  }
0x27: {  	s1 =	sld [smem:$0x3FAD]  }
0x28: {  	s2 =	sld [smem:$0x3FAE]  }
0x29: {  	s4 =	sld [smem:$0x3FB0]  }
0x2a: {  	p0 =	seq.s32 s5, $0x0;
	s5 =	sld [smem:$0x3FB1]  }
0x2b: {  	s6 =	sld [smem:$0x3FB2]  }
0x2c: {  	s7 =	sld [smem:$0x3FB3]  }
0x2d: {  	s3 =	simm.s32 $0x108;
	s8 =	sld [smem:$0x3FB4]  }
0x2e: {  	s3 =	simm.s32 @!p0 $0x1082;
	s9 =	sld [smem:$0x3FB5]  }
0x2f: {  	lr =	sadd.s32 s0, s3;
	s0 =	sld [smem:$0x3FAC]  }
0x30: {  	s3 =	sld [smem:$0x3FAF]  }
0x31: {  	[smem:$0x3FB8] =	sst s10  }
0x32: {  	s10 =	sld [smem:$0x3FB6];
	_ =	sdelay $0x3  }
0x33: {  	p0 =	seq.s32 s10, $0x1;
	s10 =	sld [smem:$0x3FB8];
	_ =	sdelay $0x3  }
0x34: {  	[smem:$0x3FB8] =	sst s10  }
0x35: {  	s10 =	sld [smem:$0x3FB7];
	_ =	sdelay $0x3  }
0x36: {  	p1 =	seq.s32 s10, $0x1;
	s10 =	sld [smem:$0x3FB8];
	_ =	sdelay $0x3  }
0x37: {  	[smem:$0x3FB8] =	sst s10  }
0x38: {  	s10 =	sld [smem:$0x3FB9]  }
0x39: {  	_ = 	snop;
	(pc) =	sbr.ind lr, $3  }
0x3a: {  	_ = 	snop  }
0x3b: {  	_ = 	snop  }
0x3c: {  	p2 =	seq.s32 s10, $0x1;
	s10 =	sld [smem:$0x3FB8]  }
0x3d: {  	_ =	shalt  }
0x3e: {  	_ =	shalt  }
0x3f: {  	_ =	shalt  }
0x40: {  	_ =	shalt  }
0x41: {  	_ =	shalt  }
0x42: {  	_ =	shalt  }
0x43: {  	_ =	shalt  }
0x44: {  	_ =	shalt  }
0x45: {  	_ =	shalt  }
0x46: {  	_ =	shalt  }
0x47: {  	_ =	shalt  }
0x48: {  	_ =	shalt  }
0x49: {  	_ =	shalt  }
0x4a: {  	_ =	shalt  }
0x4b: {  	_ =	shalt  }
0x4c: {  	_ =	shalt  }
0x4d: {  	_ =	shalt  }
0x4e: {  	_ =	shalt  }
0x4f: {  	_ =	shalt  }
0x50: {  	_ =	shalt  }
0x51: {  	_ =	shalt  }
0x52: {  	_ =	shalt  }
0x53: {  	_ =	shalt  }
0x54: {  	_ =	shalt  }
0x55: {  	_ =	shalt  }
0x56: {  	_ =	shalt  }
0x57: {  	_ =	shalt  }
0x58: {  	_ =	shalt  }
0x59: {  	_ =	shalt  }
0x5a: {  	_ =	shalt  }
0x5b: {  	_ =	shalt  }
0x5c: {  	_ =	shalt  }
0x5d: {  	_ =	shalt  }
0x5e: {  	_ =	shalt  }
0x5f: {  	_ =	shalt  }
0x60: {  	_ =	shalt  }
0x61: {  	_ =	shalt  }
0x62: {  	_ =	shalt  }
0x63: {  	_ =	shalt  }
0x64: {  	_ =	shalt  }
0x65: {  	_ =	shalt  }
0x66: {  	_ =	shalt  }
0x67: {  	_ =	shalt  }
0x68: {  	_ =	shalt  }
0x69: {  	_ =	shalt  }
0x6a: {  	_ =	shalt  }
0x6b: {  	_ =	shalt  }
0x6c: {  	_ =	shalt  }
0x6d: {  	_ =	shalt  }
0x6e: {  	_ =	shalt  }
0x6f: {  	_ =	shalt  }
0x70: {  	_ =	shalt  }
0x71: {  	_ =	shalt  }
0x72: {  	_ =	shalt  }
0x73: {  	_ =	shalt  }
0x74: {  	_ =	shalt  }
0x75: {  	_ =	shalt  }
0x76: {  	_ =	shalt  }
0x77: {  	_ =	shalt  }
0x78: {  	_ =	shalt  }
0x79: {  	_ =	shalt  }
0x7a: {  	_ =	shalt  }
0x7b: {  	_ =	shalt  }
0x7c: {  	_ =	shalt  }
0x7d: {  	_ =	shalt  }
0x7e: {  	_ =	shalt  }
0x7f: {  	_ =	shalt  }
0x80: {  	_ =	shalt  }
0x81: {  	_ =	shalt  }
0x82: {  	_ =	shalt  }
0x83: {  	_ =	shalt  }
0x84: {  	_ =	shalt  }
0x85: {  	_ =	shalt  }
0x86: {  	_ =	shalt  }
0x87: {  	_ =	shalt  }
.Lfunc_end0:
.L_simem_size_0:
called_computation.1_lowered:
.L_overlay_start_0:
0x88: {  	s2 =	sld [smem:$0x3FD9]  }
0x89: {  	s3 =	sld [smem:$0x3FFE];
	_ =	sdelay $0x1  }
0x8a: {  	s1 =	srdreg.scid  }
0x8b: {  	s0 =	sand.u32 $0x1, s1  }
0x8c: {  	s14 =	sshll.u32 s0, $0xA;
	s2 =	sadd.s32 s3, s2  }
0x8d: {  	s2 =	sadd.s32 s2, s14  }
0x8e: {  	[smem:$0x3FC4] =	sst s2  }
0x8f: {  	_ = 	snop  }
0x90: {  	s2 =	sld [smem:$0x3FD0];
	_ =	sdelay $0x2  }
0x91: {  	s15 =	simm.s32 $0xA;
	s4 =	simm.s32 $0x10  }
0x92: {  	[smem:s4], [sflag:s15] =	dma.local [hbm:s2], $0x1  }
0x93: {  	_ =	swait.eq [sflag:s15], $0x1  }
0x94: {  	[sflag:s15] =	ssyncset.done $0x0  }
0x95: {  	s16 =	sld [smem:$0x10];
	[sflag:s15] =	ssyncadd.s32 $0xFFFFFFFF  }
0x96: {  	s17 =	sld [smem:$0x11];
	(tm) =	ssettm $0x1  }
0x97: {  	s18 =	sld [smem:$0x3FFB];
	_ =	sdelay $0x3  }
0x98: {  	_ =	strace s18  }
0x99: {  	s4 =	sld [smem:$0x3FFC];
	_ =	sdelay $0x3  }
0x9a: {  	_ =	strace s4  }
0x9b: {  	s4 =	sld [smem:$0x3FFD];
	_ =	sdelay $0x3  }
0x9c: {  	_ =	strace s4  }
0x9d: {  	_ =	strace $0x8FFFFFFF  }
0x9e: {  	s19 =	sld [smem:$0x3FDB];
	_ =	sdelay $0x1  }
0x9f: {  	s5 =	simm.s32 $_scs_section_size  }
0xa0: {  	s6 =	simm.s32 $_size__tile_overlayer_lowered;
	s7 =	simm.s32 $_tile_overlayer_lowered  }
0xa1: {  	s22 =	simm.s32 $0x1BFF;
	s21 =	sshll.u32 s7, $0x1;
	s4 =	sadd.s32 s5, s19  }
0xa2: {  	s8 =	simm.s32 $0x0;
	s20 =	sshll.u32 s6, $0x1;
	s6 =	sadd.s32 s21, s4  }
0xa3: {  	[timem:s8], [sflag:s22] =	dma.local [hbm:s6], s20  }
0xa4: {  	_ =	swait.ge [sflag:s22], s20  }
0xa5: {  	s5 =	ssub.s32 $0x0, s20;
	[sflag:s22] =	ssyncset.done $0x0  }
0xa6: {  	[sflag:s22] =	ssyncadd.s32 s5;
	_ =	sdelay $0x1  }
0xa7: {  	s23 =	simm.s32 $0x1B8B  }
0xa8: {  	_ =	swait.ge [sflag:s23], $0x1  }
0xa9: {  	[sflag:s23] =	ssyncset.done $0x0  }
0xaa: {  	s25 =	simm.s32 $0x1B8E;
	s24 =	sld [smem:$0x3FFE];
	[sflag:s23] =	ssyncadd.s32 $0xFFFFFFFF  }
0xab: {  	s26 =	simm.s32 $execute0_lowered;
	[smem:$0x3FD2] =	sst s25  }
0xac: {  	s6 =	sshll.u32 s26, $0x1;
	_ =	strace $0x80000049;
	[dreg:$0x1] =	wrdreg $0xFFFFFFFF  }
0xad: {  	s28 =	simm.s32 $_size_execute0_lowered;
	s4 =	sadd.s32 s4, s6;
	[dreg:$0x0] =	wrdreg $0x0  }
0xae: {  	s6 =	sshll.u32 s28, $0x1;
	[dreg:$0x2] =	wrdreg s4  }
0xaf: {  	[dreg:$0x3] =	wrdreg s6  }
0xb0: {  	[dreg:$0x4] =	wrdreg $0xC0  }
0xb1: {  	_ =	task [dreg:s8], $0x5FFFF  }
0xb2: {  	[dreg:$0x1] =	wrdreg $0xFFFFFFFF  }
0xb3: {  	[dreg:$0x0] =	wrdreg $0x60  }
0xb4: {  	[dreg:$0x2] =	wrdreg s17  }
0xb5: {  	[dreg:$0x3] =	wrdreg s16  }
0xb6: {  	[dreg:$0x4] =	wrdreg s24  }
0xb7: {  	[dreg:$0x5] =	wrdreg $0x0  }
0xb8: {  	[dreg:$0x6] =	wrdreg $0x9  }
0xb9: {  	_ =	task.clear_ibuf [dreg:s8], $0x7FFFF;
	_ =	strace $0x90000049  }
0xba: {  	s29 =	simm.s32 $0x9;
	_ =	strace $0x8000004B  }
0xbb: {  	_ =	swait.ge [sflag:s29], $0x1  }
0xbc: {  	[sflag:s29] =	ssyncadd.s32 $0xFFFFFFFF  }
0xbd: {  	_ =	strace $0x9000004B  }
0xbe: {  	_ =	sfence  }
0xbf: {  	s30 =	sld [smem:$0x0];
	_ =	sdelay $0x2  }
0xc0: {  	s31 =	sshll.u32 s1, $0xD;
	s1 =	sshrl.u32 s1, $0x2  }
0xc1: {  	s3 =	sand.u32 $0x4000, s31;
	s1 =	sadd.s32 s1, s30  }
0xc2: {  	s0 =	sor.u32 s3, s0;
	s1 =	sshll.u32 s1, $0x11  }
0xc3: {  	s0 =	sor.u32 s1, s0  }
0xc4: {  	s0 =	sadd.s32 $0x8F2B, s0  }
0xc5: {  	[sflag:s0] =	ssyncadd.remote.s32 $0x1  }
0xc6: {  	_ =	sfence.sel $0xFFFF  }
0xc7: {  	[dreg:$0x0] =	wrdreg $0xFFFFFFFF;
	(pc) =	sbr.abs _section_cstart, $3  }
0xc8: {  	[dreg:$0x1] =	wrdreg $0xFFFFFFFF  }
0xc9: {  	_ =	task.clear_ibuf [dreg:s8], $0x2FFFF;
	_ =	strace $0x9FFFFFFF  }
0xca: {  	(tm) =	ssettm $0x7FFFFFFF  }
0xcb: {  	_ =	shalt  }
tec
execute0_lowered:
.L_overlay_start_1:
0x0: {  	(tag) =	ssettag $0x1  }
0x1: {  	s0 =	srdreg.scid;
	s1 =	rddreg [dreg:$0x1]  }
0x2: {  	s18 =	stileid.u32;
	s4 =	rddreg [dreg:$0x2]  }
0x3: {  	s6 =	simm.s32 $0x0;
	s21 =	simm.s32 $0x0;
	s5 =	sand.u32 $0x1, s0  }
0x4: {  	s28 =	simm.s32 $0x4;
	s0 =	rddreg [dreg:$0x0];
	s2 =	sshll.u32 s5, $0x4  }
0x5: {  	s30 =	simm.s32 $0x1BA80;
	[dreg:$0x5] =	wrdreg s21;
	s3 =	sor.u32 s18, s2  }
0x6: {  	s31 =	simm.s32 $0xA;
	[smem:$0x7FF] =	sst s6;
	s7 =	smul.u32 $0x7D, s3  }
0x7: {  	s6 =	sadd.s32 $0xE00, s4;
	s8 =	ssub.s32 $0x2, s5;
	s9 =	smul.u32 $0x7D00, s3  }
0x8: {  	p0 =	sne.s32 s18, $0x0;
	s10 =	sshrl.u32 s8, $0x1;
	s11 =	smul.u32 $0x280, s3  }
0x9: {  	s2 =	rddreg [dreg:$0x3];
	s3 =	ssub.s32 s8, s10;
	s22 =	sand.u32 $0xFF800, s9  }
0xa: {  	s23 =	sand.u32 $0x380, s11;
	s24 =	sadd.s32 $0x1, s7;
	s26 =	sadd.s32 $0x2, s7  }
0xb: {  	s13 =	sadd.s32 $0x3, s7;
	s15 =	sadd.s32 $0x4, s7;
	s21 =	sadd.s32 $0x6, s7  }
0xc: {  	s4 =	sor.u32 s23, s22;
	s25 =	sshll.u32 s24, $0x5;
	s9 =	sshll.u32 s24, $0x4  }
0xd: {  	s29 =	sshll.u32 s26, $0x4;
	s10 =	sshll.u32 s26, $0x5;
	s14 =	sshll.u32 s13, $0x5  }
0xe: {  	s16 =	sshll.u32 s15, $0x4;
	s22 =	sshll.u32 s21, $0x5;
	s24 =	sshll.u32 s21, $0x4  }
0xf: {  	s8 =	sand.u32 $0x3FF00, s25;
	s9 =	sand.u32 $0x70, s9;
	s11 =	sand.u32 $0x70, s29  }
0x10: {  	s10 =	sand.u32 $0x3FF00, s10;
	s23 =	sand.u32 $0x3FF00, s22;
	s25 =	smul.u32 $0x138800, s5  }
0x11: {  	s29 =	smul.u32 $0x13800, s18;
	s4 =	sshrl.u32 s4, $0x3;
	s9 =	sadd.s32 s1, s9  }
0x12: {  	s11 =	sadd.s32 s1, s11;
	s4 =	sadd.s32 s1, s4;
	s8 =	sadd.s32 s8, s9  }
0x13: {  	s12 =	sadd.s32 s10, s11;
	s9 =	sand.u32 $0x3FF00, s14;
	s10 =	sshll.u32 s15, $0x5  }
0x14: {  	s11 =	sand.u32 $0x70, s16;
	s15 =	smul.u32 $0x7D0, s5;
	[dreg:$0x6] =	wrdreg s8  }
0x15: {  	s16 =	sshrl.u32 s25, $0x3;
	[dreg:$0x7] =	wrdreg s12;
	s8 =	sshll.u32 s13, $0x4  }
0x16: {  	s10 =	sand.u32 $0x3FF00, s10;
	s11 =	sadd.s32 s1, s11;
	s12 =	sadd.s32 $0x5, s7  }
0x17: {  	s7 =	sadd.s32 $0x7, s7;
	s13 =	smul.u32 $0x3, s18;
	s5 =	sadd.s32 s6, s16  }
0x18: {  	s8 =	sand.u32 $0x70, s8;
	s17 =	sadd.s32 s10, s11;
	s19 =	sshll.u32 s12, $0x4  }
0x19: {  	s20 =	sshll.u32 s12, $0x5;
	s26 =	sshll.u32 s7, $0x5;
	s7 =	sshll.u32 s7, $0x4  }
0x1a: {  	s12 =	sadd.s32 s29, s25;
	s8 =	sadd.s32 s1, s8;
	[dreg:$0x9] =	wrdreg s17  }
0x1b: {  	s11 =	sand.u32 $0x3FF00, s26;
	s7 =	sand.u32 $0x70, s7;
	s12 =	sshrl.u32 s12, $0x3  }
0x1c: {  	s14 =	ssub.s32 $0x4, s13;
	s17 =	smul.u32 $0x7D, s18;
	s21 =	ssub.s32 $0x6, s13  }
0x1d: {  	s25 =	sxor.u32 $0xFFFFFFFF, s13;
	s8 =	sadd.s32 s9, s8;
	s9 =	sand.u32 $0x3FF00, s20  }
0x1e: {  	s7 =	sadd.s32 s1, s7;
	s20 =	ssub.s32 $0x5, s13;
	[dreg:$0x8] =	wrdreg s8  }
0x1f: {  	s8 =	sand.u32 $0x70, s19;
	s7 =	sadd.s32 s11, s7;
	s19 =	sxor.u32 $0x3, s13  }
0x20: {  	s22 =	sand.u32 $0x7, s20;
	s20 =	ssub.s32 $0x2, s13;
	s8 =	sadd.s32 s1, s8  }
0x21: {  	[dreg:$0xc] =	wrdreg s7;
	s7 =	sadd.s32 s6, s12;
	s12 =	sand.u32 $0x7, s25  }
0x22: {  	s6 =	sand.u32 $0x7, s19;
	s19 =	ssub.s32 $0x1, s13;
	s8 =	sadd.s32 s9, s8  }
0x23: {  	s9 =	sand.u32 $0x70, s24;
	[dreg:$0xd] =	wrdreg s7;
	s7 =	sand.u32 $0x7, s14  }
0x24: {  	s12 =	sshll.u32 s12, $0x4;
	s6 =	sshll.u32 s6, $0x4;
	s9 =	sadd.s32 s1, s9  }
0x25: {  	[dreg:$0xa] =	wrdreg s8;
	s7 =	sshll.u32 s7, $0x4;
	s8 =	sadd.s32 s23, s9  }
0x26: {  	s23 =	sand.u32 $0x7, s21;
	s9 =	sshll.u32 s22, $0x4;
	s22 =	sand.u32 $0x7, s19  }
0x27: {  	[dreg:$0xb] =	wrdreg s8;
	s8 =	sadd.s32 s17, s15;
	s10 =	sshll.u32 s23, $0x4  }
0x28: {  	s23 =	sand.u32 $0x7, s20;
	s24 =	sshll.u32 s8, $0x5;
	s8 =	sshll.u32 s8, $0x8  }
0x29: {  	s14 =	sadd.s32 $0x1E0, s24;
	s15 =	sadd.s32 $0x1C0, s24;
	s29 =	sadd.s32 $0x1A0, s24  }
0x2a: {  	s16 =	sadd.s32 $0x160, s24;
	s21 =	sadd.s32 $0x140, s24;
	s14 =	sand.u32 $0x3FF00, s14  }
0x2b: {  	s8 =	sadd.s32 $0x800, s8;
	s15 =	sand.u32 $0x3FF00, s15;
	s14 =	sadd.s32 s14, s1  }
0x2c: {  	s17 =	sand.u32 $0x3FF00, s16;
	s26 =	sadd.s32 s15, s1;
	s12 =	sadd.s32 s12, s14  }
0x2d: {  	s10 =	sadd.s32 s10, s26;
	s14 =	sadd.s32 $0x180, s24;
	[dreg:$0xe] =	wrdreg s12  }
0x2e: {  	s24 =	sadd.s32 $0x120, s24;
	s26 =	smul.u32 $0x280, s18;
	[dreg:$0xf] =	wrdreg s10  }
0x2f: {  	s12 =	sand.u32 $0x3FF00, s29;
	s25 =	sand.u32 $0x3FF00, s24;
	s29 =	smul.u32 $0x4E000, s18  }
0x30: {  	s18 =	simm.s32 $0x14100;
	s10 =	sadd.s32 s12, s1;
	s12 =	sand.u32 $0x3FF00, s14  }
0x31: {  	s14 =	smax.u32 s3, $0x1;
	s3 =	simm.s32 $0xC;
	s9 =	sadd.s32 s9, s10  }
0x32: {  	s15 =	sadd.s32 s12, s1;
	s12 =	sadd.s32 $0x27000, s5;
	s5 =	simm.s32 $0x10  }
0x33: {  	[dreg:$0x10] =	wrdreg s9;
	s15 =	sadd.s32 s7, s15;
	s7 =	sadd.s32 s17, s1  }
0x34: {  	s9 =	sshll.u32 s23, $0x4;
	_ =	strace $0x8000004A;
	[dreg:$0x12] =	wrdreg s4  }
0x35: {  	s16 =	sadd.s32 s6, s7;
	s6 =	sand.u32 $0x3FF00, s21;
	[dreg:$0x14] =	wrdreg s12  }
0x36: {  	s7 =	sshll.u32 s22, $0x4;
	[dreg:$0x15] =	wrdreg s14;
	s6 =	sadd.s32 s6, s1  }
0x37: {  	s4 =	simm.s32 $0x14280;
	s17 =	sadd.s32 s9, s6;
	s6 =	sadd.s32 s25, s1  }
0x38: {  	s19 =	sadd.s32 s7, s6;
	s6 =	sshrl.u32 s29, $0x2;
	s29 =	sadd.s32 $0x138000, s2  }
0x39: {  	s9 =	sand.u32 $0x380, s26;
	s13 =	sadd.s32 s6, s2;
	[dreg:$0x1c] =	wrdreg s29  }
0x3a: {  	s7 =	sand.u32 $0x1FF800, s8;
	s11 =	sadd.s32 $0x2800, s13;
	[dreg:$0x11] =	wrdreg s13  }
0x3b: {  	s8 =	simm.s32 $0x14200;
	s20 =	sadd.s32 $0x5000, s13;
	[dreg:$0x13] =	wrdreg s11  }
0x3c: {  	s7 =	sor.u32 s9, s7;
	s21 =	sadd.s32 $0x7800, s13;
	[dreg:$0x16] =	wrdreg s20  }
0x3d: {  	s9 =	simm.s32 $0x5;
	s23 =	sadd.s32 $0xA000, s13;
	[dreg:$0x17] =	wrdreg s21  }
0x3e: {  	s10 =	sshrl.u32 s7, $0x3;
	s24 =	sadd.s32 $0xC800, s13;
	[dreg:$0x18] =	wrdreg s23  }
.Ltmp0:
0x3f: {  	s25 =	sadd.s32 $0xF000, s13;
	[dreg:$0x19] =	wrdreg s24;
	(pc) =	sbr.rel .LBB2_1-.Ltmp0, $4  }
0x40: {  	s26 =	sadd.s32 $0x11800, s13;
	s22 =	sadd.s32 s10, s1;
	[dreg:$0x1a] =	wrdreg s25  }
0x41: {  	[dreg:$0x1b] =	wrdreg s26;
	s10 =	simm.s32 $0x50;
	s21 =	simm.s32 $0x16A80  }
0x42: {  	s24 =	simm.s32 $0x19280;
	s25 =	simm.s32 $0x9;
	s26 =	simm.s32 $0x14080  }
0x43: {  	v0 =	vimm.f32 $0.0e+00;
	s11 =	simm.s32 $0xD;
	s1 =	simm.s32 $0xB;
	s20 =	simm.s32 $0x14180  }
.LBB2_11:
0x44: {  	_ =	swait.ge [sflag:s11], $0x2800  }
0x45: {  	[sflag:s11] =	ssyncset.done $0x0  }
0x46: {  	s6 =	simm.s32 $0xE;
	[sflag:s11] =	ssyncadd.s32 $0xFFFFD800  }
0x47: {  	_ =	swait.ge [sflag:s6], $0x2800  }
0x48: {  	[sflag:s6] =	ssyncset.done $0x0  }
0x49: {  	s12 =	simm.s32 $0xF;
	[sflag:s6] =	ssyncadd.s32 $0xFFFFD800  }
0x4a: {  	_ =	swait.ge [sflag:s12], $0x2800  }
0x4b: {  	[sflag:s12] =	ssyncset.done $0x0  }
0x4c: {  	[sflag:s12] =	ssyncadd.s32 $0xFFFFD800  }
0x4d: {  	_ =	swait.ge [sflag:s5], $0x2800  }
0x4e: {  	[sflag:s5] =	ssyncset.done $0x0  }
0x4f: {  	[sflag:s5] =	ssyncadd.s32 $0xFFFFD800  }
0x50: {  	s13 =	stileid.u32;
	[bflag:$0x0] =	sbarrier.arrive $0xFFFF  }
0x51: {  	s14 =	simm.s32 $0x11;
	s6 =	sshll.u32 s13, $0x6;
	s13 =	rddreg [dreg:$0x11]  }
0x52: {  	s6 =	sor.u32 $0x1C11, s6;
	s12 =	rddreg [dreg:$0xd];
	s7 =	sshrl.u32 s13, $0x3  }
0x53: {  	[hbm:s12], [sflag:s6] =	dma.local [spmem:s7], $0x2700  }
0x54: {  	_ =	swait.ge [sflag:s14], $0x2700  }
0x55: {  	[sflag:s14] =	ssyncset.done $0x0;
	s7 =	rddreg [dreg:$0x1c]  }
0x56: {  	s12 =	rddreg [dreg:$0x14];
	[sflag:s14] =	ssyncadd.s32 $0xFFFFD900;
	s7 =	sshrl.u32 @!p0 s7, $0x3  }
0x57: {  	[hbm:s12], [sflag:s6] =	dma.local @!p0 [spmem:s7], $0x100  }
0x58: {  	s6 =	simm.s32 @!p0 $0x11  }
0x59: {  	_ =	swait.ge @!p0 [sflag:s6], $0x100  }
0x5a: {  	s23 =	rddreg [dreg:$0x5]  }
0x5b: {  	s29 =	rddreg [dreg:$0x15];
	s7 =	sadd.s32 $0x1, s23  }
0x5c: {  	p1 =	sne.s32 s7, s29  }
.Ltmp1:
0x5d: {  	_ = 	snop;
	(pc) =	sbr.rel @!p1 .LBB2_12-.Ltmp1, $3  }
0x5e: {  	_ =	sdelay $0x1  }
0x5f: {  	[sflag:s6] =	ssyncset.done @!p0 $0x0  }
0x60: {  	[sflag:s6] =	ssyncadd.s32 @!p0 $0xFFFFFF00;
	[dreg:$0x5] =	wrdreg s7  }
.LBB2_1:
0x61: {  	s6 =	simm.s32 $0x0;
	s12 =	simm.s32 $0x200  }
.LBB2_2:
0x62: {  	p1 =	sne.s32 s12, $0x9E00;
	[tilespmem:s6+$0x142F0] =	vst v0  }
0x63: {  	[tilespmem:s6+$0x14280] =	vst v0  }
0x64: {  	[tilespmem:s6+$0x14290] =	vst v0  }
.Ltmp2:
0x65: {  	[tilespmem:s6+$0x142A0] =	vst v0;
	(pc) =	sbr.rel @p1 .LBB2_2-.Ltmp2, $4  }
0x66: {  	[tilespmem:s6+$0x142B0] =	vst v0  }
0x67: {  	[tilespmem:s6+$0x142C0] =	vst v0  }
0x68: {  	[tilespmem:s6+$0x142D0] =	vst v0  }
0x69: {  	[tilespmem:s6+$0x142E0] =	vst v0;
	s6 =	sshra.s32 s12, $0x2;
	s12 =	sadd.s32 $0x200, s12  }
0x6a: {  	[tilespmem:s6+$0x142F0] =	vst v0  }
0x6b: {  	[tilespmem:s6+$0x14280] =	vst v0  }
0x6c: {  	[tilespmem:s6+$0x14290] =	vst v0  }
0x6d: {  	[tilespmem:s6+$0x142A0] =	vst v0  }
0x6e: {  	[tilespmem:s6+$0x142B0] =	vst v0  }
0x6f: {  	[tilespmem:s6+$0x142C0] =	vst v0  }
0x70: {  	[tilespmem:s6+$0x142D0] =	vst v0  }
0x71: {  	[tilespmem:s6+$0x142E0] =	vst v0;
	s7 =	simm.s32 $0x11  }
0x72: {  	[spmem:s13] =	stream.linear.scatter [tilespmem:s4], [sflag:$0x11], $0x2800, $0x38;
	[tilespmem:$0x1E280] =	vst v63  }
0x73: {  	_ =	swait.ge [sflag:s7], $0x2800  }
0x74: {  	[sflag:s7] =	ssyncset.done $0x0  }
0x75: {  	s13 =	rddreg [dreg:$0x13];
	[sflag:s7] =	ssyncadd.s32 $0xFFFFD800  }
0x76: {  	[spmem:s13] =	stream.linear.scatter [tilespmem:s4], [sflag:$0x11], $0x2800, $0x38;
	[tilespmem:$0x1E280] =	vst v63  }
0x77: {  	_ =	swait.ge [sflag:s7], $0x2800  }
0x78: {  	[sflag:s7] =	ssyncset.done $0x0  }
0x79: {  	s14 =	rddreg [dreg:$0x16];
	[sflag:s7] =	ssyncadd.s32 $0xFFFFD800  }
0x7a: {  	[spmem:s14] =	stream.linear.scatter [tilespmem:s4], [sflag:$0x11], $0x2800, $0x38;
	[tilespmem:$0x1E280] =	vst v63  }
0x7b: {  	_ =	swait.ge [sflag:s7], $0x2800  }
0x7c: {  	[sflag:s7] =	ssyncset.done $0x0  }
0x7d: {  	s23 =	rddreg [dreg:$0x17];
	[sflag:s7] =	ssyncadd.s32 $0xFFFFD800  }
0x7e: {  	[spmem:s23] =	stream.linear.scatter [tilespmem:s4], [sflag:$0x11], $0x2800, $0x38;
	[tilespmem:$0x1E280] =	vst v63  }
0x7f: {  	_ =	swait.ge [sflag:s7], $0x2800  }
0x80: {  	[sflag:s7] =	ssyncset.done $0x0  }
0x81: {  	s29 =	rddreg [dreg:$0x18];
	[sflag:s7] =	ssyncadd.s32 $0xFFFFD800  }
0x82: {  	[spmem:s29] =	stream.linear.scatter [tilespmem:s4], [sflag:$0x11], $0x2800, $0x38;
	[tilespmem:$0x1E280] =	vst v63  }
0x83: {  	_ =	swait.ge [sflag:s7], $0x2800  }
0x84: {  	[sflag:s7] =	ssyncset.done $0x0  }
0x85: {  	s12 =	rddreg [dreg:$0x19];
	[sflag:s7] =	ssyncadd.s32 $0xFFFFD800  }
0x86: {  	[spmem:s12] =	stream.linear.scatter [tilespmem:s4], [sflag:$0x11], $0x2800, $0x38;
	[tilespmem:$0x1E280] =	vst v63  }
0x87: {  	_ =	swait.ge [sflag:s7], $0x2800  }
0x88: {  	[sflag:s7] =	ssyncset.done $0x0  }
0x89: {  	s13 =	rddreg [dreg:$0x1a];
	[sflag:s7] =	ssyncadd.s32 $0xFFFFD800  }
0x8a: {  	[spmem:s13] =	stream.linear.scatter [tilespmem:s4], [sflag:$0x11], $0x2800, $0x38;
	[tilespmem:$0x1E280] =	vst v63  }
0x8b: {  	_ =	swait.ge [sflag:s7], $0x2800  }
0x8c: {  	[sflag:s7] =	ssyncset.done $0x0  }
0x8d: {  	s14 =	rddreg [dreg:$0x1b];
	[sflag:s7] =	ssyncadd.s32 $0xFFFFD800  }
0x8e: {  	[spmem:s14] =	stream.linear.scatter [tilespmem:s4], [sflag:$0x11], $0x2000, $0x38;
	[tilespmem:$0x1E280] =	vst v63  }
0x8f: {  	_ =	swait.ge [sflag:s7], $0x2000  }
0x90: {  	[sflag:s7] =	ssyncset.done $0x0  }
0x91: {  	s6 =	simm.s32 @!p0 $0x14280;
	[sflag:s7] =	ssyncadd.s32 $0xFFFFE000;
	s7 =	rddreg [dreg:$0x1c]  }
0x92: {  	[spmem:s7] =	stream.linear.scatter @!p0 [tilespmem:s6], [sflag:$0x11], $0x800, $0x38;
	[tilespmem:$0x1E280] =	vst v63  }
0x93: {  	s6 =	simm.s32 @!p0 $0x11  }
0x94: {  	_ =	swait.ge @!p0 [sflag:s6], $0x800  }
0x95: {  	[sflag:s6] =	ssyncset.done @!p0 $0x0  }
0x96: {  	[sflag:s6] =	ssyncadd.s32 @!p0 $0xFFFFF800  }
0x97: {  	s29 =	simm.s32 $0x13880;
	s12 =	simm.s32 $0x400;
	[bflag:$0x0] =	sbarrier.arrive $0xFFFF  }
0x98: {  	s13 =	simm.s32 $0x1;
	s7 =	simm.s32 $0x80;
	s23 =	rddreg [dreg:$0x12]  }
0x99: {  	[tilespmem:s29], [sflag:$0x1] =	stream.strided.gather [hbm4b:s23+s7], $0x100, s12, s7, $0x38;
	[tilespmem:$0x1E280] =	vst v63  }
0x9a: {  	_ =	swait.ge [sflag:s13], $0x100  }
0x9b: {  	[sflag:s13] =	ssyncset.done $0x0  }
0x9c: {  	s14 =	simm.s32 $0x138D0;
	[sflag:s13] =	ssyncadd.s32 $0xFFFFFF00  }
0x9d: {  	[tilespmem:s4], [sflag:$0x9] =	stream.indirect.gather [hbm4b:s0+s10], $0x80, s14, s10, $0xb8;
	[tilespmem:$0x1E280] =	vst v63  }
0x9e: {  	s29 =	simm.s32 $0x13980;
	s23 =	rddreg [dreg:$0x6];
	s13 =	simm.s32 $0x2  }
0x9f: {  	[tilespmem:s29], [sflag:$0x2] =	stream.strided.gather [hbm4b:s23+s7], $0x100, s12, s7, $0x38;
	[tilespmem:$0x1E280] =	vst v63  }
0xa0: {  	_ =	swait.ge [sflag:s13], $0x100  }
0xa1: {  	[sflag:s13] =	ssyncset.done $0x0  }
0xa2: {  	s14 =	simm.s32 $0x139D0;
	[sflag:s13] =	ssyncadd.s32 $0xFFFFFF00  }
0xa3: {  	[tilespmem:s21], [sflag:$0xA] =	stream.indirect.gather [hbm4b:s0+s10], $0x80, s14, s10, $0xb8;
	[tilespmem:$0x1E280] =	vst v63  }
0xa4: {  	s29 =	simm.s32 $0x13A80;
	s23 =	rddreg [dreg:$0x7];
	s13 =	simm.s32 $0x3  }
0xa5: {  	[tilespmem:s29], [sflag:$0x3] =	stream.strided.gather [hbm4b:s23+s7], $0x100, s12, s7, $0x38;
	[tilespmem:$0x1E280] =	vst v63  }
0xa6: {  	_ =	swait.ge [sflag:s13], $0x100  }
0xa7: {  	[sflag:s13] =	ssyncset.done $0x0  }
0xa8: {  	s14 =	simm.s32 $0x13AD0;
	[sflag:s13] =	ssyncadd.s32 $0xFFFFFF00  }
0xa9: {  	[tilespmem:s24], [sflag:$0xB] =	stream.indirect.gather [hbm4b:s0+s10], $0x80, s14, s10, $0xb8;
	[tilespmem:$0x1E280] =	vst v63  }
0xaa: {  	s29 =	simm.s32 $0x13B80;
	s23 =	rddreg [dreg:$0x8]  }
0xab: {  	[tilespmem:s29], [sflag:$0x4] =	stream.strided.gather [hbm4b:s23+s7], $0x100, s12, s7, $0x38;
	[tilespmem:$0x1E280] =	vst v63  }
0xac: {  	s13 =	rddreg [dreg:$0x9];
	s14 =	simm.s32 $0x13C80  }
0xad: {  	[tilespmem:s14], [sflag:$0x5] =	stream.strided.gather [hbm4b:s13+s7], $0x100, s12, s7, $0x38;
	[tilespmem:$0x1E280] =	vst v63  }
0xae: {  	s23 =	rddreg [dreg:$0xa];
	s29 =	simm.s32 $0x13D80  }
0xaf: {  	[tilespmem:s29], [sflag:$0x6] =	stream.strided.gather [hbm4b:s23+s7], $0x100, s12, s7, $0x38;
	[tilespmem:$0x1E280] =	vst v63  }
.Ltmp3:
0xb0: {  	s13 =	rddreg [dreg:$0xb];
	s14 =	simm.s32 $0x13E80;
	(pc) =	sbr.rel .LBB2_4-.Ltmp3, $4  }
0xb1: {  	[tilespmem:s14], [sflag:$0x7] =	stream.strided.gather [hbm4b:s13+s7], $0x100, s12, s7, $0x38;
	[tilespmem:$0x1E280] =	vst v63  }
0xb2: {  	s23 =	rddreg [dreg:$0xc];
	s29 =	simm.s32 $0x13F80  }
0xb3: {  	[tilespmem:s29], [sflag:$0x8] =	stream.strided.gather [hbm4b:s23+s7], $0x100, s12, s7, $0x38;
	[tilespmem:$0x1E280] =	vst v63  }
0xb4: {  	s13 =	simm.s32 $0x0;
	s12 =	simm.s32 $0x0  }
.LBB2_10:
0xb5: {  	s12 =	sadd.s32 $0x100, s12  }
0xb6: {  	p1 =	sne.s32 s12, $0x1000  }
.Ltmp4:
0xb7: {  	_ = 	snop;
	(pc) =	sbr.rel @!p1 .LBB2_11-.Ltmp4, $2  }
0xb8: {  	_ =	sdelay $0x2  }
0xb9: {  	s13 =	sadd.s32 $0x1, s13  }
.LBB2_4:
0xba: {  	v1 =	vld [tilespmem:$0x13880]  }
0xbb: {  	v2 =	vld [tilespmem:$0x13890]  }
0xbc: {  	v3 =	vld [tilespmem:$0x138A0]  }
0xbd: {  	v4 =	vld [tilespmem:$0x138B0]  }
0xbe: {  	v5 =	vld [tilespmem:$0x138C0]  }
0xbf: {  	[tilespmem:$0x14080] =	vst v1  }
0xc0: {  	[tilespmem:$0x14090] =	vst v2  }
0xc1: {  	[tilespmem:$0x140A0] =	vst v3  }
0xc2: {  	[tilespmem:$0x140B0] =	vst v4  }
0xc3: {  	[tilespmem:$0x140C0] =	vst v5  }
0xc4: {  	_ =	swait.ge [sflag:s25], $0x2800  }
0xc5: {  	p1 =	sne.s32 s12, $0x0;
	[sflag:s25] =	ssyncset.done $0x0  }
.Ltmp5:
0xc6: {  	[sflag:s25] =	ssyncadd.s32 $0xFFFFD800;
	(pc) =	sbr.rel @!p1 .LBB2_5-.Ltmp5, $4  }
0xc7: {  	[spmem:s2] =	stream.indirect.scatter.add.f32 [tilespmem:s4], [sflag:$0xD], $0x80, s26, s10, $0xb8;
	[tilespmem:$0x1E280] =	vst v63  }
0xc8: {  	_ =	swait.ge [sflag:s28], $0x100  }
0xc9: {  	[sflag:s28] =	ssyncset.done $0x0  }
0xca: {  	[sflag:s28] =	ssyncadd.s32 $0xFFFFFF00  }
0xcb: {  	p2 =	seq.s32 s12, $0xF00  }
.Ltmp6:
0xcc: {  	_ = 	snop;
	(pc) =	sbr.rel @p2 .LBB2_8-.Ltmp6, $4  }
.Ltmp7:
0xcd: {  	_ =	swait.ge [sflag:s5], $0x2800;
	(pc) =	sbr.rel @!p2 .LBB2_7-.Ltmp7, $4  }
0xce: {  	[sflag:s5] =	ssyncset.done $0x0  }
0xcf: {  	s6 =	simm.s32 $0x13BD0;
	p1 =	por $0x1, $0x1;
	[sflag:s5] =	ssyncadd.s32 $0xFFFFD800  }
0xd0: {  	[tilespmem:s30], [sflag:$0xC] =	stream.indirect.gather [hbm4b:s0+s10], $0x80, s6, s10, $0xb8;
	[tilespmem:$0x1E280] =	vst v63  }
0xd1: {  	_ = 	snop  }
.LBB2_5:
0xd2: {  	s6 =	simm.s32 $0x13BD0  }
0xd3: {  	[tilespmem:s30], [sflag:$0xC] =	stream.indirect.gather [hbm4b:s0+s10], $0x80, s6, s10, $0xb8;
	[tilespmem:$0x1E280] =	vst v63  }
.LBB2_7:
0xd4: {  	s6 =	sadd.s32 s12, s22;
	s7 =	simm.s32 $0x80  }
0xd5: {  	s14 =	simm.s32 $0x400;
	s23 =	simm.s32 $0x13880;
	p1 =	por $0x0, $0x0  }
0xd6: {  	[tilespmem:s23], [sflag:$0x1] =	stream.strided.gather [hbm4b:s6+s7], $0x100, s14, s7, $0x38;
	[tilespmem:$0x1E280] =	vst v63  }
.LBB2_8:
0xd7: {  	v1 =	vld [tilespmem:$0x13980]  }
0xd8: {  	v2 =	vld [tilespmem:$0x13990]  }
0xd9: {  	v3 =	vld [tilespmem:$0x139A0]  }
0xda: {  	v4 =	vld [tilespmem:$0x139B0]  }
0xdb: {  	v5 =	vld [tilespmem:$0x139C0]  }
0xdc: {  	[tilespmem:$0x14100] =	vst v1  }
0xdd: {  	[tilespmem:$0x14110] =	vst v2  }
0xde: {  	[tilespmem:$0x14120] =	vst v3  }
0xdf: {  	[tilespmem:$0x14130] =	vst v4  }
0xe0: {  	[tilespmem:$0x14140] =	vst v5  }
0xe1: {  	_ =	swait.ge [sflag:s31], $0x2800  }
0xe2: {  	[sflag:s31] =	ssyncset.done $0x0  }
0xe3: {  	[sflag:s31] =	ssyncadd.s32 $0xFFFFD800  }
0xe4: {  	[spmem:s2] =	stream.indirect.scatter.add.f32 [tilespmem:s21], [sflag:$0xE], $0x80, s18, s10, $0xb8;
	[tilespmem:$0x1E280] =	vst v63  }
0xe5: {  	_ =	swait.ge [sflag:s9], $0x100  }
0xe6: {  	[sflag:s9] =	ssyncset.done $0x0  }
0xe7: {  	[sflag:s9] =	ssyncadd.s32 $0xFFFFFF00  }
0xe8: {  	_ =	swait.ge [sflag:s11], $0x2800  }
0xe9: {  	[sflag:s11] =	ssyncset.done $0x0  }
0xea: {  	s6 =	simm.s32 $0x13CD0;
	s7 =	sadd.s32 @!p1 s12, s19;
	[sflag:s11] =	ssyncadd.s32 $0xFFFFD800  }
0xeb: {  	[tilespmem:s4], [sflag:$0x9] =	stream.indirect.gather [hbm4b:s0+s10], $0x80, s6, s10, $0xb8;
	[tilespmem:$0x1E280] =	vst v63  }
0xec: {  	s14 =	simm.s32 @!p1 $0x80;
	s29 =	simm.s32 @!p1 $0x13980;
	s6 =	simm.s32 @!p1 $0x400  }
0xed: {  	[tilespmem:s29], [sflag:$0x2] =	stream.strided.gather @!p1 [hbm4b:s7+s14], $0x100, s6, s14, $0x38;
	[tilespmem:$0x1E280] =	vst v63  }
0xee: {  	v1 =	vld [tilespmem:$0x13A80]  }
0xef: {  	v2 =	vld [tilespmem:$0x13A90]  }
0xf0: {  	v3 =	vld [tilespmem:$0x13AA0]  }
0xf1: {  	v58 =	vld [tilespmem:$0x13AB0]  }
0xf2: {  	v59 =	vld [tilespmem:$0x13AC0]  }
0xf3: {  	[tilespmem:$0x14180] =	vst v1  }
0xf4: {  	[tilespmem:$0x14190] =	vst v2  }
0xf5: {  	[tilespmem:$0x141A0] =	vst v3  }
0xf6: {  	[tilespmem:$0x141B0] =	vst v58  }
0xf7: {  	[tilespmem:$0x141C0] =	vst v59  }
0xf8: {  	_ =	swait.ge [sflag:s1], $0x2800  }
0xf9: {  	p2 =	sgt.u32 s13, $0xE;
	[sflag:s1] =	ssyncset.done $0x0  }
0xfa: {  	s7 =	simm.s32 @!p2 $0x6;
	[sflag:s1] =	ssyncadd.s32 $0xFFFFD800  }
0xfb: {  	[spmem:s2] =	stream.indirect.scatter.add.f32 [tilespmem:s24], [sflag:$0xF], $0x80, s20, s10, $0xb8;
	[tilespmem:$0x1E280] =	vst v63  }
0xfc: {  	_ =	swait.ge @!p2 [sflag:s7], $0x100  }
0xfd: {  	[sflag:s7] =	ssyncset.done @!p2 $0x0  }
0xfe: {  	[sflag:s7] =	ssyncadd.s32 @!p2 $0xFFFFFF00;
	s7 =	simm.s32 @!p2 $0xE  }
0xff: {  	_ =	swait.ge @!p2 [sflag:s7], $0x2800  }
0x100: {  	s23 =	simm.s32 @!p2 $0x16A80;
	[sflag:s7] =	ssyncset.done @!p2 $0x0  }
0x101: {  	s29 =	simm.s32 @!p2 $0x13DD0;
	[sflag:s7] =	ssyncadd.s32 @!p2 $0xFFFFD800;
	s7 =	simm.s32 @!p2 $0x50  }
0x102: {  	[tilespmem:s23], [sflag:$0xA] =	stream.indirect.gather @!p2 [hbm4b:s0+s7], $0x80, s29, s7, $0xb8;
	[tilespmem:$0x1E280] =	vst v63  }
0x103: {  	s23 =	sadd.s32 @!p1 s12, s17;
	s29 =	simm.s32 @!p1 $0x13A80  }
0x104: {  	[tilespmem:s29], [sflag:$0x3] =	stream.strided.gather @!p1 [hbm4b:s23+s14], $0x100, s6, s14, $0x38;
	[tilespmem:$0x1E280] =	vst v63  }
0x105: {  	v1 =	vld [tilespmem:$0x13B80]  }
0x106: {  	v2 =	vld [tilespmem:$0x13B90]  }
0x107: {  	v3 =	vld [tilespmem:$0x13BA0]  }
0x108: {  	v60 =	vld [tilespmem:$0x13BB0]  }
0x109: {  	v61 =	vld [tilespmem:$0x13BC0]  }
0x10a: {  	[tilespmem:$0x14200] =	vst v1  }
0x10b: {  	[tilespmem:$0x14210] =	vst v2  }
0x10c: {  	[tilespmem:$0x14220] =	vst v3  }
0x10d: {  	[tilespmem:$0x14230] =	vst v60  }
0x10e: {  	[tilespmem:$0x14240] =	vst v61  }
0x10f: {  	_ =	swait.ge [sflag:s3], $0x2800  }
0x110: {  	[sflag:s3] =	ssyncset.done $0x0  }
0x111: {  	s23 =	simm.s32 @!p2 $0x7;
	[sflag:s3] =	ssyncadd.s32 $0xFFFFD800  }
0x112: {  	[spmem:s2] =	stream.indirect.scatter.add.f32 [tilespmem:s30], [sflag:$0x10], $0x80, s8, s10, $0xb8;
	[tilespmem:$0x1E280] =	vst v63  }
0x113: {  	_ =	swait.ge @!p2 [sflag:s23], $0x100  }
0x114: {  	[sflag:s23] =	ssyncset.done @!p2 $0x0  }
0x115: {  	[sflag:s23] =	ssyncadd.s32 @!p2 $0xFFFFFF00;
	s23 =	simm.s32 @!p2 $0xF  }
0x116: {  	_ =	swait.ge @!p2 [sflag:s23], $0x2800  }
0x117: {  	[sflag:s23] =	ssyncset.done @!p2 $0x0  }
0x118: {  	s29 =	simm.s32 @!p2 $0x19280;
	[sflag:s23] =	ssyncadd.s32 @!p2 $0xFFFFD800;
	s23 =	simm.s32 @!p2 $0x13ED0  }
0x119: {  	[tilespmem:s29], [sflag:$0xB] =	stream.indirect.gather @!p2 [hbm4b:s0+s7], $0x80, s23, s7, $0xb8;
	[tilespmem:$0x1E280] =	vst v63  }
0x11a: {  	s23 =	sadd.s32 @!p1 s12, s16;
	s29 =	simm.s32 @!p1 $0x13B80  }
0x11b: {  	[tilespmem:s29], [sflag:$0x4] =	stream.strided.gather @!p1 [hbm4b:s23+s14], $0x100, s6, s14, $0x38;
	[tilespmem:$0x1E280] =	vst v63  }
0x11c: {  	v1 =	vld [tilespmem:$0x13C80]  }
0x11d: {  	v2 =	vld [tilespmem:$0x13C90]  }
0x11e: {  	v3 =	vld [tilespmem:$0x13CA0]  }
0x11f: {  	v62 =	vld [tilespmem:$0x13CB0]  }
0x120: {  	v63 =	vld [tilespmem:$0x13CC0]  }
0x121: {  	[tilespmem:$0x14080] =	vst v1  }
0x122: {  	[tilespmem:$0x14090] =	vst v2  }
0x123: {  	[tilespmem:$0x140A0] =	vst v3  }
0x124: {  	[tilespmem:$0x140B0] =	vst v62  }
0x125: {  	[tilespmem:$0x140C0] =	vst v63  }
0x126: {  	_ =	swait.ge [sflag:s25], $0x2800  }
0x127: {  	[sflag:s25] =	ssyncset.done $0x0  }
0x128: {  	s23 =	simm.s32 @!p2 $0x8;
	[sflag:s25] =	ssyncadd.s32 $0xFFFFD800  }
0x129: {  	[spmem:s2] =	stream.indirect.scatter.add.f32 [tilespmem:s4], [sflag:$0xD], $0x80, s26, s10, $0xb8;
	[tilespmem:$0x1E280] =	vst v63  }
0x12a: {  	_ =	swait.ge @!p2 [sflag:s23], $0x100  }
0x12b: {  	[sflag:s23] =	ssyncset.done @!p2 $0x0  }
0x12c: {  	[sflag:s23] =	ssyncadd.s32 @!p2 $0xFFFFFF00;
	s23 =	simm.s32 @!p2 $0x10  }
0x12d: {  	_ =	swait.ge @!p2 [sflag:s23], $0x2800  }
.Ltmp8:
0x12e: {  	[sflag:s23] =	ssyncset.done @!p2 $0x0;
	(pc) =	sbr.rel @p2 .LBB2_10-.Ltmp8, $4  }
0x12f: {  	s29 =	simm.s32 @!p2 $0x1BA80;
	[sflag:s23] =	ssyncadd.s32 @!p2 $0xFFFFD800;
	s23 =	simm.s32 @!p2 $0x13FD0  }
0x130: {  	[tilespmem:s29], [sflag:$0xC] =	stream.indirect.gather @!p2 [hbm4b:s0+s7], $0x80, s23, s7, $0xb8;
	[tilespmem:$0x1E280] =	vst v63  }
0x131: {  	s7 =	sadd.s32 @!p1 s12, s15;
	s23 =	simm.s32 @!p1 $0x13C80  }
0x132: {  	[tilespmem:s23], [sflag:$0x5] =	stream.strided.gather @!p1 [hbm4b:s7+s14], $0x100, s6, s14, $0x38;
	[tilespmem:$0x1E280] =	vst v63  }
0x133: {  	v1 =	vld [tilespmem:$0x13D80]  }
0x134: {  	v2 =	vld [tilespmem:$0x13D90]  }
0x135: {  	v3 =	vld [tilespmem:$0x13DA0]  }
0x136: {  	v4 =	vld [tilespmem:$0x13DB0]  }
0x137: {  	v5 =	vld [tilespmem:$0x13DC0]  }
0x138: {  	[tilespmem:$0x14100] =	vst v1  }
0x139: {  	[tilespmem:$0x14110] =	vst v2  }
0x13a: {  	[tilespmem:$0x14120] =	vst v3  }
0x13b: {  	[tilespmem:$0x14130] =	vst v4  }
0x13c: {  	[tilespmem:$0x14140] =	vst v5  }
0x13d: {  	_ =	swait.ge [sflag:s31], $0x2800  }
0x13e: {  	[sflag:s31] =	ssyncset.done $0x0  }
0x13f: {  	s6 =	simm.s32 @!p1 $0x1;
	[sflag:s31] =	ssyncadd.s32 $0xFFFFD800  }
0x140: {  	[spmem:s2] =	stream.indirect.scatter.add.f32 [tilespmem:s21], [sflag:$0xE], $0x80, s18, s10, $0xb8;
	[tilespmem:$0x1E280] =	vst v63  }
0x141: {  	_ =	swait.ge @!p1 [sflag:s6], $0x100  }
0x142: {  	[sflag:s6] =	ssyncset.done @!p1 $0x0  }
0x143: {  	[sflag:s6] =	ssyncadd.s32 @!p1 $0xFFFFFF00;
	s6 =	simm.s32 @!p1 $0xD  }
0x144: {  	_ =	swait.ge @!p1 [sflag:s6], $0x2800  }
0x145: {  	s7 =	simm.s32 @!p1 $0x138D0;
	s14 =	simm.s32 @!p1 $0x14280;
	[sflag:s6] =	ssyncset.done @!p1 $0x0  }
0x146: {  	p2 =	seq.s32 s12, $0xE00;
	[sflag:s6] =	ssyncadd.s32 @!p1 $0xFFFFD800;
	s6 =	simm.s32 @!p1 $0x50  }
0x147: {  	[tilespmem:s14], [sflag:$0x9] =	stream.indirect.gather @!p1 [hbm4b:s0+s6], $0x80, s7, s6, $0xb8;
	[tilespmem:$0x1E280] =	vst v63  }
0x148: {  	s23 =	simm.s32 @!p2 $0x400;
	s7 =	rddreg [dreg:$0x10]  }
0x149: {  	s29 =	simm.s32 @!p2 $0x13D80;
	s14 =	simm.s32 @!p2 $0x80;
	s7 =	sadd.s32 @!p2 s12, s7  }
0x14a: {  	[tilespmem:s29], [sflag:$0x6] =	stream.strided.gather @!p2 [hbm4b:s7+s14], $0x100, s23, s14, $0x38;
	[tilespmem:$0x1E280] =	vst v63  }
0x14b: {  	v1 =	vld [tilespmem:$0x13E80]  }
0x14c: {  	v2 =	vld [tilespmem:$0x13E90]  }
0x14d: {  	v3 =	vld [tilespmem:$0x13EA0]  }
0x14e: {  	v60 =	vld [tilespmem:$0x13EB0]  }
0x14f: {  	v61 =	vld [tilespmem:$0x13EC0]  }
0x150: {  	[tilespmem:$0x14180] =	vst v1  }
0x151: {  	[tilespmem:$0x14190] =	vst v2  }
0x152: {  	[tilespmem:$0x141A0] =	vst v3  }
0x153: {  	[tilespmem:$0x141B0] =	vst v60  }
0x154: {  	[tilespmem:$0x141C0] =	vst v61  }
0x155: {  	_ =	swait.ge [sflag:s1], $0x2800  }
0x156: {  	[sflag:s1] =	ssyncset.done $0x0  }
0x157: {  	s7 =	simm.s32 @!p1 $0x2;
	[sflag:s1] =	ssyncadd.s32 $0xFFFFD800  }
0x158: {  	[spmem:s2] =	stream.indirect.scatter.add.f32 [tilespmem:s24], [sflag:$0xF], $0x80, s20, s10, $0xb8;
	[tilespmem:$0x1E280] =	vst v63  }
0x159: {  	_ =	swait.ge @!p1 [sflag:s7], $0x100  }
0x15a: {  	[sflag:s7] =	ssyncset.done @!p1 $0x0  }
0x15b: {  	[sflag:s7] =	ssyncadd.s32 @!p1 $0xFFFFFF00;
	s7 =	simm.s32 @!p1 $0xE  }
0x15c: {  	_ =	swait.ge @!p1 [sflag:s7], $0x2800  }
0x15d: {  	[sflag:s7] =	ssyncset.done @!p1 $0x0  }
0x15e: {  	s29 =	simm.s32 @!p1 $0x16A80;
	[sflag:s7] =	ssyncadd.s32 @!p1 $0xFFFFD800;
	s7 =	simm.s32 @!p1 $0x139D0  }
0x15f: {  	[tilespmem:s29], [sflag:$0xA] =	stream.indirect.gather @!p1 [hbm4b:s0+s6], $0x80, s7, s6, $0xb8;
	[tilespmem:$0x1E280] =	vst v63  }
0x160: {  	s7 =	rddreg [dreg:$0xf]  }
0x161: {  	s29 =	simm.s32 @!p2 $0x13E80;
	s7 =	sadd.s32 @!p2 s12, s7  }
0x162: {  	[tilespmem:s29], [sflag:$0x7] =	stream.strided.gather @!p2 [hbm4b:s7+s14], $0x100, s23, s14, $0x38;
	[tilespmem:$0x1E280] =	vst v63  }
0x163: {  	v1 =	vld [tilespmem:$0x13F80]  }
0x164: {  	v2 =	vld [tilespmem:$0x13F90]  }
0x165: {  	v3 =	vld [tilespmem:$0x13FA0]  }
0x166: {  	v62 =	vld [tilespmem:$0x13FB0]  }
0x167: {  	v63 =	vld [tilespmem:$0x13FC0]  }
0x168: {  	[tilespmem:$0x14200] =	vst v1  }
0x169: {  	[tilespmem:$0x14210] =	vst v2  }
0x16a: {  	[tilespmem:$0x14220] =	vst v3  }
0x16b: {  	[tilespmem:$0x14230] =	vst v62  }
0x16c: {  	[tilespmem:$0x14240] =	vst v63  }
0x16d: {  	_ =	swait.ge [sflag:s3], $0x2800  }
0x16e: {  	[sflag:s3] =	ssyncset.done $0x0  }
0x16f: {  	s7 =	simm.s32 @!p1 $0x3;
	[sflag:s3] =	ssyncadd.s32 $0xFFFFD800  }
0x170: {  	[spmem:s2] =	stream.indirect.scatter.add.f32 [tilespmem:s30], [sflag:$0x10], $0x80, s8, s10, $0xb8;
	[tilespmem:$0x1E280] =	vst v63  }
0x171: {  	_ =	swait.ge @!p1 [sflag:s7], $0x100  }
0x172: {  	[sflag:s7] =	ssyncset.done @!p1 $0x0  }
0x173: {  	[sflag:s7] =	ssyncadd.s32 @!p1 $0xFFFFFF00;
	s7 =	simm.s32 @!p1 $0xF  }
0x174: {  	_ =	swait.ge @!p1 [sflag:s7], $0x2800  }
0x175: {  	s29 =	simm.s32 @!p1 $0x19280;
	[sflag:s7] =	ssyncset.done @!p1 $0x0  }
.Ltmp9:
0x176: {  	[sflag:s7] =	ssyncadd.s32 @!p1 $0xFFFFD800;
	s7 =	simm.s32 @!p1 $0x13AD0;
	(pc) =	sbr.rel .LBB2_10-.Ltmp9, $4  }
0x177: {  	[tilespmem:s29], [sflag:$0xB] =	stream.indirect.gather @!p1 [hbm4b:s0+s6], $0x80, s7, s6, $0xb8;
	[tilespmem:$0x1E280] =	vst v63  }
0x178: {  	s6 =	rddreg [dreg:$0xe]  }
0x179: {  	s7 =	simm.s32 @!p2 $0x13F80;
	s6 =	sadd.s32 @!p2 s12, s6  }
0x17a: {  	[tilespmem:s7], [sflag:$0x8] =	stream.strided.gather @!p2 [hbm4b:s6+s14], $0x100, s23, s14, $0x38;
	[tilespmem:$0x1E280] =	vst v63  }
.LBB2_12:
0x17b: {  	_ =	sfence.sel $0x180000  }
0x17c: {  	[bflag:$0x0] =	sbarrier.arrive $0xFFFF  }
0x17d: {  	_ =	strace $0x9000004A  }
0x17e: {  	[bflag:$0x2] =	sbarrier.arrive $0xFFFF  }
0x17f: {  	s0 =	rddreg [dreg:$0x4]  }
0x180: {  	s0 =	sadd.s32 @!p0 $0x100000, s0  }
0x181: {  	[sflag:s0] =	ssyncadd.tile.s32 @!p0 $0x1;
	_ =	shalt  }
.Lfunc_end2:
_tile_overlayer_lowered:
.L_overlay_start_2:
0x182: {  	(tag) =	ssettag $0x2  }
0x183: {  	s0 =	rddreg [dreg:$0x0];
	s2 =	stileid.u32  }
0x184: {  	s1 =	rddreg [dreg:$0x1];
	p0 =	sne.s32 s2, $0x0  }
0x185: {  	s3 =	rddreg [dreg:$0x2];
	[bflag:$0x3] =	sbarrier.arrive $0xFFFF;
	s2 =	simm.s32 @!p0 $0x1C11  }
0x186: {  	[timem:s3], [sflag:s2] =	dma.local @!p0 [hbm:s0], s1  }
0x187: {  	s0 =	simm.s32 @!p0 $0x11  }
0x188: {  	_ =	swait.ge @!p0 [sflag:s0], s1  }
0x189: {  	s1 =	ssub.s32 @!p0 $0x0, s1;
	[sflag:s0] =	ssyncset.done @!p0 $0x0  }
0x18a: {  	[sflag:s0] =	ssyncadd.s32 @!p0 s1  }
0x18b: {  	[bflag:$0x3] =	sbarrier.arrive $0xFFFF  }
0x18c: {  	_ =	shalt  }

</sc_bundles>
